<compile_context>
chip_gen: v7x
topology: tpu7x:2x2x1
jax: 0.10.2.dev20260603
libtpu: 0.0.44.dev20260713+nightly
codegen_flags: <defaults>
</compile_context>

<pallas_src>
import functools

import jax
import jax.numpy as jnp
from jax import lax
from jax.experimental import pallas as pl
from jax.experimental.pallas import tpu as pltpu
from jax.experimental.pallas import tpu_sc as plsc

NL = 16
NC, NS = 2, 16
NW = NC * NS
EB = 128


def _sc_dec(w):
    lo = lax.bitcast_convert_type(lax.shift_left(w, 16), jnp.float32)
    hi = lax.bitcast_convert_type(w & jnp.int32(-65536), jnp.float32)
    return lo, hi




def _rne16(v):
    odd = lax.shift_right_logical(v, 16) & 1
    return lax.shift_right_logical(v + 0x7FFF + odd, 16)


def _pack_halves(y):
    d2 = y.shape[-1] // 2
    u = lax.bitcast_convert_type(y, jnp.int32)
    lo = _rne16(u[:, :d2])
    hi = _rne16(u[:, d2:])
    return lo | lax.shift_left(hi, 16)



def _node_mm_body(h_ref, wa, ba, wb, bb, wd, bd, we, be, ah, bh, dh, eh):
    x = h_ref[...]
    dn = (((1,), (1,)), ((), ()))
    ah[...] = lax.dot_general(x, wa[...], dn, preferred_element_type=jnp.float32) + ba[...]
    bh[...] = lax.dot_general(x, wb[...], dn, preferred_element_type=jnp.float32) + bb[...]
    dh[...] = lax.dot_general(x, wd[...], dn, preferred_element_type=jnp.float32) + bd[...]
    eh[...] = lax.dot_general(x, we[...], dn, preferred_element_type=jnp.float32) + be[...]


def _node_mm(h, Wa, ba, Wb, bb, Wd, bd, We, be):
    n, d = h.shape
    f32 = jax.ShapeDtypeStruct((n, d), jnp.float32)
    return pl.pallas_call(
        _node_mm_body,
        out_shape=(f32, f32, f32, f32),
    )(h, Wa, ba.reshape(1, d), Wb, bb.reshape(1, d),
      Wd, bd.reshape(1, d), We, be.reshape(1, d))


def _ce_mm_body(e_ref, wc, bc, out):
    dn = (((1,), (1,)), ((), ()))
    out[...] = lax.dot_general(e_ref[...], wc[...], dn,
                               preferred_element_type=jnp.float32) + bc[...]


def _ce_mm(e, Wc, bc, blk=2000):
    E, d = e.shape
    return pl.pallas_call(
        _ce_mm_body,
        grid=(E // blk,),
        in_specs=[
            pl.BlockSpec((blk, d), lambda i: (i, 0)),
            pl.BlockSpec((d, d), lambda i: (0, 0)),
            pl.BlockSpec((1, d), lambda i: (0, 0)),
        ],
        out_specs=pl.BlockSpec((blk, d), lambda i: (i, 0)),
        out_shape=jax.ShapeDtypeStruct((E, d), jnp.float32),
    )(e, Wc, bc.reshape(1, d))



def _sc_pass1(src, dst, Dh, Eh, Ce):
    E, = src.shape
    n, d = Dh.shape
    g = d // NL
    nchunk = E // EB
    kmax = (nchunk + NW - 1) // NW
    tr = 80
    nt = n // tr
    kt = (nt + NS - 1) // NS

    mesh = plsc.VectorSubcoreMesh(core_axis_name="c", subcore_axis_name="s",
                                  num_cores=NC, num_subcores=NS)

    @functools.partial(
        pl.kernel,
        out_type=(
            jax.ShapeDtypeStruct((E, d), jnp.float32),
            jax.ShapeDtypeStruct((NC, n, d), jnp.float32),
        ),
        mesh=mesh,
        scratch_types=[
            pltpu.VMEM((EB,), jnp.int32),
            pltpu.VMEM((EB,), jnp.int32),
            pltpu.VMEM((EB, d), jnp.float32),
            pltpu.VMEM((EB, d), jnp.float32),
            pltpu.VMEM((EB, d), jnp.float32),
            pltpu.VMEM_SHARED((n, d), jnp.float32),
            pltpu.SemaphoreType.DMA,
            pltpu.SemaphoreType.DMA,
        ],
        compiler_params=pltpu.CompilerParams(use_tc_tiling_on_sc=False),
    )
    def k(src_h, dst_h, dh_h, eh_h, ce_h, enew_h, ss_h,
          sidx, didx, gD, gE, ce, shared, sem1, sem2):
        cid = lax.axis_index("c")
        sid = lax.axis_index("s")
        wid = sid * NC + cid

        zv = jnp.zeros((NL,), jnp.float32)

        def zrow(r, _):
            for j in range(d // NL):
                gD[r, pl.ds(j * NL, NL)] = zv
            return 0
        lax.fori_loop(0, tr, zrow, 0)

        for t in range(kt):
            tid = t * NS + sid

            @pl.when(tid < nt)
            def _():
                pltpu.sync_copy(gD.at[pl.ds(0, tr)],
                                shared.at[pl.ds(pl.multiple_of(tid * tr, 8), tr)])
        plsc.subcore_barrier()

        def chunk(kk, _):
            c = kk * NW + wid

            @pl.when(c < nchunk)
            def _():
                base = pl.multiple_of(c * EB, 8)
                pltpu.sync_copy(src_h.at[pl.ds(base, EB)], sidx)
                pltpu.sync_copy(dst_h.at[pl.ds(base, EB)], didx)
                cp1 = pltpu.async_copy(dh_h.at[sidx], gD, sem1)
                cp2 = pltpu.async_copy(eh_h.at[didx], gE, sem2)
                pltpu.sync_copy(ce_h.at[pl.ds(base, EB)], ce)
                cp1.wait()
                cp2.wait()

                @plsc.parallel_loop(0, EB, 1, unroll=4)
                def row(r):
                    for q in range(g):
                        sl = pl.ds(q * NL, NL)
                        x = gD[r, sl] + gE[r, sl] + ce[r, sl]
                        ce[r, sl] = x
                        gD[r, sl] = 1.0 / (1.0 + jnp.exp(-x))

                pltpu.sync_copy(ce, enew_h.at[pl.ds(base, EB)])
                pltpu.sync_copy(gD, shared.at[didx], add=True)
            return 0
        lax.fori_loop(0, kmax, chunk, 0)

        plsc.subcore_barrier()

        for t in range(kt):
            tid = t * NS + sid

            @pl.when(tid < nt)
            def _():
                r0 = pl.multiple_of(tid * tr, 8)
                pltpu.sync_copy(shared.at[pl.ds(r0, tr)], gD.at[pl.ds(0, tr)])
                pltpu.sync_copy(gD.at[pl.ds(0, tr)], ss_h.at[cid, pl.ds(r0, tr)])

    return k(src, dst, Dh, Eh, Ce)



def _sc_pass2(src, dst, enew, eee):
    E, = src.shape
    n, d2 = eee.shape
    d = 2 * d2
    g = d2 // NL
    nchunk = E // EB
    kmax = (nchunk + NW - 1) // NW
    tr = 80
    nt = n // tr
    kt = (nt + NS - 1) // NS

    mesh = plsc.VectorSubcoreMesh(core_axis_name="c", subcore_axis_name="s",
                                  num_cores=NC, num_subcores=NS)

    @functools.partial(
        pl.kernel,
        out_type=jax.ShapeDtypeStruct((NC, n, d), jnp.float32),
        mesh=mesh,
        scratch_types=[
            pltpu.VMEM((EB,), jnp.int32),
            pltpu.VMEM((EB,), jnp.int32),
            pltpu.VMEM((EB, d2), jnp.int32),
            pltpu.VMEM((EB, d), jnp.float32),
            pltpu.VMEM((EB, d), jnp.float32),
            pltpu.VMEM_SHARED((n, d), jnp.float32),
            pltpu.SemaphoreType.DMA,
        ],
        compiler_params=pltpu.CompilerParams(use_tc_tiling_on_sc=False),
    )
    def k(src_h, dst_h, enew_h, eee_h, hacc_h,
          sidx, didx, gB, cb, m, shared, sem1):
        cid = lax.axis_index("c")
        sid = lax.axis_index("s")
        wid = sid * NC + cid

        zv = jnp.zeros((NL,), jnp.float32)

        def zrow(r, _):
            for j in range(d // NL):
                m[r, pl.ds(j * NL, NL)] = zv
            return 0
        lax.fori_loop(0, tr, zrow, 0)

        for t in range(kt):
            tid = t * NS + sid

            @pl.when(tid < nt)
            def _():
                pltpu.sync_copy(m.at[pl.ds(0, tr)],
                                shared.at[pl.ds(pl.multiple_of(tid * tr, 8), tr)])
        plsc.subcore_barrier()

        def chunk(kk, _):
            c = kk * NW + wid

            @pl.when(c < nchunk)
            def _():
                base = pl.multiple_of(c * EB, 8)
                pltpu.sync_copy(src_h.at[pl.ds(base, EB)], sidx)
                pltpu.sync_copy(dst_h.at[pl.ds(base, EB)], didx)
                cp1 = pltpu.async_copy(eee_h.at[sidx], gB, sem1)
                pltpu.sync_copy(enew_h.at[pl.ds(base, EB)], cb)
                cp1.wait()

                @plsc.parallel_loop(0, EB, 1, unroll=4)
                def row(r):
                    for q in range(g):
                        sa = pl.ds(q * NL, NL)
                        sb = pl.ds(d2 + q * NL, NL)
                        ba_, bb_ = _sc_dec(gB[r, sa])
                        m[r, sa] = ba_ / (1.0 + jnp.exp(-cb[r, sa]))
                        m[r, sb] = bb_ / (1.0 + jnp.exp(-cb[r, sb]))

                pltpu.sync_copy(m, shared.at[didx], add=True)
            return 0
        lax.fori_loop(0, kmax, chunk, 0)

        plsc.subcore_barrier()
        for t in range(kt):
            tid = t * NS + sid

            @pl.when(tid < nt)
            def _():
                r0 = pl.multiple_of(tid * tr, 8)
                pltpu.sync_copy(shared.at[pl.ds(r0, tr)], m.at[pl.ds(0, tr)])
                pltpu.sync_copy(m.at[pl.ds(0, tr)], hacc_h.at[cid, pl.ds(r0, tr)])

    return k(src, dst, enew, eee)



def _estats_body(enew_ref, out):
    i = pl.program_id(0)
    x = enew_ref[...]
    s = jnp.sum(x, axis=0, keepdims=True)
    q = jnp.sum(x * x, axis=0, keepdims=True)
    sq = jnp.concatenate([s, q], axis=0)

    @pl.when(i == 0)
    def _():
        out[...] = sq

    @pl.when(i > 0)
    def _():
        out[...] = out[...] + sq


def _tc_estats(enew, blk=2000):
    E, d = enew.shape
    return pl.pallas_call(
        _estats_body,
        grid=(E // blk,),
        in_specs=[pl.BlockSpec((blk, d), lambda i: (i, 0))],
        out_specs=pl.BlockSpec((2, d), lambda i: (0, 0)),
        out_shape=jax.ShapeDtypeStruct((2, d), jnp.float32),
    )(enew)


def _mid_body(ss_ref, est_ref, bh_ref, ge_ref, be_ref, eee, scale, shift, nedges):
    ss = ss_ref[0] + ss_ref[1]
    eee[...] = _pack_halves(bh_ref[...] / (ss + 1e-6))
    st = est_ref[...]
    mean = st[0:1, :] / nedges
    msq = st[1:2, :] / nedges
    var = msq - mean * mean
    sc = ge_ref[...] * lax.rsqrt(var + 1e-5)
    scale[...] = sc
    shift[...] = be_ref[...] - mean * sc


def _tc_mid(ss_part, est, Bh, gamma_e, beta_e, nedges):
    n, d = Bh.shape
    return pl.pallas_call(
        functools.partial(_mid_body, nedges=float(nedges)),
        out_shape=(
            jax.ShapeDtypeStruct((n, d // 2), jnp.int32),
            jax.ShapeDtypeStruct((1, d), jnp.float32),
            jax.ShapeDtypeStruct((1, d), jnp.float32),
        ),
    )(ss_part, est, Bh, gamma_e.reshape(1, d), beta_e.reshape(1, d))


def _eout_body(e_ref, enew_ref, sc_ref, sh_ref, out):
    y = enew_ref[...] * sc_ref[...] + sh_ref[...]
    out[...] = e_ref[...] + jnp.maximum(y, 0.0)


def _tc_eout(e, enew, scale, shift, blk=2000):
    E, d = e.shape
    return pl.pallas_call(
        _eout_body,
        grid=(E // blk,),
        in_specs=[
            pl.BlockSpec((blk, d), lambda i: (i, 0)),
            pl.BlockSpec((blk, d), lambda i: (i, 0)),
            pl.BlockSpec((1, d), lambda i: (0, 0)),
            pl.BlockSpec((1, d), lambda i: (0, 0)),
        ],
        out_specs=pl.BlockSpec((blk, d), lambda i: (i, 0)),
        out_shape=jax.ShapeDtypeStruct((E, d), jnp.float32),
    )(e, enew, scale, shift)


def _hout_body(h_ref, ah_ref, hacc_ref, gh_ref, bh_ref, out):
    hn = ah_ref[...] + hacc_ref[0] + hacc_ref[1]
    mu = jnp.mean(hn, axis=0, keepdims=True)
    var = jnp.mean((hn - mu) ** 2, axis=0, keepdims=True)
    h2 = gh_ref[...] * (hn - mu) * lax.rsqrt(var + 1e-5) + bh_ref[...]
    out[...] = h_ref[...] + jnp.maximum(h2, 0.0)


def _tc_hout(h, Ah, hacc, gamma_h, beta_h):
    n, d = h.shape
    return pl.pallas_call(
        _hout_body,
        out_shape=jax.ShapeDtypeStruct((n, d), jnp.float32),
    )(h, Ah, hacc, gamma_h.reshape(1, d), beta_h.reshape(1, d))



def kernel(h, edge_index, e, Wa, ba, Wb, bb, Wc, bc, Wd, bd, We, be,
           gamma_h, beta_h, gamma_e, beta_e):
    E = e.shape[0]
    src = edge_index[0]
    dst = edge_index[1]

    Ah, Bh, Dh, Eh = _node_mm(h, Wa, ba, Wb, bb, Wd, bd, We, be)
    Ce = _ce_mm(e, Wc, bc)

    e_new, ss_part = _sc_pass1(src, dst, Dh, Eh, Ce)
    est = _tc_estats(e_new)
    eee, scale, shift = _tc_mid(ss_part, est, Bh, gamma_e, beta_e, E)
    hacc = _sc_pass2(src, dst, e_new, eee)

    e_out = _tc_eout(e, e_new, scale, shift)
    h_out = _tc_hout(h, Ah, hacc, gamma_h, beta_h)
    return (h_out, e_out)

# --- scband reference (transcript-rebuilt; emitter-appended) ---
"""Pipeline reference for scband-gated-test-layer-32126355374902 (READ-ONLY COPY).

The authoritative reference and input builder live on the scoring server;
editing this copy changes nothing except your own understanding.
"""

import jax, jax.numpy as jnp
import numpy as np

N = 10000
E = 320000
D = 128


def setup_inputs(seed: int = 0) -> dict:
    key = jax.random.key(seed)
    ks = jax.random.split(key, 20)
    h = jax.random.normal(ks[0], (N, D), dtype=jnp.float32)
    e = jax.random.normal(ks[1], (E, D), dtype=jnp.float32)
    edge_index = jax.random.randint(ks[2], (2, E), 0, N, dtype=jnp.int32)
    s = 1.0 / np.sqrt(D)
    Wa = jax.random.uniform(ks[3], (D, D), minval=-s, maxval=s, dtype=jnp.float32)
    ba = jax.random.uniform(ks[4], (D,), minval=-s, maxval=s, dtype=jnp.float32)
    Wb = jax.random.uniform(ks[5], (D, D), minval=-s, maxval=s, dtype=jnp.float32)
    bb = jax.random.uniform(ks[6], (D,), minval=-s, maxval=s, dtype=jnp.float32)
    Wc = jax.random.uniform(ks[7], (D, D), minval=-s, maxval=s, dtype=jnp.float32)
    bc = jax.random.uniform(ks[8], (D,), minval=-s, maxval=s, dtype=jnp.float32)
    Wd = jax.random.uniform(ks[9], (D, D), minval=-s, maxval=s, dtype=jnp.float32)
    bd = jax.random.uniform(ks[10], (D,), minval=-s, maxval=s, dtype=jnp.float32)
    We = jax.random.uniform(ks[11], (D, D), minval=-s, maxval=s, dtype=jnp.float32)
    be = jax.random.uniform(ks[12], (D,), minval=-s, maxval=s, dtype=jnp.float32)
    gamma_h = jnp.ones((D,), dtype=jnp.float32)
    beta_h = jnp.zeros((D,), dtype=jnp.float32)
    gamma_e = jnp.ones((D,), dtype=jnp.float32)
    beta_e = jnp.zeros((D,), dtype=jnp.float32)
    return {"h": h, "edge_index": edge_index, "e": e,
            "Wa": Wa, "ba": ba, "Wb": Wb, "bb": bb, "Wc": Wc, "bc": bc,
            "Wd": Wd, "bd": bd, "We": We, "be": be,
            "gamma_h": gamma_h, "beta_h": beta_h, "gamma_e": gamma_e, "beta_e": beta_e}


def _bn(x, gamma, beta):
    mu = jnp.mean(x, axis=0)
    var = jnp.var(x, axis=0)
    return gamma * (x - mu) / jnp.sqrt(var + 1e-5) + beta


def reference(h, edge_index, e, Wa, ba, Wb, bb, Wc, bc, Wd, bd, We, be,
              gamma_h, beta_h, gamma_e, beta_e):
    src = edge_index[0]
    dst = edge_index[1]
    Ah = h @ Wa.T + ba
    Bh = h @ Wb.T + bb
    Dh = h @ Wd.T + bd
    Eh = h @ We.T + be
    Ce = e @ Wc.T + bc
    # apply_edges u_add_v('Dh','Eh')
    DEh = jnp.take(Dh, src, axis=0) + jnp.take(Eh, dst, axis=0)
    e_new = DEh + Ce
    sigma = jax.nn.sigmoid(e_new)
    # update_all copy_e('sigma') -> sum per dst node
    sum_sigma = jax.ops.segment_sum(sigma, dst, num_segments=N)
    eee = Bh / (sum_sigma + 1e-6)
    # update_all u_mul_e('eee','sigma') with sum reducer (aggr_type='sum')
    m = jnp.take(eee, src, axis=0) * sigma
    sum_sigma_h = jax.ops.segment_sum(m, dst, num_segments=N)
    h_new = Ah + sum_sigma_h
    # batch_norm (training-mode batch stats), then ReLU
    h2 = jax.nn.relu(_bn(h_new, gamma_h, beta_h))
    e2 = jax.nn.relu(_bn(e_new, gamma_e, beta_e))
    # residual (input_dim == output_dim, residual=True)
    h_out = h + h2
    e_out = e + e2
    # dropout p=0.0 -> identity
    return (h_out, e_out)

if __name__ == "__main__":
    import jax
    _d = setup_inputs()
    print(jax.jit(kernel)(*tuple(_d.values())))

</pallas_src>

<mosaic_0001>
#map = affine_map<(d0, d1) -> (0)>
#map1 = affine_map<(d0, d1) -> (0, 0)>
#map2 = affine_map<(d0, d1) -> (0, 0, 0)>
module attributes {stable_mosaic.version = 14 : i64} {
  func.func @k(%arg0: i32, %arg1: i32, %arg2: memref<320000xi32, #tpu.memory_space<hbm>>, %arg3: memref<320000xi32, #tpu.memory_space<hbm>>, %arg4: memref<320000x128xf32, #tpu.memory_space<hbm>>, %arg5: memref<10000x64xi32, #tpu.memory_space<hbm>>, %arg6: memref<2x10000x128xf32, #tpu.memory_space<hbm>>, %arg7: memref<128xi32, #tpu.memory_space<vmem>>, %arg8: memref<128xi32, #tpu.memory_space<vmem>>, %arg9: memref<128x64xi32, #tpu.memory_space<vmem>>, %arg10: memref<128x128xf32, #tpu.memory_space<vmem>>, %arg11: memref<128x128xf32, #tpu.memory_space<vmem>>, %arg12: memref<10000x128xf32, #tpu.memory_space<vmem_shared>>, %arg13: memref<!tpu.dma_semaphore, #tpu.memory_space<semaphore_mem>>) attributes {dimension_semantics = [#tpu.dimension_semantics<core_parallel>, #tpu.dimension_semantics<subcore_parallel>], iteration_bounds = array<i64: 2, 16>, scalar_prefetch = 0 : i64, scratch_operands = 7 : i64, tpu.core_type = #tpu.core_type<sc_vector_subcore>, window_params = [{transform_indices = #map}, {transform_indices = #map}, {transform_indices = #map1}, {transform_indices = #map1}, {transform_indices = #map2}]} {
    %mul3A = arith.constant 2 : i32
    %mul3A_0 = arith.muli %arg1, %mul3A : i32
    %add3A = arith.addi %mul3A_0, %arg0 : i32
    %broadcast_in_dim3A = arith.constant 0.000000e+00 : f32
    %broadcast_in_dim3A_1 = vector.broadcast %broadcast_in_dim3A : f32 to vector<16xf32>
    %scan3A = arith.constant 0 : i32
    %scan3A_2 = arith.constant 0 : i32
    %scan3A_3 = arith.constant 80 : i32
    %scan3A_4 = arith.addi %scan3A_2, %scan3A_3 : i32
    %scan3A_5 = arith.constant 1 : i32
    %scan3A_6 = scf.for %scan3A_125 = %scan3A_2 to %scan3A_4 step %scan3A_5 iter_args(%scan3A_126 = %scan3A) -> (i32)  : i32 {
      %swap3A = arith.index_cast %scan3A_125 : i32 to index
      %swap3A_127 = arith.constant 0 : index
      %swap3A_128 = tpu.vector_load %arg11[%swap3A, %swap3A_127] {strides = array<i32>} : memref<128x128xf32, #tpu.memory_space<vmem>>, vector<1x16xf32>,
      %swap3A_129 = vector.shape_cast %swap3A_128 : vector<1x16xf32> to vector<16xf32>
      %swap3A_130 = vector.shape_cast %broadcast_in_dim3A_1 : vector<16xf32> to vector<1x16xf32>
      tpu.vector_store %arg11[%swap3A, %swap3A_127], %swap3A_130 {strides = array<i32>} : memref<128x128xf32, #tpu.memory_space<vmem>>, vector<1x16xf32>,
      %swap3A_131 = arith.index_cast %scan3A_125 : i32 to index
      %swap3A_132 = arith.constant 16 : index
      %swap3A_133 = tpu.vector_load %arg11[%swap3A_131, %swap3A_132] {strides = array<i32>} : memref<128x128xf32, #tpu.memory_space<vmem>>, vector<1x16xf32>,
      %swap3A_134 = vector.shape_cast %swap3A_133 : vector<1x16xf32> to vector<16xf32>
      %swap3A_135 = vector.shape_cast %broadcast_in_dim3A_1 : vector<16xf32> to vector<1x16xf32>
      tpu.vector_store %arg11[%swap3A_131, %swap3A_132], %swap3A_135 {strides = array<i32>} : memref<128x128xf32, #tpu.memory_space<vmem>>, vector<1x16xf32>,
      %swap3A_136 = arith.index_cast %scan3A_125 : i32 to index
      %swap3A_137 = arith.constant 32 : index
      %swap3A_138 = tpu.vector_load %arg11[%swap3A_136, %swap3A_137] {strides = array<i32>} : memref<128x128xf32, #tpu.memory_space<vmem>>, vector<1x16xf32>,
      %swap3A_139 = vector.shape_cast %swap3A_138 : vector<1x16xf32> to vector<16xf32>
      %swap3A_140 = vector.shape_cast %broadcast_in_dim3A_1 : vector<16xf32> to vector<1x16xf32>
      tpu.vector_store %arg11[%swap3A_136, %swap3A_137], %swap3A_140 {strides = array<i32>} : memref<128x128xf32, #tpu.memory_space<vmem>>, vector<1x16xf32>,
      %swap3A_141 = arith.index_cast %scan3A_125 : i32 to index
      %swap3A_142 = arith.constant 48 : index
      %swap3A_143 = tpu.vector_load %arg11[%swap3A_141, %swap3A_142] {strides = array<i32>} : memref<128x128xf32, #tpu.memory_space<vmem>>, vector<1x16xf32>,
      %swap3A_144 = vector.shape_cast %swap3A_143 : vector<1x16xf32> to vector<16xf32>
      %swap3A_145 = vector.shape_cast %broadcast_in_dim3A_1 : vector<16xf32> to vector<1x16xf32>
      tpu.vector_store %arg11[%swap3A_141, %swap3A_142], %swap3A_145 {strides = array<i32>} : memref<128x128xf32, #tpu.memory_space<vmem>>, vector<1x16xf32>,
      %swap3A_146 = arith.index_cast %scan3A_125 : i32 to index
      %swap3A_147 = arith.constant 64 : index
      %swap3A_148 = tpu.vector_load %arg11[%swap3A_146, %swap3A_147] {strides = array<i32>} : memref<128x128xf32, #tpu.memory_space<vmem>>, vector<1x16xf32>,
      %swap3A_149 = vector.shape_cast %swap3A_148 : vector<1x16xf32> to vector<16xf32>
      %swap3A_150 = vector.shape_cast %broadcast_in_dim3A_1 : vector<16xf32> to vector<1x16xf32>
      tpu.vector_store %arg11[%swap3A_146, %swap3A_147], %swap3A_150 {strides = array<i32>} : memref<128x128xf32, #tpu.memory_space<vmem>>, vector<1x16xf32>,
      %swap3A_151 = arith.index_cast %scan3A_125 : i32 to index
      %swap3A_152 = arith.constant 80 : index
      %swap3A_153 = tpu.vector_load %arg11[%swap3A_151, %swap3A_152] {strides = array<i32>} : memref<128x128xf32, #tpu.memory_space<vmem>>, vector<1x16xf32>,
      %swap3A_154 = vector.shape_cast %swap3A_153 : vector<1x16xf32> to vector<16xf32>
      %swap3A_155 = vector.shape_cast %broadcast_in_dim3A_1 : vector<16xf32> to vector<1x16xf32>
      tpu.vector_store %arg11[%swap3A_151, %swap3A_152], %swap3A_155 {strides = array<i32>} : memref<128x128xf32, #tpu.memory_space<vmem>>, vector<1x16xf32>,
      %swap3A_156 = arith.index_cast %scan3A_125 : i32 to index
      %swap3A_157 = arith.constant 96 : index
      %swap3A_158 = tpu.vector_load %arg11[%swap3A_156, %swap3A_157] {strides = array<i32>} : memref<128x128xf32, #tpu.memory_space<vmem>>, vector<1x16xf32>,
      %swap3A_159 = vector.shape_cast %swap3A_158 : vector<1x16xf32> to vector<16xf32>
      %swap3A_160 = vector.shape_cast %broadcast_in_dim3A_1 : vector<16xf32> to vector<1x16xf32>
      tpu.vector_store %arg11[%swap3A_156, %swap3A_157], %swap3A_160 {strides = array<i32>} : memref<128x128xf32, #tpu.memory_space<vmem>>, vector<1x16xf32>,
      %swap3A_161 = arith.index_cast %scan3A_125 : i32 to index
      %swap3A_162 = arith.constant 112 : index
      %swap3A_163 = tpu.vector_load %arg11[%swap3A_161, %swap3A_162] {strides = array<i32>} : memref<128x128xf32, #tpu.memory_space<vmem>>, vector<1x16xf32>,
      %swap3A_164 = vector.shape_cast %swap3A_163 : vector<1x16xf32> to vector<16xf32>
      %swap3A_165 = vector.shape_cast %broadcast_in_dim3A_1 : vector<16xf32> to vector<1x16xf32>
      tpu.vector_store %arg11[%swap3A_161, %swap3A_162], %swap3A_165 {strides = array<i32>} : memref<128x128xf32, #tpu.memory_space<vmem>>, vector<1x16xf32>,
      %scan3A_166 = arith.constant 0 : i32
      scf.yield %scan3A_166 : i32
    }
    %scan3A_7 = arith.constant 80 : i32
    %add3A_8 = arith.constant 0 : i32
    %add3A_9 = arith.addi %add3A_8, %arg1 : i32
    %lt3A = arith.constant 125 : i32
    %lt3A_10 = arith.cmpi slt, %add3A_9, %lt3A : i32
    %convert_element_type3A = arith.extui %lt3A_10 : i1 to i32
    %cond3A = arith.constant 0 : i32
    %cond3A_11 = arith.cmpi ne, %convert_element_type3A, %cond3A : i32
    scf.if %cond3A_11 {
      %mul3A_125 = arith.constant 80 : i32
      %mul3A_126 = arith.muli %add3A_9, %mul3A_125 : i32
      %multiple_of3A = tpu.assume_multiple %mul3A_126, 8 : i32
      "tpu.region"() ({
        %run_scoped3A = tpu.sem_alloc : memref<!tpu.dma_semaphore, #tpu.memory_space<semaphore_mem>>
        %dma_start3A = arith.constant 0 : i32
        %dma_start3A_127 = arith.constant 0 : i32
        %dma_start3A_128 = tpu.memref_slice %arg11[%dma_start3A, %dma_start3A_127] : memref<128x128xf32, #tpu.memory_space<vmem>> -> memref<80x128xf32, #tpu.memory_space<vmem>>
        %dma_start3A_129 = arith.constant 0 : i32
        %dma_start3A_130 = tpu.memref_slice %arg12[%multiple_of3A, %dma_start3A_129] : memref<10000x128xf32, #tpu.memory_space<vmem_shared>> -> memref<80x128xf32, #tpu.memory_space<vmem_shared>>
        %dma_start3A_131 = arith.constant 0 : i32
        %dma_start3A_132 = tpu.memref_slice %arg12[%multiple_of3A, %dma_start3A_131] : memref<10000x128xf32, #tpu.memory_space<vmem_shared>> -> memref<80x128xf32, #tpu.memory_space<vmem_shared>>
        %dma_start3A_133 = arith.constant 0 : i32
        %dma_start3A_134 = arith.constant 0 : i32
        %dma_start3A_135 = tpu.memref_slice %arg11[%dma_start3A_133, %dma_start3A_134] : memref<128x128xf32, #tpu.memory_space<vmem>> -> memref<80x128xf32, #tpu.memory_space<vmem>>
        tpu.enqueue_dma source(%dma_start3A_135 : memref<80x128xf32, #tpu.memory_space<vmem>>) target(%dma_start3A_132 : memref<80x128xf32, #tpu.memory_space<vmem_shared>>) target_semaphore(%run_scoped3A : memref<!tpu.dma_semaphore, #tpu.memory_space<semaphore_mem>>)
        %dma_wait3A = arith.constant 0 : i32
        %dma_wait3A_136 = arith.constant 0 : i32
        %dma_wait3A_137 = tpu.memref_slice %arg11[%dma_wait3A, %dma_wait3A_136] : memref<128x128xf32, #tpu.memory_space<vmem>> -> memref<80x128xf32, #tpu.memory_space<vmem>>
        %dma_wait3A_138 = arith.constant 0 : i32
        %dma_wait3A_139 = tpu.memref_slice %arg12[%multiple_of3A, %dma_wait3A_138] : memref<10000x128xf32, #tpu.memory_space<vmem_shared>> -> memref<80x128xf32, #tpu.memory_space<vmem_shared>>
        %dma_wait3A_140 = arith.constant 0 : i32
        %dma_wait3A_141 = tpu.memref_slice %arg12[%multiple_of3A, %dma_wait3A_140] : memref<10000x128xf32, #tpu.memory_space<vmem_shared>> -> memref<80x128xf32, #tpu.memory_space<vmem_shared>>
        %dma_wait3A_142 = arith.constant 0 : i32
        %dma_wait3A_143 = arith.constant 0 : i32
        %dma_wait3A_144 = tpu.memref_slice %arg11[%dma_wait3A_142, %dma_wait3A_143] : memref<128x128xf32, #tpu.memory_space<vmem>> -> memref<80x128xf32, #tpu.memory_space<vmem>>
        tpu.wait_dma2 semaphore(%run_scoped3A : memref<!tpu.dma_semaphore, #tpu.memory_space<semaphore_mem>>) src(%dma_wait3A_144 : memref<80x128xf32, #tpu.memory_space<vmem>>) dst(%dma_wait3A_141 : memref<80x128xf32, #tpu.memory_space<vmem_shared>>)
        tpu.yield
      }) : () -> ()
    } else {
    }
    %add3A_12 = arith.constant 16 : i32
    %add3A_13 = arith.addi %add3A_12, %arg1 : i32
    %lt3A_14 = arith.constant 125 : i32
    %lt3A_15 = arith.cmpi slt, %add3A_13, %lt3A_14 : i32
    %convert_element_type3A_16 = arith.extui %lt3A_15 : i1 to i32
    %cond3A_17 = arith.constant 0 : i32
    %cond3A_18 = arith.cmpi ne, %convert_element_type3A_16, %cond3A_17 : i32
    scf.if %cond3A_18 {
      %mul3A_125 = arith.constant 80 : i32
      %mul3A_126 = arith.muli %add3A_13, %mul3A_125 : i32
      %multiple_of3A = tpu.assume_multiple %mul3A_126, 8 : i32
      "tpu.region"() ({
        %run_scoped3A = tpu.sem_alloc : memref<!tpu.dma_semaphore, #tpu.memory_space<semaphore_mem>>
        %dma_start3A = arith.constant 0 : i32
        %dma_start3A_127 = arith.constant 0 : i32
        %dma_start3A_128 = tpu.memref_slice %arg11[%dma_start3A, %dma_start3A_127] : memref<128x128xf32, #tpu.memory_space<vmem>> -> memref<80x128xf32, #tpu.memory_space<vmem>>
        %dma_start3A_129 = arith.constant 0 : i32
        %dma_start3A_130 = tpu.memref_slice %arg12[%multiple_of3A, %dma_start3A_129] : memref<10000x128xf32, #tpu.memory_space<vmem_shared>> -> memref<80x128xf32, #tpu.memory_space<vmem_shared>>
        %dma_start3A_131 = arith.constant 0 : i32
        %dma_start3A_132 = tpu.memref_slice %arg12[%multiple_of3A, %dma_start3A_131] : memref<10000x128xf32, #tpu.memory_space<vmem_shared>> -> memref<80x128xf32, #tpu.memory_space<vmem_shared>>
        %dma_start3A_133 = arith.constant 0 : i32
        %dma_start3A_134 = arith.constant 0 : i32
        %dma_start3A_135 = tpu.memref_slice %arg11[%dma_start3A_133, %dma_start3A_134] : memref<128x128xf32, #tpu.memory_space<vmem>> -> memref<80x128xf32, #tpu.memory_space<vmem>>
        tpu.enqueue_dma source(%dma_start3A_135 : memref<80x128xf32, #tpu.memory_space<vmem>>) target(%dma_start3A_132 : memref<80x128xf32, #tpu.memory_space<vmem_shared>>) target_semaphore(%run_scoped3A : memref<!tpu.dma_semaphore, #tpu.memory_space<semaphore_mem>>)
        %dma_wait3A = arith.constant 0 : i32
        %dma_wait3A_136 = arith.constant 0 : i32
        %dma_wait3A_137 = tpu.memref_slice %arg11[%dma_wait3A, %dma_wait3A_136] : memref<128x128xf32, #tpu.memory_space<vmem>> -> memref<80x128xf32, #tpu.memory_space<vmem>>
        %dma_wait3A_138 = arith.constant 0 : i32
        %dma_wait3A_139 = tpu.memref_slice %arg12[%multiple_of3A, %dma_wait3A_138] : memref<10000x128xf32, #tpu.memory_space<vmem_shared>> -> memref<80x128xf32, #tpu.memory_space<vmem_shared>>
        %dma_wait3A_140 = arith.constant 0 : i32
        %dma_wait3A_141 = tpu.memref_slice %arg12[%multiple_of3A, %dma_wait3A_140] : memref<10000x128xf32, #tpu.memory_space<vmem_shared>> -> memref<80x128xf32, #tpu.memory_space<vmem_shared>>
        %dma_wait3A_142 = arith.constant 0 : i32
        %dma_wait3A_143 = arith.constant 0 : i32
        %dma_wait3A_144 = tpu.memref_slice %arg11[%dma_wait3A_142, %dma_wait3A_143] : memref<128x128xf32, #tpu.memory_space<vmem>> -> memref<80x128xf32, #tpu.memory_space<vmem>>
        tpu.wait_dma2 semaphore(%run_scoped3A : memref<!tpu.dma_semaphore, #tpu.memory_space<semaphore_mem>>) src(%dma_wait3A_144 : memref<80x128xf32, #tpu.memory_space<vmem>>) dst(%dma_wait3A_141 : memref<80x128xf32, #tpu.memory_space<vmem_shared>>)
        tpu.yield
      }) : () -> ()
    } else {
    }
    %add3A_19 = arith.constant 32 : i32
    %add3A_20 = arith.addi %add3A_19, %arg1 : i32
    %lt3A_21 = arith.constant 125 : i32
    %lt3A_22 = arith.cmpi slt, %add3A_20, %lt3A_21 : i32
    %convert_element_type3A_23 = arith.extui %lt3A_22 : i1 to i32
    %cond3A_24 = arith.constant 0 : i32
    %cond3A_25 = arith.cmpi ne, %convert_element_type3A_23, %cond3A_24 : i32
    scf.if %cond3A_25 {
      %mul3A_125 = arith.constant 80 : i32
      %mul3A_126 = arith.muli %add3A_20, %mul3A_125 : i32
      %multiple_of3A = tpu.assume_multiple %mul3A_126, 8 : i32
      "tpu.region"() ({
        %run_scoped3A = tpu.sem_alloc : memref<!tpu.dma_semaphore, #tpu.memory_space<semaphore_mem>>
        %dma_start3A = arith.constant 0 : i32
        %dma_start3A_127 = arith.constant 0 : i32
        %dma_start3A_128 = tpu.memref_slice %arg11[%dma_start3A, %dma_start3A_127] : memref<128x128xf32, #tpu.memory_space<vmem>> -> memref<80x128xf32, #tpu.memory_space<vmem>>
        %dma_start3A_129 = arith.constant 0 : i32
        %dma_start3A_130 = tpu.memref_slice %arg12[%multiple_of3A, %dma_start3A_129] : memref<10000x128xf32, #tpu.memory_space<vmem_shared>> -> memref<80x128xf32, #tpu.memory_space<vmem_shared>>
        %dma_start3A_131 = arith.constant 0 : i32
        %dma_start3A_132 = tpu.memref_slice %arg12[%multiple_of3A, %dma_start3A_131] : memref<10000x128xf32, #tpu.memory_space<vmem_shared>> -> memref<80x128xf32, #tpu.memory_space<vmem_shared>>
        %dma_start3A_133 = arith.constant 0 : i32
        %dma_start3A_134 = arith.constant 0 : i32
        %dma_start3A_135 = tpu.memref_slice %arg11[%dma_start3A_133, %dma_start3A_134] : memref<128x128xf32, #tpu.memory_space<vmem>> -> memref<80x128xf32, #tpu.memory_space<vmem>>
        tpu.enqueue_dma source(%dma_start3A_135 : memref<80x128xf32, #tpu.memory_space<vmem>>) target(%dma_start3A_132 : memref<80x128xf32, #tpu.memory_space<vmem_shared>>) target_semaphore(%run_scoped3A : memref<!tpu.dma_semaphore, #tpu.memory_space<semaphore_mem>>)
        %dma_wait3A = arith.constant 0 : i32
        %dma_wait3A_136 = arith.constant 0 : i32
        %dma_wait3A_137 = tpu.memref_slice %arg11[%dma_wait3A, %dma_wait3A_136] : memref<128x128xf32, #tpu.memory_space<vmem>> -> memref<80x128xf32, #tpu.memory_space<vmem>>
        %dma_wait3A_138 = arith.constant 0 : i32
        %dma_wait3A_139 = tpu.memref_slice %arg12[%multiple_of3A, %dma_wait3A_138] : memref<10000x128xf32, #tpu.memory_space<vmem_shared>> -> memref<80x128xf32, #tpu.memory_space<vmem_shared>>
        %dma_wait3A_140 = arith.constant 0 : i32
        %dma_wait3A_141 = tpu.memref_slice %arg12[%multiple_of3A, %dma_wait3A_140] : memref<10000x128xf32, #tpu.memory_space<vmem_shared>> -> memref<80x128xf32, #tpu.memory_space<vmem_shared>>
        %dma_wait3A_142 = arith.constant 0 : i32
        %dma_wait3A_143 = arith.constant 0 : i32
        %dma_wait3A_144 = tpu.memref_slice %arg11[%dma_wait3A_142, %dma_wait3A_143] : memref<128x128xf32, #tpu.memory_space<vmem>> -> memref<80x128xf32, #tpu.memory_space<vmem>>
        tpu.wait_dma2 semaphore(%run_scoped3A : memref<!tpu.dma_semaphore, #tpu.memory_space<semaphore_mem>>) src(%dma_wait3A_144 : memref<80x128xf32, #tpu.memory_space<vmem>>) dst(%dma_wait3A_141 : memref<80x128xf32, #tpu.memory_space<vmem_shared>>)
        tpu.yield
      }) : () -> ()
    } else {
    }
    %add3A_26 = arith.constant 48 : i32
    %add3A_27 = arith.addi %add3A_26, %arg1 : i32
    %lt3A_28 = arith.constant 125 : i32
    %lt3A_29 = arith.cmpi slt, %add3A_27, %lt3A_28 : i32
    %convert_element_type3A_30 = arith.extui %lt3A_29 : i1 to i32
    %cond3A_31 = arith.constant 0 : i32
    %cond3A_32 = arith.cmpi ne, %convert_element_type3A_30, %cond3A_31 : i32
    scf.if %cond3A_32 {
      %mul3A_125 = arith.constant 80 : i32
      %mul3A_126 = arith.muli %add3A_27, %mul3A_125 : i32
      %multiple_of3A = tpu.assume_multiple %mul3A_126, 8 : i32
      "tpu.region"() ({
        %run_scoped3A = tpu.sem_alloc : memref<!tpu.dma_semaphore, #tpu.memory_space<semaphore_mem>>
        %dma_start3A = arith.constant 0 : i32
        %dma_start3A_127 = arith.constant 0 : i32
        %dma_start3A_128 = tpu.memref_slice %arg11[%dma_start3A, %dma_start3A_127] : memref<128x128xf32, #tpu.memory_space<vmem>> -> memref<80x128xf32, #tpu.memory_space<vmem>>
        %dma_start3A_129 = arith.constant 0 : i32
        %dma_start3A_130 = tpu.memref_slice %arg12[%multiple_of3A, %dma_start3A_129] : memref<10000x128xf32, #tpu.memory_space<vmem_shared>> -> memref<80x128xf32, #tpu.memory_space<vmem_shared>>
        %dma_start3A_131 = arith.constant 0 : i32
        %dma_start3A_132 = tpu.memref_slice %arg12[%multiple_of3A, %dma_start3A_131] : memref<10000x128xf32, #tpu.memory_space<vmem_shared>> -> memref<80x128xf32, #tpu.memory_space<vmem_shared>>
        %dma_start3A_133 = arith.constant 0 : i32
        %dma_start3A_134 = arith.constant 0 : i32
        %dma_start3A_135 = tpu.memref_slice %arg11[%dma_start3A_133, %dma_start3A_134] : memref<128x128xf32, #tpu.memory_space<vmem>> -> memref<80x128xf32, #tpu.memory_space<vmem>>
        tpu.enqueue_dma source(%dma_start3A_135 : memref<80x128xf32, #tpu.memory_space<vmem>>) target(%dma_start3A_132 : memref<80x128xf32, #tpu.memory_space<vmem_shared>>) target_semaphore(%run_scoped3A : memref<!tpu.dma_semaphore, #tpu.memory_space<semaphore_mem>>)
        %dma_wait3A = arith.constant 0 : i32
        %dma_wait3A_136 = arith.constant 0 : i32
        %dma_wait3A_137 = tpu.memref_slice %arg11[%dma_wait3A, %dma_wait3A_136] : memref<128x128xf32, #tpu.memory_space<vmem>> -> memref<80x128xf32, #tpu.memory_space<vmem>>
        %dma_wait3A_138 = arith.constant 0 : i32
        %dma_wait3A_139 = tpu.memref_slice %arg12[%multiple_of3A, %dma_wait3A_138] : memref<10000x128xf32, #tpu.memory_space<vmem_shared>> -> memref<80x128xf32, #tpu.memory_space<vmem_shared>>
        %dma_wait3A_140 = arith.constant 0 : i32
        %dma_wait3A_141 = tpu.memref_slice %arg12[%multiple_of3A, %dma_wait3A_140] : memref<10000x128xf32, #tpu.memory_space<vmem_shared>> -> memref<80x128xf32, #tpu.memory_space<vmem_shared>>
        %dma_wait3A_142 = arith.constant 0 : i32
        %dma_wait3A_143 = arith.constant 0 : i32
        %dma_wait3A_144 = tpu.memref_slice %arg11[%dma_wait3A_142, %dma_wait3A_143] : memref<128x128xf32, #tpu.memory_space<vmem>> -> memref<80x128xf32, #tpu.memory_space<vmem>>
        tpu.wait_dma2 semaphore(%run_scoped3A : memref<!tpu.dma_semaphore, #tpu.memory_space<semaphore_mem>>) src(%dma_wait3A_144 : memref<80x128xf32, #tpu.memory_space<vmem>>) dst(%dma_wait3A_141 : memref<80x128xf32, #tpu.memory_space<vmem_shared>>)
        tpu.yield
      }) : () -> ()
    } else {
    }
    %add3A_33 = arith.constant 64 : i32
    %add3A_34 = arith.addi %add3A_33, %arg1 : i32
    %lt3A_35 = arith.constant 125 : i32
    %lt3A_36 = arith.cmpi slt, %add3A_34, %lt3A_35 : i32
    %convert_element_type3A_37 = arith.extui %lt3A_36 : i1 to i32
    %cond3A_38 = arith.constant 0 : i32
    %cond3A_39 = arith.cmpi ne, %convert_element_type3A_37, %cond3A_38 : i32
    scf.if %cond3A_39 {
      %mul3A_125 = arith.constant 80 : i32
      %mul3A_126 = arith.muli %add3A_34, %mul3A_125 : i32
      %multiple_of3A = tpu.assume_multiple %mul3A_126, 8 : i32
      "tpu.region"() ({
        %run_scoped3A = tpu.sem_alloc : memref<!tpu.dma_semaphore, #tpu.memory_space<semaphore_mem>>
        %dma_start3A = arith.constant 0 : i32
        %dma_start3A_127 = arith.constant 0 : i32
        %dma_start3A_128 = tpu.memref_slice %arg11[%dma_start3A, %dma_start3A_127] : memref<128x128xf32, #tpu.memory_space<vmem>> -> memref<80x128xf32, #tpu.memory_space<vmem>>
        %dma_start3A_129 = arith.constant 0 : i32
        %dma_start3A_130 = tpu.memref_slice %arg12[%multiple_of3A, %dma_start3A_129] : memref<10000x128xf32, #tpu.memory_space<vmem_shared>> -> memref<80x128xf32, #tpu.memory_space<vmem_shared>>
        %dma_start3A_131 = arith.constant 0 : i32
        %dma_start3A_132 = tpu.memref_slice %arg12[%multiple_of3A, %dma_start3A_131] : memref<10000x128xf32, #tpu.memory_space<vmem_shared>> -> memref<80x128xf32, #tpu.memory_space<vmem_shared>>
        %dma_start3A_133 = arith.constant 0 : i32
        %dma_start3A_134 = arith.constant 0 : i32
        %dma_start3A_135 = tpu.memref_slice %arg11[%dma_start3A_133, %dma_start3A_134] : memref<128x128xf32, #tpu.memory_space<vmem>> -> memref<80x128xf32, #tpu.memory_space<vmem>>
        tpu.enqueue_dma source(%dma_start3A_135 : memref<80x128xf32, #tpu.memory_space<vmem>>) target(%dma_start3A_132 : memref<80x128xf32, #tpu.memory_space<vmem_shared>>) target_semaphore(%run_scoped3A : memref<!tpu.dma_semaphore, #tpu.memory_space<semaphore_mem>>)
        %dma_wait3A = arith.constant 0 : i32
        %dma_wait3A_136 = arith.constant 0 : i32
        %dma_wait3A_137 = tpu.memref_slice %arg11[%dma_wait3A, %dma_wait3A_136] : memref<128x128xf32, #tpu.memory_space<vmem>> -> memref<80x128xf32, #tpu.memory_space<vmem>>
        %dma_wait3A_138 = arith.constant 0 : i32
        %dma_wait3A_139 = tpu.memref_slice %arg12[%multiple_of3A, %dma_wait3A_138] : memref<10000x128xf32, #tpu.memory_space<vmem_shared>> -> memref<80x128xf32, #tpu.memory_space<vmem_shared>>
        %dma_wait3A_140 = arith.constant 0 : i32
        %dma_wait3A_141 = tpu.memref_slice %arg12[%multiple_of3A, %dma_wait3A_140] : memref<10000x128xf32, #tpu.memory_space<vmem_shared>> -> memref<80x128xf32, #tpu.memory_space<vmem_shared>>
        %dma_wait3A_142 = arith.constant 0 : i32
        %dma_wait3A_143 = arith.constant 0 : i32
        %dma_wait3A_144 = tpu.memref_slice %arg11[%dma_wait3A_142, %dma_wait3A_143] : memref<128x128xf32, #tpu.memory_space<vmem>> -> memref<80x128xf32, #tpu.memory_space<vmem>>
        tpu.wait_dma2 semaphore(%run_scoped3A : memref<!tpu.dma_semaphore, #tpu.memory_space<semaphore_mem>>) src(%dma_wait3A_144 : memref<80x128xf32, #tpu.memory_space<vmem>>) dst(%dma_wait3A_141 : memref<80x128xf32, #tpu.memory_space<vmem_shared>>)
        tpu.yield
      }) : () -> ()
    } else {
    }
    %add3A_40 = arith.constant 80 : i32
    %add3A_41 = arith.addi %add3A_40, %arg1 : i32
    %lt3A_42 = arith.constant 125 : i32
    %lt3A_43 = arith.cmpi slt, %add3A_41, %lt3A_42 : i32
    %convert_element_type3A_44 = arith.extui %lt3A_43 : i1 to i32
    %cond3A_45 = arith.constant 0 : i32
    %cond3A_46 = arith.cmpi ne, %convert_element_type3A_44, %cond3A_45 : i32
    scf.if %cond3A_46 {
      %mul3A_125 = arith.constant 80 : i32
      %mul3A_126 = arith.muli %add3A_41, %mul3A_125 : i32
      %multiple_of3A = tpu.assume_multiple %mul3A_126, 8 : i32
      "tpu.region"() ({
        %run_scoped3A = tpu.sem_alloc : memref<!tpu.dma_semaphore, #tpu.memory_space<semaphore_mem>>
        %dma_start3A = arith.constant 0 : i32
        %dma_start3A_127 = arith.constant 0 : i32
        %dma_start3A_128 = tpu.memref_slice %arg11[%dma_start3A, %dma_start3A_127] : memref<128x128xf32, #tpu.memory_space<vmem>> -> memref<80x128xf32, #tpu.memory_space<vmem>>
        %dma_start3A_129 = arith.constant 0 : i32
        %dma_start3A_130 = tpu.memref_slice %arg12[%multiple_of3A, %dma_start3A_129] : memref<10000x128xf32, #tpu.memory_space<vmem_shared>> -> memref<80x128xf32, #tpu.memory_space<vmem_shared>>
        %dma_start3A_131 = arith.constant 0 : i32
        %dma_start3A_132 = tpu.memref_slice %arg12[%multiple_of3A, %dma_start3A_131] : memref<10000x128xf32, #tpu.memory_space<vmem_shared>> -> memref<80x128xf32, #tpu.memory_space<vmem_shared>>
        %dma_start3A_133 = arith.constant 0 : i32
        %dma_start3A_134 = arith.constant 0 : i32
        %dma_start3A_135 = tpu.memref_slice %arg11[%dma_start3A_133, %dma_start3A_134] : memref<128x128xf32, #tpu.memory_space<vmem>> -> memref<80x128xf32, #tpu.memory_space<vmem>>
        tpu.enqueue_dma source(%dma_start3A_135 : memref<80x128xf32, #tpu.memory_space<vmem>>) target(%dma_start3A_132 : memref<80x128xf32, #tpu.memory_space<vmem_shared>>) target_semaphore(%run_scoped3A : memref<!tpu.dma_semaphore, #tpu.memory_space<semaphore_mem>>)
        %dma_wait3A = arith.constant 0 : i32
        %dma_wait3A_136 = arith.constant 0 : i32
        %dma_wait3A_137 = tpu.memref_slice %arg11[%dma_wait3A, %dma_wait3A_136] : memref<128x128xf32, #tpu.memory_space<vmem>> -> memref<80x128xf32, #tpu.memory_space<vmem>>
        %dma_wait3A_138 = arith.constant 0 : i32
        %dma_wait3A_139 = tpu.memref_slice %arg12[%multiple_of3A, %dma_wait3A_138] : memref<10000x128xf32, #tpu.memory_space<vmem_shared>> -> memref<80x128xf32, #tpu.memory_space<vmem_shared>>
        %dma_wait3A_140 = arith.constant 0 : i32
        %dma_wait3A_141 = tpu.memref_slice %arg12[%multiple_of3A, %dma_wait3A_140] : memref<10000x128xf32, #tpu.memory_space<vmem_shared>> -> memref<80x128xf32, #tpu.memory_space<vmem_shared>>
        %dma_wait3A_142 = arith.constant 0 : i32
        %dma_wait3A_143 = arith.constant 0 : i32
        %dma_wait3A_144 = tpu.memref_slice %arg11[%dma_wait3A_142, %dma_wait3A_143] : memref<128x128xf32, #tpu.memory_space<vmem>> -> memref<80x128xf32, #tpu.memory_space<vmem>>
        tpu.wait_dma2 semaphore(%run_scoped3A : memref<!tpu.dma_semaphore, #tpu.memory_space<semaphore_mem>>) src(%dma_wait3A_144 : memref<80x128xf32, #tpu.memory_space<vmem>>) dst(%dma_wait3A_141 : memref<80x128xf32, #tpu.memory_space<vmem_shared>>)
        tpu.yield
      }) : () -> ()
    } else {
    }
    %add3A_47 = arith.constant 96 : i32
    %add3A_48 = arith.addi %add3A_47, %arg1 : i32
    %lt3A_49 = arith.constant 125 : i32
    %lt3A_50 = arith.cmpi slt, %add3A_48, %lt3A_49 : i32
    %convert_element_type3A_51 = arith.extui %lt3A_50 : i1 to i32
    %cond3A_52 = arith.constant 0 : i32
    %cond3A_53 = arith.cmpi ne, %convert_element_type3A_51, %cond3A_52 : i32
    scf.if %cond3A_53 {
      %mul3A_125 = arith.constant 80 : i32
      %mul3A_126 = arith.muli %add3A_48, %mul3A_125 : i32
      %multiple_of3A = tpu.assume_multiple %mul3A_126, 8 : i32
      "tpu.region"() ({
        %run_scoped3A = tpu.sem_alloc : memref<!tpu.dma_semaphore, #tpu.memory_space<semaphore_mem>>
        %dma_start3A = arith.constant 0 : i32
        %dma_start3A_127 = arith.constant 0 : i32
        %dma_start3A_128 = tpu.memref_slice %arg11[%dma_start3A, %dma_start3A_127] : memref<128x128xf32, #tpu.memory_space<vmem>> -> memref<80x128xf32, #tpu.memory_space<vmem>>
        %dma_start3A_129 = arith.constant 0 : i32
        %dma_start3A_130 = tpu.memref_slice %arg12[%multiple_of3A, %dma_start3A_129] : memref<10000x128xf32, #tpu.memory_space<vmem_shared>> -> memref<80x128xf32, #tpu.memory_space<vmem_shared>>
        %dma_start3A_131 = arith.constant 0 : i32
        %dma_start3A_132 = tpu.memref_slice %arg12[%multiple_of3A, %dma_start3A_131] : memref<10000x128xf32, #tpu.memory_space<vmem_shared>> -> memref<80x128xf32, #tpu.memory_space<vmem_shared>>
        %dma_start3A_133 = arith.constant 0 : i32
        %dma_start3A_134 = arith.constant 0 : i32
        %dma_start3A_135 = tpu.memref_slice %arg11[%dma_start3A_133, %dma_start3A_134] : memref<128x128xf32, #tpu.memory_space<vmem>> -> memref<80x128xf32, #tpu.memory_space<vmem>>
        tpu.enqueue_dma source(%dma_start3A_135 : memref<80x128xf32, #tpu.memory_space<vmem>>) target(%dma_start3A_132 : memref<80x128xf32, #tpu.memory_space<vmem_shared>>) target_semaphore(%run_scoped3A : memref<!tpu.dma_semaphore, #tpu.memory_space<semaphore_mem>>)
        %dma_wait3A = arith.constant 0 : i32
        %dma_wait3A_136 = arith.constant 0 : i32
        %dma_wait3A_137 = tpu.memref_slice %arg11[%dma_wait3A, %dma_wait3A_136] : memref<128x128xf32, #tpu.memory_space<vmem>> -> memref<80x128xf32, #tpu.memory_space<vmem>>
        %dma_wait3A_138 = arith.constant 0 : i32
        %dma_wait3A_139 = tpu.memref_slice %arg12[%multiple_of3A, %dma_wait3A_138] : memref<10000x128xf32, #tpu.memory_space<vmem_shared>> -> memref<80x128xf32, #tpu.memory_space<vmem_shared>>
        %dma_wait3A_140 = arith.constant 0 : i32
        %dma_wait3A_141 = tpu.memref_slice %arg12[%multiple_of3A, %dma_wait3A_140] : memref<10000x128xf32, #tpu.memory_space<vmem_shared>> -> memref<80x128xf32, #tpu.memory_space<vmem_shared>>
        %dma_wait3A_142 = arith.constant 0 : i32
        %dma_wait3A_143 = arith.constant 0 : i32
        %dma_wait3A_144 = tpu.memref_slice %arg11[%dma_wait3A_142, %dma_wait3A_143] : memref<128x128xf32, #tpu.memory_space<vmem>> -> memref<80x128xf32, #tpu.memory_space<vmem>>
        tpu.wait_dma2 semaphore(%run_scoped3A : memref<!tpu.dma_semaphore, #tpu.memory_space<semaphore_mem>>) src(%dma_wait3A_144 : memref<80x128xf32, #tpu.memory_space<vmem>>) dst(%dma_wait3A_141 : memref<80x128xf32, #tpu.memory_space<vmem_shared>>)
        tpu.yield
      }) : () -> ()
    } else {
    }
    %add3A_54 = arith.constant 112 : i32
    %add3A_55 = arith.addi %add3A_54, %arg1 : i32
    %lt3A_56 = arith.constant 125 : i32
    %lt3A_57 = arith.cmpi slt, %add3A_55, %lt3A_56 : i32
    %convert_element_type3A_58 = arith.extui %lt3A_57 : i1 to i32
    %cond3A_59 = arith.constant 0 : i32
    %cond3A_60 = arith.cmpi ne, %convert_element_type3A_58, %cond3A_59 : i32
    scf.if %cond3A_60 {
      %mul3A_125 = arith.constant 80 : i32
      %mul3A_126 = arith.muli %add3A_55, %mul3A_125 : i32
      %multiple_of3A = tpu.assume_multiple %mul3A_126, 8 : i32
      "tpu.region"() ({
        %run_scoped3A = tpu.sem_alloc : memref<!tpu.dma_semaphore, #tpu.memory_space<semaphore_mem>>
        %dma_start3A = arith.constant 0 : i32
        %dma_start3A_127 = arith.constant 0 : i32
        %dma_start3A_128 = tpu.memref_slice %arg11[%dma_start3A, %dma_start3A_127] : memref<128x128xf32, #tpu.memory_space<vmem>> -> memref<80x128xf32, #tpu.memory_space<vmem>>
        %dma_start3A_129 = arith.constant 0 : i32
        %dma_start3A_130 = tpu.memref_slice %arg12[%multiple_of3A, %dma_start3A_129] : memref<10000x128xf32, #tpu.memory_space<vmem_shared>> -> memref<80x128xf32, #tpu.memory_space<vmem_shared>>
        %dma_start3A_131 = arith.constant 0 : i32
        %dma_start3A_132 = tpu.memref_slice %arg12[%multiple_of3A, %dma_start3A_131] : memref<10000x128xf32, #tpu.memory_space<vmem_shared>> -> memref<80x128xf32, #tpu.memory_space<vmem_shared>>
        %dma_start3A_133 = arith.constant 0 : i32
        %dma_start3A_134 = arith.constant 0 : i32
        %dma_start3A_135 = tpu.memref_slice %arg11[%dma_start3A_133, %dma_start3A_134] : memref<128x128xf32, #tpu.memory_space<vmem>> -> memref<80x128xf32, #tpu.memory_space<vmem>>
        tpu.enqueue_dma source(%dma_start3A_135 : memref<80x128xf32, #tpu.memory_space<vmem>>) target(%dma_start3A_132 : memref<80x128xf32, #tpu.memory_space<vmem_shared>>) target_semaphore(%run_scoped3A : memref<!tpu.dma_semaphore, #tpu.memory_space<semaphore_mem>>)
        %dma_wait3A = arith.constant 0 : i32
        %dma_wait3A_136 = arith.constant 0 : i32
        %dma_wait3A_137 = tpu.memref_slice %arg11[%dma_wait3A, %dma_wait3A_136] : memref<128x128xf32, #tpu.memory_space<vmem>> -> memref<80x128xf32, #tpu.memory_space<vmem>>
        %dma_wait3A_138 = arith.constant 0 : i32
        %dma_wait3A_139 = tpu.memref_slice %arg12[%multiple_of3A, %dma_wait3A_138] : memref<10000x128xf32, #tpu.memory_space<vmem_shared>> -> memref<80x128xf32, #tpu.memory_space<vmem_shared>>
        %dma_wait3A_140 = arith.constant 0 : i32
        %dma_wait3A_141 = tpu.memref_slice %arg12[%multiple_of3A, %dma_wait3A_140] : memref<10000x128xf32, #tpu.memory_space<vmem_shared>> -> memref<80x128xf32, #tpu.memory_space<vmem_shared>>
        %dma_wait3A_142 = arith.constant 0 : i32
        %dma_wait3A_143 = arith.constant 0 : i32
        %dma_wait3A_144 = tpu.memref_slice %arg11[%dma_wait3A_142, %dma_wait3A_143] : memref<128x128xf32, #tpu.memory_space<vmem>> -> memref<80x128xf32, #tpu.memory_space<vmem>>
        tpu.wait_dma2 semaphore(%run_scoped3A : memref<!tpu.dma_semaphore, #tpu.memory_space<semaphore_mem>>) src(%dma_wait3A_144 : memref<80x128xf32, #tpu.memory_space<vmem>>) dst(%dma_wait3A_141 : memref<80x128xf32, #tpu.memory_space<vmem_shared>>)
        tpu.yield
      }) : () -> ()
    } else {
    }
    %barrier3A = arith.constant 0 : index
    tpu.barrier barrier_id(%barrier3A)
    %scan3A_61 = arith.constant 0 : i32
    %scan3A_62 = arith.constant 0 : i32
    %scan3A_63 = arith.constant 79 : i32
    %scan3A_64 = arith.addi %scan3A_62, %scan3A_63 : i32
    %scan3A_65 = arith.constant 1 : i32
    %scan3A_66 = scf.for %scan3A_125 = %scan3A_62 to %scan3A_64 step %scan3A_65 iter_args(%scan3A_126 = %scan3A_61) -> (i32)  : i32 {
      %mul3A_127 = arith.constant 32 : i32
      %mul3A_128 = arith.muli %scan3A_125, %mul3A_127 : i32
      %add3A_129 = arith.addi %mul3A_128, %add3A : i32
      %lt3A_130 = arith.constant 2500 : i32
      %lt3A_131 = arith.cmpi slt, %add3A_129, %lt3A_130 : i32
      %convert_element_type3A_132 = arith.extui %lt3A_131 : i1 to i32
      %cond3A_133 = arith.constant 0 : i32
      %cond3A_134 = arith.cmpi ne, %convert_element_type3A_132, %cond3A_133 : i32
      scf.if %cond3A_134 {
        %mul3A_136 = arith.constant 128 : i32
        %mul3A_137 = arith.muli %add3A_129, %mul3A_136 : i32
        %multiple_of3A = tpu.assume_multiple %mul3A_137, 8 : i32
        "tpu.region"() ({
          %run_scoped3A = tpu.sem_alloc : memref<!tpu.dma_semaphore, #tpu.memory_space<semaphore_mem>>
          %dma_start3A_144 = tpu.memref_slice %arg2[%multiple_of3A] : memref<320000xi32, #tpu.memory_space<hbm>> -> memref<128xi32, #tpu.memory_space<hbm>>
          %dma_start3A_145 = tpu.memref_slice %arg2[%multiple_of3A] : memref<320000xi32, #tpu.memory_space<hbm>> -> memref<128xi32, #tpu.memory_space<hbm>>
          tpu.enqueue_dma source(%dma_start3A_145 : memref<128xi32, #tpu.memory_space<hbm>>) target(%arg7 : memref<128xi32, #tpu.memory_space<vmem>>) target_semaphore(%run_scoped3A : memref<!tpu.dma_semaphore, #tpu.memory_space<semaphore_mem>>)
          %dma_wait3A_146 = tpu.memref_slice %arg2[%multiple_of3A] : memref<320000xi32, #tpu.memory_space<hbm>> -> memref<128xi32, #tpu.memory_space<hbm>>
          %dma_wait3A_147 = tpu.memref_slice %arg2[%multiple_of3A] : memref<320000xi32, #tpu.memory_space<hbm>> -> memref<128xi32, #tpu.memory_space<hbm>>
          tpu.wait_dma2 semaphore(%run_scoped3A : memref<!tpu.dma_semaphore, #tpu.memory_space<semaphore_mem>>) src(%dma_wait3A_147 : memref<128xi32, #tpu.memory_space<hbm>>) dst(%arg7 : memref<128xi32, #tpu.memory_space<vmem>>)
          tpu.yield
        }) : () -> ()
        "tpu.region"() ({
          %run_scoped3A = tpu.sem_alloc : memref<!tpu.dma_semaphore, #tpu.memory_space<semaphore_mem>>
          %dma_start3A_144 = tpu.memref_slice %arg3[%multiple_of3A] : memref<320000xi32, #tpu.memory_space<hbm>> -> memref<128xi32, #tpu.memory_space<hbm>>
          %dma_start3A_145 = tpu.memref_slice %arg3[%multiple_of3A] : memref<320000xi32, #tpu.memory_space<hbm>> -> memref<128xi32, #tpu.memory_space<hbm>>
          tpu.enqueue_dma source(%dma_start3A_145 : memref<128xi32, #tpu.memory_space<hbm>>) target(%arg8 : memref<128xi32, #tpu.memory_space<vmem>>) target_semaphore(%run_scoped3A : memref<!tpu.dma_semaphore, #tpu.memory_space<semaphore_mem>>)
          %dma_wait3A_146 = tpu.memref_slice %arg3[%multiple_of3A] : memref<320000xi32, #tpu.memory_space<hbm>> -> memref<128xi32, #tpu.memory_space<hbm>>
          %dma_wait3A_147 = tpu.memref_slice %arg3[%multiple_of3A] : memref<320000xi32, #tpu.memory_space<hbm>> -> memref<128xi32, #tpu.memory_space<hbm>>
          tpu.wait_dma2 semaphore(%run_scoped3A : memref<!tpu.dma_semaphore, #tpu.memory_space<semaphore_mem>>) src(%dma_wait3A_147 : memref<128xi32, #tpu.memory_space<hbm>>) dst(%arg8 : memref<128xi32, #tpu.memory_space<vmem>>)
          tpu.yield
        }) : () -> ()
        %dma_start3A = arith.constant 0 : i32
        %dma_start3A_138 = arith.constant 0 : i32
        %dma_start3A_139 = tpu.memref_slice %arg5[%dma_start3A, %dma_start3A_138] : memref<10000x64xi32, #tpu.memory_space<hbm>> -> memref<10000x64xi32, #tpu.memory_space<hbm>>
        tpu.enqueue_indirect_dma source(%dma_start3A_139 : memref<10000x64xi32, #tpu.memory_space<hbm>>) target(%arg9 : memref<128x64xi32, #tpu.memory_space<vmem>>) offsets(%arg7 : memref<128xi32, #tpu.memory_space<vmem>>) semaphore(%arg13 : memref<!tpu.dma_semaphore, #tpu.memory_space<semaphore_mem>>)
        "tpu.region"() ({
          %run_scoped3A = tpu.sem_alloc : memref<!tpu.dma_semaphore, #tpu.memory_space<semaphore_mem>>
          %dma_start3A_144 = arith.constant 0 : i32
          %dma_start3A_145 = tpu.memref_slice %arg4[%multiple_of3A, %dma_start3A_144] : memref<320000x128xf32, #tpu.memory_space<hbm>> -> memref<128x128xf32, #tpu.memory_space<hbm>>
          %dma_start3A_146 = arith.constant 0 : i32
          %dma_start3A_147 = tpu.memref_slice %arg4[%multiple_of3A, %dma_start3A_146] : memref<320000x128xf32, #tpu.memory_space<hbm>> -> memref<128x128xf32, #tpu.memory_space<hbm>>
          tpu.enqueue_dma source(%dma_start3A_147 : memref<128x128xf32, #tpu.memory_space<hbm>>) target(%arg10 : memref<128x128xf32, #tpu.memory_space<vmem>>) target_semaphore(%run_scoped3A : memref<!tpu.dma_semaphore, #tpu.memory_space<semaphore_mem>>)
          %dma_wait3A_148 = arith.constant 0 : i32
          %dma_wait3A_149 = tpu.memref_slice %arg4[%multiple_of3A, %dma_wait3A_148] : memref<320000x128xf32, #tpu.memory_space<hbm>> -> memref<128x128xf32, #tpu.memory_space<hbm>>
          %dma_wait3A_150 = arith.constant 0 : i32
          %dma_wait3A_151 = tpu.memref_slice %arg4[%multiple_of3A, %dma_wait3A_150] : memref<320000x128xf32, #tpu.memory_space<hbm>> -> memref<128x128xf32, #tpu.memory_space<hbm>>
          tpu.wait_dma2 semaphore(%run_scoped3A : memref<!tpu.dma_semaphore, #tpu.memory_space<semaphore_mem>>) src(%dma_wait3A_151 : memref<128x128xf32, #tpu.memory_space<hbm>>) dst(%arg10 : memref<128x128xf32, #tpu.memory_space<vmem>>)
          tpu.yield
        }) : () -> ()
        %dma_wait3A = arith.constant 0 : i32
        %dma_wait3A_140 = arith.constant 0 : i32
        %dma_wait3A_141 = tpu.memref_slice %arg5[%dma_wait3A, %dma_wait3A_140] : memref<10000x64xi32, #tpu.memory_space<hbm>> -> memref<10000x64xi32, #tpu.memory_space<hbm>>
        tpu.wait_indirect_dma semaphore(%arg13 : memref<!tpu.dma_semaphore, #tpu.memory_space<semaphore_mem>>) src(%dma_wait3A_141 : memref<10000x64xi32, #tpu.memory_space<hbm>>) dst(%arg9 : memref<128x64xi32, #tpu.memory_space<vmem>>)
        %parallel_loop3A = arith.constant 0 : i32
        %parallel_loop3A_142 = arith.constant 128 : i32
        %parallel_loop3A_143 = arith.constant 1 : i32
        scf.for %parallel_loop3A_144 = %parallel_loop3A to %parallel_loop3A_142 step %parallel_loop3A_143  : i32 {
          %parallel_loop3A_145 = arith.index_cast %parallel_loop3A_144 : i32 to index
          %parallel_loop3A_146 = arith.constant 0 : index
          %parallel_loop3A_147 = tpu.vector_load %arg9[%parallel_loop3A_145, %parallel_loop3A_146] {strides = array<i32>} : memref<128x64xi32, #tpu.memory_space<vmem>>, vector<1x16xi32>,
          %parallel_loop3A_148 = vector.shape_cast %parallel_loop3A_147 : vector<1x16xi32> to vector<16xi32>
          %parallel_loop3A_149 = arith.constant 16 : i32
          %parallel_loop3A_150 = vector.broadcast %parallel_loop3A_149 : i32 to vector<16xi32>
          %parallel_loop3A_151 = arith.shli %parallel_loop3A_148, %parallel_loop3A_150 : vector<16xi32>
          %parallel_loop3A_152 = tpu.bitcast %parallel_loop3A_151 : vector<16xi32> -> vector<16xf32>
          %parallel_loop3A_153 = arith.constant -65536 : i32
          %parallel_loop3A_154 = vector.broadcast %parallel_loop3A_153 : i32 to vector<16xi32>
          %parallel_loop3A_155 = arith.andi %parallel_loop3A_148, %parallel_loop3A_154 : vector<16xi32>
          %parallel_loop3A_156 = tpu.bitcast %parallel_loop3A_155 : vector<16xi32> -> vector<16xf32>
          %parallel_loop3A_157 = arith.index_cast %parallel_loop3A_144 : i32 to index
          %parallel_loop3A_158 = arith.constant 0 : index
          %parallel_loop3A_159 = tpu.vector_load %arg10[%parallel_loop3A_157, %parallel_loop3A_158] {strides = array<i32>} : memref<128x128xf32, #tpu.memory_space<vmem>>, vector<1x16xf32>,
          %parallel_loop3A_160 = vector.shape_cast %parallel_loop3A_159 : vector<1x16xf32> to vector<16xf32>
          %parallel_loop3A_161 = arith.constant 0.000000e+00 : f32
          %parallel_loop3A_162 = vector.broadcast %parallel_loop3A_161 : f32 to vector<16xf32>
          %parallel_loop3A_163 = arith.subf %parallel_loop3A_162, %parallel_loop3A_160 : vector<16xf32>
          %parallel_loop3A_164 = math.exp %parallel_loop3A_163 : vector<16xf32>
          %parallel_loop3A_165 = arith.constant 1.000000e+00 : f32
          %parallel_loop3A_166 = vector.broadcast %parallel_loop3A_165 : f32 to vector<16xf32>
          %parallel_loop3A_167 = arith.addf %parallel_loop3A_166, %parallel_loop3A_164 : vector<16xf32>
          %parallel_loop3A_168 = arith.divf %parallel_loop3A_152, %parallel_loop3A_167 : vector<16xf32>
          %parallel_loop3A_169 = arith.index_cast %parallel_loop3A_144 : i32 to index
          %parallel_loop3A_170 = arith.constant 0 : index
          %parallel_loop3A_171 = tpu.vector_load %arg11[%parallel_loop3A_169, %parallel_loop3A_170] {strides = array<i32>} : memref<128x128xf32, #tpu.memory_space<vmem>>, vector<1x16xf32>,
          %parallel_loop3A_172 = vector.shape_cast %parallel_loop3A_171 : vector<1x16xf32> to vector<16xf32>
          %parallel_loop3A_173 = vector.shape_cast %parallel_loop3A_168 : vector<16xf32> to vector<1x16xf32>
          tpu.vector_store %arg11[%parallel_loop3A_169, %parallel_loop3A_170], %parallel_loop3A_173 {strides = array<i32>} : memref<128x128xf32, #tpu.memory_space<vmem>>, vector<1x16xf32>,
          %parallel_loop3A_174 = arith.index_cast %parallel_loop3A_144 : i32 to index
          %parallel_loop3A_175 = arith.constant 64 : index
          %parallel_loop3A_176 = tpu.vector_load %arg10[%parallel_loop3A_174, %parallel_loop3A_175] {strides = array<i32>} : memref<128x128xf32, #tpu.memory_space<vmem>>, vector<1x16xf32>,
          %parallel_loop3A_177 = vector.shape_cast %parallel_loop3A_176 : vector<1x16xf32> to vector<16xf32>
          %parallel_loop3A_178 = arith.constant 0.000000e+00 : f32
          %parallel_loop3A_179 = vector.broadcast %parallel_loop3A_178 : f32 to vector<16xf32>
          %parallel_loop3A_180 = arith.subf %parallel_loop3A_179, %parallel_loop3A_177 : vector<16xf32>
          %parallel_loop3A_181 = math.exp %parallel_loop3A_180 : vector<16xf32>
          %parallel_loop3A_182 = arith.constant 1.000000e+00 : f32
          %parallel_loop3A_183 = vector.broadcast %parallel_loop3A_182 : f32 to vector<16xf32>
          %parallel_loop3A_184 = arith.addf %parallel_loop3A_183, %parallel_loop3A_181 : vector<16xf32>
          %parallel_loop3A_185 = arith.divf %parallel_loop3A_156, %parallel_loop3A_184 : vector<16xf32>
          %parallel_loop3A_186 = arith.index_cast %parallel_loop3A_144 : i32 to index
          %parallel_loop3A_187 = arith.constant 64 : index
          %parallel_loop3A_188 = tpu.vector_load %arg11[%parallel_loop3A_186, %parallel_loop3A_187] {strides = array<i32>} : memref<128x128xf32, #tpu.memory_space<vmem>>, vector<1x16xf32>,
          %parallel_loop3A_189 = vector.shape_cast %parallel_loop3A_188 : vector<1x16xf32> to vector<16xf32>
          %parallel_loop3A_190 = vector.shape_cast %parallel_loop3A_185 : vector<16xf32> to vector<1x16xf32>
          tpu.vector_store %arg11[%parallel_loop3A_186, %parallel_loop3A_187], %parallel_loop3A_190 {strides = array<i32>} : memref<128x128xf32, #tpu.memory_space<vmem>>, vector<1x16xf32>,
          %parallel_loop3A_191 = arith.index_cast %parallel_loop3A_144 : i32 to index
          %parallel_loop3A_192 = arith.constant 16 : index
          %parallel_loop3A_193 = tpu.vector_load %arg9[%parallel_loop3A_191, %parallel_loop3A_192] {strides = array<i32>} : memref<128x64xi32, #tpu.memory_space<vmem>>, vector<1x16xi32>,
          %parallel_loop3A_194 = vector.shape_cast %parallel_loop3A_193 : vector<1x16xi32> to vector<16xi32>
          %parallel_loop3A_195 = arith.constant 16 : i32
          %parallel_loop3A_196 = vector.broadcast %parallel_loop3A_195 : i32 to vector<16xi32>
          %parallel_loop3A_197 = arith.shli %parallel_loop3A_194, %parallel_loop3A_196 : vector<16xi32>
          %parallel_loop3A_198 = tpu.bitcast %parallel_loop3A_197 : vector<16xi32> -> vector<16xf32>
          %parallel_loop3A_199 = arith.constant -65536 : i32
          %parallel_loop3A_200 = vector.broadcast %parallel_loop3A_199 : i32 to vector<16xi32>
          %parallel_loop3A_201 = arith.andi %parallel_loop3A_194, %parallel_loop3A_200 : vector<16xi32>
          %parallel_loop3A_202 = tpu.bitcast %parallel_loop3A_201 : vector<16xi32> -> vector<16xf32>
          %parallel_loop3A_203 = arith.index_cast %parallel_loop3A_144 : i32 to index
          %parallel_loop3A_204 = arith.constant 16 : index
          %parallel_loop3A_205 = tpu.vector_load %arg10[%parallel_loop3A_203, %parallel_loop3A_204] {strides = array<i32>} : memref<128x128xf32, #tpu.memory_space<vmem>>, vector<1x16xf32>,
          %parallel_loop3A_206 = vector.shape_cast %parallel_loop3A_205 : vector<1x16xf32> to vector<16xf32>
          %parallel_loop3A_207 = arith.constant 0.000000e+00 : f32
          %parallel_loop3A_208 = vector.broadcast %parallel_loop3A_207 : f32 to vector<16xf32>
          %parallel_loop3A_209 = arith.subf %parallel_loop3A_208, %parallel_loop3A_206 : vector<16xf32>
          %parallel_loop3A_210 = math.exp %parallel_loop3A_209 : vector<16xf32>
          %parallel_loop3A_211 = arith.constant 1.000000e+00 : f32
          %parallel_loop3A_212 = vector.broadcast %parallel_loop3A_211 : f32 to vector<16xf32>
          %parallel_loop3A_213 = arith.addf %parallel_loop3A_212, %parallel_loop3A_210 : vector<16xf32>
          %parallel_loop3A_214 = arith.divf %parallel_loop3A_198, %parallel_loop3A_213 : vector<16xf32>
          %parallel_loop3A_215 = arith.index_cast %parallel_loop3A_144 : i32 to index
          %parallel_loop3A_216 = arith.constant 16 : index
          %parallel_loop3A_217 = tpu.vector_load %arg11[%parallel_loop3A_215, %parallel_loop3A_216] {strides = array<i32>} : memref<128x128xf32, #tpu.memory_space<vmem>>, vector<1x16xf32>,
          %parallel_loop3A_218 = vector.shape_cast %parallel_loop3A_217 : vector<1x16xf32> to vector<16xf32>
          %parallel_loop3A_219 = vector.shape_cast %parallel_loop3A_214 : vector<16xf32> to vector<1x16xf32>
          tpu.vector_store %arg11[%parallel_loop3A_215, %parallel_loop3A_216], %parallel_loop3A_219 {strides = array<i32>} : memref<128x128xf32, #tpu.memory_space<vmem>>, vector<1x16xf32>,
          %parallel_loop3A_220 = arith.index_cast %parallel_loop3A_144 : i32 to index
          %parallel_loop3A_221 = arith.constant 80 : index
          %parallel_loop3A_222 = tpu.vector_load %arg10[%parallel_loop3A_220, %parallel_loop3A_221] {strides = array<i32>} : memref<128x128xf32, #tpu.memory_space<vmem>>, vector<1x16xf32>,
          %parallel_loop3A_223 = vector.shape_cast %parallel_loop3A_222 : vector<1x16xf32> to vector<16xf32>
          %parallel_loop3A_224 = arith.constant 0.000000e+00 : f32
          %parallel_loop3A_225 = vector.broadcast %parallel_loop3A_224 : f32 to vector<16xf32>
          %parallel_loop3A_226 = arith.subf %parallel_loop3A_225, %parallel_loop3A_223 : vector<16xf32>
          %parallel_loop3A_227 = math.exp %parallel_loop3A_226 : vector<16xf32>
          %parallel_loop3A_228 = arith.constant 1.000000e+00 : f32
          %parallel_loop3A_229 = vector.broadcast %parallel_loop3A_228 : f32 to vector<16xf32>
          %parallel_loop3A_230 = arith.addf %parallel_loop3A_229, %parallel_loop3A_227 : vector<16xf32>
          %parallel_loop3A_231 = arith.divf %parallel_loop3A_202, %parallel_loop3A_230 : vector<16xf32>
          %parallel_loop3A_232 = arith.index_cast %parallel_loop3A_144 : i32 to index
          %parallel_loop3A_233 = arith.constant 80 : index
          %parallel_loop3A_234 = tpu.vector_load %arg11[%parallel_loop3A_232, %parallel_loop3A_233] {strides = array<i32>} : memref<128x128xf32, #tpu.memory_space<vmem>>, vector<1x16xf32>,
          %parallel_loop3A_235 = vector.shape_cast %parallel_loop3A_234 : vector<1x16xf32> to vector<16xf32>
          %parallel_loop3A_236 = vector.shape_cast %parallel_loop3A_231 : vector<16xf32> to vector<1x16xf32>
          tpu.vector_store %arg11[%parallel_loop3A_232, %parallel_loop3A_233], %parallel_loop3A_236 {strides = array<i32>} : memref<128x128xf32, #tpu.memory_space<vmem>>, vector<1x16xf32>,
          %parallel_loop3A_237 = arith.index_cast %parallel_loop3A_144 : i32 to index
          %parallel_loop3A_238 = arith.constant 32 : index
          %parallel_loop3A_239 = tpu.vector_load %arg9[%parallel_loop3A_237, %parallel_loop3A_238] {strides = array<i32>} : memref<128x64xi32, #tpu.memory_space<vmem>>, vector<1x16xi32>,
          %parallel_loop3A_240 = vector.shape_cast %parallel_loop3A_239 : vector<1x16xi32> to vector<16xi32>
          %parallel_loop3A_241 = arith.constant 16 : i32
          %parallel_loop3A_242 = vector.broadcast %parallel_loop3A_241 : i32 to vector<16xi32>
          %parallel_loop3A_243 = arith.shli %parallel_loop3A_240, %parallel_loop3A_242 : vector<16xi32>
          %parallel_loop3A_244 = tpu.bitcast %parallel_loop3A_243 : vector<16xi32> -> vector<16xf32>
          %parallel_loop3A_245 = arith.constant -65536 : i32
          %parallel_loop3A_246 = vector.broadcast %parallel_loop3A_245 : i32 to vector<16xi32>
          %parallel_loop3A_247 = arith.andi %parallel_loop3A_240, %parallel_loop3A_246 : vector<16xi32>
          %parallel_loop3A_248 = tpu.bitcast %parallel_loop3A_247 : vector<16xi32> -> vector<16xf32>
          %parallel_loop3A_249 = arith.index_cast %parallel_loop3A_144 : i32 to index
          %parallel_loop3A_250 = arith.constant 32 : index
          %parallel_loop3A_251 = tpu.vector_load %arg10[%parallel_loop3A_249, %parallel_loop3A_250] {strides = array<i32>} : memref<128x128xf32, #tpu.memory_space<vmem>>, vector<1x16xf32>,
          %parallel_loop3A_252 = vector.shape_cast %parallel_loop3A_251 : vector<1x16xf32> to vector<16xf32>
          %parallel_loop3A_253 = arith.constant 0.000000e+00 : f32
          %parallel_loop3A_254 = vector.broadcast %parallel_loop3A_253 : f32 to vector<16xf32>
          %parallel_loop3A_255 = arith.subf %parallel_loop3A_254, %parallel_loop3A_252 : vector<16xf32>
          %parallel_loop3A_256 = math.exp %parallel_loop3A_255 : vector<16xf32>
          %parallel_loop3A_257 = arith.constant 1.000000e+00 : f32
          %parallel_loop3A_258 = vector.broadcast %parallel_loop3A_257 : f32 to vector<16xf32>
          %parallel_loop3A_259 = arith.addf %parallel_loop3A_258, %parallel_loop3A_256 : vector<16xf32>
          %parallel_loop3A_260 = arith.divf %parallel_loop3A_244, %parallel_loop3A_259 : vector<16xf32>
          %parallel_loop3A_261 = arith.index_cast %parallel_loop3A_144 : i32 to index
          %parallel_loop3A_262 = arith.constant 32 : index
          %parallel_loop3A_263 = tpu.vector_load %arg11[%parallel_loop3A_261, %parallel_loop3A_262] {strides = array<i32>} : memref<128x128xf32, #tpu.memory_space<vmem>>, vector<1x16xf32>,
          %parallel_loop3A_264 = vector.shape_cast %parallel_loop3A_263 : vector<1x16xf32> to vector<16xf32>
          %parallel_loop3A_265 = vector.shape_cast %parallel_loop3A_260 : vector<16xf32> to vector<1x16xf32>
          tpu.vector_store %arg11[%parallel_loop3A_261, %parallel_loop3A_262], %parallel_loop3A_265 {strides = array<i32>} : memref<128x128xf32, #tpu.memory_space<vmem>>, vector<1x16xf32>,
          %parallel_loop3A_266 = arith.index_cast %parallel_loop3A_144 : i32 to index
          %parallel_loop3A_267 = arith.constant 96 : index
          %parallel_loop3A_268 = tpu.vector_load %arg10[%parallel_loop3A_266, %parallel_loop3A_267] {strides = array<i32>} : memref<128x128xf32, #tpu.memory_space<vmem>>, vector<1x16xf32>,
          %parallel_loop3A_269 = vector.shape_cast %parallel_loop3A_268 : vector<1x16xf32> to vector<16xf32>
          %parallel_loop3A_270 = arith.constant 0.000000e+00 : f32
          %parallel_loop3A_271 = vector.broadcast %parallel_loop3A_270 : f32 to vector<16xf32>
          %parallel_loop3A_272 = arith.subf %parallel_loop3A_271, %parallel_loop3A_269 : vector<16xf32>
          %parallel_loop3A_273 = math.exp %parallel_loop3A_272 : vector<16xf32>
          %parallel_loop3A_274 = arith.constant 1.000000e+00 : f32
          %parallel_loop3A_275 = vector.broadcast %parallel_loop3A_274 : f32 to vector<16xf32>
          %parallel_loop3A_276 = arith.addf %parallel_loop3A_275, %parallel_loop3A_273 : vector<16xf32>
          %parallel_loop3A_277 = arith.divf %parallel_loop3A_248, %parallel_loop3A_276 : vector<16xf32>
          %parallel_loop3A_278 = arith.index_cast %parallel_loop3A_144 : i32 to index
          %parallel_loop3A_279 = arith.constant 96 : index
          %parallel_loop3A_280 = tpu.vector_load %arg11[%parallel_loop3A_278, %parallel_loop3A_279] {strides = array<i32>} : memref<128x128xf32, #tpu.memory_space<vmem>>, vector<1x16xf32>,
          %parallel_loop3A_281 = vector.shape_cast %parallel_loop3A_280 : vector<1x16xf32> to vector<16xf32>
          %parallel_loop3A_282 = vector.shape_cast %parallel_loop3A_277 : vector<16xf32> to vector<1x16xf32>
          tpu.vector_store %arg11[%parallel_loop3A_278, %parallel_loop3A_279], %parallel_loop3A_282 {strides = array<i32>} : memref<128x128xf32, #tpu.memory_space<vmem>>, vector<1x16xf32>,
          %parallel_loop3A_283 = arith.index_cast %parallel_loop3A_144 : i32 to index
          %parallel_loop3A_284 = arith.constant 48 : index
          %parallel_loop3A_285 = tpu.vector_load %arg9[%parallel_loop3A_283, %parallel_loop3A_284] {strides = array<i32>} : memref<128x64xi32, #tpu.memory_space<vmem>>, vector<1x16xi32>,
          %parallel_loop3A_286 = vector.shape_cast %parallel_loop3A_285 : vector<1x16xi32> to vector<16xi32>
          %parallel_loop3A_287 = arith.constant 16 : i32
          %parallel_loop3A_288 = vector.broadcast %parallel_loop3A_287 : i32 to vector<16xi32>
          %parallel_loop3A_289 = arith.shli %parallel_loop3A_286, %parallel_loop3A_288 : vector<16xi32>
          %parallel_loop3A_290 = tpu.bitcast %parallel_loop3A_289 : vector<16xi32> -> vector<16xf32>
          %parallel_loop3A_291 = arith.constant -65536 : i32
          %parallel_loop3A_292 = vector.broadcast %parallel_loop3A_291 : i32 to vector<16xi32>
          %parallel_loop3A_293 = arith.andi %parallel_loop3A_286, %parallel_loop3A_292 : vector<16xi32>
          %parallel_loop3A_294 = tpu.bitcast %parallel_loop3A_293 : vector<16xi32> -> vector<16xf32>
          %parallel_loop3A_295 = arith.index_cast %parallel_loop3A_144 : i32 to index
          %parallel_loop3A_296 = arith.constant 48 : index
          %parallel_loop3A_297 = tpu.vector_load %arg10[%parallel_loop3A_295, %parallel_loop3A_296] {strides = array<i32>} : memref<128x128xf32, #tpu.memory_space<vmem>>, vector<1x16xf32>,
          %parallel_loop3A_298 = vector.shape_cast %parallel_loop3A_297 : vector<1x16xf32> to vector<16xf32>
          %parallel_loop3A_299 = arith.constant 0.000000e+00 : f32
          %parallel_loop3A_300 = vector.broadcast %parallel_loop3A_299 : f32 to vector<16xf32>
          %parallel_loop3A_301 = arith.subf %parallel_loop3A_300, %parallel_loop3A_298 : vector<16xf32>
          %parallel_loop3A_302 = math.exp %parallel_loop3A_301 : vector<16xf32>
          %parallel_loop3A_303 = arith.constant 1.000000e+00 : f32
          %parallel_loop3A_304 = vector.broadcast %parallel_loop3A_303 : f32 to vector<16xf32>
          %parallel_loop3A_305 = arith.addf %parallel_loop3A_304, %parallel_loop3A_302 : vector<16xf32>
          %parallel_loop3A_306 = arith.divf %parallel_loop3A_290, %parallel_loop3A_305 : vector<16xf32>
          %parallel_loop3A_307 = arith.index_cast %parallel_loop3A_144 : i32 to index
          %parallel_loop3A_308 = arith.constant 48 : index
          %parallel_loop3A_309 = tpu.vector_load %arg11[%parallel_loop3A_307, %parallel_loop3A_308] {strides = array<i32>} : memref<128x128xf32, #tpu.memory_space<vmem>>, vector<1x16xf32>,
          %parallel_loop3A_310 = vector.shape_cast %parallel_loop3A_309 : vector<1x16xf32> to vector<16xf32>
          %parallel_loop3A_311 = vector.shape_cast %parallel_loop3A_306 : vector<16xf32> to vector<1x16xf32>
          tpu.vector_store %arg11[%parallel_loop3A_307, %parallel_loop3A_308], %parallel_loop3A_311 {strides = array<i32>} : memref<128x128xf32, #tpu.memory_space<vmem>>, vector<1x16xf32>,
          %parallel_loop3A_312 = arith.index_cast %parallel_loop3A_144 : i32 to index
          %parallel_loop3A_313 = arith.constant 112 : index
          %parallel_loop3A_314 = tpu.vector_load %arg10[%parallel_loop3A_312, %parallel_loop3A_313] {strides = array<i32>} : memref<128x128xf32, #tpu.memory_space<vmem>>, vector<1x16xf32>,
          %parallel_loop3A_315 = vector.shape_cast %parallel_loop3A_314 : vector<1x16xf32> to vector<16xf32>
          %parallel_loop3A_316 = arith.constant 0.000000e+00 : f32
          %parallel_loop3A_317 = vector.broadcast %parallel_loop3A_316 : f32 to vector<16xf32>
          %parallel_loop3A_318 = arith.subf %parallel_loop3A_317, %parallel_loop3A_315 : vector<16xf32>
          %parallel_loop3A_319 = math.exp %parallel_loop3A_318 : vector<16xf32>
          %parallel_loop3A_320 = arith.constant 1.000000e+00 : f32
          %parallel_loop3A_321 = vector.broadcast %parallel_loop3A_320 : f32 to vector<16xf32>
          %parallel_loop3A_322 = arith.addf %parallel_loop3A_321, %parallel_loop3A_319 : vector<16xf32>
          %parallel_loop3A_323 = arith.divf %parallel_loop3A_294, %parallel_loop3A_322 : vector<16xf32>
          %parallel_loop3A_324 = arith.index_cast %parallel_loop3A_144 : i32 to index
          %parallel_loop3A_325 = arith.constant 112 : index
          %parallel_loop3A_326 = tpu.vector_load %arg11[%parallel_loop3A_324, %parallel_loop3A_325] {strides = array<i32>} : memref<128x128xf32, #tpu.memory_space<vmem>>, vector<1x16xf32>,
          %parallel_loop3A_327 = vector.shape_cast %parallel_loop3A_326 : vector<1x16xf32> to vector<16xf32>
          %parallel_loop3A_328 = vector.shape_cast %parallel_loop3A_323 : vector<16xf32> to vector<1x16xf32>
          tpu.vector_store %arg11[%parallel_loop3A_324, %parallel_loop3A_325], %parallel_loop3A_328 {strides = array<i32>} : memref<128x128xf32, #tpu.memory_space<vmem>>, vector<1x16xf32>,
        } {sc.loop_unroll_factor = 4 : i64, sc.parallel_access}
        "tpu.region"() ({
          %run_scoped3A = tpu.sem_alloc : memref<!tpu.dma_semaphore, #tpu.memory_space<semaphore_mem>>
          %dma_start3A_144 = arith.constant 0 : i32
          %dma_start3A_145 = arith.constant 0 : i32
          %dma_start3A_146 = tpu.memref_slice %arg12[%dma_start3A_144, %dma_start3A_145] : memref<10000x128xf32, #tpu.memory_space<vmem_shared>> -> memref<10000x128xf32, #tpu.memory_space<vmem_shared>>
          tpu.enqueue_indirect_dma source(%arg11 : memref<128x128xf32, #tpu.memory_space<vmem>>) target(%dma_start3A_146 : memref<10000x128xf32, #tpu.memory_space<vmem_shared>>) offsets(%arg8 : memref<128xi32, #tpu.memory_space<vmem>>) semaphore(%run_scoped3A : memref<!tpu.dma_semaphore, #tpu.memory_space<semaphore_mem>>) {add = true}
          %dma_wait3A_147 = arith.constant 0 : i32
          %dma_wait3A_148 = arith.constant 0 : i32
          %dma_wait3A_149 = tpu.memref_slice %arg12[%dma_wait3A_147, %dma_wait3A_148] : memref<10000x128xf32, #tpu.memory_space<vmem_shared>> -> memref<10000x128xf32, #tpu.memory_space<vmem_shared>>
          tpu.wait_indirect_dma semaphore(%run_scoped3A : memref<!tpu.dma_semaphore, #tpu.memory_space<semaphore_mem>>) src(%arg11 : memref<128x128xf32, #tpu.memory_space<vmem>>) dst(%dma_wait3A_149 : memref<10000x128xf32, #tpu.memory_space<vmem_shared>>)
          tpu.yield
        }) : () -> ()
      } else {
      }
      %scan3A_135 = arith.constant 0 : i32
      scf.yield %scan3A_135 : i32
    }
    %scan3A_67 = arith.constant 79 : i32
    %barrier3A_68 = arith.constant 0 : index
    tpu.barrier barrier_id(%barrier3A_68)
    %add3A_69 = arith.constant 0 : i32
    %add3A_70 = arith.addi %add3A_69, %arg1 : i32
    %lt3A_71 = arith.constant 125 : i32
    %lt3A_72 = arith.cmpi slt, %add3A_70, %lt3A_71 : i32
    %convert_element_type3A_73 = arith.extui %lt3A_72 : i1 to i32
    %cond3A_74 = arith.constant 0 : i32
    %cond3A_75 = arith.cmpi ne, %convert_element_type3A_73, %cond3A_74 : i32
    scf.if %cond3A_75 {
      %mul3A_125 = arith.constant 80 : i32
      %mul3A_126 = arith.muli %add3A_70, %mul3A_125 : i32
      %multiple_of3A = tpu.assume_multiple %mul3A_126, 8 : i32
      "tpu.region"() ({
        %run_scoped3A = tpu.sem_alloc : memref<!tpu.dma_semaphore, #tpu.memory_space<semaphore_mem>>
        %dma_start3A = arith.constant 0 : i32
        %dma_start3A_127 = arith.constant 0 : i32
        %dma_start3A_128 = tpu.memref_slice %arg11[%dma_start3A, %dma_start3A_127] : memref<128x128xf32, #tpu.memory_space<vmem>> -> memref<80x128xf32, #tpu.memory_space<vmem>>
        %dma_start3A_129 = arith.constant 0 : i32
        %dma_start3A_130 = tpu.memref_slice %arg12[%multiple_of3A, %dma_start3A_129] : memref<10000x128xf32, #tpu.memory_space<vmem_shared>> -> memref<80x128xf32, #tpu.memory_space<vmem_shared>>
        %dma_start3A_131 = arith.constant 0 : i32
        %dma_start3A_132 = arith.constant 0 : i32
        %dma_start3A_133 = tpu.memref_slice %arg11[%dma_start3A_131, %dma_start3A_132] : memref<128x128xf32, #tpu.memory_space<vmem>> -> memref<80x128xf32, #tpu.memory_space<vmem>>
        %dma_start3A_134 = arith.constant 0 : i32
        %dma_start3A_135 = tpu.memref_slice %arg12[%multiple_of3A, %dma_start3A_134] : memref<10000x128xf32, #tpu.memory_space<vmem_shared>> -> memref<80x128xf32, #tpu.memory_space<vmem_shared>>
        tpu.enqueue_dma source(%dma_start3A_135 : memref<80x128xf32, #tpu.memory_space<vmem_shared>>) target(%dma_start3A_133 : memref<80x128xf32, #tpu.memory_space<vmem>>) target_semaphore(%run_scoped3A : memref<!tpu.dma_semaphore, #tpu.memory_space<semaphore_mem>>)
        %dma_wait3A = arith.constant 0 : i32
        %dma_wait3A_136 = arith.constant 0 : i32
        %dma_wait3A_137 = tpu.memref_slice %arg11[%dma_wait3A, %dma_wait3A_136] : memref<128x128xf32, #tpu.memory_space<vmem>> -> memref<80x128xf32, #tpu.memory_space<vmem>>
        %dma_wait3A_138 = arith.constant 0 : i32
        %dma_wait3A_139 = tpu.memref_slice %arg12[%multiple_of3A, %dma_wait3A_138] : memref<10000x128xf32, #tpu.memory_space<vmem_shared>> -> memref<80x128xf32, #tpu.memory_space<vmem_shared>>
        %dma_wait3A_140 = arith.constant 0 : i32
        %dma_wait3A_141 = arith.constant 0 : i32
        %dma_wait3A_142 = tpu.memref_slice %arg11[%dma_wait3A_140, %dma_wait3A_141] : memref<128x128xf32, #tpu.memory_space<vmem>> -> memref<80x128xf32, #tpu.memory_space<vmem>>
        %dma_wait3A_143 = arith.constant 0 : i32
        %dma_wait3A_144 = tpu.memref_slice %arg12[%multiple_of3A, %dma_wait3A_143] : memref<10000x128xf32, #tpu.memory_space<vmem_shared>> -> memref<80x128xf32, #tpu.memory_space<vmem_shared>>
        tpu.wait_dma2 semaphore(%run_scoped3A : memref<!tpu.dma_semaphore, #tpu.memory_space<semaphore_mem>>) src(%dma_wait3A_144 : memref<80x128xf32, #tpu.memory_space<vmem_shared>>) dst(%dma_wait3A_142 : memref<80x128xf32, #tpu.memory_space<vmem>>)
        tpu.yield
      }) : () -> ()
      "tpu.region"() ({
        %run_scoped3A = tpu.sem_alloc : memref<!tpu.dma_semaphore, #tpu.memory_space<semaphore_mem>>
        %dma_start3A = arith.constant 0 : i32
        %dma_start3A_127 = arith.constant 0 : i32
        %dma_start3A_128 = tpu.memref_slice %arg11[%dma_start3A, %dma_start3A_127] : memref<128x128xf32, #tpu.memory_space<vmem>> -> memref<80x128xf32, #tpu.memory_space<vmem>>
        %dma_start3A_129 = arith.constant 0 : i32
        %dma_start3A_130 = tpu.memref_slice %arg6[%arg0, %multiple_of3A, %dma_start3A_129] : memref<2x10000x128xf32, #tpu.memory_space<hbm>> -> memref<1x80x128xf32, #tpu.memory_space<hbm>>
        %dma_start3A_131 = tpu.memref_squeeze %dma_start3A_130 : memref<1x80x128xf32, #tpu.memory_space<hbm>> -> memref<80x128xf32, #tpu.memory_space<hbm>>
        %dma_start3A_132 = arith.constant 0 : i32
        %dma_start3A_133 = tpu.memref_slice %arg6[%arg0, %multiple_of3A, %dma_start3A_132] : memref<2x10000x128xf32, #tpu.memory_space<hbm>> -> memref<1x80x128xf32, #tpu.memory_space<hbm>>
        %dma_start3A_134 = tpu.memref_squeeze %dma_start3A_133 : memref<1x80x128xf32, #tpu.memory_space<hbm>> -> memref<80x128xf32, #tpu.memory_space<hbm>>
        %dma_start3A_135 = arith.constant 0 : i32
        %dma_start3A_136 = arith.constant 0 : i32
        %dma_start3A_137 = tpu.memref_slice %arg11[%dma_start3A_135, %dma_start3A_136] : memref<128x128xf32, #tpu.memory_space<vmem>> -> memref<80x128xf32, #tpu.memory_space<vmem>>
        tpu.enqueue_dma source(%dma_start3A_137 : memref<80x128xf32, #tpu.memory_space<vmem>>) target(%dma_start3A_134 : memref<80x128xf32, #tpu.memory_space<hbm>>) target_semaphore(%run_scoped3A : memref<!tpu.dma_semaphore, #tpu.memory_space<semaphore_mem>>)
        %dma_wait3A = arith.constant 0 : i32
        %dma_wait3A_138 = arith.constant 0 : i32
        %dma_wait3A_139 = tpu.memref_slice %arg11[%dma_wait3A, %dma_wait3A_138] : memref<128x128xf32, #tpu.memory_space<vmem>> -> memref<80x128xf32, #tpu.memory_space<vmem>>
        %dma_wait3A_140 = arith.constant 0 : i32
        %dma_wait3A_141 = tpu.memref_slice %arg6[%arg0, %multiple_of3A, %dma_wait3A_140] : memref<2x10000x128xf32, #tpu.memory_space<hbm>> -> memref<1x80x128xf32, #tpu.memory_space<hbm>>
        %dma_wait3A_142 = tpu.memref_squeeze %dma_wait3A_141 : memref<1x80x128xf32, #tpu.memory_space<hbm>> -> memref<80x128xf32, #tpu.memory_space<hbm>>
        %dma_wait3A_143 = arith.constant 0 : i32
        %dma_wait3A_144 = tpu.memref_slice %arg6[%arg0, %multiple_of3A, %dma_wait3A_143] : memref<2x10000x128xf32, #tpu.memory_space<hbm>> -> memref<1x80x128xf32, #tpu.memory_space<hbm>>
        %dma_wait3A_145 = tpu.memref_squeeze %dma_wait3A_144 : memref<1x80x128xf32, #tpu.memory_space<hbm>> -> memref<80x128xf32, #tpu.memory_space<hbm>>
        %dma_wait3A_146 = arith.constant 0 : i32
        %dma_wait3A_147 = arith.constant 0 : i32
        %dma_wait3A_148 = tpu.memref_slice %arg11[%dma_wait3A_146, %dma_wait3A_147] : memref<128x128xf32, #tpu.memory_space<vmem>> -> memref<80x128xf32, #tpu.memory_space<vmem>>
        tpu.wait_dma2 semaphore(%run_scoped3A : memref<!tpu.dma_semaphore, #tpu.memory_space<semaphore_mem>>) src(%dma_wait3A_148 : memref<80x128xf32, #tpu.memory_space<vmem>>) dst(%dma_wait3A_145 : memref<80x128xf32, #tpu.memory_space<hbm>>)
        tpu.yield
      }) : () -> ()
    } else {
    }
    %add3A_76 = arith.constant 16 : i32
    %add3A_77 = arith.addi %add3A_76, %arg1 : i32
    %lt3A_78 = arith.constant 125 : i32
    %lt3A_79 = arith.cmpi slt, %add3A_77, %lt3A_78 : i32
    %convert_element_type3A_80 = arith.extui %lt3A_79 : i1 to i32
    %cond3A_81 = arith.constant 0 : i32
    %cond3A_82 = arith.cmpi ne, %convert_element_type3A_80, %cond3A_81 : i32
    scf.if %cond3A_82 {
      %mul3A_125 = arith.constant 80 : i32
      %mul3A_126 = arith.muli %add3A_77, %mul3A_125 : i32
      %multiple_of3A = tpu.assume_multiple %mul3A_126, 8 : i32
      "tpu.region"() ({
        %run_scoped3A = tpu.sem_alloc : memref<!tpu.dma_semaphore, #tpu.memory_space<semaphore_mem>>
        %dma_start3A = arith.constant 0 : i32
        %dma_start3A_127 = arith.constant 0 : i32
        %dma_start3A_128 = tpu.memref_slice %arg11[%dma_start3A, %dma_start3A_127] : memref<128x128xf32, #tpu.memory_space<vmem>> -> memref<80x128xf32, #tpu.memory_space<vmem>>
        %dma_start3A_129 = arith.constant 0 : i32
        %dma_start3A_130 = tpu.memref_slice %arg12[%multiple_of3A, %dma_start3A_129] : memref<10000x128xf32, #tpu.memory_space<vmem_shared>> -> memref<80x128xf32, #tpu.memory_space<vmem_shared>>
        %dma_start3A_131 = arith.constant 0 : i32
        %dma_start3A_132 = arith.constant 0 : i32
        %dma_start3A_133 = tpu.memref_slice %arg11[%dma_start3A_131, %dma_start3A_132] : memref<128x128xf32, #tpu.memory_space<vmem>> -> memref<80x128xf32, #tpu.memory_space<vmem>>
        %dma_start3A_134 = arith.constant 0 : i32
        %dma_start3A_135 = tpu.memref_slice %arg12[%multiple_of3A, %dma_start3A_134] : memref<10000x128xf32, #tpu.memory_space<vmem_shared>> -> memref<80x128xf32, #tpu.memory_space<vmem_shared>>
        tpu.enqueue_dma source(%dma_start3A_135 : memref<80x128xf32, #tpu.memory_space<vmem_shared>>) target(%dma_start3A_133 : memref<80x128xf32, #tpu.memory_space<vmem>>) target_semaphore(%run_scoped3A : memref<!tpu.dma_semaphore, #tpu.memory_space<semaphore_mem>>)
        %dma_wait3A = arith.constant 0 : i32
        %dma_wait3A_136 = arith.constant 0 : i32
        %dma_wait3A_137 = tpu.memref_slice %arg11[%dma_wait3A, %dma_wait3A_136] : memref<128x128xf32, #tpu.memory_space<vmem>> -> memref<80x128xf32, #tpu.memory_space<vmem>>
        %dma_wait3A_138 = arith.constant 0 : i32
        %dma_wait3A_139 = tpu.memref_slice %arg12[%multiple_of3A, %dma_wait3A_138] : memref<10000x128xf32, #tpu.memory_space<vmem_shared>> -> memref<80x128xf32, #tpu.memory_space<vmem_shared>>
        %dma_wait3A_140 = arith.constant 0 : i32
        %dma_wait3A_141 = arith.constant 0 : i32
        %dma_wait3A_142 = tpu.memref_slice %arg11[%dma_wait3A_140, %dma_wait3A_141] : memref<128x128xf32, #tpu.memory_space<vmem>> -> memref<80x128xf32, #tpu.memory_space<vmem>>
        %dma_wait3A_143 = arith.constant 0 : i32
        %dma_wait3A_144 = tpu.memref_slice %arg12[%multiple_of3A, %dma_wait3A_143] : memref<10000x128xf32, #tpu.memory_space<vmem_shared>> -> memref<80x128xf32, #tpu.memory_space<vmem_shared>>
        tpu.wait_dma2 semaphore(%run_scoped3A : memref<!tpu.dma_semaphore, #tpu.memory_space<semaphore_mem>>) src(%dma_wait3A_144 : memref<80x128xf32, #tpu.memory_space<vmem_shared>>) dst(%dma_wait3A_142 : memref<80x128xf32, #tpu.memory_space<vmem>>)
        tpu.yield
      }) : () -> ()
      "tpu.region"() ({
        %run_scoped3A = tpu.sem_alloc : memref<!tpu.dma_semaphore, #tpu.memory_space<semaphore_mem>>
        %dma_start3A = arith.constant 0 : i32
        %dma_start3A_127 = arith.constant 0 : i32
        %dma_start3A_128 = tpu.memref_slice %arg11[%dma_start3A, %dma_start3A_127] : memref<128x128xf32, #tpu.memory_space<vmem>> -> memref<80x128xf32, #tpu.memory_space<vmem>>
        %dma_start3A_129 = arith.constant 0 : i32
        %dma_start3A_130 = tpu.memref_slice %arg6[%arg0, %multiple_of3A, %dma_start3A_129] : memref<2x10000x128xf32, #tpu.memory_space<hbm>> -> memref<1x80x128xf32, #tpu.memory_space<hbm>>
        %dma_start3A_131 = tpu.memref_squeeze %dma_start3A_130 : memref<1x80x128xf32, #tpu.memory_space<hbm>> -> memref<80x128xf32, #tpu.memory_space<hbm>>
        %dma_start3A_132 = arith.constant 0 : i32
        %dma_start3A_133 = tpu.memref_slice %arg6[%arg0, %multiple_of3A, %dma_start3A_132] : memref<2x10000x128xf32, #tpu.memory_space<hbm>> -> memref<1x80x128xf32, #tpu.memory_space<hbm>>
        %dma_start3A_134 = tpu.memref_squeeze %dma_start3A_133 : memref<1x80x128xf32, #tpu.memory_space<hbm>> -> memref<80x128xf32, #tpu.memory_space<hbm>>
        %dma_start3A_135 = arith.constant 0 : i32
        %dma_start3A_136 = arith.constant 0 : i32
        %dma_start3A_137 = tpu.memref_slice %arg11[%dma_start3A_135, %dma_start3A_136] : memref<128x128xf32, #tpu.memory_space<vmem>> -> memref<80x128xf32, #tpu.memory_space<vmem>>
        tpu.enqueue_dma source(%dma_start3A_137 : memref<80x128xf32, #tpu.memory_space<vmem>>) target(%dma_start3A_134 : memref<80x128xf32, #tpu.memory_space<hbm>>) target_semaphore(%run_scoped3A : memref<!tpu.dma_semaphore, #tpu.memory_space<semaphore_mem>>)
        %dma_wait3A = arith.constant 0 : i32
        %dma_wait3A_138 = arith.constant 0 : i32
        %dma_wait3A_139 = tpu.memref_slice %arg11[%dma_wait3A, %dma_wait3A_138] : memref<128x128xf32, #tpu.memory_space<vmem>> -> memref<80x128xf32, #tpu.memory_space<vmem>>
        %dma_wait3A_140 = arith.constant 0 : i32
        %dma_wait3A_141 = tpu.memref_slice %arg6[%arg0, %multiple_of3A, %dma_wait3A_140] : memref<2x10000x128xf32, #tpu.memory_space<hbm>> -> memref<1x80x128xf32, #tpu.memory_space<hbm>>
        %dma_wait3A_142 = tpu.memref_squeeze %dma_wait3A_141 : memref<1x80x128xf32, #tpu.memory_space<hbm>> -> memref<80x128xf32, #tpu.memory_space<hbm>>
        %dma_wait3A_143 = arith.constant 0 : i32
        %dma_wait3A_144 = tpu.memref_slice %arg6[%arg0, %multiple_of3A, %dma_wait3A_143] : memref<2x10000x128xf32, #tpu.memory_space<hbm>> -> memref<1x80x128xf32, #tpu.memory_space<hbm>>
        %dma_wait3A_145 = tpu.memref_squeeze %dma_wait3A_144 : memref<1x80x128xf32, #tpu.memory_space<hbm>> -> memref<80x128xf32, #tpu.memory_space<hbm>>
        %dma_wait3A_146 = arith.constant 0 : i32
        %dma_wait3A_147 = arith.constant 0 : i32
        %dma_wait3A_148 = tpu.memref_slice %arg11[%dma_wait3A_146, %dma_wait3A_147] : memref<128x128xf32, #tpu.memory_space<vmem>> -> memref<80x128xf32, #tpu.memory_space<vmem>>
        tpu.wait_dma2 semaphore(%run_scoped3A : memref<!tpu.dma_semaphore, #tpu.memory_space<semaphore_mem>>) src(%dma_wait3A_148 : memref<80x128xf32, #tpu.memory_space<vmem>>) dst(%dma_wait3A_145 : memref<80x128xf32, #tpu.memory_space<hbm>>)
        tpu.yield
      }) : () -> ()
    } else {
    }
    %add3A_83 = arith.constant 32 : i32
    %add3A_84 = arith.addi %add3A_83, %arg1 : i32
    %lt3A_85 = arith.constant 125 : i32
    %lt3A_86 = arith.cmpi slt, %add3A_84, %lt3A_85 : i32
    %convert_element_type3A_87 = arith.extui %lt3A_86 : i1 to i32
    %cond3A_88 = arith.constant 0 : i32
    %cond3A_89 = arith.cmpi ne, %convert_element_type3A_87, %cond3A_88 : i32
    scf.if %cond3A_89 {
      %mul3A_125 = arith.constant 80 : i32
      %mul3A_126 = arith.muli %add3A_84, %mul3A_125 : i32
      %multiple_of3A = tpu.assume_multiple %mul3A_126, 8 : i32
      "tpu.region"() ({
        %run_scoped3A = tpu.sem_alloc : memref<!tpu.dma_semaphore, #tpu.memory_space<semaphore_mem>>
        %dma_start3A = arith.constant 0 : i32
        %dma_start3A_127 = arith.constant 0 : i32
        %dma_start3A_128 = tpu.memref_slice %arg11[%dma_start3A, %dma_start3A_127] : memref<128x128xf32, #tpu.memory_space<vmem>> -> memref<80x128xf32, #tpu.memory_space<vmem>>
        %dma_start3A_129 = arith.constant 0 : i32
        %dma_start3A_130 = tpu.memref_slice %arg12[%multiple_of3A, %dma_start3A_129] : memref<10000x128xf32, #tpu.memory_space<vmem_shared>> -> memref<80x128xf32, #tpu.memory_space<vmem_shared>>
        %dma_start3A_131 = arith.constant 0 : i32
        %dma_start3A_132 = arith.constant 0 : i32
        %dma_start3A_133 = tpu.memref_slice %arg11[%dma_start3A_131, %dma_start3A_132] : memref<128x128xf32, #tpu.memory_space<vmem>> -> memref<80x128xf32, #tpu.memory_space<vmem>>
        %dma_start3A_134 = arith.constant 0 : i32
        %dma_start3A_135 = tpu.memref_slice %arg12[%multiple_of3A, %dma_start3A_134] : memref<10000x128xf32, #tpu.memory_space<vmem_shared>> -> memref<80x128xf32, #tpu.memory_space<vmem_shared>>
        tpu.enqueue_dma source(%dma_start3A_135 : memref<80x128xf32, #tpu.memory_space<vmem_shared>>) target(%dma_start3A_133 : memref<80x128xf32, #tpu.memory_space<vmem>>) target_semaphore(%run_scoped3A : memref<!tpu.dma_semaphore, #tpu.memory_space<semaphore_mem>>)
        %dma_wait3A = arith.constant 0 : i32
        %dma_wait3A_136 = arith.constant 0 : i32
        %dma_wait3A_137 = tpu.memref_slice %arg11[%dma_wait3A, %dma_wait3A_136] : memref<128x128xf32, #tpu.memory_space<vmem>> -> memref<80x128xf32, #tpu.memory_space<vmem>>
        %dma_wait3A_138 = arith.constant 0 : i32
        %dma_wait3A_139 = tpu.memref_slice %arg12[%multiple_of3A, %dma_wait3A_138] : memref<10000x128xf32, #tpu.memory_space<vmem_shared>> -> memref<80x128xf32, #tpu.memory_space<vmem_shared>>
        %dma_wait3A_140 = arith.constant 0 : i32
        %dma_wait3A_141 = arith.constant 0 : i32
        %dma_wait3A_142 = tpu.memref_slice %arg11[%dma_wait3A_140, %dma_wait3A_141] : memref<128x128xf32, #tpu.memory_space<vmem>> -> memref<80x128xf32, #tpu.memory_space<vmem>>
        %dma_wait3A_143 = arith.constant 0 : i32
        %dma_wait3A_144 = tpu.memref_slice %arg12[%multiple_of3A, %dma_wait3A_143] : memref<10000x128xf32, #tpu.memory_space<vmem_shared>> -> memref<80x128xf32, #tpu.memory_space<vmem_shared>>
        tpu.wait_dma2 semaphore(%run_scoped3A : memref<!tpu.dma_semaphore, #tpu.memory_space<semaphore_mem>>) src(%dma_wait3A_144 : memref<80x128xf32, #tpu.memory_space<vmem_shared>>) dst(%dma_wait3A_142 : memref<80x128xf32, #tpu.memory_space<vmem>>)
        tpu.yield
      }) : () -> ()
      "tpu.region"() ({
        %run_scoped3A = tpu.sem_alloc : memref<!tpu.dma_semaphore, #tpu.memory_space<semaphore_mem>>
        %dma_start3A = arith.constant 0 : i32
        %dma_start3A_127 = arith.constant 0 : i32
        %dma_start3A_128 = tpu.memref_slice %arg11[%dma_start3A, %dma_start3A_127] : memref<128x128xf32, #tpu.memory_space<vmem>> -> memref<80x128xf32, #tpu.memory_space<vmem>>
        %dma_start3A_129 = arith.constant 0 : i32
        %dma_start3A_130 = tpu.memref_slice %arg6[%arg0, %multiple_of3A, %dma_start3A_129] : memref<2x10000x128xf32, #tpu.memory_space<hbm>> -> memref<1x80x128xf32, #tpu.memory_space<hbm>>
        %dma_start3A_131 = tpu.memref_squeeze %dma_start3A_130 : memref<1x80x128xf32, #tpu.memory_space<hbm>> -> memref<80x128xf32, #tpu.memory_space<hbm>>
        %dma_start3A_132 = arith.constant 0 : i32
        %dma_start3A_133 = tpu.memref_slice %arg6[%arg0, %multiple_of3A, %dma_start3A_132] : memref<2x10000x128xf32, #tpu.memory_space<hbm>> -> memref<1x80x128xf32, #tpu.memory_space<hbm>>
        %dma_start3A_134 = tpu.memref_squeeze %dma_start3A_133 : memref<1x80x128xf32, #tpu.memory_space<hbm>> -> memref<80x128xf32, #tpu.memory_space<hbm>>
        %dma_start3A_135 = arith.constant 0 : i32
        %dma_start3A_136 = arith.constant 0 : i32
        %dma_start3A_137 = tpu.memref_slice %arg11[%dma_start3A_135, %dma_start3A_136] : memref<128x128xf32, #tpu.memory_space<vmem>> -> memref<80x128xf32, #tpu.memory_space<vmem>>
        tpu.enqueue_dma source(%dma_start3A_137 : memref<80x128xf32, #tpu.memory_space<vmem>>) target(%dma_start3A_134 : memref<80x128xf32, #tpu.memory_space<hbm>>) target_semaphore(%run_scoped3A : memref<!tpu.dma_semaphore, #tpu.memory_space<semaphore_mem>>)
        %dma_wait3A = arith.constant 0 : i32
        %dma_wait3A_138 = arith.constant 0 : i32
        %dma_wait3A_139 = tpu.memref_slice %arg11[%dma_wait3A, %dma_wait3A_138] : memref<128x128xf32, #tpu.memory_space<vmem>> -> memref<80x128xf32, #tpu.memory_space<vmem>>
        %dma_wait3A_140 = arith.constant 0 : i32
        %dma_wait3A_141 = tpu.memref_slice %arg6[%arg0, %multiple_of3A, %dma_wait3A_140] : memref<2x10000x128xf32, #tpu.memory_space<hbm>> -> memref<1x80x128xf32, #tpu.memory_space<hbm>>
        %dma_wait3A_142 = tpu.memref_squeeze %dma_wait3A_141 : memref<1x80x128xf32, #tpu.memory_space<hbm>> -> memref<80x128xf32, #tpu.memory_space<hbm>>
        %dma_wait3A_143 = arith.constant 0 : i32
        %dma_wait3A_144 = tpu.memref_slice %arg6[%arg0, %multiple_of3A, %dma_wait3A_143] : memref<2x10000x128xf32, #tpu.memory_space<hbm>> -> memref<1x80x128xf32, #tpu.memory_space<hbm>>
        %dma_wait3A_145 = tpu.memref_squeeze %dma_wait3A_144 : memref<1x80x128xf32, #tpu.memory_space<hbm>> -> memref<80x128xf32, #tpu.memory_space<hbm>>
        %dma_wait3A_146 = arith.constant 0 : i32
        %dma_wait3A_147 = arith.constant 0 : i32
        %dma_wait3A_148 = tpu.memref_slice %arg11[%dma_wait3A_146, %dma_wait3A_147] : memref<128x128xf32, #tpu.memory_space<vmem>> -> memref<80x128xf32, #tpu.memory_space<vmem>>
        tpu.wait_dma2 semaphore(%run_scoped3A : memref<!tpu.dma_semaphore, #tpu.memory_space<semaphore_mem>>) src(%dma_wait3A_148 : memref<80x128xf32, #tpu.memory_space<vmem>>) dst(%dma_wait3A_145 : memref<80x128xf32, #tpu.memory_space<hbm>>)
        tpu.yield
      }) : () -> ()
    } else {
    }
    %add3A_90 = arith.constant 48 : i32
    %add3A_91 = arith.addi %add3A_90, %arg1 : i32
    %lt3A_92 = arith.constant 125 : i32
    %lt3A_93 = arith.cmpi slt, %add3A_91, %lt3A_92 : i32
    %convert_element_type3A_94 = arith.extui %lt3A_93 : i1 to i32
    %cond3A_95 = arith.constant 0 : i32
    %cond3A_96 = arith.cmpi ne, %convert_element_type3A_94, %cond3A_95 : i32
    scf.if %cond3A_96 {
      %mul3A_125 = arith.constant 80 : i32
      %mul3A_126 = arith.muli %add3A_91, %mul3A_125 : i32
      %multiple_of3A = tpu.assume_multiple %mul3A_126, 8 : i32
      "tpu.region"() ({
        %run_scoped3A = tpu.sem_alloc : memref<!tpu.dma_semaphore, #tpu.memory_space<semaphore_mem>>
        %dma_start3A = arith.constant 0 : i32
        %dma_start3A_127 = arith.constant 0 : i32
        %dma_start3A_128 = tpu.memref_slice %arg11[%dma_start3A, %dma_start3A_127] : memref<128x128xf32, #tpu.memory_space<vmem>> -> memref<80x128xf32, #tpu.memory_space<vmem>>
        %dma_start3A_129 = arith.constant 0 : i32
        %dma_start3A_130 = tpu.memref_slice %arg12[%multiple_of3A, %dma_start3A_129] : memref<10000x128xf32, #tpu.memory_space<vmem_shared>> -> memref<80x128xf32, #tpu.memory_space<vmem_shared>>
        %dma_start3A_131 = arith.constant 0 : i32
        %dma_start3A_132 = arith.constant 0 : i32
        %dma_start3A_133 = tpu.memref_slice %arg11[%dma_start3A_131, %dma_start3A_132] : memref<128x128xf32, #tpu.memory_space<vmem>> -> memref<80x128xf32, #tpu.memory_space<vmem>>
        %dma_start3A_134 = arith.constant 0 : i32
        %dma_start3A_135 = tpu.memref_slice %arg12[%multiple_of3A, %dma_start3A_134] : memref<10000x128xf32, #tpu.memory_space<vmem_shared>> -> memref<80x128xf32, #tpu.memory_space<vmem_shared>>
        tpu.enqueue_dma source(%dma_start3A_135 : memref<80x128xf32, #tpu.memory_space<vmem_shared>>) target(%dma_start3A_133 : memref<80x128xf32, #tpu.memory_space<vmem>>) target_semaphore(%run_scoped3A : memref<!tpu.dma_semaphore, #tpu.memory_space<semaphore_mem>>)
        %dma_wait3A = arith.constant 0 : i32
        %dma_wait3A_136 = arith.constant 0 : i32
        %dma_wait3A_137 = tpu.memref_slice %arg11[%dma_wait3A, %dma_wait3A_136] : memref<128x128xf32, #tpu.memory_space<vmem>> -> memref<80x128xf32, #tpu.memory_space<vmem>>
        %dma_wait3A_138 = arith.constant 0 : i32
        %dma_wait3A_139 = tpu.memref_slice %arg12[%multiple_of3A, %dma_wait3A_138] : memref<10000x128xf32, #tpu.memory_space<vmem_shared>> -> memref<80x128xf32, #tpu.memory_space<vmem_shared>>
        %dma_wait3A_140 = arith.constant 0 : i32
        %dma_wait3A_141 = arith.constant 0 : i32
        %dma_wait3A_142 = tpu.memref_slice %arg11[%dma_wait3A_140, %dma_wait3A_141] : memref<128x128xf32, #tpu.memory_space<vmem>> -> memref<80x128xf32, #tpu.memory_space<vmem>>
        %dma_wait3A_143 = arith.constant 0 : i32
        %dma_wait3A_144 = tpu.memref_slice %arg12[%multiple_of3A, %dma_wait3A_143] : memref<10000x128xf32, #tpu.memory_space<vmem_shared>> -> memref<80x128xf32, #tpu.memory_space<vmem_shared>>
        tpu.wait_dma2 semaphore(%run_scoped3A : memref<!tpu.dma_semaphore, #tpu.memory_space<semaphore_mem>>) src(%dma_wait3A_144 : memref<80x128xf32, #tpu.memory_space<vmem_shared>>) dst(%dma_wait3A_142 : memref<80x128xf32, #tpu.memory_space<vmem>>)
        tpu.yield
      }) : () -> ()
      "tpu.region"() ({
        %run_scoped3A = tpu.sem_alloc : memref<!tpu.dma_semaphore, #tpu.memory_space<semaphore_mem>>
        %dma_start3A = arith.constant 0 : i32
        %dma_start3A_127 = arith.constant 0 : i32
        %dma_start3A_128 = tpu.memref_slice %arg11[%dma_start3A, %dma_start3A_127] : memref<128x128xf32, #tpu.memory_space<vmem>> -> memref<80x128xf32, #tpu.memory_space<vmem>>
        %dma_start3A_129 = arith.constant 0 : i32
        %dma_start3A_130 = tpu.memref_slice %arg6[%arg0, %multiple_of3A, %dma_start3A_129] : memref<2x10000x128xf32, #tpu.memory_space<hbm>> -> memref<1x80x128xf32, #tpu.memory_space<hbm>>
        %dma_start3A_131 = tpu.memref_squeeze %dma_start3A_130 : memref<1x80x128xf32, #tpu.memory_space<hbm>> -> memref<80x128xf32, #tpu.memory_space<hbm>>
        %dma_start3A_132 = arith.constant 0 : i32
        %dma_start3A_133 = tpu.memref_slice %arg6[%arg0, %multiple_of3A, %dma_start3A_132] : memref<2x10000x128xf32, #tpu.memory_space<hbm>> -> memref<1x80x128xf32, #tpu.memory_space<hbm>>
        %dma_start3A_134 = tpu.memref_squeeze %dma_start3A_133 : memref<1x80x128xf32, #tpu.memory_space<hbm>> -> memref<80x128xf32, #tpu.memory_space<hbm>>
        %dma_start3A_135 = arith.constant 0 : i32
        %dma_start3A_136 = arith.constant 0 : i32
        %dma_start3A_137 = tpu.memref_slice %arg11[%dma_start3A_135, %dma_start3A_136] : memref<128x128xf32, #tpu.memory_space<vmem>> -> memref<80x128xf32, #tpu.memory_space<vmem>>
        tpu.enqueue_dma source(%dma_start3A_137 : memref<80x128xf32, #tpu.memory_space<vmem>>) target(%dma_start3A_134 : memref<80x128xf32, #tpu.memory_space<hbm>>) target_semaphore(%run_scoped3A : memref<!tpu.dma_semaphore, #tpu.memory_space<semaphore_mem>>)
        %dma_wait3A = arith.constant 0 : i32
        %dma_wait3A_138 = arith.constant 0 : i32
        %dma_wait3A_139 = tpu.memref_slice %arg11[%dma_wait3A, %dma_wait3A_138] : memref<128x128xf32, #tpu.memory_space<vmem>> -> memref<80x128xf32, #tpu.memory_space<vmem>>
        %dma_wait3A_140 = arith.constant 0 : i32
        %dma_wait3A_141 = tpu.memref_slice %arg6[%arg0, %multiple_of3A, %dma_wait3A_140] : memref<2x10000x128xf32, #tpu.memory_space<hbm>> -> memref<1x80x128xf32, #tpu.memory_space<hbm>>
        %dma_wait3A_142 = tpu.memref_squeeze %dma_wait3A_141 : memref<1x80x128xf32, #tpu.memory_space<hbm>> -> memref<80x128xf32, #tpu.memory_space<hbm>>
        %dma_wait3A_143 = arith.constant 0 : i32
        %dma_wait3A_144 = tpu.memref_slice %arg6[%arg0, %multiple_of3A, %dma_wait3A_143] : memref<2x10000x128xf32, #tpu.memory_space<hbm>> -> memref<1x80x128xf32, #tpu.memory_space<hbm>>
        %dma_wait3A_145 = tpu.memref_squeeze %dma_wait3A_144 : memref<1x80x128xf32, #tpu.memory_space<hbm>> -> memref<80x128xf32, #tpu.memory_space<hbm>>
        %dma_wait3A_146 = arith.constant 0 : i32
        %dma_wait3A_147 = arith.constant 0 : i32
        %dma_wait3A_148 = tpu.memref_slice %arg11[%dma_wait3A_146, %dma_wait3A_147] : memref<128x128xf32, #tpu.memory_space<vmem>> -> memref<80x128xf32, #tpu.memory_space<vmem>>
        tpu.wait_dma2 semaphore(%run_scoped3A : memref<!tpu.dma_semaphore, #tpu.memory_space<semaphore_mem>>) src(%dma_wait3A_148 : memref<80x128xf32, #tpu.memory_space<vmem>>) dst(%dma_wait3A_145 : memref<80x128xf32, #tpu.memory_space<hbm>>)
        tpu.yield
      }) : () -> ()
    } else {
    }
    %add3A_97 = arith.constant 64 : i32
    %add3A_98 = arith.addi %add3A_97, %arg1 : i32
    %lt3A_99 = arith.constant 125 : i32
    %lt3A_100 = arith.cmpi slt, %add3A_98, %lt3A_99 : i32
    %convert_element_type3A_101 = arith.extui %lt3A_100 : i1 to i32
    %cond3A_102 = arith.constant 0 : i32
    %cond3A_103 = arith.cmpi ne, %convert_element_type3A_101, %cond3A_102 : i32
    scf.if %cond3A_103 {
      %mul3A_125 = arith.constant 80 : i32
      %mul3A_126 = arith.muli %add3A_98, %mul3A_125 : i32
      %multiple_of3A = tpu.assume_multiple %mul3A_126, 8 : i32
      "tpu.region"() ({
        %run_scoped3A = tpu.sem_alloc : memref<!tpu.dma_semaphore, #tpu.memory_space<semaphore_mem>>
        %dma_start3A = arith.constant 0 : i32
        %dma_start3A_127 = arith.constant 0 : i32
        %dma_start3A_128 = tpu.memref_slice %arg11[%dma_start3A, %dma_start3A_127] : memref<128x128xf32, #tpu.memory_space<vmem>> -> memref<80x128xf32, #tpu.memory_space<vmem>>
        %dma_start3A_129 = arith.constant 0 : i32
        %dma_start3A_130 = tpu.memref_slice %arg12[%multiple_of3A, %dma_start3A_129] : memref<10000x128xf32, #tpu.memory_space<vmem_shared>> -> memref<80x128xf32, #tpu.memory_space<vmem_shared>>
        %dma_start3A_131 = arith.constant 0 : i32
        %dma_start3A_132 = arith.constant 0 : i32
        %dma_start3A_133 = tpu.memref_slice %arg11[%dma_start3A_131, %dma_start3A_132] : memref<128x128xf32, #tpu.memory_space<vmem>> -> memref<80x128xf32, #tpu.memory_space<vmem>>
        %dma_start3A_134 = arith.constant 0 : i32
        %dma_start3A_135 = tpu.memref_slice %arg12[%multiple_of3A, %dma_start3A_134] : memref<10000x128xf32, #tpu.memory_space<vmem_shared>> -> memref<80x128xf32, #tpu.memory_space<vmem_shared>>
        tpu.enqueue_dma source(%dma_start3A_135 : memref<80x128xf32, #tpu.memory_space<vmem_shared>>) target(%dma_start3A_133 : memref<80x128xf32, #tpu.memory_space<vmem>>) target_semaphore(%run_scoped3A : memref<!tpu.dma_semaphore, #tpu.memory_space<semaphore_mem>>)
        %dma_wait3A = arith.constant 0 : i32
        %dma_wait3A_136 = arith.constant 0 : i32
        %dma_wait3A_137 = tpu.memref_slice %arg11[%dma_wait3A, %dma_wait3A_136] : memref<128x128xf32, #tpu.memory_space<vmem>> -> memref<80x128xf32, #tpu.memory_space<vmem>>
        %dma_wait3A_138 = arith.constant 0 : i32
        %dma_wait3A_139 = tpu.memref_slice %arg12[%multiple_of3A, %dma_wait3A_138] : memref<10000x128xf32, #tpu.memory_space<vmem_shared>> -> memref<80x128xf32, #tpu.memory_space<vmem_shared>>
        %dma_wait3A_140 = arith.constant 0 : i32
        %dma_wait3A_141 = arith.constant 0 : i32
        %dma_wait3A_142 = tpu.memref_slice %arg11[%dma_wait3A_140, %dma_wait3A_141] : memref<128x128xf32, #tpu.memory_space<vmem>> -> memref<80x128xf32, #tpu.memory_space<vmem>>
        %dma_wait3A_143 = arith.constant 0 : i32
        %dma_wait3A_144 = tpu.memref_slice %arg12[%multiple_of3A, %dma_wait3A_143] : memref<10000x128xf32, #tpu.memory_space<vmem_shared>> -> memref<80x128xf32, #tpu.memory_space<vmem_shared>>
        tpu.wait_dma2 semaphore(%run_scoped3A : memref<!tpu.dma_semaphore, #tpu.memory_space<semaphore_mem>>) src(%dma_wait3A_144 : memref<80x128xf32, #tpu.memory_space<vmem_shared>>) dst(%dma_wait3A_142 : memref<80x128xf32, #tpu.memory_space<vmem>>)
        tpu.yield
      }) : () -> ()
      "tpu.region"() ({
        %run_scoped3A = tpu.sem_alloc : memref<!tpu.dma_semaphore, #tpu.memory_space<semaphore_mem>>
        %dma_start3A = arith.constant 0 : i32
        %dma_start3A_127 = arith.constant 0 : i32
        %dma_start3A_128 = tpu.memref_slice %arg11[%dma_start3A, %dma_start3A_127] : memref<128x128xf32, #tpu.memory_space<vmem>> -> memref<80x128xf32, #tpu.memory_space<vmem>>
        %dma_start3A_129 = arith.constant 0 : i32
        %dma_start3A_130 = tpu.memref_slice %arg6[%arg0, %multiple_of3A, %dma_start3A_129] : memref<2x10000x128xf32, #tpu.memory_space<hbm>> -> memref<1x80x128xf32, #tpu.memory_space<hbm>>
        %dma_start3A_131 = tpu.memref_squeeze %dma_start3A_130 : memref<1x80x128xf32, #tpu.memory_space<hbm>> -> memref<80x128xf32, #tpu.memory_space<hbm>>
        %dma_start3A_132 = arith.constant 0 : i32
        %dma_start3A_133 = tpu.memref_slice %arg6[%arg0, %multiple_of3A, %dma_start3A_132] : memref<2x10000x128xf32, #tpu.memory_space<hbm>> -> memref<1x80x128xf32, #tpu.memory_space<hbm>>
        %dma_start3A_134 = tpu.memref_squeeze %dma_start3A_133 : memref<1x80x128xf32, #tpu.memory_space<hbm>> -> memref<80x128xf32, #tpu.memory_space<hbm>>
        %dma_start3A_135 = arith.constant 0 : i32
        %dma_start3A_136 = arith.constant 0 : i32
        %dma_start3A_137 = tpu.memref_slice %arg11[%dma_start3A_135, %dma_start3A_136] : memref<128x128xf32, #tpu.memory_space<vmem>> -> memref<80x128xf32, #tpu.memory_space<vmem>>
        tpu.enqueue_dma source(%dma_start3A_137 : memref<80x128xf32, #tpu.memory_space<vmem>>) target(%dma_start3A_134 : memref<80x128xf32, #tpu.memory_space<hbm>>) target_semaphore(%run_scoped3A : memref<!tpu.dma_semaphore, #tpu.memory_space<semaphore_mem>>)
        %dma_wait3A = arith.constant 0 : i32
        %dma_wait3A_138 = arith.constant 0 : i32
        %dma_wait3A_139 = tpu.memref_slice %arg11[%dma_wait3A, %dma_wait3A_138] : memref<128x128xf32, #tpu.memory_space<vmem>> -> memref<80x128xf32, #tpu.memory_space<vmem>>
        %dma_wait3A_140 = arith.constant 0 : i32
        %dma_wait3A_141 = tpu.memref_slice %arg6[%arg0, %multiple_of3A, %dma_wait3A_140] : memref<2x10000x128xf32, #tpu.memory_space<hbm>> -> memref<1x80x128xf32, #tpu.memory_space<hbm>>
        %dma_wait3A_142 = tpu.memref_squeeze %dma_wait3A_141 : memref<1x80x128xf32, #tpu.memory_space<hbm>> -> memref<80x128xf32, #tpu.memory_space<hbm>>
        %dma_wait3A_143 = arith.constant 0 : i32
        %dma_wait3A_144 = tpu.memref_slice %arg6[%arg0, %multiple_of3A, %dma_wait3A_143] : memref<2x10000x128xf32, #tpu.memory_space<hbm>> -> memref<1x80x128xf32, #tpu.memory_space<hbm>>
        %dma_wait3A_145 = tpu.memref_squeeze %dma_wait3A_144 : memref<1x80x128xf32, #tpu.memory_space<hbm>> -> memref<80x128xf32, #tpu.memory_space<hbm>>
        %dma_wait3A_146 = arith.constant 0 : i32
        %dma_wait3A_147 = arith.constant 0 : i32
        %dma_wait3A_148 = tpu.memref_slice %arg11[%dma_wait3A_146, %dma_wait3A_147] : memref<128x128xf32, #tpu.memory_space<vmem>> -> memref<80x128xf32, #tpu.memory_space<vmem>>
        tpu.wait_dma2 semaphore(%run_scoped3A : memref<!tpu.dma_semaphore, #tpu.memory_space<semaphore_mem>>) src(%dma_wait3A_148 : memref<80x128xf32, #tpu.memory_space<vmem>>) dst(%dma_wait3A_145 : memref<80x128xf32, #tpu.memory_space<hbm>>)
        tpu.yield
      }) : () -> ()
    } else {
    }
    %add3A_104 = arith.constant 80 : i32
    %add3A_105 = arith.addi %add3A_104, %arg1 : i32
    %lt3A_106 = arith.constant 125 : i32
    %lt3A_107 = arith.cmpi slt, %add3A_105, %lt3A_106 : i32
    %convert_element_type3A_108 = arith.extui %lt3A_107 : i1 to i32
    %cond3A_109 = arith.constant 0 : i32
    %cond3A_110 = arith.cmpi ne, %convert_element_type3A_108, %cond3A_109 : i32
    scf.if %cond3A_110 {
      %mul3A_125 = arith.constant 80 : i32
      %mul3A_126 = arith.muli %add3A_105, %mul3A_125 : i32
      %multiple_of3A = tpu.assume_multiple %mul3A_126, 8 : i32
      "tpu.region"() ({
        %run_scoped3A = tpu.sem_alloc : memref<!tpu.dma_semaphore, #tpu.memory_space<semaphore_mem>>
        %dma_start3A = arith.constant 0 : i32
        %dma_start3A_127 = arith.constant 0 : i32
        %dma_start3A_128 = tpu.memref_slice %arg11[%dma_start3A, %dma_start3A_127] : memref<128x128xf32, #tpu.memory_space<vmem>> -> memref<80x128xf32, #tpu.memory_space<vmem>>
        %dma_start3A_129 = arith.constant 0 : i32
        %dma_start3A_130 = tpu.memref_slice %arg12[%multiple_of3A, %dma_start3A_129] : memref<10000x128xf32, #tpu.memory_space<vmem_shared>> -> memref<80x128xf32, #tpu.memory_space<vmem_shared>>
        %dma_start3A_131 = arith.constant 0 : i32
        %dma_start3A_132 = arith.constant 0 : i32
        %dma_start3A_133 = tpu.memref_slice %arg11[%dma_start3A_131, %dma_start3A_132] : memref<128x128xf32, #tpu.memory_space<vmem>> -> memref<80x128xf32, #tpu.memory_space<vmem>>
        %dma_start3A_134 = arith.constant 0 : i32
        %dma_start3A_135 = tpu.memref_slice %arg12[%multiple_of3A, %dma_start3A_134] : memref<10000x128xf32, #tpu.memory_space<vmem_shared>> -> memref<80x128xf32, #tpu.memory_space<vmem_shared>>
        tpu.enqueue_dma source(%dma_start3A_135 : memref<80x128xf32, #tpu.memory_space<vmem_shared>>) target(%dma_start3A_133 : memref<80x128xf32, #tpu.memory_space<vmem>>) target_semaphore(%run_scoped3A : memref<!tpu.dma_semaphore, #tpu.memory_space<semaphore_mem>>)
        %dma_wait3A = arith.constant 0 : i32
        %dma_wait3A_136 = arith.constant 0 : i32
        %dma_wait3A_137 = tpu.memref_slice %arg11[%dma_wait3A, %dma_wait3A_136] : memref<128x128xf32, #tpu.memory_space<vmem>> -> memref<80x128xf32, #tpu.memory_space<vmem>>
        %dma_wait3A_138 = arith.constant 0 : i32
        %dma_wait3A_139 = tpu.memref_slice %arg12[%multiple_of3A, %dma_wait3A_138] : memref<10000x128xf32, #tpu.memory_space<vmem_shared>> -> memref<80x128xf32, #tpu.memory_space<vmem_shared>>
        %dma_wait3A_140 = arith.constant 0 : i32
        %dma_wait3A_141 = arith.constant 0 : i32
        %dma_wait3A_142 = tpu.memref_slice %arg11[%dma_wait3A_140, %dma_wait3A_141] : memref<128x128xf32, #tpu.memory_space<vmem>> -> memref<80x128xf32, #tpu.memory_space<vmem>>
        %dma_wait3A_143 = arith.constant 0 : i32
        %dma_wait3A_144 = tpu.memref_slice %arg12[%multiple_of3A, %dma_wait3A_143] : memref<10000x128xf32, #tpu.memory_space<vmem_shared>> -> memref<80x128xf32, #tpu.memory_space<vmem_shared>>
        tpu.wait_dma2 semaphore(%run_scoped3A : memref<!tpu.dma_semaphore, #tpu.memory_space<semaphore_mem>>) src(%dma_wait3A_144 : memref<80x128xf32, #tpu.memory_space<vmem_shared>>) dst(%dma_wait3A_142 : memref<80x128xf32, #tpu.memory_space<vmem>>)
        tpu.yield
      }) : () -> ()
      "tpu.region"() ({
        %run_scoped3A = tpu.sem_alloc : memref<!tpu.dma_semaphore, #tpu.memory_space<semaphore_mem>>
        %dma_start3A = arith.constant 0 : i32
        %dma_start3A_127 = arith.constant 0 : i32
        %dma_start3A_128 = tpu.memref_slice %arg11[%dma_start3A, %dma_start3A_127] : memref<128x128xf32, #tpu.memory_space<vmem>> -> memref<80x128xf32, #tpu.memory_space<vmem>>
        %dma_start3A_129 = arith.constant 0 : i32
        %dma_start3A_130 = tpu.memref_slice %arg6[%arg0, %multiple_of3A, %dma_start3A_129] : memref<2x10000x128xf32, #tpu.memory_space<hbm>> -> memref<1x80x128xf32, #tpu.memory_space<hbm>>
        %dma_start3A_131 = tpu.memref_squeeze %dma_start3A_130 : memref<1x80x128xf32, #tpu.memory_space<hbm>> -> memref<80x128xf32, #tpu.memory_space<hbm>>
        %dma_start3A_132 = arith.constant 0 : i32
        %dma_start3A_133 = tpu.memref_slice %arg6[%arg0, %multiple_of3A, %dma_start3A_132] : memref<2x10000x128xf32, #tpu.memory_space<hbm>> -> memref<1x80x128xf32, #tpu.memory_space<hbm>>
        %dma_start3A_134 = tpu.memref_squeeze %dma_start3A_133 : memref<1x80x128xf32, #tpu.memory_space<hbm>> -> memref<80x128xf32, #tpu.memory_space<hbm>>
        %dma_start3A_135 = arith.constant 0 : i32
        %dma_start3A_136 = arith.constant 0 : i32
        %dma_start3A_137 = tpu.memref_slice %arg11[%dma_start3A_135, %dma_start3A_136] : memref<128x128xf32, #tpu.memory_space<vmem>> -> memref<80x128xf32, #tpu.memory_space<vmem>>
        tpu.enqueue_dma source(%dma_start3A_137 : memref<80x128xf32, #tpu.memory_space<vmem>>) target(%dma_start3A_134 : memref<80x128xf32, #tpu.memory_space<hbm>>) target_semaphore(%run_scoped3A : memref<!tpu.dma_semaphore, #tpu.memory_space<semaphore_mem>>)
        %dma_wait3A = arith.constant 0 : i32
        %dma_wait3A_138 = arith.constant 0 : i32
        %dma_wait3A_139 = tpu.memref_slice %arg11[%dma_wait3A, %dma_wait3A_138] : memref<128x128xf32, #tpu.memory_space<vmem>> -> memref<80x128xf32, #tpu.memory_space<vmem>>
        %dma_wait3A_140 = arith.constant 0 : i32
        %dma_wait3A_141 = tpu.memref_slice %arg6[%arg0, %multiple_of3A, %dma_wait3A_140] : memref<2x10000x128xf32, #tpu.memory_space<hbm>> -> memref<1x80x128xf32, #tpu.memory_space<hbm>>
        %dma_wait3A_142 = tpu.memref_squeeze %dma_wait3A_141 : memref<1x80x128xf32, #tpu.memory_space<hbm>> -> memref<80x128xf32, #tpu.memory_space<hbm>>
        %dma_wait3A_143 = arith.constant 0 : i32
        %dma_wait3A_144 = tpu.memref_slice %arg6[%arg0, %multiple_of3A, %dma_wait3A_143] : memref<2x10000x128xf32, #tpu.memory_space<hbm>> -> memref<1x80x128xf32, #tpu.memory_space<hbm>>
        %dma_wait3A_145 = tpu.memref_squeeze %dma_wait3A_144 : memref<1x80x128xf32, #tpu.memory_space<hbm>> -> memref<80x128xf32, #tpu.memory_space<hbm>>
        %dma_wait3A_146 = arith.constant 0 : i32
        %dma_wait3A_147 = arith.constant 0 : i32
        %dma_wait3A_148 = tpu.memref_slice %arg11[%dma_wait3A_146, %dma_wait3A_147] : memref<128x128xf32, #tpu.memory_space<vmem>> -> memref<80x128xf32, #tpu.memory_space<vmem>>
        tpu.wait_dma2 semaphore(%run_scoped3A : memref<!tpu.dma_semaphore, #tpu.memory_space<semaphore_mem>>) src(%dma_wait3A_148 : memref<80x128xf32, #tpu.memory_space<vmem>>) dst(%dma_wait3A_145 : memref<80x128xf32, #tpu.memory_space<hbm>>)
        tpu.yield
      }) : () -> ()
    } else {
    }
    %add3A_111 = arith.constant 96 : i32
    %add3A_112 = arith.addi %add3A_111, %arg1 : i32
    %lt3A_113 = arith.constant 125 : i32
    %lt3A_114 = arith.cmpi slt, %add3A_112, %lt3A_113 : i32
    %convert_element_type3A_115 = arith.extui %lt3A_114 : i1 to i32
    %cond3A_116 = arith.constant 0 : i32
    %cond3A_117 = arith.cmpi ne, %convert_element_type3A_115, %cond3A_116 : i32
    scf.if %cond3A_117 {
      %mul3A_125 = arith.constant 80 : i32
      %mul3A_126 = arith.muli %add3A_112, %mul3A_125 : i32
      %multiple_of3A = tpu.assume_multiple %mul3A_126, 8 : i32
      "tpu.region"() ({
        %run_scoped3A = tpu.sem_alloc : memref<!tpu.dma_semaphore, #tpu.memory_space<semaphore_mem>>
        %dma_start3A = arith.constant 0 : i32
        %dma_start3A_127 = arith.constant 0 : i32
        %dma_start3A_128 = tpu.memref_slice %arg11[%dma_start3A, %dma_start3A_127] : memref<128x128xf32, #tpu.memory_space<vmem>> -> memref<80x128xf32, #tpu.memory_space<vmem>>
        %dma_start3A_129 = arith.constant 0 : i32
        %dma_start3A_130 = tpu.memref_slice %arg12[%multiple_of3A, %dma_start3A_129] : memref<10000x128xf32, #tpu.memory_space<vmem_shared>> -> memref<80x128xf32, #tpu.memory_space<vmem_shared>>
        %dma_start3A_131 = arith.constant 0 : i32
        %dma_start3A_132 = arith.constant 0 : i32
        %dma_start3A_133 = tpu.memref_slice %arg11[%dma_start3A_131, %dma_start3A_132] : memref<128x128xf32, #tpu.memory_space<vmem>> -> memref<80x128xf32, #tpu.memory_space<vmem>>
        %dma_start3A_134 = arith.constant 0 : i32
        %dma_start3A_135 = tpu.memref_slice %arg12[%multiple_of3A, %dma_start3A_134] : memref<10000x128xf32, #tpu.memory_space<vmem_shared>> -> memref<80x128xf32, #tpu.memory_space<vmem_shared>>
        tpu.enqueue_dma source(%dma_start3A_135 : memref<80x128xf32, #tpu.memory_space<vmem_shared>>) target(%dma_start3A_133 : memref<80x128xf32, #tpu.memory_space<vmem>>) target_semaphore(%run_scoped3A : memref<!tpu.dma_semaphore, #tpu.memory_space<semaphore_mem>>)
        %dma_wait3A = arith.constant 0 : i32
        %dma_wait3A_136 = arith.constant 0 : i32
        %dma_wait3A_137 = tpu.memref_slice %arg11[%dma_wait3A, %dma_wait3A_136] : memref<128x128xf32, #tpu.memory_space<vmem>> -> memref<80x128xf32, #tpu.memory_space<vmem>>
        %dma_wait3A_138 = arith.constant 0 : i32
        %dma_wait3A_139 = tpu.memref_slice %arg12[%multiple_of3A, %dma_wait3A_138] : memref<10000x128xf32, #tpu.memory_space<vmem_shared>> -> memref<80x128xf32, #tpu.memory_space<vmem_shared>>
        %dma_wait3A_140 = arith.constant 0 : i32
        %dma_wait3A_141 = arith.constant 0 : i32
        %dma_wait3A_142 = tpu.memref_slice %arg11[%dma_wait3A_140, %dma_wait3A_141] : memref<128x128xf32, #tpu.memory_space<vmem>> -> memref<80x128xf32, #tpu.memory_space<vmem>>
        %dma_wait3A_143 = arith.constant 0 : i32
        %dma_wait3A_144 = tpu.memref_slice %arg12[%multiple_of3A, %dma_wait3A_143] : memref<10000x128xf32, #tpu.memory_space<vmem_shared>> -> memref<80x128xf32, #tpu.memory_space<vmem_shared>>
        tpu.wait_dma2 semaphore(%run_scoped3A : memref<!tpu.dma_semaphore, #tpu.memory_space<semaphore_mem>>) src(%dma_wait3A_144 : memref<80x128xf32, #tpu.memory_space<vmem_shared>>) dst(%dma_wait3A_142 : memref<80x128xf32, #tpu.memory_space<vmem>>)
        tpu.yield
      }) : () -> ()
      "tpu.region"() ({
        %run_scoped3A = tpu.sem_alloc : memref<!tpu.dma_semaphore, #tpu.memory_space<semaphore_mem>>
        %dma_start3A = arith.constant 0 : i32
        %dma_start3A_127 = arith.constant 0 : i32
        %dma_start3A_128 = tpu.memref_slice %arg11[%dma_start3A, %dma_start3A_127] : memref<128x128xf32, #tpu.memory_space<vmem>> -> memref<80x128xf32, #tpu.memory_space<vmem>>
        %dma_start3A_129 = arith.constant 0 : i32
        %dma_start3A_130 = tpu.memref_slice %arg6[%arg0, %multiple_of3A, %dma_start3A_129] : memref<2x10000x128xf32, #tpu.memory_space<hbm>> -> memref<1x80x128xf32, #tpu.memory_space<hbm>>
        %dma_start3A_131 = tpu.memref_squeeze %dma_start3A_130 : memref<1x80x128xf32, #tpu.memory_space<hbm>> -> memref<80x128xf32, #tpu.memory_space<hbm>>
        %dma_start3A_132 = arith.constant 0 : i32
        %dma_start3A_133 = tpu.memref_slice %arg6[%arg0, %multiple_of3A, %dma_start3A_132] : memref<2x10000x128xf32, #tpu.memory_space<hbm>> -> memref<1x80x128xf32, #tpu.memory_space<hbm>>
        %dma_start3A_134 = tpu.memref_squeeze %dma_start3A_133 : memref<1x80x128xf32, #tpu.memory_space<hbm>> -> memref<80x128xf32, #tpu.memory_space<hbm>>
        %dma_start3A_135 = arith.constant 0 : i32
        %dma_start3A_136 = arith.constant 0 : i32
        %dma_start3A_137 = tpu.memref_slice %arg11[%dma_start3A_135, %dma_start3A_136] : memref<128x128xf32, #tpu.memory_space<vmem>> -> memref<80x128xf32, #tpu.memory_space<vmem>>
        tpu.enqueue_dma source(%dma_start3A_137 : memref<80x128xf32, #tpu.memory_space<vmem>>) target(%dma_start3A_134 : memref<80x128xf32, #tpu.memory_space<hbm>>) target_semaphore(%run_scoped3A : memref<!tpu.dma_semaphore, #tpu.memory_space<semaphore_mem>>)
        %dma_wait3A = arith.constant 0 : i32
        %dma_wait3A_138 = arith.constant 0 : i32
        %dma_wait3A_139 = tpu.memref_slice %arg11[%dma_wait3A, %dma_wait3A_138] : memref<128x128xf32, #tpu.memory_space<vmem>> -> memref<80x128xf32, #tpu.memory_space<vmem>>
        %dma_wait3A_140 = arith.constant 0 : i32
        %dma_wait3A_141 = tpu.memref_slice %arg6[%arg0, %multiple_of3A, %dma_wait3A_140] : memref<2x10000x128xf32, #tpu.memory_space<hbm>> -> memref<1x80x128xf32, #tpu.memory_space<hbm>>
        %dma_wait3A_142 = tpu.memref_squeeze %dma_wait3A_141 : memref<1x80x128xf32, #tpu.memory_space<hbm>> -> memref<80x128xf32, #tpu.memory_space<hbm>>
        %dma_wait3A_143 = arith.constant 0 : i32
        %dma_wait3A_144 = tpu.memref_slice %arg6[%arg0, %multiple_of3A, %dma_wait3A_143] : memref<2x10000x128xf32, #tpu.memory_space<hbm>> -> memref<1x80x128xf32, #tpu.memory_space<hbm>>
        %dma_wait3A_145 = tpu.memref_squeeze %dma_wait3A_144 : memref<1x80x128xf32, #tpu.memory_space<hbm>> -> memref<80x128xf32, #tpu.memory_space<hbm>>
        %dma_wait3A_146 = arith.constant 0 : i32
        %dma_wait3A_147 = arith.constant 0 : i32
        %dma_wait3A_148 = tpu.memref_slice %arg11[%dma_wait3A_146, %dma_wait3A_147] : memref<128x128xf32, #tpu.memory_space<vmem>> -> memref<80x128xf32, #tpu.memory_space<vmem>>
        tpu.wait_dma2 semaphore(%run_scoped3A : memref<!tpu.dma_semaphore, #tpu.memory_space<semaphore_mem>>) src(%dma_wait3A_148 : memref<80x128xf32, #tpu.memory_space<vmem>>) dst(%dma_wait3A_145 : memref<80x128xf32, #tpu.memory_space<hbm>>)
        tpu.yield
      }) : () -> ()
    } else {
    }
    %add3A_118 = arith.constant 112 : i32
    %add3A_119 = arith.addi %add3A_118, %arg1 : i32
    %lt3A_120 = arith.constant 125 : i32
    %lt3A_121 = arith.cmpi slt, %add3A_119, %lt3A_120 : i32
    %convert_element_type3A_122 = arith.extui %lt3A_121 : i1 to i32
    %cond3A_123 = arith.constant 0 : i32
    %cond3A_124 = arith.cmpi ne, %convert_element_type3A_122, %cond3A_123 : i32
    scf.if %cond3A_124 {
      %mul3A_125 = arith.constant 80 : i32
      %mul3A_126 = arith.muli %add3A_119, %mul3A_125 : i32
      %multiple_of3A = tpu.assume_multiple %mul3A_126, 8 : i32
      "tpu.region"() ({
        %run_scoped3A = tpu.sem_alloc : memref<!tpu.dma_semaphore, #tpu.memory_space<semaphore_mem>>
        %dma_start3A = arith.constant 0 : i32
        %dma_start3A_127 = arith.constant 0 : i32
        %dma_start3A_128 = tpu.memref_slice %arg11[%dma_start3A, %dma_start3A_127] : memref<128x128xf32, #tpu.memory_space<vmem>> -> memref<80x128xf32, #tpu.memory_space<vmem>>
        %dma_start3A_129 = arith.constant 0 : i32
        %dma_start3A_130 = tpu.memref_slice %arg12[%multiple_of3A, %dma_start3A_129] : memref<10000x128xf32, #tpu.memory_space<vmem_shared>> -> memref<80x128xf32, #tpu.memory_space<vmem_shared>>
        %dma_start3A_131 = arith.constant 0 : i32
        %dma_start3A_132 = arith.constant 0 : i32
        %dma_start3A_133 = tpu.memref_slice %arg11[%dma_start3A_131, %dma_start3A_132] : memref<128x128xf32, #tpu.memory_space<vmem>> -> memref<80x128xf32, #tpu.memory_space<vmem>>
        %dma_start3A_134 = arith.constant 0 : i32
        %dma_start3A_135 = tpu.memref_slice %arg12[%multiple_of3A, %dma_start3A_134] : memref<10000x128xf32, #tpu.memory_space<vmem_shared>> -> memref<80x128xf32, #tpu.memory_space<vmem_shared>>
        tpu.enqueue_dma source(%dma_start3A_135 : memref<80x128xf32, #tpu.memory_space<vmem_shared>>) target(%dma_start3A_133 : memref<80x128xf32, #tpu.memory_space<vmem>>) target_semaphore(%run_scoped3A : memref<!tpu.dma_semaphore, #tpu.memory_space<semaphore_mem>>)
        %dma_wait3A = arith.constant 0 : i32
        %dma_wait3A_136 = arith.constant 0 : i32
        %dma_wait3A_137 = tpu.memref_slice %arg11[%dma_wait3A, %dma_wait3A_136] : memref<128x128xf32, #tpu.memory_space<vmem>> -> memref<80x128xf32, #tpu.memory_space<vmem>>
        %dma_wait3A_138 = arith.constant 0 : i32
        %dma_wait3A_139 = tpu.memref_slice %arg12[%multiple_of3A, %dma_wait3A_138] : memref<10000x128xf32, #tpu.memory_space<vmem_shared>> -> memref<80x128xf32, #tpu.memory_space<vmem_shared>>
        %dma_wait3A_140 = arith.constant 0 : i32
        %dma_wait3A_141 = arith.constant 0 : i32
        %dma_wait3A_142 = tpu.memref_slice %arg11[%dma_wait3A_140, %dma_wait3A_141] : memref<128x128xf32, #tpu.memory_space<vmem>> -> memref<80x128xf32, #tpu.memory_space<vmem>>
        %dma_wait3A_143 = arith.constant 0 : i32
        %dma_wait3A_144 = tpu.memref_slice %arg12[%multiple_of3A, %dma_wait3A_143] : memref<10000x128xf32, #tpu.memory_space<vmem_shared>> -> memref<80x128xf32, #tpu.memory_space<vmem_shared>>
        tpu.wait_dma2 semaphore(%run_scoped3A : memref<!tpu.dma_semaphore, #tpu.memory_space<semaphore_mem>>) src(%dma_wait3A_144 : memref<80x128xf32, #tpu.memory_space<vmem_shared>>) dst(%dma_wait3A_142 : memref<80x128xf32, #tpu.memory_space<vmem>>)
        tpu.yield
      }) : () -> ()
      "tpu.region"() ({
        %run_scoped3A = tpu.sem_alloc : memref<!tpu.dma_semaphore, #tpu.memory_space<semaphore_mem>>
        %dma_start3A = arith.constant 0 : i32
        %dma_start3A_127 = arith.constant 0 : i32
        %dma_start3A_128 = tpu.memref_slice %arg11[%dma_start3A, %dma_start3A_127] : memref<128x128xf32, #tpu.memory_space<vmem>> -> memref<80x128xf32, #tpu.memory_space<vmem>>
        %dma_start3A_129 = arith.constant 0 : i32
        %dma_start3A_130 = tpu.memref_slice %arg6[%arg0, %multiple_of3A, %dma_start3A_129] : memref<2x10000x128xf32, #tpu.memory_space<hbm>> -> memref<1x80x128xf32, #tpu.memory_space<hbm>>
        %dma_start3A_131 = tpu.memref_squeeze %dma_start3A_130 : memref<1x80x128xf32, #tpu.memory_space<hbm>> -> memref<80x128xf32, #tpu.memory_space<hbm>>
        %dma_start3A_132 = arith.constant 0 : i32
        %dma_start3A_133 = tpu.memref_slice %arg6[%arg0, %multiple_of3A, %dma_start3A_132] : memref<2x10000x128xf32, #tpu.memory_space<hbm>> -> memref<1x80x128xf32, #tpu.memory_space<hbm>>
        %dma_start3A_134 = tpu.memref_squeeze %dma_start3A_133 : memref<1x80x128xf32, #tpu.memory_space<hbm>> -> memref<80x128xf32, #tpu.memory_space<hbm>>
        %dma_start3A_135 = arith.constant 0 : i32
        %dma_start3A_136 = arith.constant 0 : i32
        %dma_start3A_137 = tpu.memref_slice %arg11[%dma_start3A_135, %dma_start3A_136] : memref<128x128xf32, #tpu.memory_space<vmem>> -> memref<80x128xf32, #tpu.memory_space<vmem>>
        tpu.enqueue_dma source(%dma_start3A_137 : memref<80x128xf32, #tpu.memory_space<vmem>>) target(%dma_start3A_134 : memref<80x128xf32, #tpu.memory_space<hbm>>) target_semaphore(%run_scoped3A : memref<!tpu.dma_semaphore, #tpu.memory_space<semaphore_mem>>)
        %dma_wait3A = arith.constant 0 : i32
        %dma_wait3A_138 = arith.constant 0 : i32
        %dma_wait3A_139 = tpu.memref_slice %arg11[%dma_wait3A, %dma_wait3A_138] : memref<128x128xf32, #tpu.memory_space<vmem>> -> memref<80x128xf32, #tpu.memory_space<vmem>>
        %dma_wait3A_140 = arith.constant 0 : i32
        %dma_wait3A_141 = tpu.memref_slice %arg6[%arg0, %multiple_of3A, %dma_wait3A_140] : memref<2x10000x128xf32, #tpu.memory_space<hbm>> -> memref<1x80x128xf32, #tpu.memory_space<hbm>>
        %dma_wait3A_142 = tpu.memref_squeeze %dma_wait3A_141 : memref<1x80x128xf32, #tpu.memory_space<hbm>> -> memref<80x128xf32, #tpu.memory_space<hbm>>
        %dma_wait3A_143 = arith.constant 0 : i32
        %dma_wait3A_144 = tpu.memref_slice %arg6[%arg0, %multiple_of3A, %dma_wait3A_143] : memref<2x10000x128xf32, #tpu.memory_space<hbm>> -> memref<1x80x128xf32, #tpu.memory_space<hbm>>
        %dma_wait3A_145 = tpu.memref_squeeze %dma_wait3A_144 : memref<1x80x128xf32, #tpu.memory_space<hbm>> -> memref<80x128xf32, #tpu.memory_space<hbm>>
        %dma_wait3A_146 = arith.constant 0 : i32
        %dma_wait3A_147 = arith.constant 0 : i32
        %dma_wait3A_148 = tpu.memref_slice %arg11[%dma_wait3A_146, %dma_wait3A_147] : memref<128x128xf32, #tpu.memory_space<vmem>> -> memref<80x128xf32, #tpu.memory_space<vmem>>
        tpu.wait_dma2 semaphore(%run_scoped3A : memref<!tpu.dma_semaphore, #tpu.memory_space<semaphore_mem>>) src(%dma_wait3A_148 : memref<80x128xf32, #tpu.memory_space<vmem>>) dst(%dma_wait3A_145 : memref<80x128xf32, #tpu.memory_space<hbm>>)
        tpu.yield
      }) : () -> ()
    } else {
    }
    return
  }
}

#map = affine_map<(d0, d1) -> (0)>
#map1 = affine_map<(d0, d1) -> (0, 0)>
#map2 = affine_map<(d0, d1) -> (0, 0, 0)>
module attributes {stable_mosaic.version = 14 : i64} {
  func.func @k(%arg0: i32, %arg1: i32, %arg2: memref<320000xi32, #tpu.memory_space<hbm>>, %arg3: memref<320000xi32, #tpu.memory_space<hbm>>, %arg4: memref<10000x128xf32, #tpu.memory_space<hbm>>, %arg5: memref<10000x128xf32, #tpu.memory_space<hbm>>, %arg6: memref<320000x128xf32, #tpu.memory_space<hbm>>, %arg7: memref<320000x128xf32, #tpu.memory_space<hbm>>, %arg8: memref<2x10000x128xf32, #tpu.memory_space<hbm>>, %arg9: memref<128xi32, #tpu.memory_space<vmem>>, %arg10: memref<128xi32, #tpu.memory_space<vmem>>, %arg11: memref<128x128xf32, #tpu.memory_space<vmem>>, %arg12: memref<128x128xf32, #tpu.memory_space<vmem>>, %arg13: memref<128x128xf32, #tpu.memory_space<vmem>>, %arg14: memref<10000x128xf32, #tpu.memory_space<vmem_shared>>, %arg15: memref<!tpu.dma_semaphore, #tpu.memory_space<semaphore_mem>>, %arg16: memref<!tpu.dma_semaphore, #tpu.memory_space<semaphore_mem>>) attributes {dimension_semantics = [#tpu.dimension_semantics<core_parallel>, #tpu.dimension_semantics<subcore_parallel>], iteration_bounds = array<i64: 2, 16>, scalar_prefetch = 0 : i64, scratch_operands = 8 : i64, tpu.core_type = #tpu.core_type<sc_vector_subcore>, window_params = [{transform_indices = #map}, {transform_indices = #map}, {transform_indices = #map1}, {transform_indices = #map1}, {transform_indices = #map1}, {transform_indices = #map1}, {transform_indices = #map2}]} {
    %mul3A = arith.constant 2 : i32
    %mul3A_0 = arith.muli %arg1, %mul3A : i32
    %add3A = arith.addi %mul3A_0, %arg0 : i32
    %broadcast_in_dim3A = arith.constant 0.000000e+00 : f32
    %broadcast_in_dim3A_1 = vector.broadcast %broadcast_in_dim3A : f32 to vector<16xf32>
    %scan3A = arith.constant 0 : i32
    %scan3A_2 = arith.constant 0 : i32
    %scan3A_3 = arith.constant 80 : i32
    %scan3A_4 = arith.addi %scan3A_2, %scan3A_3 : i32
    %scan3A_5 = arith.constant 1 : i32
    %scan3A_6 = scf.for %scan3A_125 = %scan3A_2 to %scan3A_4 step %scan3A_5 iter_args(%scan3A_126 = %scan3A) -> (i32)  : i32 {
      %swap3A = arith.index_cast %scan3A_125 : i32 to index
      %swap3A_127 = arith.constant 0 : index
      %swap3A_128 = tpu.vector_load %arg11[%swap3A, %swap3A_127] {strides = array<i32>} : memref<128x128xf32, #tpu.memory_space<vmem>>, vector<1x16xf32>,
      %swap3A_129 = vector.shape_cast %swap3A_128 : vector<1x16xf32> to vector<16xf32>
      %swap3A_130 = vector.shape_cast %broadcast_in_dim3A_1 : vector<16xf32> to vector<1x16xf32>
      tpu.vector_store %arg11[%swap3A, %swap3A_127], %swap3A_130 {strides = array<i32>} : memref<128x128xf32, #tpu.memory_space<vmem>>, vector<1x16xf32>,
      %swap3A_131 = arith.index_cast %scan3A_125 : i32 to index
      %swap3A_132 = arith.constant 16 : index
      %swap3A_133 = tpu.vector_load %arg11[%swap3A_131, %swap3A_132] {strides = array<i32>} : memref<128x128xf32, #tpu.memory_space<vmem>>, vector<1x16xf32>,
      %swap3A_134 = vector.shape_cast %swap3A_133 : vector<1x16xf32> to vector<16xf32>
      %swap3A_135 = vector.shape_cast %broadcast_in_dim3A_1 : vector<16xf32> to vector<1x16xf32>
      tpu.vector_store %arg11[%swap3A_131, %swap3A_132], %swap3A_135 {strides = array<i32>} : memref<128x128xf32, #tpu.memory_space<vmem>>, vector<1x16xf32>,
      %swap3A_136 = arith.index_cast %scan3A_125 : i32 to index
      %swap3A_137 = arith.constant 32 : index
      %swap3A_138 = tpu.vector_load %arg11[%swap3A_136, %swap3A_137] {strides = array<i32>} : memref<128x128xf32, #tpu.memory_space<vmem>>, vector<1x16xf32>,
      %swap3A_139 = vector.shape_cast %swap3A_138 : vector<1x16xf32> to vector<16xf32>
      %swap3A_140 = vector.shape_cast %broadcast_in_dim3A_1 : vector<16xf32> to vector<1x16xf32>
      tpu.vector_store %arg11[%swap3A_136, %swap3A_137], %swap3A_140 {strides = array<i32>} : memref<128x128xf32, #tpu.memory_space<vmem>>, vector<1x16xf32>,
      %swap3A_141 = arith.index_cast %scan3A_125 : i32 to index
      %swap3A_142 = arith.constant 48 : index
      %swap3A_143 = tpu.vector_load %arg11[%swap3A_141, %swap3A_142] {strides = array<i32>} : memref<128x128xf32, #tpu.memory_space<vmem>>, vector<1x16xf32>,
      %swap3A_144 = vector.shape_cast %swap3A_143 : vector<1x16xf32> to vector<16xf32>
      %swap3A_145 = vector.shape_cast %broadcast_in_dim3A_1 : vector<16xf32> to vector<1x16xf32>
      tpu.vector_store %arg11[%swap3A_141, %swap3A_142], %swap3A_145 {strides = array<i32>} : memref<128x128xf32, #tpu.memory_space<vmem>>, vector<1x16xf32>,
      %swap3A_146 = arith.index_cast %scan3A_125 : i32 to index
      %swap3A_147 = arith.constant 64 : index
      %swap3A_148 = tpu.vector_load %arg11[%swap3A_146, %swap3A_147] {strides = array<i32>} : memref<128x128xf32, #tpu.memory_space<vmem>>, vector<1x16xf32>,
      %swap3A_149 = vector.shape_cast %swap3A_148 : vector<1x16xf32> to vector<16xf32>
      %swap3A_150 = vector.shape_cast %broadcast_in_dim3A_1 : vector<16xf32> to vector<1x16xf32>
      tpu.vector_store %arg11[%swap3A_146, %swap3A_147], %swap3A_150 {strides = array<i32>} : memref<128x128xf32, #tpu.memory_space<vmem>>, vector<1x16xf32>,
      %swap3A_151 = arith.index_cast %scan3A_125 : i32 to index
      %swap3A_152 = arith.constant 80 : index
      %swap3A_153 = tpu.vector_load %arg11[%swap3A_151, %swap3A_152] {strides = array<i32>} : memref<128x128xf32, #tpu.memory_space<vmem>>, vector<1x16xf32>,
      %swap3A_154 = vector.shape_cast %swap3A_153 : vector<1x16xf32> to vector<16xf32>
      %swap3A_155 = vector.shape_cast %broadcast_in_dim3A_1 : vector<16xf32> to vector<1x16xf32>
      tpu.vector_store %arg11[%swap3A_151, %swap3A_152], %swap3A_155 {strides = array<i32>} : memref<128x128xf32, #tpu.memory_space<vmem>>, vector<1x16xf32>,
      %swap3A_156 = arith.index_cast %scan3A_125 : i32 to index
      %swap3A_157 = arith.constant 96 : index
      %swap3A_158 = tpu.vector_load %arg11[%swap3A_156, %swap3A_157] {strides = array<i32>} : memref<128x128xf32, #tpu.memory_space<vmem>>, vector<1x16xf32>,
      %swap3A_159 = vector.shape_cast %swap3A_158 : vector<1x16xf32> to vector<16xf32>
      %swap3A_160 = vector.shape_cast %broadcast_in_dim3A_1 : vector<16xf32> to vector<1x16xf32>
      tpu.vector_store %arg11[%swap3A_156, %swap3A_157], %swap3A_160 {strides = array<i32>} : memref<128x128xf32, #tpu.memory_space<vmem>>, vector<1x16xf32>,
      %swap3A_161 = arith.index_cast %scan3A_125 : i32 to index
      %swap3A_162 = arith.constant 112 : index
      %swap3A_163 = tpu.vector_load %arg11[%swap3A_161, %swap3A_162] {strides = array<i32>} : memref<128x128xf32, #tpu.memory_space<vmem>>, vector<1x16xf32>,
      %swap3A_164 = vector.shape_cast %swap3A_163 : vector<1x16xf32> to vector<16xf32>
      %swap3A_165 = vector.shape_cast %broadcast_in_dim3A_1 : vector<16xf32> to vector<1x16xf32>
      tpu.vector_store %arg11[%swap3A_161, %swap3A_162], %swap3A_165 {strides = array<i32>} : memref<128x128xf32, #tpu.memory_space<vmem>>, vector<1x16xf32>,
      %scan3A_166 = arith.constant 0 : i32
      scf.yield %scan3A_166 : i32
    }
    %scan3A_7 = arith.constant 80 : i32
    %add3A_8 = arith.constant 0 : i32
    %add3A_9 = arith.addi %add3A_8, %arg1 : i32
    %lt3A = arith.constant 125 : i32
    %lt3A_10 = arith.cmpi slt, %add3A_9, %lt3A : i32
    %convert_element_type3A = arith.extui %lt3A_10 : i1 to i32
    %cond3A = arith.constant 0 : i32
    %cond3A_11 = arith.cmpi ne, %convert_element_type3A, %cond3A : i32
    scf.if %cond3A_11 {
      %mul3A_125 = arith.constant 80 : i32
      %mul3A_126 = arith.muli %add3A_9, %mul3A_125 : i32
      %multiple_of3A = tpu.assume_multiple %mul3A_126, 8 : i32
      "tpu.region"() ({
        %run_scoped3A = tpu.sem_alloc : memref<!tpu.dma_semaphore, #tpu.memory_space<semaphore_mem>>
        %dma_start3A = arith.constant 0 : i32
        %dma_start3A_127 = arith.constant 0 : i32
        %dma_start3A_128 = tpu.memref_slice %arg11[%dma_start3A, %dma_start3A_127] : memref<128x128xf32, #tpu.memory_space<vmem>> -> memref<80x128xf32, #tpu.memory_space<vmem>>
        %dma_start3A_129 = arith.constant 0 : i32
        %dma_start3A_130 = tpu.memref_slice %arg14[%multiple_of3A, %dma_start3A_129] : memref<10000x128xf32, #tpu.memory_space<vmem_shared>> -> memref<80x128xf32, #tpu.memory_space<vmem_shared>>
        %dma_start3A_131 = arith.constant 0 : i32
        %dma_start3A_132 = tpu.memref_slice %arg14[%multiple_of3A, %dma_start3A_131] : memref<10000x128xf32, #tpu.memory_space<vmem_shared>> -> memref<80x128xf32, #tpu.memory_space<vmem_shared>>
        %dma_start3A_133 = arith.constant 0 : i32
        %dma_start3A_134 = arith.constant 0 : i32
        %dma_start3A_135 = tpu.memref_slice %arg11[%dma_start3A_133, %dma_start3A_134] : memref<128x128xf32, #tpu.memory_space<vmem>> -> memref<80x128xf32, #tpu.memory_space<vmem>>
        tpu.enqueue_dma source(%dma_start3A_135 : memref<80x128xf32, #tpu.memory_space<vmem>>) target(%dma_start3A_132 : memref<80x128xf32, #tpu.memory_space<vmem_shared>>) target_semaphore(%run_scoped3A : memref<!tpu.dma_semaphore, #tpu.memory_space<semaphore_mem>>)
        %dma_wait3A = arith.constant 0 : i32
        %dma_wait3A_136 = arith.constant 0 : i32
        %dma_wait3A_137 = tpu.memref_slice %arg11[%dma_wait3A, %dma_wait3A_136] : memref<128x128xf32, #tpu.memory_space<vmem>> -> memref<80x128xf32, #tpu.memory_space<vmem>>
        %dma_wait3A_138 = arith.constant 0 : i32
        %dma_wait3A_139 = tpu.memref_slice %arg14[%multiple_of3A, %dma_wait3A_138] : memref<10000x128xf32, #tpu.memory_space<vmem_shared>> -> memref<80x128xf32, #tpu.memory_space<vmem_shared>>
        %dma_wait3A_140 = arith.constant 0 : i32
        %dma_wait3A_141 = tpu.memref_slice %arg14[%multiple_of3A, %dma_wait3A_140] : memref<10000x128xf32, #tpu.memory_space<vmem_shared>> -> memref<80x128xf32, #tpu.memory_space<vmem_shared>>
        %dma_wait3A_142 = arith.constant 0 : i32
        %dma_wait3A_143 = arith.constant 0 : i32
        %dma_wait3A_144 = tpu.memref_slice %arg11[%dma_wait3A_142, %dma_wait3A_143] : memref<128x128xf32, #tpu.memory_space<vmem>> -> memref<80x128xf32, #tpu.memory_space<vmem>>
        tpu.wait_dma2 semaphore(%run_scoped3A : memref<!tpu.dma_semaphore, #tpu.memory_space<semaphore_mem>>) src(%dma_wait3A_144 : memref<80x128xf32, #tpu.memory_space<vmem>>) dst(%dma_wait3A_141 : memref<80x128xf32, #tpu.memory_space<vmem_shared>>)
        tpu.yield
      }) : () -> ()
    } else {
    }
    %add3A_12 = arith.constant 16 : i32
    %add3A_13 = arith.addi %add3A_12, %arg1 : i32
    %lt3A_14 = arith.constant 125 : i32
    %lt3A_15 = arith.cmpi slt, %add3A_13, %lt3A_14 : i32
    %convert_element_type3A_16 = arith.extui %lt3A_15 : i1 to i32
    %cond3A_17 = arith.constant 0 : i32
    %cond3A_18 = arith.cmpi ne, %convert_element_type3A_16, %cond3A_17 : i32
    scf.if %cond3A_18 {
      %mul3A_125 = arith.constant 80 : i32
      %mul3A_126 = arith.muli %add3A_13, %mul3A_125 : i32
      %multiple_of3A = tpu.assume_multiple %mul3A_126, 8 : i32
      "tpu.region"() ({
        %run_scoped3A = tpu.sem_alloc : memref<!tpu.dma_semaphore, #tpu.memory_space<semaphore_mem>>
        %dma_start3A = arith.constant 0 : i32
        %dma_start3A_127 = arith.constant 0 : i32
        %dma_start3A_128 = tpu.memref_slice %arg11[%dma_start3A, %dma_start3A_127] : memref<128x128xf32, #tpu.memory_space<vmem>> -> memref<80x128xf32, #tpu.memory_space<vmem>>
        %dma_start3A_129 = arith.constant 0 : i32
        %dma_start3A_130 = tpu.memref_slice %arg14[%multiple_of3A, %dma_start3A_129] : memref<10000x128xf32, #tpu.memory_space<vmem_shared>> -> memref<80x128xf32, #tpu.memory_space<vmem_shared>>
        %dma_start3A_131 = arith.constant 0 : i32
        %dma_start3A_132 = tpu.memref_slice %arg14[%multiple_of3A, %dma_start3A_131] : memref<10000x128xf32, #tpu.memory_space<vmem_shared>> -> memref<80x128xf32, #tpu.memory_space<vmem_shared>>
        %dma_start3A_133 = arith.constant 0 : i32
        %dma_start3A_134 = arith.constant 0 : i32
        %dma_start3A_135 = tpu.memref_slice %arg11[%dma_start3A_133, %dma_start3A_134] : memref<128x128xf32, #tpu.memory_space<vmem>> -> memref<80x128xf32, #tpu.memory_space<vmem>>
        tpu.enqueue_dma source(%dma_start3A_135 : memref<80x128xf32, #tpu.memory_space<vmem>>) target(%dma_start3A_132 : memref<80x128xf32, #tpu.memory_space<vmem_shared>>) target_semaphore(%run_scoped3A : memref<!tpu.dma_semaphore, #tpu.memory_space<semaphore_mem>>)
        %dma_wait3A = arith.constant 0 : i32
        %dma_wait3A_136 = arith.constant 0 : i32
        %dma_wait3A_137 = tpu.memref_slice %arg11[%dma_wait3A, %dma_wait3A_136] : memref<128x128xf32, #tpu.memory_space<vmem>> -> memref<80x128xf32, #tpu.memory_space<vmem>>
        %dma_wait3A_138 = arith.constant 0 : i32
        %dma_wait3A_139 = tpu.memref_slice %arg14[%multiple_of3A, %dma_wait3A_138] : memref<10000x128xf32, #tpu.memory_space<vmem_shared>> -> memref<80x128xf32, #tpu.memory_space<vmem_shared>>
        %dma_wait3A_140 = arith.constant 0 : i32
        %dma_wait3A_141 = tpu.memref_slice %arg14[%multiple_of3A, %dma_wait3A_140] : memref<10000x128xf32, #tpu.memory_space<vmem_shared>> -> memref<80x128xf32, #tpu.memory_space<vmem_shared>>
        %dma_wait3A_142 = arith.constant 0 : i32
        %dma_wait3A_143 = arith.constant 0 : i32
        %dma_wait3A_144 = tpu.memref_slice %arg11[%dma_wait3A_142, %dma_wait3A_143] : memref<128x128xf32, #tpu.memory_space<vmem>> -> memref<80x128xf32, #tpu.memory_space<vmem>>
        tpu.wait_dma2 semaphore(%run_scoped3A : memref<!tpu.dma_semaphore, #tpu.memory_space<semaphore_mem>>) src(%dma_wait3A_144 : memref<80x128xf32, #tpu.memory_space<vmem>>) dst(%dma_wait3A_141 : memref<80x128xf32, #tpu.memory_space<vmem_shared>>)
        tpu.yield
      }) : () -> ()
    } else {
    }
    %add3A_19 = arith.constant 32 : i32
    %add3A_20 = arith.addi %add3A_19, %arg1 : i32
    %lt3A_21 = arith.constant 125 : i32
    %lt3A_22 = arith.cmpi slt, %add3A_20, %lt3A_21 : i32
    %convert_element_type3A_23 = arith.extui %lt3A_22 : i1 to i32
    %cond3A_24 = arith.constant 0 : i32
    %cond3A_25 = arith.cmpi ne, %convert_element_type3A_23, %cond3A_24 : i32
    scf.if %cond3A_25 {
      %mul3A_125 = arith.constant 80 : i32
      %mul3A_126 = arith.muli %add3A_20, %mul3A_125 : i32
      %multiple_of3A = tpu.assume_multiple %mul3A_126, 8 : i32
      "tpu.region"() ({
        %run_scoped3A = tpu.sem_alloc : memref<!tpu.dma_semaphore, #tpu.memory_space<semaphore_mem>>
        %dma_start3A = arith.constant 0 : i32
        %dma_start3A_127 = arith.constant 0 : i32
        %dma_start3A_128 = tpu.memref_slice %arg11[%dma_start3A, %dma_start3A_127] : memref<128x128xf32, #tpu.memory_space<vmem>> -> memref<80x128xf32, #tpu.memory_space<vmem>>
        %dma_start3A_129 = arith.constant 0 : i32
        %dma_start3A_130 = tpu.memref_slice %arg14[%multiple_of3A, %dma_start3A_129] : memref<10000x128xf32, #tpu.memory_space<vmem_shared>> -> memref<80x128xf32, #tpu.memory_space<vmem_shared>>
        %dma_start3A_131 = arith.constant 0 : i32
        %dma_start3A_132 = tpu.memref_slice %arg14[%multiple_of3A, %dma_start3A_131] : memref<10000x128xf32, #tpu.memory_space<vmem_shared>> -> memref<80x128xf32, #tpu.memory_space<vmem_shared>>
        %dma_start3A_133 = arith.constant 0 : i32
        %dma_start3A_134 = arith.constant 0 : i32
        %dma_start3A_135 = tpu.memref_slice %arg11[%dma_start3A_133, %dma_start3A_134] : memref<128x128xf32, #tpu.memory_space<vmem>> -> memref<80x128xf32, #tpu.memory_space<vmem>>
        tpu.enqueue_dma source(%dma_start3A_135 : memref<80x128xf32, #tpu.memory_space<vmem>>) target(%dma_start3A_132 : memref<80x128xf32, #tpu.memory_space<vmem_shared>>) target_semaphore(%run_scoped3A : memref<!tpu.dma_semaphore, #tpu.memory_space<semaphore_mem>>)
        %dma_wait3A = arith.constant 0 : i32
        %dma_wait3A_136 = arith.constant 0 : i32
        %dma_wait3A_137 = tpu.memref_slice %arg11[%dma_wait3A, %dma_wait3A_136] : memref<128x128xf32, #tpu.memory_space<vmem>> -> memref<80x128xf32, #tpu.memory_space<vmem>>
        %dma_wait3A_138 = arith.constant 0 : i32
        %dma_wait3A_139 = tpu.memref_slice %arg14[%multiple_of3A, %dma_wait3A_138] : memref<10000x128xf32, #tpu.memory_space<vmem_shared>> -> memref<80x128xf32, #tpu.memory_space<vmem_shared>>
        %dma_wait3A_140 = arith.constant 0 : i32
        %dma_wait3A_141 = tpu.memref_slice %arg14[%multiple_of3A, %dma_wait3A_140] : memref<10000x128xf32, #tpu.memory_space<vmem_shared>> -> memref<80x128xf32, #tpu.memory_space<vmem_shared>>
        %dma_wait3A_142 = arith.constant 0 : i32
        %dma_wait3A_143 = arith.constant 0 : i32
        %dma_wait3A_144 = tpu.memref_slice %arg11[%dma_wait3A_142, %dma_wait3A_143] : memref<128x128xf32, #tpu.memory_space<vmem>> -> memref<80x128xf32, #tpu.memory_space<vmem>>
        tpu.wait_dma2 semaphore(%run_scoped3A : memref<!tpu.dma_semaphore, #tpu.memory_space<semaphore_mem>>) src(%dma_wait3A_144 : memref<80x128xf32, #tpu.memory_space<vmem>>) dst(%dma_wait3A_141 : memref<80x128xf32, #tpu.memory_space<vmem_shared>>)
        tpu.yield
      }) : () -> ()
    } else {
    }
    %add3A_26 = arith.constant 48 : i32
    %add3A_27 = arith.addi %add3A_26, %arg1 : i32
    %lt3A_28 = arith.constant 125 : i32
    %lt3A_29 = arith.cmpi slt, %add3A_27, %lt3A_28 : i32
    %convert_element_type3A_30 = arith.extui %lt3A_29 : i1 to i32
    %cond3A_31 = arith.constant 0 : i32
    %cond3A_32 = arith.cmpi ne, %convert_element_type3A_30, %cond3A_31 : i32
    scf.if %cond3A_32 {
      %mul3A_125 = arith.constant 80 : i32
      %mul3A_126 = arith.muli %add3A_27, %mul3A_125 : i32
      %multiple_of3A = tpu.assume_multiple %mul3A_126, 8 : i32
      "tpu.region"() ({
        %run_scoped3A = tpu.sem_alloc : memref<!tpu.dma_semaphore, #tpu.memory_space<semaphore_mem>>
        %dma_start3A = arith.constant 0 : i32
        %dma_start3A_127 = arith.constant 0 : i32
        %dma_start3A_128 = tpu.memref_slice %arg11[%dma_start3A, %dma_start3A_127] : memref<128x128xf32, #tpu.memory_space<vmem>> -> memref<80x128xf32, #tpu.memory_space<vmem>>
        %dma_start3A_129 = arith.constant 0 : i32
        %dma_start3A_130 = tpu.memref_slice %arg14[%multiple_of3A, %dma_start3A_129] : memref<10000x128xf32, #tpu.memory_space<vmem_shared>> -> memref<80x128xf32, #tpu.memory_space<vmem_shared>>
        %dma_start3A_131 = arith.constant 0 : i32
        %dma_start3A_132 = tpu.memref_slice %arg14[%multiple_of3A, %dma_start3A_131] : memref<10000x128xf32, #tpu.memory_space<vmem_shared>> -> memref<80x128xf32, #tpu.memory_space<vmem_shared>>
        %dma_start3A_133 = arith.constant 0 : i32
        %dma_start3A_134 = arith.constant 0 : i32
        %dma_start3A_135 = tpu.memref_slice %arg11[%dma_start3A_133, %dma_start3A_134] : memref<128x128xf32, #tpu.memory_space<vmem>> -> memref<80x128xf32, #tpu.memory_space<vmem>>
        tpu.enqueue_dma source(%dma_start3A_135 : memref<80x128xf32, #tpu.memory_space<vmem>>) target(%dma_start3A_132 : memref<80x128xf32, #tpu.memory_space<vmem_shared>>) target_semaphore(%run_scoped3A : memref<!tpu.dma_semaphore, #tpu.memory_space<semaphore_mem>>)
        %dma_wait3A = arith.constant 0 : i32
        %dma_wait3A_136 = arith.constant 0 : i32
        %dma_wait3A_137 = tpu.memref_slice %arg11[%dma_wait3A, %dma_wait3A_136] : memref<128x128xf32, #tpu.memory_space<vmem>> -> memref<80x128xf32, #tpu.memory_space<vmem>>
        %dma_wait3A_138 = arith.constant 0 : i32
        %dma_wait3A_139 = tpu.memref_slice %arg14[%multiple_of3A, %dma_wait3A_138] : memref<10000x128xf32, #tpu.memory_space<vmem_shared>> -> memref<80x128xf32, #tpu.memory_space<vmem_shared>>
        %dma_wait3A_140 = arith.constant 0 : i32
        %dma_wait3A_141 = tpu.memref_slice %arg14[%multiple_of3A, %dma_wait3A_140] : memref<10000x128xf32, #tpu.memory_space<vmem_shared>> -> memref<80x128xf32, #tpu.memory_space<vmem_shared>>
        %dma_wait3A_142 = arith.constant 0 : i32
        %dma_wait3A_143 = arith.constant 0 : i32
        %dma_wait3A_144 = tpu.memref_slice %arg11[%dma_wait3A_142, %dma_wait3A_143] : memref<128x128xf32, #tpu.memory_space<vmem>> -> memref<80x128xf32, #tpu.memory_space<vmem>>
        tpu.wait_dma2 semaphore(%run_scoped3A : memref<!tpu.dma_semaphore, #tpu.memory_space<semaphore_mem>>) src(%dma_wait3A_144 : memref<80x128xf32, #tpu.memory_space<vmem>>) dst(%dma_wait3A_141 : memref<80x128xf32, #tpu.memory_space<vmem_shared>>)
        tpu.yield
      }) : () -> ()
    } else {
    }
    %add3A_33 = arith.constant 64 : i32
    %add3A_34 = arith.addi %add3A_33, %arg1 : i32
    %lt3A_35 = arith.constant 125 : i32
    %lt3A_36 = arith.cmpi slt, %add3A_34, %lt3A_35 : i32
    %convert_element_type3A_37 = arith.extui %lt3A_36 : i1 to i32
    %cond3A_38 = arith.constant 0 : i32
    %cond3A_39 = arith.cmpi ne, %convert_element_type3A_37, %cond3A_38 : i32
    scf.if %cond3A_39 {
      %mul3A_125 = arith.constant 80 : i32
      %mul3A_126 = arith.muli %add3A_34, %mul3A_125 : i32
      %multiple_of3A = tpu.assume_multiple %mul3A_126, 8 : i32
      "tpu.region"() ({
        %run_scoped3A = tpu.sem_alloc : memref<!tpu.dma_semaphore, #tpu.memory_space<semaphore_mem>>
        %dma_start3A = arith.constant 0 : i32
        %dma_start3A_127 = arith.constant 0 : i32
        %dma_start3A_128 = tpu.memref_slice %arg11[%dma_start3A, %dma_start3A_127] : memref<128x128xf32, #tpu.memory_space<vmem>> -> memref<80x128xf32, #tpu.memory_space<vmem>>
        %dma_start3A_129 = arith.constant 0 : i32
        %dma_start3A_130 = tpu.memref_slice %arg14[%multiple_of3A, %dma_start3A_129] : memref<10000x128xf32, #tpu.memory_space<vmem_shared>> -> memref<80x128xf32, #tpu.memory_space<vmem_shared>>
        %dma_start3A_131 = arith.constant 0 : i32
        %dma_start3A_132 = tpu.memref_slice %arg14[%multiple_of3A, %dma_start3A_131] : memref<10000x128xf32, #tpu.memory_space<vmem_shared>> -> memref<80x128xf32, #tpu.memory_space<vmem_shared>>
        %dma_start3A_133 = arith.constant 0 : i32
        %dma_start3A_134 = arith.constant 0 : i32
        %dma_start3A_135 = tpu.memref_slice %arg11[%dma_start3A_133, %dma_start3A_134] : memref<128x128xf32, #tpu.memory_space<vmem>> -> memref<80x128xf32, #tpu.memory_space<vmem>>
        tpu.enqueue_dma source(%dma_start3A_135 : memref<80x128xf32, #tpu.memory_space<vmem>>) target(%dma_start3A_132 : memref<80x128xf32, #tpu.memory_space<vmem_shared>>) target_semaphore(%run_scoped3A : memref<!tpu.dma_semaphore, #tpu.memory_space<semaphore_mem>>)
        %dma_wait3A = arith.constant 0 : i32
        %dma_wait3A_136 = arith.constant 0 : i32
        %dma_wait3A_137 = tpu.memref_slice %arg11[%dma_wait3A, %dma_wait3A_136] : memref<128x128xf32, #tpu.memory_space<vmem>> -> memref<80x128xf32, #tpu.memory_space<vmem>>
        %dma_wait3A_138 = arith.constant 0 : i32
        %dma_wait3A_139 = tpu.memref_slice %arg14[%multiple_of3A, %dma_wait3A_138] : memref<10000x128xf32, #tpu.memory_space<vmem_shared>> -> memref<80x128xf32, #tpu.memory_space<vmem_shared>>
        %dma_wait3A_140 = arith.constant 0 : i32
        %dma_wait3A_141 = tpu.memref_slice %arg14[%multiple_of3A, %dma_wait3A_140] : memref<10000x128xf32, #tpu.memory_space<vmem_shared>> -> memref<80x128xf32, #tpu.memory_space<vmem_shared>>
        %dma_wait3A_142 = arith.constant 0 : i32
        %dma_wait3A_143 = arith.constant 0 : i32
        %dma_wait3A_144 = tpu.memref_slice %arg11[%dma_wait3A_142, %dma_wait3A_143] : memref<128x128xf32, #tpu.memory_space<vmem>> -> memref<80x128xf32, #tpu.memory_space<vmem>>
        tpu.wait_dma2 semaphore(%run_scoped3A : memref<!tpu.dma_semaphore, #tpu.memory_space<semaphore_mem>>) src(%dma_wait3A_144 : memref<80x128xf32, #tpu.memory_space<vmem>>) dst(%dma_wait3A_141 : memref<80x128xf32, #tpu.memory_space<vmem_shared>>)
        tpu.yield
      }) : () -> ()
    } else {
    }
    %add3A_40 = arith.constant 80 : i32
    %add3A_41 = arith.addi %add3A_40, %arg1 : i32
    %lt3A_42 = arith.constant 125 : i32
    %lt3A_43 = arith.cmpi slt, %add3A_41, %lt3A_42 : i32
    %convert_element_type3A_44 = arith.extui %lt3A_43 : i1 to i32
    %cond3A_45 = arith.constant 0 : i32
    %cond3A_46 = arith.cmpi ne, %convert_element_type3A_44, %cond3A_45 : i32
    scf.if %cond3A_46 {
      %mul3A_125 = arith.constant 80 : i32
      %mul3A_126 = arith.muli %add3A_41, %mul3A_125 : i32
      %multiple_of3A = tpu.assume_multiple %mul3A_126, 8 : i32
      "tpu.region"() ({
        %run_scoped3A = tpu.sem_alloc : memref<!tpu.dma_semaphore, #tpu.memory_space<semaphore_mem>>
        %dma_start3A = arith.constant 0 : i32
        %dma_start3A_127 = arith.constant 0 : i32
        %dma_start3A_128 = tpu.memref_slice %arg11[%dma_start3A, %dma_start3A_127] : memref<128x128xf32, #tpu.memory_space<vmem>> -> memref<80x128xf32, #tpu.memory_space<vmem>>
        %dma_start3A_129 = arith.constant 0 : i32
        %dma_start3A_130 = tpu.memref_slice %arg14[%multiple_of3A, %dma_start3A_129] : memref<10000x128xf32, #tpu.memory_space<vmem_shared>> -> memref<80x128xf32, #tpu.memory_space<vmem_shared>>
        %dma_start3A_131 = arith.constant 0 : i32
        %dma_start3A_132 = tpu.memref_slice %arg14[%multiple_of3A, %dma_start3A_131] : memref<10000x128xf32, #tpu.memory_space<vmem_shared>> -> memref<80x128xf32, #tpu.memory_space<vmem_shared>>
        %dma_start3A_133 = arith.constant 0 : i32
        %dma_start3A_134 = arith.constant 0 : i32
        %dma_start3A_135 = tpu.memref_slice %arg11[%dma_start3A_133, %dma_start3A_134] : memref<128x128xf32, #tpu.memory_space<vmem>> -> memref<80x128xf32, #tpu.memory_space<vmem>>
        tpu.enqueue_dma source(%dma_start3A_135 : memref<80x128xf32, #tpu.memory_space<vmem>>) target(%dma_start3A_132 : memref<80x128xf32, #tpu.memory_space<vmem_shared>>) target_semaphore(%run_scoped3A : memref<!tpu.dma_semaphore, #tpu.memory_space<semaphore_mem>>)
        %dma_wait3A = arith.constant 0 : i32
        %dma_wait3A_136 = arith.constant 0 : i32
        %dma_wait3A_137 = tpu.memref_slice %arg11[%dma_wait3A, %dma_wait3A_136] : memref<128x128xf32, #tpu.memory_space<vmem>> -> memref<80x128xf32, #tpu.memory_space<vmem>>
        %dma_wait3A_138 = arith.constant 0 : i32
        %dma_wait3A_139 = tpu.memref_slice %arg14[%multiple_of3A, %dma_wait3A_138] : memref<10000x128xf32, #tpu.memory_space<vmem_shared>> -> memref<80x128xf32, #tpu.memory_space<vmem_shared>>
        %dma_wait3A_140 = arith.constant 0 : i32
        %dma_wait3A_141 = tpu.memref_slice %arg14[%multiple_of3A, %dma_wait3A_140] : memref<10000x128xf32, #tpu.memory_space<vmem_shared>> -> memref<80x128xf32, #tpu.memory_space<vmem_shared>>
        %dma_wait3A_142 = arith.constant 0 : i32
        %dma_wait3A_143 = arith.constant 0 : i32
        %dma_wait3A_144 = tpu.memref_slice %arg11[%dma_wait3A_142, %dma_wait3A_143] : memref<128x128xf32, #tpu.memory_space<vmem>> -> memref<80x128xf32, #tpu.memory_space<vmem>>
        tpu.wait_dma2 semaphore(%run_scoped3A : memref<!tpu.dma_semaphore, #tpu.memory_space<semaphore_mem>>) src(%dma_wait3A_144 : memref<80x128xf32, #tpu.memory_space<vmem>>) dst(%dma_wait3A_141 : memref<80x128xf32, #tpu.memory_space<vmem_shared>>)
        tpu.yield
      }) : () -> ()
    } else {
    }
    %add3A_47 = arith.constant 96 : i32
    %add3A_48 = arith.addi %add3A_47, %arg1 : i32
    %lt3A_49 = arith.constant 125 : i32
    %lt3A_50 = arith.cmpi slt, %add3A_48, %lt3A_49 : i32
    %convert_element_type3A_51 = arith.extui %lt3A_50 : i1 to i32
    %cond3A_52 = arith.constant 0 : i32
    %cond3A_53 = arith.cmpi ne, %convert_element_type3A_51, %cond3A_52 : i32
    scf.if %cond3A_53 {
      %mul3A_125 = arith.constant 80 : i32
      %mul3A_126 = arith.muli %add3A_48, %mul3A_125 : i32
      %multiple_of3A = tpu.assume_multiple %mul3A_126, 8 : i32
      "tpu.region"() ({
        %run_scoped3A = tpu.sem_alloc : memref<!tpu.dma_semaphore, #tpu.memory_space<semaphore_mem>>
        %dma_start3A = arith.constant 0 : i32
        %dma_start3A_127 = arith.constant 0 : i32
        %dma_start3A_128 = tpu.memref_slice %arg11[%dma_start3A, %dma_start3A_127] : memref<128x128xf32, #tpu.memory_space<vmem>> -> memref<80x128xf32, #tpu.memory_space<vmem>>
        %dma_start3A_129 = arith.constant 0 : i32
        %dma_start3A_130 = tpu.memref_slice %arg14[%multiple_of3A, %dma_start3A_129] : memref<10000x128xf32, #tpu.memory_space<vmem_shared>> -> memref<80x128xf32, #tpu.memory_space<vmem_shared>>
        %dma_start3A_131 = arith.constant 0 : i32
        %dma_start3A_132 = tpu.memref_slice %arg14[%multiple_of3A, %dma_start3A_131] : memref<10000x128xf32, #tpu.memory_space<vmem_shared>> -> memref<80x128xf32, #tpu.memory_space<vmem_shared>>
        %dma_start3A_133 = arith.constant 0 : i32
        %dma_start3A_134 = arith.constant 0 : i32
        %dma_start3A_135 = tpu.memref_slice %arg11[%dma_start3A_133, %dma_start3A_134] : memref<128x128xf32, #tpu.memory_space<vmem>> -> memref<80x128xf32, #tpu.memory_space<vmem>>
        tpu.enqueue_dma source(%dma_start3A_135 : memref<80x128xf32, #tpu.memory_space<vmem>>) target(%dma_start3A_132 : memref<80x128xf32, #tpu.memory_space<vmem_shared>>) target_semaphore(%run_scoped3A : memref<!tpu.dma_semaphore, #tpu.memory_space<semaphore_mem>>)
        %dma_wait3A = arith.constant 0 : i32
        %dma_wait3A_136 = arith.constant 0 : i32
        %dma_wait3A_137 = tpu.memref_slice %arg11[%dma_wait3A, %dma_wait3A_136] : memref<128x128xf32, #tpu.memory_space<vmem>> -> memref<80x128xf32, #tpu.memory_space<vmem>>
        %dma_wait3A_138 = arith.constant 0 : i32
        %dma_wait3A_139 = tpu.memref_slice %arg14[%multiple_of3A, %dma_wait3A_138] : memref<10000x128xf32, #tpu.memory_space<vmem_shared>> -> memref<80x128xf32, #tpu.memory_space<vmem_shared>>
        %dma_wait3A_140 = arith.constant 0 : i32
        %dma_wait3A_141 = tpu.memref_slice %arg14[%multiple_of3A, %dma_wait3A_140] : memref<10000x128xf32, #tpu.memory_space<vmem_shared>> -> memref<80x128xf32, #tpu.memory_space<vmem_shared>>
        %dma_wait3A_142 = arith.constant 0 : i32
        %dma_wait3A_143 = arith.constant 0 : i32
        %dma_wait3A_144 = tpu.memref_slice %arg11[%dma_wait3A_142, %dma_wait3A_143] : memref<128x128xf32, #tpu.memory_space<vmem>> -> memref<80x128xf32, #tpu.memory_space<vmem>>
        tpu.wait_dma2 semaphore(%run_scoped3A : memref<!tpu.dma_semaphore, #tpu.memory_space<semaphore_mem>>) src(%dma_wait3A_144 : memref<80x128xf32, #tpu.memory_space<vmem>>) dst(%dma_wait3A_141 : memref<80x128xf32, #tpu.memory_space<vmem_shared>>)
        tpu.yield
      }) : () -> ()
    } else {
    }
    %add3A_54 = arith.constant 112 : i32
    %add3A_55 = arith.addi %add3A_54, %arg1 : i32
    %lt3A_56 = arith.constant 125 : i32
    %lt3A_57 = arith.cmpi slt, %add3A_55, %lt3A_56 : i32
    %convert_element_type3A_58 = arith.extui %lt3A_57 : i1 to i32
    %cond3A_59 = arith.constant 0 : i32
    %cond3A_60 = arith.cmpi ne, %convert_element_type3A_58, %cond3A_59 : i32
    scf.if %cond3A_60 {
      %mul3A_125 = arith.constant 80 : i32
      %mul3A_126 = arith.muli %add3A_55, %mul3A_125 : i32
      %multiple_of3A = tpu.assume_multiple %mul3A_126, 8 : i32
      "tpu.region"() ({
        %run_scoped3A = tpu.sem_alloc : memref<!tpu.dma_semaphore, #tpu.memory_space<semaphore_mem>>
        %dma_start3A = arith.constant 0 : i32
        %dma_start3A_127 = arith.constant 0 : i32
        %dma_start3A_128 = tpu.memref_slice %arg11[%dma_start3A, %dma_start3A_127] : memref<128x128xf32, #tpu.memory_space<vmem>> -> memref<80x128xf32, #tpu.memory_space<vmem>>
        %dma_start3A_129 = arith.constant 0 : i32
        %dma_start3A_130 = tpu.memref_slice %arg14[%multiple_of3A, %dma_start3A_129] : memref<10000x128xf32, #tpu.memory_space<vmem_shared>> -> memref<80x128xf32, #tpu.memory_space<vmem_shared>>
        %dma_start3A_131 = arith.constant 0 : i32
        %dma_start3A_132 = tpu.memref_slice %arg14[%multiple_of3A, %dma_start3A_131] : memref<10000x128xf32, #tpu.memory_space<vmem_shared>> -> memref<80x128xf32, #tpu.memory_space<vmem_shared>>
        %dma_start3A_133 = arith.constant 0 : i32
        %dma_start3A_134 = arith.constant 0 : i32
        %dma_start3A_135 = tpu.memref_slice %arg11[%dma_start3A_133, %dma_start3A_134] : memref<128x128xf32, #tpu.memory_space<vmem>> -> memref<80x128xf32, #tpu.memory_space<vmem>>
        tpu.enqueue_dma source(%dma_start3A_135 : memref<80x128xf32, #tpu.memory_space<vmem>>) target(%dma_start3A_132 : memref<80x128xf32, #tpu.memory_space<vmem_shared>>) target_semaphore(%run_scoped3A : memref<!tpu.dma_semaphore, #tpu.memory_space<semaphore_mem>>)
        %dma_wait3A = arith.constant 0 : i32
        %dma_wait3A_136 = arith.constant 0 : i32
        %dma_wait3A_137 = tpu.memref_slice %arg11[%dma_wait3A, %dma_wait3A_136] : memref<128x128xf32, #tpu.memory_space<vmem>> -> memref<80x128xf32, #tpu.memory_space<vmem>>
        %dma_wait3A_138 = arith.constant 0 : i32
        %dma_wait3A_139 = tpu.memref_slice %arg14[%multiple_of3A, %dma_wait3A_138] : memref<10000x128xf32, #tpu.memory_space<vmem_shared>> -> memref<80x128xf32, #tpu.memory_space<vmem_shared>>
        %dma_wait3A_140 = arith.constant 0 : i32
        %dma_wait3A_141 = tpu.memref_slice %arg14[%multiple_of3A, %dma_wait3A_140] : memref<10000x128xf32, #tpu.memory_space<vmem_shared>> -> memref<80x128xf32, #tpu.memory_space<vmem_shared>>
        %dma_wait3A_142 = arith.constant 0 : i32
        %dma_wait3A_143 = arith.constant 0 : i32
        %dma_wait3A_144 = tpu.memref_slice %arg11[%dma_wait3A_142, %dma_wait3A_143] : memref<128x128xf32, #tpu.memory_space<vmem>> -> memref<80x128xf32, #tpu.memory_space<vmem>>
        tpu.wait_dma2 semaphore(%run_scoped3A : memref<!tpu.dma_semaphore, #tpu.memory_space<semaphore_mem>>) src(%dma_wait3A_144 : memref<80x128xf32, #tpu.memory_space<vmem>>) dst(%dma_wait3A_141 : memref<80x128xf32, #tpu.memory_space<vmem_shared>>)
        tpu.yield
      }) : () -> ()
    } else {
    }
    %barrier3A = arith.constant 0 : index
    tpu.barrier barrier_id(%barrier3A)
    %scan3A_61 = arith.constant 0 : i32
    %scan3A_62 = arith.constant 0 : i32
    %scan3A_63 = arith.constant 79 : i32
    %scan3A_64 = arith.addi %scan3A_62, %scan3A_63 : i32
    %scan3A_65 = arith.constant 1 : i32
    %scan3A_66 = scf.for %scan3A_125 = %scan3A_62 to %scan3A_64 step %scan3A_65 iter_args(%scan3A_126 = %scan3A_61) -> (i32)  : i32 {
      %mul3A_127 = arith.constant 32 : i32
      %mul3A_128 = arith.muli %scan3A_125, %mul3A_127 : i32
      %add3A_129 = arith.addi %mul3A_128, %add3A : i32
      %lt3A_130 = arith.constant 2500 : i32
      %lt3A_131 = arith.cmpi slt, %add3A_129, %lt3A_130 : i32
      %convert_element_type3A_132 = arith.extui %lt3A_131 : i1 to i32
      %cond3A_133 = arith.constant 0 : i32
      %cond3A_134 = arith.cmpi ne, %convert_element_type3A_132, %cond3A_133 : i32
      scf.if %cond3A_134 {
        %mul3A_136 = arith.constant 128 : i32
        %mul3A_137 = arith.muli %add3A_129, %mul3A_136 : i32
        %multiple_of3A = tpu.assume_multiple %mul3A_137, 8 : i32
        "tpu.region"() ({
          %run_scoped3A = tpu.sem_alloc : memref<!tpu.dma_semaphore, #tpu.memory_space<semaphore_mem>>
          %dma_start3A_150 = tpu.memref_slice %arg2[%multiple_of3A] : memref<320000xi32, #tpu.memory_space<hbm>> -> memref<128xi32, #tpu.memory_space<hbm>>
          %dma_start3A_151 = tpu.memref_slice %arg2[%multiple_of3A] : memref<320000xi32, #tpu.memory_space<hbm>> -> memref<128xi32, #tpu.memory_space<hbm>>
          tpu.enqueue_dma source(%dma_start3A_151 : memref<128xi32, #tpu.memory_space<hbm>>) target(%arg9 : memref<128xi32, #tpu.memory_space<vmem>>) target_semaphore(%run_scoped3A : memref<!tpu.dma_semaphore, #tpu.memory_space<semaphore_mem>>)
          %dma_wait3A_152 = tpu.memref_slice %arg2[%multiple_of3A] : memref<320000xi32, #tpu.memory_space<hbm>> -> memref<128xi32, #tpu.memory_space<hbm>>
          %dma_wait3A_153 = tpu.memref_slice %arg2[%multiple_of3A] : memref<320000xi32, #tpu.memory_space<hbm>> -> memref<128xi32, #tpu.memory_space<hbm>>
          tpu.wait_dma2 semaphore(%run_scoped3A : memref<!tpu.dma_semaphore, #tpu.memory_space<semaphore_mem>>) src(%dma_wait3A_153 : memref<128xi32, #tpu.memory_space<hbm>>) dst(%arg9 : memref<128xi32, #tpu.memory_space<vmem>>)
          tpu.yield
        }) : () -> ()
        "tpu.region"() ({
          %run_scoped3A = tpu.sem_alloc : memref<!tpu.dma_semaphore, #tpu.memory_space<semaphore_mem>>
          %dma_start3A_150 = tpu.memref_slice %arg3[%multiple_of3A] : memref<320000xi32, #tpu.memory_space<hbm>> -> memref<128xi32, #tpu.memory_space<hbm>>
          %dma_start3A_151 = tpu.memref_slice %arg3[%multiple_of3A] : memref<320000xi32, #tpu.memory_space<hbm>> -> memref<128xi32, #tpu.memory_space<hbm>>
          tpu.enqueue_dma source(%dma_start3A_151 : memref<128xi32, #tpu.memory_space<hbm>>) target(%arg10 : memref<128xi32, #tpu.memory_space<vmem>>) target_semaphore(%run_scoped3A : memref<!tpu.dma_semaphore, #tpu.memory_space<semaphore_mem>>)
          %dma_wait3A_152 = tpu.memref_slice %arg3[%multiple_of3A] : memref<320000xi32, #tpu.memory_space<hbm>> -> memref<128xi32, #tpu.memory_space<hbm>>
          %dma_wait3A_153 = tpu.memref_slice %arg3[%multiple_of3A] : memref<320000xi32, #tpu.memory_space<hbm>> -> memref<128xi32, #tpu.memory_space<hbm>>
          tpu.wait_dma2 semaphore(%run_scoped3A : memref<!tpu.dma_semaphore, #tpu.memory_space<semaphore_mem>>) src(%dma_wait3A_153 : memref<128xi32, #tpu.memory_space<hbm>>) dst(%arg10 : memref<128xi32, #tpu.memory_space<vmem>>)
          tpu.yield
        }) : () -> ()
        %dma_start3A = arith.constant 0 : i32
        %dma_start3A_138 = arith.constant 0 : i32
        %dma_start3A_139 = tpu.memref_slice %arg4[%dma_start3A, %dma_start3A_138] : memref<10000x128xf32, #tpu.memory_space<hbm>> -> memref<10000x128xf32, #tpu.memory_space<hbm>>
        tpu.enqueue_indirect_dma source(%dma_start3A_139 : memref<10000x128xf32, #tpu.memory_space<hbm>>) target(%arg11 : memref<128x128xf32, #tpu.memory_space<vmem>>) offsets(%arg9 : memref<128xi32, #tpu.memory_space<vmem>>) semaphore(%arg15 : memref<!tpu.dma_semaphore, #tpu.memory_space<semaphore_mem>>)
        %dma_start3A_140 = arith.constant 0 : i32
        %dma_start3A_141 = arith.constant 0 : i32
        %dma_start3A_142 = tpu.memref_slice %arg5[%dma_start3A_140, %dma_start3A_141] : memref<10000x128xf32, #tpu.memory_space<hbm>> -> memref<10000x128xf32, #tpu.memory_space<hbm>>
        tpu.enqueue_indirect_dma source(%dma_start3A_142 : memref<10000x128xf32, #tpu.memory_space<hbm>>) target(%arg12 : memref<128x128xf32, #tpu.memory_space<vmem>>) offsets(%arg10 : memref<128xi32, #tpu.memory_space<vmem>>) semaphore(%arg16 : memref<!tpu.dma_semaphore, #tpu.memory_space<semaphore_mem>>)
        "tpu.region"() ({
          %run_scoped3A = tpu.sem_alloc : memref<!tpu.dma_semaphore, #tpu.memory_space<semaphore_mem>>
          %dma_start3A_150 = arith.constant 0 : i32
          %dma_start3A_151 = tpu.memref_slice %arg6[%multiple_of3A, %dma_start3A_150] : memref<320000x128xf32, #tpu.memory_space<hbm>> -> memref<128x128xf32, #tpu.memory_space<hbm>>
          %dma_start3A_152 = arith.constant 0 : i32
          %dma_start3A_153 = tpu.memref_slice %arg6[%multiple_of3A, %dma_start3A_152] : memref<320000x128xf32, #tpu.memory_space<hbm>> -> memref<128x128xf32, #tpu.memory_space<hbm>>
          tpu.enqueue_dma source(%dma_start3A_153 : memref<128x128xf32, #tpu.memory_space<hbm>>) target(%arg13 : memref<128x128xf32, #tpu.memory_space<vmem>>) target_semaphore(%run_scoped3A : memref<!tpu.dma_semaphore, #tpu.memory_space<semaphore_mem>>)
          %dma_wait3A_154 = arith.constant 0 : i32
          %dma_wait3A_155 = tpu.memref_slice %arg6[%multiple_of3A, %dma_wait3A_154] : memref<320000x128xf32, #tpu.memory_space<hbm>> -> memref<128x128xf32, #tpu.memory_space<hbm>>
          %dma_wait3A_156 = arith.constant 0 : i32
          %dma_wait3A_157 = tpu.memref_slice %arg6[%multiple_of3A, %dma_wait3A_156] : memref<320000x128xf32, #tpu.memory_space<hbm>> -> memref<128x128xf32, #tpu.memory_space<hbm>>
          tpu.wait_dma2 semaphore(%run_scoped3A : memref<!tpu.dma_semaphore, #tpu.memory_space<semaphore_mem>>) src(%dma_wait3A_157 : memref<128x128xf32, #tpu.memory_space<hbm>>) dst(%arg13 : memref<128x128xf32, #tpu.memory_space<vmem>>)
          tpu.yield
        }) : () -> ()
        %dma_wait3A = arith.constant 0 : i32
        %dma_wait3A_143 = arith.constant 0 : i32
        %dma_wait3A_144 = tpu.memref_slice %arg4[%dma_wait3A, %dma_wait3A_143] : memref<10000x128xf32, #tpu.memory_space<hbm>> -> memref<10000x128xf32, #tpu.memory_space<hbm>>
        tpu.wait_indirect_dma semaphore(%arg15 : memref<!tpu.dma_semaphore, #tpu.memory_space<semaphore_mem>>) src(%dma_wait3A_144 : memref<10000x128xf32, #tpu.memory_space<hbm>>) dst(%arg11 : memref<128x128xf32, #tpu.memory_space<vmem>>)
        %dma_wait3A_145 = arith.constant 0 : i32
        %dma_wait3A_146 = arith.constant 0 : i32
        %dma_wait3A_147 = tpu.memref_slice %arg5[%dma_wait3A_145, %dma_wait3A_146] : memref<10000x128xf32, #tpu.memory_space<hbm>> -> memref<10000x128xf32, #tpu.memory_space<hbm>>
        tpu.wait_indirect_dma semaphore(%arg16 : memref<!tpu.dma_semaphore, #tpu.memory_space<semaphore_mem>>) src(%dma_wait3A_147 : memref<10000x128xf32, #tpu.memory_space<hbm>>) dst(%arg12 : memref<128x128xf32, #tpu.memory_space<vmem>>)
        %parallel_loop3A = arith.constant 0 : i32
        %parallel_loop3A_148 = arith.constant 128 : i32
        %parallel_loop3A_149 = arith.constant 1 : i32
        scf.for %parallel_loop3A_150 = %parallel_loop3A to %parallel_loop3A_148 step %parallel_loop3A_149  : i32 {
          %parallel_loop3A_151 = arith.index_cast %parallel_loop3A_150 : i32 to index
          %parallel_loop3A_152 = arith.constant 0 : index
          %parallel_loop3A_153 = tpu.vector_load %arg11[%parallel_loop3A_151, %parallel_loop3A_152] {strides = array<i32>} : memref<128x128xf32, #tpu.memory_space<vmem>>, vector<1x16xf32>,
          %parallel_loop3A_154 = vector.shape_cast %parallel_loop3A_153 : vector<1x16xf32> to vector<16xf32>
          %parallel_loop3A_155 = arith.index_cast %parallel_loop3A_150 : i32 to index
          %parallel_loop3A_156 = arith.constant 0 : index
          %parallel_loop3A_157 = tpu.vector_load %arg12[%parallel_loop3A_155, %parallel_loop3A_156] {strides = array<i32>} : memref<128x128xf32, #tpu.memory_space<vmem>>, vector<1x16xf32>,
          %parallel_loop3A_158 = vector.shape_cast %parallel_loop3A_157 : vector<1x16xf32> to vector<16xf32>
          %parallel_loop3A_159 = arith.addf %parallel_loop3A_154, %parallel_loop3A_158 : vector<16xf32>
          %parallel_loop3A_160 = arith.index_cast %parallel_loop3A_150 : i32 to index
          %parallel_loop3A_161 = arith.constant 0 : index
          %parallel_loop3A_162 = tpu.vector_load %arg13[%parallel_loop3A_160, %parallel_loop3A_161] {strides = array<i32>} : memref<128x128xf32, #tpu.memory_space<vmem>>, vector<1x16xf32>,
          %parallel_loop3A_163 = vector.shape_cast %parallel_loop3A_162 : vector<1x16xf32> to vector<16xf32>
          %parallel_loop3A_164 = arith.addf %parallel_loop3A_159, %parallel_loop3A_163 : vector<16xf32>
          %parallel_loop3A_165 = arith.index_cast %parallel_loop3A_150 : i32 to index
          %parallel_loop3A_166 = arith.constant 0 : index
          %parallel_loop3A_167 = tpu.vector_load %arg13[%parallel_loop3A_165, %parallel_loop3A_166] {strides = array<i32>} : memref<128x128xf32, #tpu.memory_space<vmem>>, vector<1x16xf32>,
          %parallel_loop3A_168 = vector.shape_cast %parallel_loop3A_167 : vector<1x16xf32> to vector<16xf32>
          %parallel_loop3A_169 = vector.shape_cast %parallel_loop3A_164 : vector<16xf32> to vector<1x16xf32>
          tpu.vector_store %arg13[%parallel_loop3A_165, %parallel_loop3A_166], %parallel_loop3A_169 {strides = array<i32>} : memref<128x128xf32, #tpu.memory_space<vmem>>, vector<1x16xf32>,
          %parallel_loop3A_170 = arith.constant 0.000000e+00 : f32
          %parallel_loop3A_171 = vector.broadcast %parallel_loop3A_170 : f32 to vector<16xf32>
          %parallel_loop3A_172 = arith.subf %parallel_loop3A_171, %parallel_loop3A_164 : vector<16xf32>
          %parallel_loop3A_173 = math.exp %parallel_loop3A_172 : vector<16xf32>
          %parallel_loop3A_174 = arith.constant 1.000000e+00 : f32
          %parallel_loop3A_175 = vector.broadcast %parallel_loop3A_174 : f32 to vector<16xf32>
          %parallel_loop3A_176 = arith.addf %parallel_loop3A_175, %parallel_loop3A_173 : vector<16xf32>
          %parallel_loop3A_177 = arith.constant 1.000000e+00 : f32
          %parallel_loop3A_178 = vector.broadcast %parallel_loop3A_177 : f32 to vector<16xf32>
          %parallel_loop3A_179 = arith.divf %parallel_loop3A_178, %parallel_loop3A_176 : vector<16xf32>
          %parallel_loop3A_180 = arith.index_cast %parallel_loop3A_150 : i32 to index
          %parallel_loop3A_181 = arith.constant 0 : index
          %parallel_loop3A_182 = tpu.vector_load %arg11[%parallel_loop3A_180, %parallel_loop3A_181] {strides = array<i32>} : memref<128x128xf32, #tpu.memory_space<vmem>>, vector<1x16xf32>,
          %parallel_loop3A_183 = vector.shape_cast %parallel_loop3A_182 : vector<1x16xf32> to vector<16xf32>
          %parallel_loop3A_184 = vector.shape_cast %parallel_loop3A_179 : vector<16xf32> to vector<1x16xf32>
          tpu.vector_store %arg11[%parallel_loop3A_180, %parallel_loop3A_181], %parallel_loop3A_184 {strides = array<i32>} : memref<128x128xf32, #tpu.memory_space<vmem>>, vector<1x16xf32>,
          %parallel_loop3A_185 = arith.index_cast %parallel_loop3A_150 : i32 to index
          %parallel_loop3A_186 = arith.constant 16 : index
          %parallel_loop3A_187 = tpu.vector_load %arg11[%parallel_loop3A_185, %parallel_loop3A_186] {strides = array<i32>} : memref<128x128xf32, #tpu.memory_space<vmem>>, vector<1x16xf32>,
          %parallel_loop3A_188 = vector.shape_cast %parallel_loop3A_187 : vector<1x16xf32> to vector<16xf32>
          %parallel_loop3A_189 = arith.index_cast %parallel_loop3A_150 : i32 to index
          %parallel_loop3A_190 = arith.constant 16 : index
          %parallel_loop3A_191 = tpu.vector_load %arg12[%parallel_loop3A_189, %parallel_loop3A_190] {strides = array<i32>} : memref<128x128xf32, #tpu.memory_space<vmem>>, vector<1x16xf32>,
          %parallel_loop3A_192 = vector.shape_cast %parallel_loop3A_191 : vector<1x16xf32> to vector<16xf32>
          %parallel_loop3A_193 = arith.addf %parallel_loop3A_188, %parallel_loop3A_192 : vector<16xf32>
          %parallel_loop3A_194 = arith.index_cast %parallel_loop3A_150 : i32 to index
          %parallel_loop3A_195 = arith.constant 16 : index
          %parallel_loop3A_196 = tpu.vector_load %arg13[%parallel_loop3A_194, %parallel_loop3A_195] {strides = array<i32>} : memref<128x128xf32, #tpu.memory_space<vmem>>, vector<1x16xf32>,
          %parallel_loop3A_197 = vector.shape_cast %parallel_loop3A_196 : vector<1x16xf32> to vector<16xf32>
          %parallel_loop3A_198 = arith.addf %parallel_loop3A_193, %parallel_loop3A_197 : vector<16xf32>
          %parallel_loop3A_199 = arith.index_cast %parallel_loop3A_150 : i32 to index
          %parallel_loop3A_200 = arith.constant 16 : index
          %parallel_loop3A_201 = tpu.vector_load %arg13[%parallel_loop3A_199, %parallel_loop3A_200] {strides = array<i32>} : memref<128x128xf32, #tpu.memory_space<vmem>>, vector<1x16xf32>,
          %parallel_loop3A_202 = vector.shape_cast %parallel_loop3A_201 : vector<1x16xf32> to vector<16xf32>
          %parallel_loop3A_203 = vector.shape_cast %parallel_loop3A_198 : vector<16xf32> to vector<1x16xf32>
          tpu.vector_store %arg13[%parallel_loop3A_199, %parallel_loop3A_200], %parallel_loop3A_203 {strides = array<i32>} : memref<128x128xf32, #tpu.memory_space<vmem>>, vector<1x16xf32>,
          %parallel_loop3A_204 = arith.constant 0.000000e+00 : f32
          %parallel_loop3A_205 = vector.broadcast %parallel_loop3A_204 : f32 to vector<16xf32>
          %parallel_loop3A_206 = arith.subf %parallel_loop3A_205, %parallel_loop3A_198 : vector<16xf32>
          %parallel_loop3A_207 = math.exp %parallel_loop3A_206 : vector<16xf32>
          %parallel_loop3A_208 = arith.constant 1.000000e+00 : f32
          %parallel_loop3A_209 = vector.broadcast %parallel_loop3A_208 : f32 to vector<16xf32>
          %parallel_loop3A_210 = arith.addf %parallel_loop3A_209, %parallel_loop3A_207 : vector<16xf32>
          %parallel_loop3A_211 = arith.constant 1.000000e+00 : f32
          %parallel_loop3A_212 = vector.broadcast %parallel_loop3A_211 : f32 to vector<16xf32>
          %parallel_loop3A_213 = arith.divf %parallel_loop3A_212, %parallel_loop3A_210 : vector<16xf32>
          %parallel_loop3A_214 = arith.index_cast %parallel_loop3A_150 : i32 to index
          %parallel_loop3A_215 = arith.constant 16 : index
          %parallel_loop3A_216 = tpu.vector_load %arg11[%parallel_loop3A_214, %parallel_loop3A_215] {strides = array<i32>} : memref<128x128xf32, #tpu.memory_space<vmem>>, vector<1x16xf32>,
          %parallel_loop3A_217 = vector.shape_cast %parallel_loop3A_216 : vector<1x16xf32> to vector<16xf32>
          %parallel_loop3A_218 = vector.shape_cast %parallel_loop3A_213 : vector<16xf32> to vector<1x16xf32>
          tpu.vector_store %arg11[%parallel_loop3A_214, %parallel_loop3A_215], %parallel_loop3A_218 {strides = array<i32>} : memref<128x128xf32, #tpu.memory_space<vmem>>, vector<1x16xf32>,
          %parallel_loop3A_219 = arith.index_cast %parallel_loop3A_150 : i32 to index
          %parallel_loop3A_220 = arith.constant 32 : index
          %parallel_loop3A_221 = tpu.vector_load %arg11[%parallel_loop3A_219, %parallel_loop3A_220] {strides = array<i32>} : memref<128x128xf32, #tpu.memory_space<vmem>>, vector<1x16xf32>,
          %parallel_loop3A_222 = vector.shape_cast %parallel_loop3A_221 : vector<1x16xf32> to vector<16xf32>
          %parallel_loop3A_223 = arith.index_cast %parallel_loop3A_150 : i32 to index
          %parallel_loop3A_224 = arith.constant 32 : index
          %parallel_loop3A_225 = tpu.vector_load %arg12[%parallel_loop3A_223, %parallel_loop3A_224] {strides = array<i32>} : memref<128x128xf32, #tpu.memory_space<vmem>>, vector<1x16xf32>,
          %parallel_loop3A_226 = vector.shape_cast %parallel_loop3A_225 : vector<1x16xf32> to vector<16xf32>
          %parallel_loop3A_227 = arith.addf %parallel_loop3A_222, %parallel_loop3A_226 : vector<16xf32>
          %parallel_loop3A_228 = arith.index_cast %parallel_loop3A_150 : i32 to index
          %parallel_loop3A_229 = arith.constant 32 : index
          %parallel_loop3A_230 = tpu.vector_load %arg13[%parallel_loop3A_228, %parallel_loop3A_229] {strides = array<i32>} : memref<128x128xf32, #tpu.memory_space<vmem>>, vector<1x16xf32>,
          %parallel_loop3A_231 = vector.shape_cast %parallel_loop3A_230 : vector<1x16xf32> to vector<16xf32>
          %parallel_loop3A_232 = arith.addf %parallel_loop3A_227, %parallel_loop3A_231 : vector<16xf32>
          %parallel_loop3A_233 = arith.index_cast %parallel_loop3A_150 : i32 to index
          %parallel_loop3A_234 = arith.constant 32 : index
          %parallel_loop3A_235 = tpu.vector_load %arg13[%parallel_loop3A_233, %parallel_loop3A_234] {strides = array<i32>} : memref<128x128xf32, #tpu.memory_space<vmem>>, vector<1x16xf32>,
          %parallel_loop3A_236 = vector.shape_cast %parallel_loop3A_235 : vector<1x16xf32> to vector<16xf32>
          %parallel_loop3A_237 = vector.shape_cast %parallel_loop3A_232 : vector<16xf32> to vector<1x16xf32>
          tpu.vector_store %arg13[%parallel_loop3A_233, %parallel_loop3A_234], %parallel_loop3A_237 {strides = array<i32>} : memref<128x128xf32, #tpu.memory_space<vmem>>, vector<1x16xf32>,
          %parallel_loop3A_238 = arith.constant 0.000000e+00 : f32
          %parallel_loop3A_239 = vector.broadcast %parallel_loop3A_238 : f32 to vector<16xf32>
          %parallel_loop3A_240 = arith.subf %parallel_loop3A_239, %parallel_loop3A_232 : vector<16xf32>
          %parallel_loop3A_241 = math.exp %parallel_loop3A_240 : vector<16xf32>
          %parallel_loop3A_242 = arith.constant 1.000000e+00 : f32
          %parallel_loop3A_243 = vector.broadcast %parallel_loop3A_242 : f32 to vector<16xf32>
          %parallel_loop3A_244 = arith.addf %parallel_loop3A_243, %parallel_loop3A_241 : vector<16xf32>
          %parallel_loop3A_245 = arith.constant 1.000000e+00 : f32
          %parallel_loop3A_246 = vector.broadcast %parallel_loop3A_245 : f32 to vector<16xf32>
          %parallel_loop3A_247 = arith.divf %parallel_loop3A_246, %parallel_loop3A_244 : vector<16xf32>
          %parallel_loop3A_248 = arith.index_cast %parallel_loop3A_150 : i32 to index
          %parallel_loop3A_249 = arith.constant 32 : index
          %parallel_loop3A_250 = tpu.vector_load %arg11[%parallel_loop3A_248, %parallel_loop3A_249] {strides = array<i32>} : memref<128x128xf32, #tpu.memory_space<vmem>>, vector<1x16xf32>,
          %parallel_loop3A_251 = vector.shape_cast %parallel_loop3A_250 : vector<1x16xf32> to vector<16xf32>
          %parallel_loop3A_252 = vector.shape_cast %parallel_loop3A_247 : vector<16xf32> to vector<1x16xf32>
          tpu.vector_store %arg11[%parallel_loop3A_248, %parallel_loop3A_249], %parallel_loop3A_252 {strides = array<i32>} : memref<128x128xf32, #tpu.memory_space<vmem>>, vector<1x16xf32>,
          %parallel_loop3A_253 = arith.index_cast %parallel_loop3A_150 : i32 to index
          %parallel_loop3A_254 = arith.constant 48 : index
          %parallel_loop3A_255 = tpu.vector_load %arg11[%parallel_loop3A_253, %parallel_loop3A_254] {strides = array<i32>} : memref<128x128xf32, #tpu.memory_space<vmem>>, vector<1x16xf32>,
          %parallel_loop3A_256 = vector.shape_cast %parallel_loop3A_255 : vector<1x16xf32> to vector<16xf32>
          %parallel_loop3A_257 = arith.index_cast %parallel_loop3A_150 : i32 to index
          %parallel_loop3A_258 = arith.constant 48 : index
          %parallel_loop3A_259 = tpu.vector_load %arg12[%parallel_loop3A_257, %parallel_loop3A_258] {strides = array<i32>} : memref<128x128xf32, #tpu.memory_space<vmem>>, vector<1x16xf32>,
          %parallel_loop3A_260 = vector.shape_cast %parallel_loop3A_259 : vector<1x16xf32> to vector<16xf32>
          %parallel_loop3A_261 = arith.addf %parallel_loop3A_256, %parallel_loop3A_260 : vector<16xf32>
          %parallel_loop3A_262 = arith.index_cast %parallel_loop3A_150 : i32 to index
          %parallel_loop3A_263 = arith.constant 48 : index
          %parallel_loop3A_264 = tpu.vector_load %arg13[%parallel_loop3A_262, %parallel_loop3A_263] {strides = array<i32>} : memref<128x128xf32, #tpu.memory_space<vmem>>, vector<1x16xf32>,
          %parallel_loop3A_265 = vector.shape_cast %parallel_loop3A_264 : vector<1x16xf32> to vector<16xf32>
          %parallel_loop3A_266 = arith.addf %parallel_loop3A_261, %parallel_loop3A_265 : vector<16xf32>
          %parallel_loop3A_267 = arith.index_cast %parallel_loop3A_150 : i32 to index
          %parallel_loop3A_268 = arith.constant 48 : index
          %parallel_loop3A_269 = tpu.vector_load %arg13[%parallel_loop3A_267, %parallel_loop3A_268] {strides = array<i32>} : memref<128x128xf32, #tpu.memory_space<vmem>>, vector<1x16xf32>,
          %parallel_loop3A_270 = vector.shape_cast %parallel_loop3A_269 : vector<1x16xf32> to vector<16xf32>
          %parallel_loop3A_271 = vector.shape_cast %parallel_loop3A_266 : vector<16xf32> to vector<1x16xf32>
          tpu.vector_store %arg13[%parallel_loop3A_267, %parallel_loop3A_268], %parallel_loop3A_271 {strides = array<i32>} : memref<128x128xf32, #tpu.memory_space<vmem>>, vector<1x16xf32>,
          %parallel_loop3A_272 = arith.constant 0.000000e+00 : f32
          %parallel_loop3A_273 = vector.broadcast %parallel_loop3A_272 : f32 to vector<16xf32>
          %parallel_loop3A_274 = arith.subf %parallel_loop3A_273, %parallel_loop3A_266 : vector<16xf32>
          %parallel_loop3A_275 = math.exp %parallel_loop3A_274 : vector<16xf32>
          %parallel_loop3A_276 = arith.constant 1.000000e+00 : f32
          %parallel_loop3A_277 = vector.broadcast %parallel_loop3A_276 : f32 to vector<16xf32>
          %parallel_loop3A_278 = arith.addf %parallel_loop3A_277, %parallel_loop3A_275 : vector<16xf32>
          %parallel_loop3A_279 = arith.constant 1.000000e+00 : f32
          %parallel_loop3A_280 = vector.broadcast %parallel_loop3A_279 : f32 to vector<16xf32>
          %parallel_loop3A_281 = arith.divf %parallel_loop3A_280, %parallel_loop3A_278 : vector<16xf32>
          %parallel_loop3A_282 = arith.index_cast %parallel_loop3A_150 : i32 to index
          %parallel_loop3A_283 = arith.constant 48 : index
          %parallel_loop3A_284 = tpu.vector_load %arg11[%parallel_loop3A_282, %parallel_loop3A_283] {strides = array<i32>} : memref<128x128xf32, #tpu.memory_space<vmem>>, vector<1x16xf32>,
          %parallel_loop3A_285 = vector.shape_cast %parallel_loop3A_284 : vector<1x16xf32> to vector<16xf32>
          %parallel_loop3A_286 = vector.shape_cast %parallel_loop3A_281 : vector<16xf32> to vector<1x16xf32>
          tpu.vector_store %arg11[%parallel_loop3A_282, %parallel_loop3A_283], %parallel_loop3A_286 {strides = array<i32>} : memref<128x128xf32, #tpu.memory_space<vmem>>, vector<1x16xf32>,
          %parallel_loop3A_287 = arith.index_cast %parallel_loop3A_150 : i32 to index
          %parallel_loop3A_288 = arith.constant 64 : index
          %parallel_loop3A_289 = tpu.vector_load %arg11[%parallel_loop3A_287, %parallel_loop3A_288] {strides = array<i32>} : memref<128x128xf32, #tpu.memory_space<vmem>>, vector<1x16xf32>,
          %parallel_loop3A_290 = vector.shape_cast %parallel_loop3A_289 : vector<1x16xf32> to vector<16xf32>
          %parallel_loop3A_291 = arith.index_cast %parallel_loop3A_150 : i32 to index
          %parallel_loop3A_292 = arith.constant 64 : index
          %parallel_loop3A_293 = tpu.vector_load %arg12[%parallel_loop3A_291, %parallel_loop3A_292] {strides = array<i32>} : memref<128x128xf32, #tpu.memory_space<vmem>>, vector<1x16xf32>,
          %parallel_loop3A_294 = vector.shape_cast %parallel_loop3A_293 : vector<1x16xf32> to vector<16xf32>
          %parallel_loop3A_295 = arith.addf %parallel_loop3A_290, %parallel_loop3A_294 : vector<16xf32>
          %parallel_loop3A_296 = arith.index_cast %parallel_loop3A_150 : i32 to index
          %parallel_loop3A_297 = arith.constant 64 : index
          %parallel_loop3A_298 = tpu.vector_load %arg13[%parallel_loop3A_296, %parallel_loop3A_297] {strides = array<i32>} : memref<128x128xf32, #tpu.memory_space<vmem>>, vector<1x16xf32>,
          %parallel_loop3A_299 = vector.shape_cast %parallel_loop3A_298 : vector<1x16xf32> to vector<16xf32>
          %parallel_loop3A_300 = arith.addf %parallel_loop3A_295, %parallel_loop3A_299 : vector<16xf32>
          %parallel_loop3A_301 = arith.index_cast %parallel_loop3A_150 : i32 to index
          %parallel_loop3A_302 = arith.constant 64 : index
          %parallel_loop3A_303 = tpu.vector_load %arg13[%parallel_loop3A_301, %parallel_loop3A_302] {strides = array<i32>} : memref<128x128xf32, #tpu.memory_space<vmem>>, vector<1x16xf32>,
          %parallel_loop3A_304 = vector.shape_cast %parallel_loop3A_303 : vector<1x16xf32> to vector<16xf32>
          %parallel_loop3A_305 = vector.shape_cast %parallel_loop3A_300 : vector<16xf32> to vector<1x16xf32>
          tpu.vector_store %arg13[%parallel_loop3A_301, %parallel_loop3A_302], %parallel_loop3A_305 {strides = array<i32>} : memref<128x128xf32, #tpu.memory_space<vmem>>, vector<1x16xf32>,
          %parallel_loop3A_306 = arith.constant 0.000000e+00 : f32
          %parallel_loop3A_307 = vector.broadcast %parallel_loop3A_306 : f32 to vector<16xf32>
          %parallel_loop3A_308 = arith.subf %parallel_loop3A_307, %parallel_loop3A_300 : vector<16xf32>
          %parallel_loop3A_309 = math.exp %parallel_loop3A_308 : vector<16xf32>
          %parallel_loop3A_310 = arith.constant 1.000000e+00 : f32
          %parallel_loop3A_311 = vector.broadcast %parallel_loop3A_310 : f32 to vector<16xf32>
          %parallel_loop3A_312 = arith.addf %parallel_loop3A_311, %parallel_loop3A_309 : vector<16xf32>
          %parallel_loop3A_313 = arith.constant 1.000000e+00 : f32
          %parallel_loop3A_314 = vector.broadcast %parallel_loop3A_313 : f32 to vector<16xf32>
          %parallel_loop3A_315 = arith.divf %parallel_loop3A_314, %parallel_loop3A_312 : vector<16xf32>
          %parallel_loop3A_316 = arith.index_cast %parallel_loop3A_150 : i32 to index
          %parallel_loop3A_317 = arith.constant 64 : index
          %parallel_loop3A_318 = tpu.vector_load %arg11[%parallel_loop3A_316, %parallel_loop3A_317] {strides = array<i32>} : memref<128x128xf32, #tpu.memory_space<vmem>>, vector<1x16xf32>,
          %parallel_loop3A_319 = vector.shape_cast %parallel_loop3A_318 : vector<1x16xf32> to vector<16xf32>
          %parallel_loop3A_320 = vector.shape_cast %parallel_loop3A_315 : vector<16xf32> to vector<1x16xf32>
          tpu.vector_store %arg11[%parallel_loop3A_316, %parallel_loop3A_317], %parallel_loop3A_320 {strides = array<i32>} : memref<128x128xf32, #tpu.memory_space<vmem>>, vector<1x16xf32>,
          %parallel_loop3A_321 = arith.index_cast %parallel_loop3A_150 : i32 to index
          %parallel_loop3A_322 = arith.constant 80 : index
          %parallel_loop3A_323 = tpu.vector_load %arg11[%parallel_loop3A_321, %parallel_loop3A_322] {strides = array<i32>} : memref<128x128xf32, #tpu.memory_space<vmem>>, vector<1x16xf32>,
          %parallel_loop3A_324 = vector.shape_cast %parallel_loop3A_323 : vector<1x16xf32> to vector<16xf32>
          %parallel_loop3A_325 = arith.index_cast %parallel_loop3A_150 : i32 to index
          %parallel_loop3A_326 = arith.constant 80 : index
          %parallel_loop3A_327 = tpu.vector_load %arg12[%parallel_loop3A_325, %parallel_loop3A_326] {strides = array<i32>} : memref<128x128xf32, #tpu.memory_space<vmem>>, vector<1x16xf32>,
          %parallel_loop3A_328 = vector.shape_cast %parallel_loop3A_327 : vector<1x16xf32> to vector<16xf32>
          %parallel_loop3A_329 = arith.addf %parallel_loop3A_324, %parallel_loop3A_328 : vector<16xf32>
          %parallel_loop3A_330 = arith.index_cast %parallel_loop3A_150 : i32 to index
          %parallel_loop3A_331 = arith.constant 80 : index
          %parallel_loop3A_332 = tpu.vector_load %arg13[%parallel_loop3A_330, %parallel_loop3A_331] {strides = array<i32>} : memref<128x128xf32, #tpu.memory_space<vmem>>, vector<1x16xf32>,
          %parallel_loop3A_333 = vector.shape_cast %parallel_loop3A_332 : vector<1x16xf32> to vector<16xf32>
          %parallel_loop3A_334 = arith.addf %parallel_loop3A_329, %parallel_loop3A_333 : vector<16xf32>
          %parallel_loop3A_335 = arith.index_cast %parallel_loop3A_150 : i32 to index
          %parallel_loop3A_336 = arith.constant 80 : index
          %parallel_loop3A_337 = tpu.vector_load %arg13[%parallel_loop3A_335, %parallel_loop3A_336] {strides = array<i32>} : memref<128x128xf32, #tpu.memory_space<vmem>>, vector<1x16xf32>,
          %parallel_loop3A_338 = vector.shape_cast %parallel_loop3A_337 : vector<1x16xf32> to vector<16xf32>
          %parallel_loop3A_339 = vector.shape_cast %parallel_loop3A_334 : vector<16xf32> to vector<1x16xf32>
          tpu.vector_store %arg13[%parallel_loop3A_335, %parallel_loop3A_336], %parallel_loop3A_339 {strides = array<i32>} : memref<128x128xf32, #tpu.memory_space<vmem>>, vector<1x16xf32>,
          %parallel_loop3A_340 = arith.constant 0.000000e+00 : f32
          %parallel_loop3A_341 = vector.broadcast %parallel_loop3A_340 : f32 to vector<16xf32>
          %parallel_loop3A_342 = arith.subf %parallel_loop3A_341, %parallel_loop3A_334 : vector<16xf32>
          %parallel_loop3A_343 = math.exp %parallel_loop3A_342 : vector<16xf32>
          %parallel_loop3A_344 = arith.constant 1.000000e+00 : f32
          %parallel_loop3A_345 = vector.broadcast %parallel_loop3A_344 : f32 to vector<16xf32>
          %parallel_loop3A_346 = arith.addf %parallel_loop3A_345, %parallel_loop3A_343 : vector<16xf32>
          %parallel_loop3A_347 = arith.constant 1.000000e+00 : f32
          %parallel_loop3A_348 = vector.broadcast %parallel_loop3A_347 : f32 to vector<16xf32>
          %parallel_loop3A_349 = arith.divf %parallel_loop3A_348, %parallel_loop3A_346 : vector<16xf32>
          %parallel_loop3A_350 = arith.index_cast %parallel_loop3A_150 : i32 to index
          %parallel_loop3A_351 = arith.constant 80 : index
          %parallel_loop3A_352 = tpu.vector_load %arg11[%parallel_loop3A_350, %parallel_loop3A_351] {strides = array<i32>} : memref<128x128xf32, #tpu.memory_space<vmem>>, vector<1x16xf32>,
          %parallel_loop3A_353 = vector.shape_cast %parallel_loop3A_352 : vector<1x16xf32> to vector<16xf32>
          %parallel_loop3A_354 = vector.shape_cast %parallel_loop3A_349 : vector<16xf32> to vector<1x16xf32>
          tpu.vector_store %arg11[%parallel_loop3A_350, %parallel_loop3A_351], %parallel_loop3A_354 {strides = array<i32>} : memref<128x128xf32, #tpu.memory_space<vmem>>, vector<1x16xf32>,
          %parallel_loop3A_355 = arith.index_cast %parallel_loop3A_150 : i32 to index
          %parallel_loop3A_356 = arith.constant 96 : index
          %parallel_loop3A_357 = tpu.vector_load %arg11[%parallel_loop3A_355, %parallel_loop3A_356] {strides = array<i32>} : memref<128x128xf32, #tpu.memory_space<vmem>>, vector<1x16xf32>,
          %parallel_loop3A_358 = vector.shape_cast %parallel_loop3A_357 : vector<1x16xf32> to vector<16xf32>
          %parallel_loop3A_359 = arith.index_cast %parallel_loop3A_150 : i32 to index
          %parallel_loop3A_360 = arith.constant 96 : index
          %parallel_loop3A_361 = tpu.vector_load %arg12[%parallel_loop3A_359, %parallel_loop3A_360] {strides = array<i32>} : memref<128x128xf32, #tpu.memory_space<vmem>>, vector<1x16xf32>,
          %parallel_loop3A_362 = vector.shape_cast %parallel_loop3A_361 : vector<1x16xf32> to vector<16xf32>
          %parallel_loop3A_363 = arith.addf %parallel_loop3A_358, %parallel_loop3A_362 : vector<16xf32>
          %parallel_loop3A_364 = arith.index_cast %parallel_loop3A_150 : i32 to index
          %parallel_loop3A_365 = arith.constant 96 : index
          %parallel_loop3A_366 = tpu.vector_load %arg13[%parallel_loop3A_364, %parallel_loop3A_365] {strides = array<i32>} : memref<128x128xf32, #tpu.memory_space<vmem>>, vector<1x16xf32>,
          %parallel_loop3A_367 = vector.shape_cast %parallel_loop3A_366 : vector<1x16xf32> to vector<16xf32>
          %parallel_loop3A_368 = arith.addf %parallel_loop3A_363, %parallel_loop3A_367 : vector<16xf32>
          %parallel_loop3A_369 = arith.index_cast %parallel_loop3A_150 : i32 to index
          %parallel_loop3A_370 = arith.constant 96 : index
          %parallel_loop3A_371 = tpu.vector_load %arg13[%parallel_loop3A_369, %parallel_loop3A_370] {strides = array<i32>} : memref<128x128xf32, #tpu.memory_space<vmem>>, vector<1x16xf32>,
          %parallel_loop3A_372 = vector.shape_cast %parallel_loop3A_371 : vector<1x16xf32> to vector<16xf32>
          %parallel_loop3A_373 = vector.shape_cast %parallel_loop3A_368 : vector<16xf32> to vector<1x16xf32>
          tpu.vector_store %arg13[%parallel_loop3A_369, %parallel_loop3A_370], %parallel_loop3A_373 {strides = array<i32>} : memref<128x128xf32, #tpu.memory_space<vmem>>, vector<1x16xf32>,
          %parallel_loop3A_374 = arith.constant 0.000000e+00 : f32
          %parallel_loop3A_375 = vector.broadcast %parallel_loop3A_374 : f32 to vector<16xf32>
          %parallel_loop3A_376 = arith.subf %parallel_loop3A_375, %parallel_loop3A_368 : vector<16xf32>
          %parallel_loop3A_377 = math.exp %parallel_loop3A_376 : vector<16xf32>
          %parallel_loop3A_378 = arith.constant 1.000000e+00 : f32
          %parallel_loop3A_379 = vector.broadcast %parallel_loop3A_378 : f32 to vector<16xf32>
          %parallel_loop3A_380 = arith.addf %parallel_loop3A_379, %parallel_loop3A_377 : vector<16xf32>
          %parallel_loop3A_381 = arith.constant 1.000000e+00 : f32
          %parallel_loop3A_382 = vector.broadcast %parallel_loop3A_381 : f32 to vector<16xf32>
          %parallel_loop3A_383 = arith.divf %parallel_loop3A_382, %parallel_loop3A_380 : vector<16xf32>
          %parallel_loop3A_384 = arith.index_cast %parallel_loop3A_150 : i32 to index
          %parallel_loop3A_385 = arith.constant 96 : index
          %parallel_loop3A_386 = tpu.vector_load %arg11[%parallel_loop3A_384, %parallel_loop3A_385] {strides = array<i32>} : memref<128x128xf32, #tpu.memory_space<vmem>>, vector<1x16xf32>,
          %parallel_loop3A_387 = vector.shape_cast %parallel_loop3A_386 : vector<1x16xf32> to vector<16xf32>
          %parallel_loop3A_388 = vector.shape_cast %parallel_loop3A_383 : vector<16xf32> to vector<1x16xf32>
          tpu.vector_store %arg11[%parallel_loop3A_384, %parallel_loop3A_385], %parallel_loop3A_388 {strides = array<i32>} : memref<128x128xf32, #tpu.memory_space<vmem>>, vector<1x16xf32>,
          %parallel_loop3A_389 = arith.index_cast %parallel_loop3A_150 : i32 to index
          %parallel_loop3A_390 = arith.constant 112 : index
          %parallel_loop3A_391 = tpu.vector_load %arg11[%parallel_loop3A_389, %parallel_loop3A_390] {strides = array<i32>} : memref<128x128xf32, #tpu.memory_space<vmem>>, vector<1x16xf32>,
          %parallel_loop3A_392 = vector.shape_cast %parallel_loop3A_391 : vector<1x16xf32> to vector<16xf32>
          %parallel_loop3A_393 = arith.index_cast %parallel_loop3A_150 : i32 to index
          %parallel_loop3A_394 = arith.constant 112 : index
          %parallel_loop3A_395 = tpu.vector_load %arg12[%parallel_loop3A_393, %parallel_loop3A_394] {strides = array<i32>} : memref<128x128xf32, #tpu.memory_space<vmem>>, vector<1x16xf32>,
          %parallel_loop3A_396 = vector.shape_cast %parallel_loop3A_395 : vector<1x16xf32> to vector<16xf32>
          %parallel_loop3A_397 = arith.addf %parallel_loop3A_392, %parallel_loop3A_396 : vector<16xf32>
          %parallel_loop3A_398 = arith.index_cast %parallel_loop3A_150 : i32 to index
          %parallel_loop3A_399 = arith.constant 112 : index
          %parallel_loop3A_400 = tpu.vector_load %arg13[%parallel_loop3A_398, %parallel_loop3A_399] {strides = array<i32>} : memref<128x128xf32, #tpu.memory_space<vmem>>, vector<1x16xf32>,
          %parallel_loop3A_401 = vector.shape_cast %parallel_loop3A_400 : vector<1x16xf32> to vector<16xf32>
          %parallel_loop3A_402 = arith.addf %parallel_loop3A_397, %parallel_loop3A_401 : vector<16xf32>
          %parallel_loop3A_403 = arith.index_cast %parallel_loop3A_150 : i32 to index
          %parallel_loop3A_404 = arith.constant 112 : index
          %parallel_loop3A_405 = tpu.vector_load %arg13[%parallel_loop3A_403, %parallel_loop3A_404] {strides = array<i32>} : memref<128x128xf32, #tpu.memory_space<vmem>>, vector<1x16xf32>,
          %parallel_loop3A_406 = vector.shape_cast %parallel_loop3A_405 : vector<1x16xf32> to vector<16xf32>
          %parallel_loop3A_407 = vector.shape_cast %parallel_loop3A_402 : vector<16xf32> to vector<1x16xf32>
          tpu.vector_store %arg13[%parallel_loop3A_403, %parallel_loop3A_404], %parallel_loop3A_407 {strides = array<i32>} : memref<128x128xf32, #tpu.memory_space<vmem>>, vector<1x16xf32>,
          %parallel_loop3A_408 = arith.constant 0.000000e+00 : f32
          %parallel_loop3A_409 = vector.broadcast %parallel_loop3A_408 : f32 to vector<16xf32>
          %parallel_loop3A_410 = arith.subf %parallel_loop3A_409, %parallel_loop3A_402 : vector<16xf32>
          %parallel_loop3A_411 = math.exp %parallel_loop3A_410 : vector<16xf32>
          %parallel_loop3A_412 = arith.constant 1.000000e+00 : f32
          %parallel_loop3A_413 = vector.broadcast %parallel_loop3A_412 : f32 to vector<16xf32>
          %parallel_loop3A_414 = arith.addf %parallel_loop3A_413, %parallel_loop3A_411 : vector<16xf32>
          %parallel_loop3A_415 = arith.constant 1.000000e+00 : f32
          %parallel_loop3A_416 = vector.broadcast %parallel_loop3A_415 : f32 to vector<16xf32>
          %parallel_loop3A_417 = arith.divf %parallel_loop3A_416, %parallel_loop3A_414 : vector<16xf32>
          %parallel_loop3A_418 = arith.index_cast %parallel_loop3A_150 : i32 to index
          %parallel_loop3A_419 = arith.constant 112 : index
          %parallel_loop3A_420 = tpu.vector_load %arg11[%parallel_loop3A_418, %parallel_loop3A_419] {strides = array<i32>} : memref<128x128xf32, #tpu.memory_space<vmem>>, vector<1x16xf32>,
          %parallel_loop3A_421 = vector.shape_cast %parallel_loop3A_420 : vector<1x16xf32> to vector<16xf32>
          %parallel_loop3A_422 = vector.shape_cast %parallel_loop3A_417 : vector<16xf32> to vector<1x16xf32>
          tpu.vector_store %arg11[%parallel_loop3A_418, %parallel_loop3A_419], %parallel_loop3A_422 {strides = array<i32>} : memref<128x128xf32, #tpu.memory_space<vmem>>, vector<1x16xf32>,
        } {sc.loop_unroll_factor = 4 : i64, sc.parallel_access}
        "tpu.region"() ({
          %run_scoped3A = tpu.sem_alloc : memref<!tpu.dma_semaphore, #tpu.memory_space<semaphore_mem>>
          %dma_start3A_150 = arith.constant 0 : i32
          %dma_start3A_151 = tpu.memref_slice %arg7[%multiple_of3A, %dma_start3A_150] : memref<320000x128xf32, #tpu.memory_space<hbm>> -> memref<128x128xf32, #tpu.memory_space<hbm>>
          %dma_start3A_152 = arith.constant 0 : i32
          %dma_start3A_153 = tpu.memref_slice %arg7[%multiple_of3A, %dma_start3A_152] : memref<320000x128xf32, #tpu.memory_space<hbm>> -> memref<128x128xf32, #tpu.memory_space<hbm>>
          tpu.enqueue_dma source(%arg13 : memref<128x128xf32, #tpu.memory_space<vmem>>) target(%dma_start3A_153 : memref<128x128xf32, #tpu.memory_space<hbm>>) target_semaphore(%run_scoped3A : memref<!tpu.dma_semaphore, #tpu.memory_space<semaphore_mem>>)
          %dma_wait3A_154 = arith.constant 0 : i32
          %dma_wait3A_155 = tpu.memref_slice %arg7[%multiple_of3A, %dma_wait3A_154] : memref<320000x128xf32, #tpu.memory_space<hbm>> -> memref<128x128xf32, #tpu.memory_space<hbm>>
          %dma_wait3A_156 = arith.constant 0 : i32
          %dma_wait3A_157 = tpu.memref_slice %arg7[%multiple_of3A, %dma_wait3A_156] : memref<320000x128xf32, #tpu.memory_space<hbm>> -> memref<128x128xf32, #tpu.memory_space<hbm>>
          tpu.wait_dma2 semaphore(%run_scoped3A : memref<!tpu.dma_semaphore, #tpu.memory_space<semaphore_mem>>) src(%arg13 : memref<128x128xf32, #tpu.memory_space<vmem>>) dst(%dma_wait3A_157 : memref<128x128xf32, #tpu.memory_space<hbm>>)
          tpu.yield
        }) : () -> ()
        "tpu.region"() ({
          %run_scoped3A = tpu.sem_alloc : memref<!tpu.dma_semaphore, #tpu.memory_space<semaphore_mem>>
          %dma_start3A_150 = arith.constant 0 : i32
          %dma_start3A_151 = arith.constant 0 : i32
          %dma_start3A_152 = tpu.memref_slice %arg14[%dma_start3A_150, %dma_start3A_151] : memref<10000x128xf32, #tpu.memory_space<vmem_shared>> -> memref<10000x128xf32, #tpu.memory_space<vmem_shared>>
          tpu.enqueue_indirect_dma source(%arg11 : memref<128x128xf32, #tpu.memory_space<vmem>>) target(%dma_start3A_152 : memref<10000x128xf32, #tpu.memory_space<vmem_shared>>) offsets(%arg10 : memref<128xi32, #tpu.memory_space<vmem>>) semaphore(%run_scoped3A : memref<!tpu.dma_semaphore, #tpu.memory_space<semaphore_mem>>) {add = true}
          %dma_wait3A_153 = arith.constant 0 : i32
          %dma_wait3A_154 = arith.constant 0 : i32
          %dma_wait3A_155 = tpu.memref_slice %arg14[%dma_wait3A_153, %dma_wait3A_154] : memref<10000x128xf32, #tpu.memory_space<vmem_shared>> -> memref<10000x128xf32, #tpu.memory_space<vmem_shared>>
          tpu.wait_indirect_dma semaphore(%run_scoped3A : memref<!tpu.dma_semaphore, #tpu.memory_space<semaphore_mem>>) src(%arg11 : memref<128x128xf32, #tpu.memory_space<vmem>>) dst(%dma_wait3A_155 : memref<10000x128xf32, #tpu.memory_space<vmem_shared>>)
          tpu.yield
        }) : () -> ()
      } else {
      }
      %scan3A_135 = arith.constant 0 : i32
      scf.yield %scan3A_135 : i32
    }
    %scan3A_67 = arith.constant 79 : i32
    %barrier3A_68 = arith.constant 0 : index
    tpu.barrier barrier_id(%barrier3A_68)
    %add3A_69 = arith.constant 0 : i32
    %add3A_70 = arith.addi %add3A_69, %arg1 : i32
    %lt3A_71 = arith.constant 125 : i32
    %lt3A_72 = arith.cmpi slt, %add3A_70, %lt3A_71 : i32
    %convert_element_type3A_73 = arith.extui %lt3A_72 : i1 to i32
    %cond3A_74 = arith.constant 0 : i32
    %cond3A_75 = arith.cmpi ne, %convert_element_type3A_73, %cond3A_74 : i32
    scf.if %cond3A_75 {
      %mul3A_125 = arith.constant 80 : i32
      %mul3A_126 = arith.muli %add3A_70, %mul3A_125 : i32
      %multiple_of3A = tpu.assume_multiple %mul3A_126, 8 : i32
      "tpu.region"() ({
        %run_scoped3A = tpu.sem_alloc : memref<!tpu.dma_semaphore, #tpu.memory_space<semaphore_mem>>
        %dma_start3A = arith.constant 0 : i32
        %dma_start3A_127 = arith.constant 0 : i32
        %dma_start3A_128 = tpu.memref_slice %arg11[%dma_start3A, %dma_start3A_127] : memref<128x128xf32, #tpu.memory_space<vmem>> -> memref<80x128xf32, #tpu.memory_space<vmem>>
        %dma_start3A_129 = arith.constant 0 : i32
        %dma_start3A_130 = tpu.memref_slice %arg14[%multiple_of3A, %dma_start3A_129] : memref<10000x128xf32, #tpu.memory_space<vmem_shared>> -> memref<80x128xf32, #tpu.memory_space<vmem_shared>>
        %dma_start3A_131 = arith.constant 0 : i32
        %dma_start3A_132 = arith.constant 0 : i32
        %dma_start3A_133 = tpu.memref_slice %arg11[%dma_start3A_131, %dma_start3A_132] : memref<128x128xf32, #tpu.memory_space<vmem>> -> memref<80x128xf32, #tpu.memory_space<vmem>>
        %dma_start3A_134 = arith.constant 0 : i32
        %dma_start3A_135 = tpu.memref_slice %arg14[%multiple_of3A, %dma_start3A_134] : memref<10000x128xf32, #tpu.memory_space<vmem_shared>> -> memref<80x128xf32, #tpu.memory_space<vmem_shared>>
        tpu.enqueue_dma source(%dma_start3A_135 : memref<80x128xf32, #tpu.memory_space<vmem_shared>>) target(%dma_start3A_133 : memref<80x128xf32, #tpu.memory_space<vmem>>) target_semaphore(%run_scoped3A : memref<!tpu.dma_semaphore, #tpu.memory_space<semaphore_mem>>)
        %dma_wait3A = arith.constant 0 : i32
        %dma_wait3A_136 = arith.constant 0 : i32
        %dma_wait3A_137 = tpu.memref_slice %arg11[%dma_wait3A, %dma_wait3A_136] : memref<128x128xf32, #tpu.memory_space<vmem>> -> memref<80x128xf32, #tpu.memory_space<vmem>>
        %dma_wait3A_138 = arith.constant 0 : i32
        %dma_wait3A_139 = tpu.memref_slice %arg14[%multiple_of3A, %dma_wait3A_138] : memref<10000x128xf32, #tpu.memory_space<vmem_shared>> -> memref<80x128xf32, #tpu.memory_space<vmem_shared>>
        %dma_wait3A_140 = arith.constant 0 : i32
        %dma_wait3A_141 = arith.constant 0 : i32
        %dma_wait3A_142 = tpu.memref_slice %arg11[%dma_wait3A_140, %dma_wait3A_141] : memref<128x128xf32, #tpu.memory_space<vmem>> -> memref<80x128xf32, #tpu.memory_space<vmem>>
        %dma_wait3A_143 = arith.constant 0 : i32
        %dma_wait3A_144 = tpu.memref_slice %arg14[%multiple_of3A, %dma_wait3A_143] : memref<10000x128xf32, #tpu.memory_space<vmem_shared>> -> memref<80x128xf32, #tpu.memory_space<vmem_shared>>
        tpu.wait_dma2 semaphore(%run_scoped3A : memref<!tpu.dma_semaphore, #tpu.memory_space<semaphore_mem>>) src(%dma_wait3A_144 : memref<80x128xf32, #tpu.memory_space<vmem_shared>>) dst(%dma_wait3A_142 : memref<80x128xf32, #tpu.memory_space<vmem>>)
        tpu.yield
      }) : () -> ()
      "tpu.region"() ({
        %run_scoped3A = tpu.sem_alloc : memref<!tpu.dma_semaphore, #tpu.memory_space<semaphore_mem>>
        %dma_start3A = arith.constant 0 : i32
        %dma_start3A_127 = arith.constant 0 : i32
        %dma_start3A_128 = tpu.memref_slice %arg11[%dma_start3A, %dma_start3A_127] : memref<128x128xf32, #tpu.memory_space<vmem>> -> memref<80x128xf32, #tpu.memory_space<vmem>>
        %dma_start3A_129 = arith.constant 0 : i32
        %dma_start3A_130 = tpu.memref_slice %arg8[%arg0, %multiple_of3A, %dma_start3A_129] : memref<2x10000x128xf32, #tpu.memory_space<hbm>> -> memref<1x80x128xf32, #tpu.memory_space<hbm>>
        %dma_start3A_131 = tpu.memref_squeeze %dma_start3A_130 : memref<1x80x128xf32, #tpu.memory_space<hbm>> -> memref<80x128xf32, #tpu.memory_space<hbm>>
        %dma_start3A_132 = arith.constant 0 : i32
        %dma_start3A_133 = tpu.memref_slice %arg8[%arg0, %multiple_of3A, %dma_start3A_132] : memref<2x10000x128xf32, #tpu.memory_space<hbm>> -> memref<1x80x128xf32, #tpu.memory_space<hbm>>
        %dma_start3A_134 = tpu.memref_squeeze %dma_start3A_133 : memref<1x80x128xf32, #tpu.memory_space<hbm>> -> memref<80x128xf32, #tpu.memory_space<hbm>>
        %dma_start3A_135 = arith.constant 0 : i32
        %dma_start3A_136 = arith.constant 0 : i32
        %dma_start3A_137 = tpu.memref_slice %arg11[%dma_start3A_135, %dma_start3A_136] : memref<128x128xf32, #tpu.memory_space<vmem>> -> memref<80x128xf32, #tpu.memory_space<vmem>>
        tpu.enqueue_dma source(%dma_start3A_137 : memref<80x128xf32, #tpu.memory_space<vmem>>) target(%dma_start3A_134 : memref<80x128xf32, #tpu.memory_space<hbm>>) target_semaphore(%run_scoped3A : memref<!tpu.dma_semaphore, #tpu.memory_space<semaphore_mem>>)
        %dma_wait3A = arith.constant 0 : i32
        %dma_wait3A_138 = arith.constant 0 : i32
        %dma_wait3A_139 = tpu.memref_slice %arg11[%dma_wait3A, %dma_wait3A_138] : memref<128x128xf32, #tpu.memory_space<vmem>> -> memref<80x128xf32, #tpu.memory_space<vmem>>
        %dma_wait3A_140 = arith.constant 0 : i32
        %dma_wait3A_141 = tpu.memref_slice %arg8[%arg0, %multiple_of3A, %dma_wait3A_140] : memref<2x10000x128xf32, #tpu.memory_space<hbm>> -> memref<1x80x128xf32, #tpu.memory_space<hbm>>
        %dma_wait3A_142 = tpu.memref_squeeze %dma_wait3A_141 : memref<1x80x128xf32, #tpu.memory_space<hbm>> -> memref<80x128xf32, #tpu.memory_space<hbm>>
        %dma_wait3A_143 = arith.constant 0 : i32
        %dma_wait3A_144 = tpu.memref_slice %arg8[%arg0, %multiple_of3A, %dma_wait3A_143] : memref<2x10000x128xf32, #tpu.memory_space<hbm>> -> memref<1x80x128xf32, #tpu.memory_space<hbm>>
        %dma_wait3A_145 = tpu.memref_squeeze %dma_wait3A_144 : memref<1x80x128xf32, #tpu.memory_space<hbm>> -> memref<80x128xf32, #tpu.memory_space<hbm>>
        %dma_wait3A_146 = arith.constant 0 : i32
        %dma_wait3A_147 = arith.constant 0 : i32
        %dma_wait3A_148 = tpu.memref_slice %arg11[%dma_wait3A_146, %dma_wait3A_147] : memref<128x128xf32, #tpu.memory_space<vmem>> -> memref<80x128xf32, #tpu.memory_space<vmem>>
        tpu.wait_dma2 semaphore(%run_scoped3A : memref<!tpu.dma_semaphore, #tpu.memory_space<semaphore_mem>>) src(%dma_wait3A_148 : memref<80x128xf32, #tpu.memory_space<vmem>>) dst(%dma_wait3A_145 : memref<80x128xf32, #tpu.memory_space<hbm>>)
        tpu.yield
      }) : () -> ()
    } else {
    }
    %add3A_76 = arith.constant 16 : i32
    %add3A_77 = arith.addi %add3A_76, %arg1 : i32
    %lt3A_78 = arith.constant 125 : i32
    %lt3A_79 = arith.cmpi slt, %add3A_77, %lt3A_78 : i32
    %convert_element_type3A_80 = arith.extui %lt3A_79 : i1 to i32
    %cond3A_81 = arith.constant 0 : i32
    %cond3A_82 = arith.cmpi ne, %convert_element_type3A_80, %cond3A_81 : i32
    scf.if %cond3A_82 {
      %mul3A_125 = arith.constant 80 : i32
      %mul3A_126 = arith.muli %add3A_77, %mul3A_125 : i32
      %multiple_of3A = tpu.assume_multiple %mul3A_126, 8 : i32
      "tpu.region"() ({
        %run_scoped3A = tpu.sem_alloc : memref<!tpu.dma_semaphore, #tpu.memory_space<semaphore_mem>>
        %dma_start3A = arith.constant 0 : i32
        %dma_start3A_127 = arith.constant 0 : i32
        %dma_start3A_128 = tpu.memref_slice %arg11[%dma_start3A, %dma_start3A_127] : memref<128x128xf32, #tpu.memory_space<vmem>> -> memref<80x128xf32, #tpu.memory_space<vmem>>
        %dma_start3A_129 = arith.constant 0 : i32
        %dma_start3A_130 = tpu.memref_slice %arg14[%multiple_of3A, %dma_start3A_129] : memref<10000x128xf32, #tpu.memory_space<vmem_shared>> -> memref<80x128xf32, #tpu.memory_space<vmem_shared>>
        %dma_start3A_131 = arith.constant 0 : i32
        %dma_start3A_132 = arith.constant 0 : i32
        %dma_start3A_133 = tpu.memref_slice %arg11[%dma_start3A_131, %dma_start3A_132] : memref<128x128xf32, #tpu.memory_space<vmem>> -> memref<80x128xf32, #tpu.memory_space<vmem>>
        %dma_start3A_134 = arith.constant 0 : i32
        %dma_start3A_135 = tpu.memref_slice %arg14[%multiple_of3A, %dma_start3A_134] : memref<10000x128xf32, #tpu.memory_space<vmem_shared>> -> memref<80x128xf32, #tpu.memory_space<vmem_shared>>
        tpu.enqueue_dma source(%dma_start3A_135 : memref<80x128xf32, #tpu.memory_space<vmem_shared>>) target(%dma_start3A_133 : memref<80x128xf32, #tpu.memory_space<vmem>>) target_semaphore(%run_scoped3A : memref<!tpu.dma_semaphore, #tpu.memory_space<semaphore_mem>>)
        %dma_wait3A = arith.constant 0 : i32
        %dma_wait3A_136 = arith.constant 0 : i32
        %dma_wait3A_137 = tpu.memref_slice %arg11[%dma_wait3A, %dma_wait3A_136] : memref<128x128xf32, #tpu.memory_space<vmem>> -> memref<80x128xf32, #tpu.memory_space<vmem>>
        %dma_wait3A_138 = arith.constant 0 : i32
        %dma_wait3A_139 = tpu.memref_slice %arg14[%multiple_of3A, %dma_wait3A_138] : memref<10000x128xf32, #tpu.memory_space<vmem_shared>> -> memref<80x128xf32, #tpu.memory_space<vmem_shared>>
        %dma_wait3A_140 = arith.constant 0 : i32
        %dma_wait3A_141 = arith.constant 0 : i32
        %dma_wait3A_142 = tpu.memref_slice %arg11[%dma_wait3A_140, %dma_wait3A_141] : memref<128x128xf32, #tpu.memory_space<vmem>> -> memref<80x128xf32, #tpu.memory_space<vmem>>
        %dma_wait3A_143 = arith.constant 0 : i32
        %dma_wait3A_144 = tpu.memref_slice %arg14[%multiple_of3A, %dma_wait3A_143] : memref<10000x128xf32, #tpu.memory_space<vmem_shared>> -> memref<80x128xf32, #tpu.memory_space<vmem_shared>>
        tpu.wait_dma2 semaphore(%run_scoped3A : memref<!tpu.dma_semaphore, #tpu.memory_space<semaphore_mem>>) src(%dma_wait3A_144 : memref<80x128xf32, #tpu.memory_space<vmem_shared>>) dst(%dma_wait3A_142 : memref<80x128xf32, #tpu.memory_space<vmem>>)
        tpu.yield
      }) : () -> ()
      "tpu.region"() ({
        %run_scoped3A = tpu.sem_alloc : memref<!tpu.dma_semaphore, #tpu.memory_space<semaphore_mem>>
        %dma_start3A = arith.constant 0 : i32
        %dma_start3A_127 = arith.constant 0 : i32
        %dma_start3A_128 = tpu.memref_slice %arg11[%dma_start3A, %dma_start3A_127] : memref<128x128xf32, #tpu.memory_space<vmem>> -> memref<80x128xf32, #tpu.memory_space<vmem>>
        %dma_start3A_129 = arith.constant 0 : i32
        %dma_start3A_130 = tpu.memref_slice %arg8[%arg0, %multiple_of3A, %dma_start3A_129] : memref<2x10000x128xf32, #tpu.memory_space<hbm>> -> memref<1x80x128xf32, #tpu.memory_space<hbm>>
        %dma_start3A_131 = tpu.memref_squeeze %dma_start3A_130 : memref<1x80x128xf32, #tpu.memory_space<hbm>> -> memref<80x128xf32, #tpu.memory_space<hbm>>
        %dma_start3A_132 = arith.constant 0 : i32
        %dma_start3A_133 = tpu.memref_slice %arg8[%arg0, %multiple_of3A, %dma_start3A_132] : memref<2x10000x128xf32, #tpu.memory_space<hbm>> -> memref<1x80x128xf32, #tpu.memory_space<hbm>>
        %dma_start3A_134 = tpu.memref_squeeze %dma_start3A_133 : memref<1x80x128xf32, #tpu.memory_space<hbm>> -> memref<80x128xf32, #tpu.memory_space<hbm>>
        %dma_start3A_135 = arith.constant 0 : i32
        %dma_start3A_136 = arith.constant 0 : i32
        %dma_start3A_137 = tpu.memref_slice %arg11[%dma_start3A_135, %dma_start3A_136] : memref<128x128xf32, #tpu.memory_space<vmem>> -> memref<80x128xf32, #tpu.memory_space<vmem>>
        tpu.enqueue_dma source(%dma_start3A_137 : memref<80x128xf32, #tpu.memory_space<vmem>>) target(%dma_start3A_134 : memref<80x128xf32, #tpu.memory_space<hbm>>) target_semaphore(%run_scoped3A : memref<!tpu.dma_semaphore, #tpu.memory_space<semaphore_mem>>)
        %dma_wait3A = arith.constant 0 : i32
        %dma_wait3A_138 = arith.constant 0 : i32
        %dma_wait3A_139 = tpu.memref_slice %arg11[%dma_wait3A, %dma_wait3A_138] : memref<128x128xf32, #tpu.memory_space<vmem>> -> memref<80x128xf32, #tpu.memory_space<vmem>>
        %dma_wait3A_140 = arith.constant 0 : i32
        %dma_wait3A_141 = tpu.memref_slice %arg8[%arg0, %multiple_of3A, %dma_wait3A_140] : memref<2x10000x128xf32, #tpu.memory_space<hbm>> -> memref<1x80x128xf32, #tpu.memory_space<hbm>>
        %dma_wait3A_142 = tpu.memref_squeeze %dma_wait3A_141 : memref<1x80x128xf32, #tpu.memory_space<hbm>> -> memref<80x128xf32, #tpu.memory_space<hbm>>
        %dma_wait3A_143 = arith.constant 0 : i32
        %dma_wait3A_144 = tpu.memref_slice %arg8[%arg0, %multiple_of3A, %dma_wait3A_143] : memref<2x10000x128xf32, #tpu.memory_space<hbm>> -> memref<1x80x128xf32, #tpu.memory_space<hbm>>
        %dma_wait3A_145 = tpu.memref_squeeze %dma_wait3A_144 : memref<1x80x128xf32, #tpu.memory_space<hbm>> -> memref<80x128xf32, #tpu.memory_space<hbm>>
        %dma_wait3A_146 = arith.constant 0 : i32
        %dma_wait3A_147 = arith.constant 0 : i32
        %dma_wait3A_148 = tpu.memref_slice %arg11[%dma_wait3A_146, %dma_wait3A_147] : memref<128x128xf32, #tpu.memory_space<vmem>> -> memref<80x128xf32, #tpu.memory_space<vmem>>
        tpu.wait_dma2 semaphore(%run_scoped3A : memref<!tpu.dma_semaphore, #tpu.memory_space<semaphore_mem>>) src(%dma_wait3A_148 : memref<80x128xf32, #tpu.memory_space<vmem>>) dst(%dma_wait3A_145 : memref<80x128xf32, #tpu.memory_space<hbm>>)
        tpu.yield
      }) : () -> ()
    } else {
    }
    %add3A_83 = arith.constant 32 : i32
    %add3A_84 = arith.addi %add3A_83, %arg1 : i32
    %lt3A_85 = arith.constant 125 : i32
    %lt3A_86 = arith.cmpi slt, %add3A_84, %lt3A_85 : i32
    %convert_element_type3A_87 = arith.extui %lt3A_86 : i1 to i32
    %cond3A_88 = arith.constant 0 : i32
    %cond3A_89 = arith.cmpi ne, %convert_element_type3A_87, %cond3A_88 : i32
    scf.if %cond3A_89 {
      %mul3A_125 = arith.constant 80 : i32
      %mul3A_126 = arith.muli %add3A_84, %mul3A_125 : i32
      %multiple_of3A = tpu.assume_multiple %mul3A_126, 8 : i32
      "tpu.region"() ({
        %run_scoped3A = tpu.sem_alloc : memref<!tpu.dma_semaphore, #tpu.memory_space<semaphore_mem>>
        %dma_start3A = arith.constant 0 : i32
        %dma_start3A_127 = arith.constant 0 : i32
        %dma_start3A_128 = tpu.memref_slice %arg11[%dma_start3A, %dma_start3A_127] : memref<128x128xf32, #tpu.memory_space<vmem>> -> memref<80x128xf32, #tpu.memory_space<vmem>>
        %dma_start3A_129 = arith.constant 0 : i32
        %dma_start3A_130 = tpu.memref_slice %arg14[%multiple_of3A, %dma_start3A_129] : memref<10000x128xf32, #tpu.memory_space<vmem_shared>> -> memref<80x128xf32, #tpu.memory_space<vmem_shared>>
        %dma_start3A_131 = arith.constant 0 : i32
        %dma_start3A_132 = arith.constant 0 : i32
        %dma_start3A_133 = tpu.memref_slice %arg11[%dma_start3A_131, %dma_start3A_132] : memref<128x128xf32, #tpu.memory_space<vmem>> -> memref<80x128xf32, #tpu.memory_space<vmem>>
        %dma_start3A_134 = arith.constant 0 : i32
        %dma_start3A_135 = tpu.memref_slice %arg14[%multiple_of3A, %dma_start3A_134] : memref<10000x128xf32, #tpu.memory_space<vmem_shared>> -> memref<80x128xf32, #tpu.memory_space<vmem_shared>>
        tpu.enqueue_dma source(%dma_start3A_135 : memref<80x128xf32, #tpu.memory_space<vmem_shared>>) target(%dma_start3A_133 : memref<80x128xf32, #tpu.memory_space<vmem>>) target_semaphore(%run_scoped3A : memref<!tpu.dma_semaphore, #tpu.memory_space<semaphore_mem>>)
        %dma_wait3A = arith.constant 0 : i32
        %dma_wait3A_136 = arith.constant 0 : i32
        %dma_wait3A_137 = tpu.memref_slice %arg11[%dma_wait3A, %dma_wait3A_136] : memref<128x128xf32, #tpu.memory_space<vmem>> -> memref<80x128xf32, #tpu.memory_space<vmem>>
        %dma_wait3A_138 = arith.constant 0 : i32
        %dma_wait3A_139 = tpu.memref_slice %arg14[%multiple_of3A, %dma_wait3A_138] : memref<10000x128xf32, #tpu.memory_space<vmem_shared>> -> memref<80x128xf32, #tpu.memory_space<vmem_shared>>
        %dma_wait3A_140 = arith.constant 0 : i32
        %dma_wait3A_141 = arith.constant 0 : i32
        %dma_wait3A_142 = tpu.memref_slice %arg11[%dma_wait3A_140, %dma_wait3A_141] : memref<128x128xf32, #tpu.memory_space<vmem>> -> memref<80x128xf32, #tpu.memory_space<vmem>>
        %dma_wait3A_143 = arith.constant 0 : i32
        %dma_wait3A_144 = tpu.memref_slice %arg14[%multiple_of3A, %dma_wait3A_143] : memref<10000x128xf32, #tpu.memory_space<vmem_shared>> -> memref<80x128xf32, #tpu.memory_space<vmem_shared>>
        tpu.wait_dma2 semaphore(%run_scoped3A : memref<!tpu.dma_semaphore, #tpu.memory_space<semaphore_mem>>) src(%dma_wait3A_144 : memref<80x128xf32, #tpu.memory_space<vmem_shared>>) dst(%dma_wait3A_142 : memref<80x128xf32, #tpu.memory_space<vmem>>)
        tpu.yield
      }) : () -> ()
      "tpu.region"() ({
        %run_scoped3A = tpu.sem_alloc : memref<!tpu.dma_semaphore, #tpu.memory_space<semaphore_mem>>
        %dma_start3A = arith.constant 0 : i32
        %dma_start3A_127 = arith.constant 0 : i32
        %dma_start3A_128 = tpu.memref_slice %arg11[%dma_start3A, %dma_start3A_127] : memref<128x128xf32, #tpu.memory_space<vmem>> -> memref<80x128xf32, #tpu.memory_space<vmem>>
        %dma_start3A_129 = arith.constant 0 : i32
        %dma_start3A_130 = tpu.memref_slice %arg8[%arg0, %multiple_of3A, %dma_start3A_129] : memref<2x10000x128xf32, #tpu.memory_space<hbm>> -> memref<1x80x128xf32, #tpu.memory_space<hbm>>
        %dma_start3A_131 = tpu.memref_squeeze %dma_start3A_130 : memref<1x80x128xf32, #tpu.memory_space<hbm>> -> memref<80x128xf32, #tpu.memory_space<hbm>>
        %dma_start3A_132 = arith.constant 0 : i32
        %dma_start3A_133 = tpu.memref_slice %arg8[%arg0, %multiple_of3A, %dma_start3A_132] : memref<2x10000x128xf32, #tpu.memory_space<hbm>> -> memref<1x80x128xf32, #tpu.memory_space<hbm>>
        %dma_start3A_134 = tpu.memref_squeeze %dma_start3A_133 : memref<1x80x128xf32, #tpu.memory_space<hbm>> -> memref<80x128xf32, #tpu.memory_space<hbm>>
        %dma_start3A_135 = arith.constant 0 : i32
        %dma_start3A_136 = arith.constant 0 : i32
        %dma_start3A_137 = tpu.memref_slice %arg11[%dma_start3A_135, %dma_start3A_136] : memref<128x128xf32, #tpu.memory_space<vmem>> -> memref<80x128xf32, #tpu.memory_space<vmem>>
        tpu.enqueue_dma source(%dma_start3A_137 : memref<80x128xf32, #tpu.memory_space<vmem>>) target(%dma_start3A_134 : memref<80x128xf32, #tpu.memory_space<hbm>>) target_semaphore(%run_scoped3A : memref<!tpu.dma_semaphore, #tpu.memory_space<semaphore_mem>>)
        %dma_wait3A = arith.constant 0 : i32
        %dma_wait3A_138 = arith.constant 0 : i32
        %dma_wait3A_139 = tpu.memref_slice %arg11[%dma_wait3A, %dma_wait3A_138] : memref<128x128xf32, #tpu.memory_space<vmem>> -> memref<80x128xf32, #tpu.memory_space<vmem>>
        %dma_wait3A_140 = arith.constant 0 : i32
        %dma_wait3A_141 = tpu.memref_slice %arg8[%arg0, %multiple_of3A, %dma_wait3A_140] : memref<2x10000x128xf32, #tpu.memory_space<hbm>> -> memref<1x80x128xf32, #tpu.memory_space<hbm>>
        %dma_wait3A_142 = tpu.memref_squeeze %dma_wait3A_141 : memref<1x80x128xf32, #tpu.memory_space<hbm>> -> memref<80x128xf32, #tpu.memory_space<hbm>>
        %dma_wait3A_143 = arith.constant 0 : i32
        %dma_wait3A_144 = tpu.memref_slice %arg8[%arg0, %multiple_of3A, %dma_wait3A_143] : memref<2x10000x128xf32, #tpu.memory_space<hbm>> -> memref<1x80x128xf32, #tpu.memory_space<hbm>>
        %dma_wait3A_145 = tpu.memref_squeeze %dma_wait3A_144 : memref<1x80x128xf32, #tpu.memory_space<hbm>> -> memref<80x128xf32, #tpu.memory_space<hbm>>
        %dma_wait3A_146 = arith.constant 0 : i32
        %dma_wait3A_147 = arith.constant 0 : i32
        %dma_wait3A_148 = tpu.memref_slice %arg11[%dma_wait3A_146, %dma_wait3A_147] : memref<128x128xf32, #tpu.memory_space<vmem>> -> memref<80x128xf32, #tpu.memory_space<vmem>>
        tpu.wait_dma2 semaphore(%run_scoped3A : memref<!tpu.dma_semaphore, #tpu.memory_space<semaphore_mem>>) src(%dma_wait3A_148 : memref<80x128xf32, #tpu.memory_space<vmem>>) dst(%dma_wait3A_145 : memref<80x128xf32, #tpu.memory_space<hbm>>)
        tpu.yield
      }) : () -> ()
    } else {
    }
    %add3A_90 = arith.constant 48 : i32
    %add3A_91 = arith.addi %add3A_90, %arg1 : i32
    %lt3A_92 = arith.constant 125 : i32
    %lt3A_93 = arith.cmpi slt, %add3A_91, %lt3A_92 : i32
    %convert_element_type3A_94 = arith.extui %lt3A_93 : i1 to i32
    %cond3A_95 = arith.constant 0 : i32
    %cond3A_96 = arith.cmpi ne, %convert_element_type3A_94, %cond3A_95 : i32
    scf.if %cond3A_96 {
      %mul3A_125 = arith.constant 80 : i32
      %mul3A_126 = arith.muli %add3A_91, %mul3A_125 : i32
      %multiple_of3A = tpu.assume_multiple %mul3A_126, 8 : i32
      "tpu.region"() ({
        %run_scoped3A = tpu.sem_alloc : memref<!tpu.dma_semaphore, #tpu.memory_space<semaphore_mem>>
        %dma_start3A = arith.constant 0 : i32
        %dma_start3A_127 = arith.constant 0 : i32
        %dma_start3A_128 = tpu.memref_slice %arg11[%dma_start3A, %dma_start3A_127] : memref<128x128xf32, #tpu.memory_space<vmem>> -> memref<80x128xf32, #tpu.memory_space<vmem>>
        %dma_start3A_129 = arith.constant 0 : i32
        %dma_start3A_130 = tpu.memref_slice %arg14[%multiple_of3A, %dma_start3A_129] : memref<10000x128xf32, #tpu.memory_space<vmem_shared>> -> memref<80x128xf32, #tpu.memory_space<vmem_shared>>
        %dma_start3A_131 = arith.constant 0 : i32
        %dma_start3A_132 = arith.constant 0 : i32
        %dma_start3A_133 = tpu.memref_slice %arg11[%dma_start3A_131, %dma_start3A_132] : memref<128x128xf32, #tpu.memory_space<vmem>> -> memref<80x128xf32, #tpu.memory_space<vmem>>
        %dma_start3A_134 = arith.constant 0 : i32
        %dma_start3A_135 = tpu.memref_slice %arg14[%multiple_of3A, %dma_start3A_134] : memref<10000x128xf32, #tpu.memory_space<vmem_shared>> -> memref<80x128xf32, #tpu.memory_space<vmem_shared>>
        tpu.enqueue_dma source(%dma_start3A_135 : memref<80x128xf32, #tpu.memory_space<vmem_shared>>) target(%dma_start3A_133 : memref<80x128xf32, #tpu.memory_space<vmem>>) target_semaphore(%run_scoped3A : memref<!tpu.dma_semaphore, #tpu.memory_space<semaphore_mem>>)
        %dma_wait3A = arith.constant 0 : i32
        %dma_wait3A_136 = arith.constant 0 : i32
        %dma_wait3A_137 = tpu.memref_slice %arg11[%dma_wait3A, %dma_wait3A_136] : memref<128x128xf32, #tpu.memory_space<vmem>> -> memref<80x128xf32, #tpu.memory_space<vmem>>
        %dma_wait3A_138 = arith.constant 0 : i32
        %dma_wait3A_139 = tpu.memref_slice %arg14[%multiple_of3A, %dma_wait3A_138] : memref<10000x128xf32, #tpu.memory_space<vmem_shared>> -> memref<80x128xf32, #tpu.memory_space<vmem_shared>>
        %dma_wait3A_140 = arith.constant 0 : i32
        %dma_wait3A_141 = arith.constant 0 : i32
        %dma_wait3A_142 = tpu.memref_slice %arg11[%dma_wait3A_140, %dma_wait3A_141] : memref<128x128xf32, #tpu.memory_space<vmem>> -> memref<80x128xf32, #tpu.memory_space<vmem>>
        %dma_wait3A_143 = arith.constant 0 : i32
        %dma_wait3A_144 = tpu.memref_slice %arg14[%multiple_of3A, %dma_wait3A_143] : memref<10000x128xf32, #tpu.memory_space<vmem_shared>> -> memref<80x128xf32, #tpu.memory_space<vmem_shared>>
        tpu.wait_dma2 semaphore(%run_scoped3A : memref<!tpu.dma_semaphore, #tpu.memory_space<semaphore_mem>>) src(%dma_wait3A_144 : memref<80x128xf32, #tpu.memory_space<vmem_shared>>) dst(%dma_wait3A_142 : memref<80x128xf32, #tpu.memory_space<vmem>>)
        tpu.yield
      }) : () -> ()
      "tpu.region"() ({
        %run_scoped3A = tpu.sem_alloc : memref<!tpu.dma_semaphore, #tpu.memory_space<semaphore_mem>>
        %dma_start3A = arith.constant 0 : i32
        %dma_start3A_127 = arith.constant 0 : i32
        %dma_start3A_128 = tpu.memref_slice %arg11[%dma_start3A, %dma_start3A_127] : memref<128x128xf32, #tpu.memory_space<vmem>> -> memref<80x128xf32, #tpu.memory_space<vmem>>
        %dma_start3A_129 = arith.constant 0 : i32
        %dma_start3A_130 = tpu.memref_slice %arg8[%arg0, %multiple_of3A, %dma_start3A_129] : memref<2x10000x128xf32, #tpu.memory_space<hbm>> -> memref<1x80x128xf32, #tpu.memory_space<hbm>>
        %dma_start3A_131 = tpu.memref_squeeze %dma_start3A_130 : memref<1x80x128xf32, #tpu.memory_space<hbm>> -> memref<80x128xf32, #tpu.memory_space<hbm>>
        %dma_start3A_132 = arith.constant 0 : i32
        %dma_start3A_133 = tpu.memref_slice %arg8[%arg0, %multiple_of3A, %dma_start3A_132] : memref<2x10000x128xf32, #tpu.memory_space<hbm>> -> memref<1x80x128xf32, #tpu.memory_space<hbm>>
        %dma_start3A_134 = tpu.memref_squeeze %dma_start3A_133 : memref<1x80x128xf32, #tpu.memory_space<hbm>> -> memref<80x128xf32, #tpu.memory_space<hbm>>
        %dma_start3A_135 = arith.constant 0 : i32
        %dma_start3A_136 = arith.constant 0 : i32
        %dma_start3A_137 = tpu.memref_slice %arg11[%dma_start3A_135, %dma_start3A_136] : memref<128x128xf32, #tpu.memory_space<vmem>> -> memref<80x128xf32, #tpu.memory_space<vmem>>
        tpu.enqueue_dma source(%dma_start3A_137 : memref<80x128xf32, #tpu.memory_space<vmem>>) target(%dma_start3A_134 : memref<80x128xf32, #tpu.memory_space<hbm>>) target_semaphore(%run_scoped3A : memref<!tpu.dma_semaphore, #tpu.memory_space<semaphore_mem>>)
        %dma_wait3A = arith.constant 0 : i32
        %dma_wait3A_138 = arith.constant 0 : i32
        %dma_wait3A_139 = tpu.memref_slice %arg11[%dma_wait3A, %dma_wait3A_138] : memref<128x128xf32, #tpu.memory_space<vmem>> -> memref<80x128xf32, #tpu.memory_space<vmem>>
        %dma_wait3A_140 = arith.constant 0 : i32
        %dma_wait3A_141 = tpu.memref_slice %arg8[%arg0, %multiple_of3A, %dma_wait3A_140] : memref<2x10000x128xf32, #tpu.memory_space<hbm>> -> memref<1x80x128xf32, #tpu.memory_space<hbm>>
        %dma_wait3A_142 = tpu.memref_squeeze %dma_wait3A_141 : memref<1x80x128xf32, #tpu.memory_space<hbm>> -> memref<80x128xf32, #tpu.memory_space<hbm>>
        %dma_wait3A_143 = arith.constant 0 : i32
        %dma_wait3A_144 = tpu.memref_slice %arg8[%arg0, %multiple_of3A, %dma_wait3A_143] : memref<2x10000x128xf32, #tpu.memory_space<hbm>> -> memref<1x80x128xf32, #tpu.memory_space<hbm>>
        %dma_wait3A_145 = tpu.memref_squeeze %dma_wait3A_144 : memref<1x80x128xf32, #tpu.memory_space<hbm>> -> memref<80x128xf32, #tpu.memory_space<hbm>>
        %dma_wait3A_146 = arith.constant 0 : i32
        %dma_wait3A_147 = arith.constant 0 : i32
        %dma_wait3A_148 = tpu.memref_slice %arg11[%dma_wait3A_146, %dma_wait3A_147] : memref<128x128xf32, #tpu.memory_space<vmem>> -> memref<80x128xf32, #tpu.memory_space<vmem>>
        tpu.wait_dma2 semaphore(%run_scoped3A : memref<!tpu.dma_semaphore, #tpu.memory_space<semaphore_mem>>) src(%dma_wait3A_148 : memref<80x128xf32, #tpu.memory_space<vmem>>) dst(%dma_wait3A_145 : memref<80x128xf32, #tpu.memory_space<hbm>>)
        tpu.yield
      }) : () -> ()
    } else {
    }
    %add3A_97 = arith.constant 64 : i32
    %add3A_98 = arith.addi %add3A_97, %arg1 : i32
    %lt3A_99 = arith.constant 125 : i32
    %lt3A_100 = arith.cmpi slt, %add3A_98, %lt3A_99 : i32
    %convert_element_type3A_101 = arith.extui %lt3A_100 : i1 to i32
    %cond3A_102 = arith.constant 0 : i32
    %cond3A_103 = arith.cmpi ne, %convert_element_type3A_101, %cond3A_102 : i32
    scf.if %cond3A_103 {
      %mul3A_125 = arith.constant 80 : i32
      %mul3A_126 = arith.muli %add3A_98, %mul3A_125 : i32
      %multiple_of3A = tpu.assume_multiple %mul3A_126, 8 : i32
      "tpu.region"() ({
        %run_scoped3A = tpu.sem_alloc : memref<!tpu.dma_semaphore, #tpu.memory_space<semaphore_mem>>
        %dma_start3A = arith.constant 0 : i32
        %dma_start3A_127 = arith.constant 0 : i32
        %dma_start3A_128 = tpu.memref_slice %arg11[%dma_start3A, %dma_start3A_127] : memref<128x128xf32, #tpu.memory_space<vmem>> -> memref<80x128xf32, #tpu.memory_space<vmem>>
        %dma_start3A_129 = arith.constant 0 : i32
        %dma_start3A_130 = tpu.memref_slice %arg14[%multiple_of3A, %dma_start3A_129] : memref<10000x128xf32, #tpu.memory_space<vmem_shared>> -> memref<80x128xf32, #tpu.memory_space<vmem_shared>>
        %dma_start3A_131 = arith.constant 0 : i32
        %dma_start3A_132 = arith.constant 0 : i32
        %dma_start3A_133 = tpu.memref_slice %arg11[%dma_start3A_131, %dma_start3A_132] : memref<128x128xf32, #tpu.memory_space<vmem>> -> memref<80x128xf32, #tpu.memory_space<vmem>>
        %dma_start3A_134 = arith.constant 0 : i32
        %dma_start3A_135 = tpu.memref_slice %arg14[%multiple_of3A, %dma_start3A_134] : memref<10000x128xf32, #tpu.memory_space<vmem_shared>> -> memref<80x128xf32, #tpu.memory_space<vmem_shared>>
        tpu.enqueue_dma source(%dma_start3A_135 : memref<80x128xf32, #tpu.memory_space<vmem_shared>>) target(%dma_start3A_133 : memref<80x128xf32, #tpu.memory_space<vmem>>) target_semaphore(%run_scoped3A : memref<!tpu.dma_semaphore, #tpu.memory_space<semaphore_mem>>)
        %dma_wait3A = arith.constant 0 : i32
        %dma_wait3A_136 = arith.constant 0 : i32
        %dma_wait3A_137 = tpu.memref_slice %arg11[%dma_wait3A, %dma_wait3A_136] : memref<128x128xf32, #tpu.memory_space<vmem>> -> memref<80x128xf32, #tpu.memory_space<vmem>>
        %dma_wait3A_138 = arith.constant 0 : i32
        %dma_wait3A_139 = tpu.memref_slice %arg14[%multiple_of3A, %dma_wait3A_138] : memref<10000x128xf32, #tpu.memory_space<vmem_shared>> -> memref<80x128xf32, #tpu.memory_space<vmem_shared>>
        %dma_wait3A_140 = arith.constant 0 : i32
        %dma_wait3A_141 = arith.constant 0 : i32
        %dma_wait3A_142 = tpu.memref_slice %arg11[%dma_wait3A_140, %dma_wait3A_141] : memref<128x128xf32, #tpu.memory_space<vmem>> -> memref<80x128xf32, #tpu.memory_space<vmem>>
        %dma_wait3A_143 = arith.constant 0 : i32
        %dma_wait3A_144 = tpu.memref_slice %arg14[%multiple_of3A, %dma_wait3A_143] : memref<10000x128xf32, #tpu.memory_space<vmem_shared>> -> memref<80x128xf32, #tpu.memory_space<vmem_shared>>
        tpu.wait_dma2 semaphore(%run_scoped3A : memref<!tpu.dma_semaphore, #tpu.memory_space<semaphore_mem>>) src(%dma_wait3A_144 : memref<80x128xf32, #tpu.memory_space<vmem_shared>>) dst(%dma_wait3A_142 : memref<80x128xf32, #tpu.memory_space<vmem>>)
        tpu.yield
      }) : () -> ()
      "tpu.region"() ({
        %run_scoped3A = tpu.sem_alloc : memref<!tpu.dma_semaphore, #tpu.memory_space<semaphore_mem>>
        %dma_start3A = arith.constant 0 : i32
        %dma_start3A_127 = arith.constant 0 : i32
        %dma_start3A_128 = tpu.memref_slice %arg11[%dma_start3A, %dma_start3A_127] : memref<128x128xf32, #tpu.memory_space<vmem>> -> memref<80x128xf32, #tpu.memory_space<vmem>>
        %dma_start3A_129 = arith.constant 0 : i32
        %dma_start3A_130 = tpu.memref_slice %arg8[%arg0, %multiple_of3A, %dma_start3A_129] : memref<2x10000x128xf32, #tpu.memory_space<hbm>> -> memref<1x80x128xf32, #tpu.memory_space<hbm>>
        %dma_start3A_131 = tpu.memref_squeeze %dma_start3A_130 : memref<1x80x128xf32, #tpu.memory_space<hbm>> -> memref<80x128xf32, #tpu.memory_space<hbm>>
        %dma_start3A_132 = arith.constant 0 : i32
        %dma_start3A_133 = tpu.memref_slice %arg8[%arg0, %multiple_of3A, %dma_start3A_132] : memref<2x10000x128xf32, #tpu.memory_space<hbm>> -> memref<1x80x128xf32, #tpu.memory_space<hbm>>
        %dma_start3A_134 = tpu.memref_squeeze %dma_start3A_133 : memref<1x80x128xf32, #tpu.memory_space<hbm>> -> memref<80x128xf32, #tpu.memory_space<hbm>>
        %dma_start3A_135 = arith.constant 0 : i32
        %dma_start3A_136 = arith.constant 0 : i32
        %dma_start3A_137 = tpu.memref_slice %arg11[%dma_start3A_135, %dma_start3A_136] : memref<128x128xf32, #tpu.memory_space<vmem>> -> memref<80x128xf32, #tpu.memory_space<vmem>>
        tpu.enqueue_dma source(%dma_start3A_137 : memref<80x128xf32, #tpu.memory_space<vmem>>) target(%dma_start3A_134 : memref<80x128xf32, #tpu.memory_space<hbm>>) target_semaphore(%run_scoped3A : memref<!tpu.dma_semaphore, #tpu.memory_space<semaphore_mem>>)
        %dma_wait3A = arith.constant 0 : i32
        %dma_wait3A_138 = arith.constant 0 : i32
        %dma_wait3A_139 = tpu.memref_slice %arg11[%dma_wait3A, %dma_wait3A_138] : memref<128x128xf32, #tpu.memory_space<vmem>> -> memref<80x128xf32, #tpu.memory_space<vmem>>
        %dma_wait3A_140 = arith.constant 0 : i32
        %dma_wait3A_141 = tpu.memref_slice %arg8[%arg0, %multiple_of3A, %dma_wait3A_140] : memref<2x10000x128xf32, #tpu.memory_space<hbm>> -> memref<1x80x128xf32, #tpu.memory_space<hbm>>
        %dma_wait3A_142 = tpu.memref_squeeze %dma_wait3A_141 : memref<1x80x128xf32, #tpu.memory_space<hbm>> -> memref<80x128xf32, #tpu.memory_space<hbm>>
        %dma_wait3A_143 = arith.constant 0 : i32
        %dma_wait3A_144 = tpu.memref_slice %arg8[%arg0, %multiple_of3A, %dma_wait3A_143] : memref<2x10000x128xf32, #tpu.memory_space<hbm>> -> memref<1x80x128xf32, #tpu.memory_space<hbm>>
        %dma_wait3A_145 = tpu.memref_squeeze %dma_wait3A_144 : memref<1x80x128xf32, #tpu.memory_space<hbm>> -> memref<80x128xf32, #tpu.memory_space<hbm>>
        %dma_wait3A_146 = arith.constant 0 : i32
        %dma_wait3A_147 = arith.constant 0 : i32
        %dma_wait3A_148 = tpu.memref_slice %arg11[%dma_wait3A_146, %dma_wait3A_147] : memref<128x128xf32, #tpu.memory_space<vmem>> -> memref<80x128xf32, #tpu.memory_space<vmem>>
        tpu.wait_dma2 semaphore(%run_scoped3A : memref<!tpu.dma_semaphore, #tpu.memory_space<semaphore_mem>>) src(%dma_wait3A_148 : memref<80x128xf32, #tpu.memory_space<vmem>>) dst(%dma_wait3A_145 : memref<80x128xf32, #tpu.memory_space<hbm>>)
        tpu.yield
      }) : () -> ()
    } else {
    }
    %add3A_104 = arith.constant 80 : i32
    %add3A_105 = arith.addi %add3A_104, %arg1 : i32
    %lt3A_106 = arith.constant 125 : i32
    %lt3A_107 = arith.cmpi slt, %add3A_105, %lt3A_106 : i32
    %convert_element_type3A_108 = arith.extui %lt3A_107 : i1 to i32
    %cond3A_109 = arith.constant 0 : i32
    %cond3A_110 = arith.cmpi ne, %convert_element_type3A_108, %cond3A_109 : i32
    scf.if %cond3A_110 {
      %mul3A_125 = arith.constant 80 : i32
      %mul3A_126 = arith.muli %add3A_105, %mul3A_125 : i32
      %multiple_of3A = tpu.assume_multiple %mul3A_126, 8 : i32
      "tpu.region"() ({
        %run_scoped3A = tpu.sem_alloc : memref<!tpu.dma_semaphore, #tpu.memory_space<semaphore_mem>>
        %dma_start3A = arith.constant 0 : i32
        %dma_start3A_127 = arith.constant 0 : i32
        %dma_start3A_128 = tpu.memref_slice %arg11[%dma_start3A, %dma_start3A_127] : memref<128x128xf32, #tpu.memory_space<vmem>> -> memref<80x128xf32, #tpu.memory_space<vmem>>
        %dma_start3A_129 = arith.constant 0 : i32
        %dma_start3A_130 = tpu.memref_slice %arg14[%multiple_of3A, %dma_start3A_129] : memref<10000x128xf32, #tpu.memory_space<vmem_shared>> -> memref<80x128xf32, #tpu.memory_space<vmem_shared>>
        %dma_start3A_131 = arith.constant 0 : i32
        %dma_start3A_132 = arith.constant 0 : i32
        %dma_start3A_133 = tpu.memref_slice %arg11[%dma_start3A_131, %dma_start3A_132] : memref<128x128xf32, #tpu.memory_space<vmem>> -> memref<80x128xf32, #tpu.memory_space<vmem>>
        %dma_start3A_134 = arith.constant 0 : i32
        %dma_start3A_135 = tpu.memref_slice %arg14[%multiple_of3A, %dma_start3A_134] : memref<10000x128xf32, #tpu.memory_space<vmem_shared>> -> memref<80x128xf32, #tpu.memory_space<vmem_shared>>
        tpu.enqueue_dma source(%dma_start3A_135 : memref<80x128xf32, #tpu.memory_space<vmem_shared>>) target(%dma_start3A_133 : memref<80x128xf32, #tpu.memory_space<vmem>>) target_semaphore(%run_scoped3A : memref<!tpu.dma_semaphore, #tpu.memory_space<semaphore_mem>>)
        %dma_wait3A = arith.constant 0 : i32
        %dma_wait3A_136 = arith.constant 0 : i32
        %dma_wait3A_137 = tpu.memref_slice %arg11[%dma_wait3A, %dma_wait3A_136] : memref<128x128xf32, #tpu.memory_space<vmem>> -> memref<80x128xf32, #tpu.memory_space<vmem>>
        %dma_wait3A_138 = arith.constant 0 : i32
        %dma_wait3A_139 = tpu.memref_slice %arg14[%multiple_of3A, %dma_wait3A_138] : memref<10000x128xf32, #tpu.memory_space<vmem_shared>> -> memref<80x128xf32, #tpu.memory_space<vmem_shared>>
        %dma_wait3A_140 = arith.constant 0 : i32
        %dma_wait3A_141 = arith.constant 0 : i32
        %dma_wait3A_142 = tpu.memref_slice %arg11[%dma_wait3A_140, %dma_wait3A_141] : memref<128x128xf32, #tpu.memory_space<vmem>> -> memref<80x128xf32, #tpu.memory_space<vmem>>
        %dma_wait3A_143 = arith.constant 0 : i32
        %dma_wait3A_144 = tpu.memref_slice %arg14[%multiple_of3A, %dma_wait3A_143] : memref<10000x128xf32, #tpu.memory_space<vmem_shared>> -> memref<80x128xf32, #tpu.memory_space<vmem_shared>>
        tpu.wait_dma2 semaphore(%run_scoped3A : memref<!tpu.dma_semaphore, #tpu.memory_space<semaphore_mem>>) src(%dma_wait3A_144 : memref<80x128xf32, #tpu.memory_space<vmem_shared>>) dst(%dma_wait3A_142 : memref<80x128xf32, #tpu.memory_space<vmem>>)
        tpu.yield
      }) : () -> ()
      "tpu.region"() ({
        %run_scoped3A = tpu.sem_alloc : memref<!tpu.dma_semaphore, #tpu.memory_space<semaphore_mem>>
        %dma_start3A = arith.constant 0 : i32
        %dma_start3A_127 = arith.constant 0 : i32
        %dma_start3A_128 = tpu.memref_slice %arg11[%dma_start3A, %dma_start3A_127] : memref<128x128xf32, #tpu.memory_space<vmem>> -> memref<80x128xf32, #tpu.memory_space<vmem>>
        %dma_start3A_129 = arith.constant 0 : i32
        %dma_start3A_130 = tpu.memref_slice %arg8[%arg0, %multiple_of3A, %dma_start3A_129] : memref<2x10000x128xf32, #tpu.memory_space<hbm>> -> memref<1x80x128xf32, #tpu.memory_space<hbm>>
        %dma_start3A_131 = tpu.memref_squeeze %dma_start3A_130 : memref<1x80x128xf32, #tpu.memory_space<hbm>> -> memref<80x128xf32, #tpu.memory_space<hbm>>
        %dma_start3A_132 = arith.constant 0 : i32
        %dma_start3A_133 = tpu.memref_slice %arg8[%arg0, %multiple_of3A, %dma_start3A_132] : memref<2x10000x128xf32, #tpu.memory_space<hbm>> -> memref<1x80x128xf32, #tpu.memory_space<hbm>>
        %dma_start3A_134 = tpu.memref_squeeze %dma_start3A_133 : memref<1x80x128xf32, #tpu.memory_space<hbm>> -> memref<80x128xf32, #tpu.memory_space<hbm>>
        %dma_start3A_135 = arith.constant 0 : i32
        %dma_start3A_136 = arith.constant 0 : i32
        %dma_start3A_137 = tpu.memref_slice %arg11[%dma_start3A_135, %dma_start3A_136] : memref<128x128xf32, #tpu.memory_space<vmem>> -> memref<80x128xf32, #tpu.memory_space<vmem>>
        tpu.enqueue_dma source(%dma_start3A_137 : memref<80x128xf32, #tpu.memory_space<vmem>>) target(%dma_start3A_134 : memref<80x128xf32, #tpu.memory_space<hbm>>) target_semaphore(%run_scoped3A : memref<!tpu.dma_semaphore, #tpu.memory_space<semaphore_mem>>)
        %dma_wait3A = arith.constant 0 : i32
        %dma_wait3A_138 = arith.constant 0 : i32
        %dma_wait3A_139 = tpu.memref_slice %arg11[%dma_wait3A, %dma_wait3A_138] : memref<128x128xf32, #tpu.memory_space<vmem>> -> memref<80x128xf32, #tpu.memory_space<vmem>>
        %dma_wait3A_140 = arith.constant 0 : i32
        %dma_wait3A_141 = tpu.memref_slice %arg8[%arg0, %multiple_of3A, %dma_wait3A_140] : memref<2x10000x128xf32, #tpu.memory_space<hbm>> -> memref<1x80x128xf32, #tpu.memory_space<hbm>>
        %dma_wait3A_142 = tpu.memref_squeeze %dma_wait3A_141 : memref<1x80x128xf32, #tpu.memory_space<hbm>> -> memref<80x128xf32, #tpu.memory_space<hbm>>
        %dma_wait3A_143 = arith.constant 0 : i32
        %dma_wait3A_144 = tpu.memref_slice %arg8[%arg0, %multiple_of3A, %dma_wait3A_143] : memref<2x10000x128xf32, #tpu.memory_space<hbm>> -> memref<1x80x128xf32, #tpu.memory_space<hbm>>
        %dma_wait3A_145 = tpu.memref_squeeze %dma_wait3A_144 : memref<1x80x128xf32, #tpu.memory_space<hbm>> -> memref<80x128xf32, #tpu.memory_space<hbm>>
        %dma_wait3A_146 = arith.constant 0 : i32
        %dma_wait3A_147 = arith.constant 0 : i32
        %dma_wait3A_148 = tpu.memref_slice %arg11[%dma_wait3A_146, %dma_wait3A_147] : memref<128x128xf32, #tpu.memory_space<vmem>> -> memref<80x128xf32, #tpu.memory_space<vmem>>
        tpu.wait_dma2 semaphore(%run_scoped3A : memref<!tpu.dma_semaphore, #tpu.memory_space<semaphore_mem>>) src(%dma_wait3A_148 : memref<80x128xf32, #tpu.memory_space<vmem>>) dst(%dma_wait3A_145 : memref<80x128xf32, #tpu.memory_space<hbm>>)
        tpu.yield
      }) : () -> ()
    } else {
    }
    %add3A_111 = arith.constant 96 : i32
    %add3A_112 = arith.addi %add3A_111, %arg1 : i32
    %lt3A_113 = arith.constant 125 : i32
    %lt3A_114 = arith.cmpi slt, %add3A_112, %lt3A_113 : i32
    %convert_element_type3A_115 = arith.extui %lt3A_114 : i1 to i32
    %cond3A_116 = arith.constant 0 : i32
    %cond3A_117 = arith.cmpi ne, %convert_element_type3A_115, %cond3A_116 : i32
    scf.if %cond3A_117 {
      %mul3A_125 = arith.constant 80 : i32
      %mul3A_126 = arith.muli %add3A_112, %mul3A_125 : i32
      %multiple_of3A = tpu.assume_multiple %mul3A_126, 8 : i32
      "tpu.region"() ({
        %run_scoped3A = tpu.sem_alloc : memref<!tpu.dma_semaphore, #tpu.memory_space<semaphore_mem>>
        %dma_start3A = arith.constant 0 : i32
        %dma_start3A_127 = arith.constant 0 : i32
        %dma_start3A_128 = tpu.memref_slice %arg11[%dma_start3A, %dma_start3A_127] : memref<128x128xf32, #tpu.memory_space<vmem>> -> memref<80x128xf32, #tpu.memory_space<vmem>>
        %dma_start3A_129 = arith.constant 0 : i32
        %dma_start3A_130 = tpu.memref_slice %arg14[%multiple_of3A, %dma_start3A_129] : memref<10000x128xf32, #tpu.memory_space<vmem_shared>> -> memref<80x128xf32, #tpu.memory_space<vmem_shared>>
        %dma_start3A_131 = arith.constant 0 : i32
        %dma_start3A_132 = arith.constant 0 : i32
        %dma_start3A_133 = tpu.memref_slice %arg11[%dma_start3A_131, %dma_start3A_132] : memref<128x128xf32, #tpu.memory_space<vmem>> -> memref<80x128xf32, #tpu.memory_space<vmem>>
        %dma_start3A_134 = arith.constant 0 : i32
        %dma_start3A_135 = tpu.memref_slice %arg14[%multiple_of3A, %dma_start3A_134] : memref<10000x128xf32, #tpu.memory_space<vmem_shared>> -> memref<80x128xf32, #tpu.memory_space<vmem_shared>>
        tpu.enqueue_dma source(%dma_start3A_135 : memref<80x128xf32, #tpu.memory_space<vmem_shared>>) target(%dma_start3A_133 : memref<80x128xf32, #tpu.memory_space<vmem>>) target_semaphore(%run_scoped3A : memref<!tpu.dma_semaphore, #tpu.memory_space<semaphore_mem>>)
        %dma_wait3A = arith.constant 0 : i32
        %dma_wait3A_136 = arith.constant 0 : i32
        %dma_wait3A_137 = tpu.memref_slice %arg11[%dma_wait3A, %dma_wait3A_136] : memref<128x128xf32, #tpu.memory_space<vmem>> -> memref<80x128xf32, #tpu.memory_space<vmem>>
        %dma_wait3A_138 = arith.constant 0 : i32
        %dma_wait3A_139 = tpu.memref_slice %arg14[%multiple_of3A, %dma_wait3A_138] : memref<10000x128xf32, #tpu.memory_space<vmem_shared>> -> memref<80x128xf32, #tpu.memory_space<vmem_shared>>
        %dma_wait3A_140 = arith.constant 0 : i32
        %dma_wait3A_141 = arith.constant 0 : i32
        %dma_wait3A_142 = tpu.memref_slice %arg11[%dma_wait3A_140, %dma_wait3A_141] : memref<128x128xf32, #tpu.memory_space<vmem>> -> memref<80x128xf32, #tpu.memory_space<vmem>>
        %dma_wait3A_143 = arith.constant 0 : i32
        %dma_wait3A_144 = tpu.memref_slice %arg14[%multiple_of3A, %dma_wait3A_143] : memref<10000x128xf32, #tpu.memory_space<vmem_shared>> -> memref<80x128xf32, #tpu.memory_space<vmem_shared>>
        tpu.wait_dma2 semaphore(%run_scoped3A : memref<!tpu.dma_semaphore, #tpu.memory_space<semaphore_mem>>) src(%dma_wait3A_144 : memref<80x128xf32, #tpu.memory_space<vmem_shared>>) dst(%dma_wait3A_142 : memref<80x128xf32, #tpu.memory_space<vmem>>)
        tpu.yield
      }) : () -> ()
      "tpu.region"() ({
        %run_scoped3A = tpu.sem_alloc : memref<!tpu.dma_semaphore, #tpu.memory_space<semaphore_mem>>
        %dma_start3A = arith.constant 0 : i32
        %dma_start3A_127 = arith.constant 0 : i32
        %dma_start3A_128 = tpu.memref_slice %arg11[%dma_start3A, %dma_start3A_127] : memref<128x128xf32, #tpu.memory_space<vmem>> -> memref<80x128xf32, #tpu.memory_space<vmem>>
        %dma_start3A_129 = arith.constant 0 : i32
        %dma_start3A_130 = tpu.memref_slice %arg8[%arg0, %multiple_of3A, %dma_start3A_129] : memref<2x10000x128xf32, #tpu.memory_space<hbm>> -> memref<1x80x128xf32, #tpu.memory_space<hbm>>
        %dma_start3A_131 = tpu.memref_squeeze %dma_start3A_130 : memref<1x80x128xf32, #tpu.memory_space<hbm>> -> memref<80x128xf32, #tpu.memory_space<hbm>>
        %dma_start3A_132 = arith.constant 0 : i32
        %dma_start3A_133 = tpu.memref_slice %arg8[%arg0, %multiple_of3A, %dma_start3A_132] : memref<2x10000x128xf32, #tpu.memory_space<hbm>> -> memref<1x80x128xf32, #tpu.memory_space<hbm>>
        %dma_start3A_134 = tpu.memref_squeeze %dma_start3A_133 : memref<1x80x128xf32, #tpu.memory_space<hbm>> -> memref<80x128xf32, #tpu.memory_space<hbm>>
        %dma_start3A_135 = arith.constant 0 : i32
        %dma_start3A_136 = arith.constant 0 : i32
        %dma_start3A_137 = tpu.memref_slice %arg11[%dma_start3A_135, %dma_start3A_136] : memref<128x128xf32, #tpu.memory_space<vmem>> -> memref<80x128xf32, #tpu.memory_space<vmem>>
        tpu.enqueue_dma source(%dma_start3A_137 : memref<80x128xf32, #tpu.memory_space<vmem>>) target(%dma_start3A_134 : memref<80x128xf32, #tpu.memory_space<hbm>>) target_semaphore(%run_scoped3A : memref<!tpu.dma_semaphore, #tpu.memory_space<semaphore_mem>>)
        %dma_wait3A = arith.constant 0 : i32
        %dma_wait3A_138 = arith.constant 0 : i32
        %dma_wait3A_139 = tpu.memref_slice %arg11[%dma_wait3A, %dma_wait3A_138] : memref<128x128xf32, #tpu.memory_space<vmem>> -> memref<80x128xf32, #tpu.memory_space<vmem>>
        %dma_wait3A_140 = arith.constant 0 : i32
        %dma_wait3A_141 = tpu.memref_slice %arg8[%arg0, %multiple_of3A, %dma_wait3A_140] : memref<2x10000x128xf32, #tpu.memory_space<hbm>> -> memref<1x80x128xf32, #tpu.memory_space<hbm>>
        %dma_wait3A_142 = tpu.memref_squeeze %dma_wait3A_141 : memref<1x80x128xf32, #tpu.memory_space<hbm>> -> memref<80x128xf32, #tpu.memory_space<hbm>>
        %dma_wait3A_143 = arith.constant 0 : i32
        %dma_wait3A_144 = tpu.memref_slice %arg8[%arg0, %multiple_of3A, %dma_wait3A_143] : memref<2x10000x128xf32, #tpu.memory_space<hbm>> -> memref<1x80x128xf32, #tpu.memory_space<hbm>>
        %dma_wait3A_145 = tpu.memref_squeeze %dma_wait3A_144 : memref<1x80x128xf32, #tpu.memory_space<hbm>> -> memref<80x128xf32, #tpu.memory_space<hbm>>
        %dma_wait3A_146 = arith.constant 0 : i32
        %dma_wait3A_147 = arith.constant 0 : i32
        %dma_wait3A_148 = tpu.memref_slice %arg11[%dma_wait3A_146, %dma_wait3A_147] : memref<128x128xf32, #tpu.memory_space<vmem>> -> memref<80x128xf32, #tpu.memory_space<vmem>>
        tpu.wait_dma2 semaphore(%run_scoped3A : memref<!tpu.dma_semaphore, #tpu.memory_space<semaphore_mem>>) src(%dma_wait3A_148 : memref<80x128xf32, #tpu.memory_space<vmem>>) dst(%dma_wait3A_145 : memref<80x128xf32, #tpu.memory_space<hbm>>)
        tpu.yield
      }) : () -> ()
    } else {
    }
    %add3A_118 = arith.constant 112 : i32
    %add3A_119 = arith.addi %add3A_118, %arg1 : i32
    %lt3A_120 = arith.constant 125 : i32
    %lt3A_121 = arith.cmpi slt, %add3A_119, %lt3A_120 : i32
    %convert_element_type3A_122 = arith.extui %lt3A_121 : i1 to i32
    %cond3A_123 = arith.constant 0 : i32
    %cond3A_124 = arith.cmpi ne, %convert_element_type3A_122, %cond3A_123 : i32
    scf.if %cond3A_124 {
      %mul3A_125 = arith.constant 80 : i32
      %mul3A_126 = arith.muli %add3A_119, %mul3A_125 : i32
      %multiple_of3A = tpu.assume_multiple %mul3A_126, 8 : i32
      "tpu.region"() ({
        %run_scoped3A = tpu.sem_alloc : memref<!tpu.dma_semaphore, #tpu.memory_space<semaphore_mem>>
        %dma_start3A = arith.constant 0 : i32
        %dma_start3A_127 = arith.constant 0 : i32
        %dma_start3A_128 = tpu.memref_slice %arg11[%dma_start3A, %dma_start3A_127] : memref<128x128xf32, #tpu.memory_space<vmem>> -> memref<80x128xf32, #tpu.memory_space<vmem>>
        %dma_start3A_129 = arith.constant 0 : i32
        %dma_start3A_130 = tpu.memref_slice %arg14[%multiple_of3A, %dma_start3A_129] : memref<10000x128xf32, #tpu.memory_space<vmem_shared>> -> memref<80x128xf32, #tpu.memory_space<vmem_shared>>
        %dma_start3A_131 = arith.constant 0 : i32
        %dma_start3A_132 = arith.constant 0 : i32
        %dma_start3A_133 = tpu.memref_slice %arg11[%dma_start3A_131, %dma_start3A_132] : memref<128x128xf32, #tpu.memory_space<vmem>> -> memref<80x128xf32, #tpu.memory_space<vmem>>
        %dma_start3A_134 = arith.constant 0 : i32
        %dma_start3A_135 = tpu.memref_slice %arg14[%multiple_of3A, %dma_start3A_134] : memref<10000x128xf32, #tpu.memory_space<vmem_shared>> -> memref<80x128xf32, #tpu.memory_space<vmem_shared>>
        tpu.enqueue_dma source(%dma_start3A_135 : memref<80x128xf32, #tpu.memory_space<vmem_shared>>) target(%dma_start3A_133 : memref<80x128xf32, #tpu.memory_space<vmem>>) target_semaphore(%run_scoped3A : memref<!tpu.dma_semaphore, #tpu.memory_space<semaphore_mem>>)
        %dma_wait3A = arith.constant 0 : i32
        %dma_wait3A_136 = arith.constant 0 : i32
        %dma_wait3A_137 = tpu.memref_slice %arg11[%dma_wait3A, %dma_wait3A_136] : memref<128x128xf32, #tpu.memory_space<vmem>> -> memref<80x128xf32, #tpu.memory_space<vmem>>
        %dma_wait3A_138 = arith.constant 0 : i32
        %dma_wait3A_139 = tpu.memref_slice %arg14[%multiple_of3A, %dma_wait3A_138] : memref<10000x128xf32, #tpu.memory_space<vmem_shared>> -> memref<80x128xf32, #tpu.memory_space<vmem_shared>>
        %dma_wait3A_140 = arith.constant 0 : i32
        %dma_wait3A_141 = arith.constant 0 : i32
        %dma_wait3A_142 = tpu.memref_slice %arg11[%dma_wait3A_140, %dma_wait3A_141] : memref<128x128xf32, #tpu.memory_space<vmem>> -> memref<80x128xf32, #tpu.memory_space<vmem>>
        %dma_wait3A_143 = arith.constant 0 : i32
        %dma_wait3A_144 = tpu.memref_slice %arg14[%multiple_of3A, %dma_wait3A_143] : memref<10000x128xf32, #tpu.memory_space<vmem_shared>> -> memref<80x128xf32, #tpu.memory_space<vmem_shared>>
        tpu.wait_dma2 semaphore(%run_scoped3A : memref<!tpu.dma_semaphore, #tpu.memory_space<semaphore_mem>>) src(%dma_wait3A_144 : memref<80x128xf32, #tpu.memory_space<vmem_shared>>) dst(%dma_wait3A_142 : memref<80x128xf32, #tpu.memory_space<vmem>>)
        tpu.yield
      }) : () -> ()
      "tpu.region"() ({
        %run_scoped3A = tpu.sem_alloc : memref<!tpu.dma_semaphore, #tpu.memory_space<semaphore_mem>>
        %dma_start3A = arith.constant 0 : i32
        %dma_start3A_127 = arith.constant 0 : i32
        %dma_start3A_128 = tpu.memref_slice %arg11[%dma_start3A, %dma_start3A_127] : memref<128x128xf32, #tpu.memory_space<vmem>> -> memref<80x128xf32, #tpu.memory_space<vmem>>
        %dma_start3A_129 = arith.constant 0 : i32
        %dma_start3A_130 = tpu.memref_slice %arg8[%arg0, %multiple_of3A, %dma_start3A_129] : memref<2x10000x128xf32, #tpu.memory_space<hbm>> -> memref<1x80x128xf32, #tpu.memory_space<hbm>>
        %dma_start3A_131 = tpu.memref_squeeze %dma_start3A_130 : memref<1x80x128xf32, #tpu.memory_space<hbm>> -> memref<80x128xf32, #tpu.memory_space<hbm>>
        %dma_start3A_132 = arith.constant 0 : i32
        %dma_start3A_133 = tpu.memref_slice %arg8[%arg0, %multiple_of3A, %dma_start3A_132] : memref<2x10000x128xf32, #tpu.memory_space<hbm>> -> memref<1x80x128xf32, #tpu.memory_space<hbm>>
        %dma_start3A_134 = tpu.memref_squeeze %dma_start3A_133 : memref<1x80x128xf32, #tpu.memory_space<hbm>> -> memref<80x128xf32, #tpu.memory_space<hbm>>
        %dma_start3A_135 = arith.constant 0 : i32
        %dma_start3A_136 = arith.constant 0 : i32
        %dma_start3A_137 = tpu.memref_slice %arg11[%dma_start3A_135, %dma_start3A_136] : memref<128x128xf32, #tpu.memory_space<vmem>> -> memref<80x128xf32, #tpu.memory_space<vmem>>
        tpu.enqueue_dma source(%dma_start3A_137 : memref<80x128xf32, #tpu.memory_space<vmem>>) target(%dma_start3A_134 : memref<80x128xf32, #tpu.memory_space<hbm>>) target_semaphore(%run_scoped3A : memref<!tpu.dma_semaphore, #tpu.memory_space<semaphore_mem>>)
        %dma_wait3A = arith.constant 0 : i32
        %dma_wait3A_138 = arith.constant 0 : i32
        %dma_wait3A_139 = tpu.memref_slice %arg11[%dma_wait3A, %dma_wait3A_138] : memref<128x128xf32, #tpu.memory_space<vmem>> -> memref<80x128xf32, #tpu.memory_space<vmem>>
        %dma_wait3A_140 = arith.constant 0 : i32
        %dma_wait3A_141 = tpu.memref_slice %arg8[%arg0, %multiple_of3A, %dma_wait3A_140] : memref<2x10000x128xf32, #tpu.memory_space<hbm>> -> memref<1x80x128xf32, #tpu.memory_space<hbm>>
        %dma_wait3A_142 = tpu.memref_squeeze %dma_wait3A_141 : memref<1x80x128xf32, #tpu.memory_space<hbm>> -> memref<80x128xf32, #tpu.memory_space<hbm>>
        %dma_wait3A_143 = arith.constant 0 : i32
        %dma_wait3A_144 = tpu.memref_slice %arg8[%arg0, %multiple_of3A, %dma_wait3A_143] : memref<2x10000x128xf32, #tpu.memory_space<hbm>> -> memref<1x80x128xf32, #tpu.memory_space<hbm>>
        %dma_wait3A_145 = tpu.memref_squeeze %dma_wait3A_144 : memref<1x80x128xf32, #tpu.memory_space<hbm>> -> memref<80x128xf32, #tpu.memory_space<hbm>>
        %dma_wait3A_146 = arith.constant 0 : i32
        %dma_wait3A_147 = arith.constant 0 : i32
        %dma_wait3A_148 = tpu.memref_slice %arg11[%dma_wait3A_146, %dma_wait3A_147] : memref<128x128xf32, #tpu.memory_space<vmem>> -> memref<80x128xf32, #tpu.memory_space<vmem>>
        tpu.wait_dma2 semaphore(%run_scoped3A : memref<!tpu.dma_semaphore, #tpu.memory_space<semaphore_mem>>) src(%dma_wait3A_148 : memref<80x128xf32, #tpu.memory_space<vmem>>) dst(%dma_wait3A_145 : memref<80x128xf32, #tpu.memory_space<hbm>>)
        tpu.yield
      }) : () -> ()
    } else {
    }
    return
  }
}

module attributes {stable_mosaic.version = 14 : i64} {
  func.func @_ce_mm_body(%arg0: i32, %arg1: memref<2000x128xf32, #tpu.memory_space<vmem>>, %arg2: memref<128x128xf32, #tpu.memory_space<vmem>>, %arg3: memref<1x128xf32, #tpu.memory_space<vmem>>, %arg4: memref<2000x128xf32, #tpu.memory_space<vmem>>) attributes {dimension_semantics = [#tpu.dimension_semantics<arbitrary>], iteration_bounds = array<i64: 160>, scalar_prefetch = 0 : i64, scratch_operands = 0 : i64, tpu.core_type = #tpu.core_type<tc>, window_params = [{transform_indices = @transform_0, window_bounds = array<i64: 2000, 128>}, {pipeline_mode = #tpu.pipeline_mode<synchronous>, transform_indices = @transform_1, window_bounds = array<i64: 128, 128>}, {pipeline_mode = #tpu.pipeline_mode<synchronous>, transform_indices = @transform_2, window_bounds = array<i64: 1, 128>}, {transform_indices = @transform_3, window_bounds = array<i64: 2000, 128>}]} {
    %get3A = arith.constant 0 : index
    %get3A_0 = arith.constant 0 : index
    %get3A_1 = vector.load %arg1[%get3A, %get3A_0] : memref<2000x128xf32, #tpu.memory_space<vmem>>, vector<2000x128xf32>
    %get3A_2 = arith.constant 0 : index
    %get3A_3 = arith.constant 0 : index
    %get3A_4 = vector.load %arg2[%get3A_2, %get3A_3] : memref<128x128xf32, #tpu.memory_space<vmem>>, vector<128x128xf32>
    %dot_general3A = arith.constant dense<0.000000e+00> : vector<2000x128xf32>
    %dot_general3A_5 = tpu.matmul %get3A_1, %get3A_4, %dot_general3A {dimension_numbers = #tpu.dot_dimension_numbers<[1], [1], [0], [0], [0, 0, 1, 0], [], []>, transpose_lhs_hint = false} : vector<2000x128xf32>, vector<128x128xf32>, vector<2000x128xf32> -> vector<2000x128xf32>
    %get3A_6 = arith.constant 0 : index
    %get3A_7 = arith.constant 0 : index
    %get3A_8 = vector.load %arg3[%get3A_6, %get3A_7] : memref<1x128xf32, #tpu.memory_space<vmem>>, vector<1x128xf32>
    %add3A = vector.broadcast %get3A_8 : vector<1x128xf32> to vector<2000x128xf32>
    %add3A_9 = arith.addf %dot_general3A_5, %add3A : vector<2000x128xf32>
    %swap3A = arith.constant 0 : index
    %swap3A_10 = arith.constant 0 : index
    %swap3A_11 = vector.load %arg4[%swap3A, %swap3A_10] : memref<2000x128xf32, #tpu.memory_space<vmem>>, vector<2000x128xf32>
    tpu.vector_store %arg4[%swap3A, %swap3A_10], %add3A_9 {strides = array<i32>} : memref<2000x128xf32, #tpu.memory_space<vmem>>, vector<2000x128xf32>,
    return
  }
  func.func @transform_0(%arg0: i32) -> (i32, i32) {
    %c0_i32 = arith.constant 0 : i32
    %c0_i32_0 = arith.constant 0 : i32
    return %arg0, %c0_i32 : i32, i32
  }
  func.func @transform_1(%arg0: i32) -> (i32, i32) {
    %c0_i32 = arith.constant 0 : i32
    %c0_i32_0 = arith.constant 0 : i32
    %c0_i32_1 = arith.constant 0 : i32
    return %c0_i32, %c0_i32_0 : i32, i32
  }
  func.func @transform_2(%arg0: i32) -> (i32, i32) {
    %c0_i32 = arith.constant 0 : i32
    %c0_i32_0 = arith.constant 0 : i32
    %c0_i32_1 = arith.constant 0 : i32
    return %c0_i32, %c0_i32_0 : i32, i32
  }
  func.func @transform_3(%arg0: i32) -> (i32, i32) {
    %c0_i32 = arith.constant 0 : i32
    %c0_i32_0 = arith.constant 0 : i32
    return %arg0, %c0_i32 : i32, i32
  }
}

module attributes {stable_mosaic.version = 14 : i64} {
  func.func @_estats_body(%arg0: i32, %arg1: memref<2000x128xf32, #tpu.memory_space<vmem>>, %arg2: memref<2x128xf32, #tpu.memory_space<vmem>>) attributes {dimension_semantics = [#tpu.dimension_semantics<arbitrary>], iteration_bounds = array<i64: 160>, scalar_prefetch = 0 : i64, scratch_operands = 0 : i64, tpu.core_type = #tpu.core_type<tc>, window_params = [{transform_indices = @transform_0, window_bounds = array<i64: 2000, 128>}, {pipeline_mode = #tpu.pipeline_mode<synchronous>, transform_indices = @transform_1, window_bounds = array<i64: 2, 128>}]} {
    %get3A = arith.constant 0 : index
    %get3A_0 = arith.constant 0 : index
    %get3A_1 = vector.load %arg1[%get3A, %get3A_0] : memref<2000x128xf32, #tpu.memory_space<vmem>>, vector<2000x128xf32>
    %reduce_sum3A = arith.constant dense<0.000000e+00> : vector<128xf32>
    %reduce_sum3A_2 = vector.multi_reduction <add>, %get3A_1, %reduce_sum3A [0] : vector<2000x128xf32> to vector<128xf32>
    %broadcast_in_dim3A = vector.shape_cast %reduce_sum3A_2 : vector<128xf32> to vector<1x128xf32>
    %mul3A = arith.mulf %get3A_1, %get3A_1 : vector<2000x128xf32>
    %reduce_sum3A_3 = arith.constant dense<0.000000e+00> : vector<128xf32>
    %reduce_sum3A_4 = vector.multi_reduction <add>, %mul3A, %reduce_sum3A_3 [0] : vector<2000x128xf32> to vector<128xf32>
    %broadcast_in_dim3A_5 = vector.shape_cast %reduce_sum3A_4 : vector<128xf32> to vector<1x128xf32>
    %concatenate3A = tpu.concatenate %broadcast_in_dim3A, %broadcast_in_dim3A_5 in 0 : vector<1x128xf32>, vector<1x128xf32> -> vector<2x128xf32>
    %eq3A = arith.constant 0 : i32
    %eq3A_6 = arith.cmpi eq, %arg0, %eq3A : i32
    %convert_element_type3A = arith.extui %eq3A_6 : i1 to i32
    %cond3A = arith.constant 0 : i32
    %cond3A_7 = arith.cmpi ne, %convert_element_type3A, %cond3A : i32
    scf.if %cond3A_7 {
      %swap3A = arith.constant 0 : index
      %swap3A_12 = arith.constant 0 : index
      %swap3A_13 = vector.load %arg2[%swap3A, %swap3A_12] : memref<2x128xf32, #tpu.memory_space<vmem>>, vector<2x128xf32>
      tpu.vector_store %arg2[%swap3A, %swap3A_12], %concatenate3A {strides = array<i32>} : memref<2x128xf32, #tpu.memory_space<vmem>>, vector<2x128xf32>,
    } else {
    }
    %gt3A = arith.constant 0 : i32
    %gt3A_8 = arith.cmpi sgt, %arg0, %gt3A : i32
    %convert_element_type3A_9 = arith.extui %gt3A_8 : i1 to i32
    %cond3A_10 = arith.constant 0 : i32
    %cond3A_11 = arith.cmpi ne, %convert_element_type3A_9, %cond3A_10 : i32
    scf.if %cond3A_11 {
      %get3A_12 = arith.constant 0 : index
      %get3A_13 = arith.constant 0 : index
      %get3A_14 = vector.load %arg2[%get3A_12, %get3A_13] : memref<2x128xf32, #tpu.memory_space<vmem>>, vector<2x128xf32>
      %add3A = arith.addf %get3A_14, %concatenate3A : vector<2x128xf32>
      %swap3A = arith.constant 0 : index
      %swap3A_15 = arith.constant 0 : index
      %swap3A_16 = vector.load %arg2[%swap3A, %swap3A_15] : memref<2x128xf32, #tpu.memory_space<vmem>>, vector<2x128xf32>
      tpu.vector_store %arg2[%swap3A, %swap3A_15], %add3A {strides = array<i32>} : memref<2x128xf32, #tpu.memory_space<vmem>>, vector<2x128xf32>,
    } else {
    }
    return
  }
  func.func @transform_0(%arg0: i32) -> (i32, i32) {
    %c0_i32 = arith.constant 0 : i32
    %c0_i32_0 = arith.constant 0 : i32
    return %arg0, %c0_i32 : i32, i32
  }
  func.func @transform_1(%arg0: i32) -> (i32, i32) {
    %c0_i32 = arith.constant 0 : i32
    %c0_i32_0 = arith.constant 0 : i32
    %c0_i32_1 = arith.constant 0 : i32
    return %c0_i32, %c0_i32_0 : i32, i32
  }
}

module attributes {stable_mosaic.version = 14 : i64} {
  func.func @_node_mm_body(%arg0: memref<10000x128xf32, #tpu.memory_space<vmem>>, %arg1: memref<128x128xf32, #tpu.memory_space<vmem>>, %arg2: memref<1x128xf32, #tpu.memory_space<vmem>>, %arg3: memref<128x128xf32, #tpu.memory_space<vmem>>, %arg4: memref<1x128xf32, #tpu.memory_space<vmem>>, %arg5: memref<128x128xf32, #tpu.memory_space<vmem>>, %arg6: memref<1x128xf32, #tpu.memory_space<vmem>>, %arg7: memref<128x128xf32, #tpu.memory_space<vmem>>, %arg8: memref<1x128xf32, #tpu.memory_space<vmem>>, %arg9: memref<10000x128xf32, #tpu.memory_space<vmem>>, %arg10: memref<10000x128xf32, #tpu.memory_space<vmem>>, %arg11: memref<10000x128xf32, #tpu.memory_space<vmem>>, %arg12: memref<10000x128xf32, #tpu.memory_space<vmem>>) attributes {dimension_semantics = [], scalar_prefetch = 0 : i64, scratch_operands = 0 : i64, tpu.core_type = #tpu.core_type<tc>} {
    %get3A = arith.constant 0 : index
    %get3A_0 = arith.constant 0 : index
    %get3A_1 = vector.load %arg0[%get3A, %get3A_0] : memref<10000x128xf32, #tpu.memory_space<vmem>>, vector<10000x128xf32>
    %get3A_2 = arith.constant 0 : index
    %get3A_3 = arith.constant 0 : index
    %get3A_4 = vector.load %arg1[%get3A_2, %get3A_3] : memref<128x128xf32, #tpu.memory_space<vmem>>, vector<128x128xf32>
    %dot_general3A = arith.constant dense<0.000000e+00> : vector<10000x128xf32>
    %dot_general3A_5 = tpu.matmul %get3A_1, %get3A_4, %dot_general3A {dimension_numbers = #tpu.dot_dimension_numbers<[1], [1], [0], [0], [0, 0, 1, 0], [], []>, transpose_lhs_hint = false} : vector<10000x128xf32>, vector<128x128xf32>, vector<10000x128xf32> -> vector<10000x128xf32>
    %get3A_6 = arith.constant 0 : index
    %get3A_7 = arith.constant 0 : index
    %get3A_8 = vector.load %arg2[%get3A_6, %get3A_7] : memref<1x128xf32, #tpu.memory_space<vmem>>, vector<1x128xf32>
    %add3A = vector.broadcast %get3A_8 : vector<1x128xf32> to vector<10000x128xf32>
    %add3A_9 = arith.addf %dot_general3A_5, %add3A : vector<10000x128xf32>
    %swap3A = arith.constant 0 : index
    %swap3A_10 = arith.constant 0 : index
    %swap3A_11 = vector.load %arg9[%swap3A, %swap3A_10] : memref<10000x128xf32, #tpu.memory_space<vmem>>, vector<10000x128xf32>
    tpu.vector_store %arg9[%swap3A, %swap3A_10], %add3A_9 {strides = array<i32>} : memref<10000x128xf32, #tpu.memory_space<vmem>>, vector<10000x128xf32>,
    %get3A_12 = arith.constant 0 : index
    %get3A_13 = arith.constant 0 : index
    %get3A_14 = vector.load %arg3[%get3A_12, %get3A_13] : memref<128x128xf32, #tpu.memory_space<vmem>>, vector<128x128xf32>
    %dot_general3A_15 = arith.constant dense<0.000000e+00> : vector<10000x128xf32>
    %dot_general3A_16 = tpu.matmul %get3A_1, %get3A_14, %dot_general3A_15 {dimension_numbers = #tpu.dot_dimension_numbers<[1], [1], [0], [0], [0, 0, 1, 0], [], []>, transpose_lhs_hint = false} : vector<10000x128xf32>, vector<128x128xf32>, vector<10000x128xf32> -> vector<10000x128xf32>
    %get3A_17 = arith.constant 0 : index
    %get3A_18 = arith.constant 0 : index
    %get3A_19 = vector.load %arg4[%get3A_17, %get3A_18] : memref<1x128xf32, #tpu.memory_space<vmem>>, vector<1x128xf32>
    %add3A_20 = vector.broadcast %get3A_19 : vector<1x128xf32> to vector<10000x128xf32>
    %add3A_21 = arith.addf %dot_general3A_16, %add3A_20 : vector<10000x128xf32>
    %swap3A_22 = arith.constant 0 : index
    %swap3A_23 = arith.constant 0 : index
    %swap3A_24 = vector.load %arg10[%swap3A_22, %swap3A_23] : memref<10000x128xf32, #tpu.memory_space<vmem>>, vector<10000x128xf32>
    tpu.vector_store %arg10[%swap3A_22, %swap3A_23], %add3A_21 {strides = array<i32>} : memref<10000x128xf32, #tpu.memory_space<vmem>>, vector<10000x128xf32>,
    %get3A_25 = arith.constant 0 : index
    %get3A_26 = arith.constant 0 : index
    %get3A_27 = vector.load %arg5[%get3A_25, %get3A_26] : memref<128x128xf32, #tpu.memory_space<vmem>>, vector<128x128xf32>
    %dot_general3A_28 = arith.constant dense<0.000000e+00> : vector<10000x128xf32>
    %dot_general3A_29 = tpu.matmul %get3A_1, %get3A_27, %dot_general3A_28 {dimension_numbers = #tpu.dot_dimension_numbers<[1], [1], [0], [0], [0, 0, 1, 0], [], []>, transpose_lhs_hint = false} : vector<10000x128xf32>, vector<128x128xf32>, vector<10000x128xf32> -> vector<10000x128xf32>
    %get3A_30 = arith.constant 0 : index
    %get3A_31 = arith.constant 0 : index
    %get3A_32 = vector.load %arg6[%get3A_30, %get3A_31] : memref<1x128xf32, #tpu.memory_space<vmem>>, vector<1x128xf32>
    %add3A_33 = vector.broadcast %get3A_32 : vector<1x128xf32> to vector<10000x128xf32>
    %add3A_34 = arith.addf %dot_general3A_29, %add3A_33 : vector<10000x128xf32>
    %swap3A_35 = arith.constant 0 : index
    %swap3A_36 = arith.constant 0 : index
    %swap3A_37 = vector.load %arg11[%swap3A_35, %swap3A_36] : memref<10000x128xf32, #tpu.memory_space<vmem>>, vector<10000x128xf32>
    tpu.vector_store %arg11[%swap3A_35, %swap3A_36], %add3A_34 {strides = array<i32>} : memref<10000x128xf32, #tpu.memory_space<vmem>>, vector<10000x128xf32>,
    %get3A_38 = arith.constant 0 : index
    %get3A_39 = arith.constant 0 : index
    %get3A_40 = vector.load %arg7[%get3A_38, %get3A_39] : memref<128x128xf32, #tpu.memory_space<vmem>>, vector<128x128xf32>
    %dot_general3A_41 = arith.constant dense<0.000000e+00> : vector<10000x128xf32>
    %dot_general3A_42 = tpu.matmul %get3A_1, %get3A_40, %dot_general3A_41 {dimension_numbers = #tpu.dot_dimension_numbers<[1], [1], [0], [0], [0, 0, 1, 0], [], []>, transpose_lhs_hint = false} : vector<10000x128xf32>, vector<128x128xf32>, vector<10000x128xf32> -> vector<10000x128xf32>
    %get3A_43 = arith.constant 0 : index
    %get3A_44 = arith.constant 0 : index
    %get3A_45 = vector.load %arg8[%get3A_43, %get3A_44] : memref<1x128xf32, #tpu.memory_space<vmem>>, vector<1x128xf32>
    %add3A_46 = vector.broadcast %get3A_45 : vector<1x128xf32> to vector<10000x128xf32>
    %add3A_47 = arith.addf %dot_general3A_42, %add3A_46 : vector<10000x128xf32>
    %swap3A_48 = arith.constant 0 : index
    %swap3A_49 = arith.constant 0 : index
    %swap3A_50 = vector.load %arg12[%swap3A_48, %swap3A_49] : memref<10000x128xf32, #tpu.memory_space<vmem>>, vector<10000x128xf32>
    tpu.vector_store %arg12[%swap3A_48, %swap3A_49], %add3A_47 {strides = array<i32>} : memref<10000x128xf32, #tpu.memory_space<vmem>>, vector<10000x128xf32>,
    return
  }
}

module attributes {stable_mosaic.version = 14 : i64} {
  func.func @_mid_body(%arg0: memref<2x10000x128xf32, #tpu.memory_space<vmem>>, %arg1: memref<2x128xf32, #tpu.memory_space<vmem>>, %arg2: memref<10000x128xf32, #tpu.memory_space<vmem>>, %arg3: memref<1x128xf32, #tpu.memory_space<vmem>>, %arg4: memref<1x128xf32, #tpu.memory_space<vmem>>, %arg5: memref<10000x64xi32, #tpu.memory_space<vmem>>, %arg6: memref<1x128xf32, #tpu.memory_space<vmem>>, %arg7: memref<1x128xf32, #tpu.memory_space<vmem>>) attributes {dimension_semantics = [], scalar_prefetch = 0 : i64, scratch_operands = 0 : i64, tpu.core_type = #tpu.core_type<tc>} {
    %get3A = arith.constant 0 : index
    %get3A_0 = arith.constant 0 : index
    %get3A_1 = arith.constant 0 : index
    %get3A_2 = vector.load %arg0[%get3A, %get3A_0, %get3A_1] : memref<2x10000x128xf32, #tpu.memory_space<vmem>>, vector<1x10000x128xf32>
    %get3A_3 = vector.shape_cast %get3A_2 : vector<1x10000x128xf32> to vector<10000x128xf32>
    %get3A_4 = arith.constant 1 : index
    %get3A_5 = arith.constant 0 : index
    %get3A_6 = arith.constant 0 : index
    %get3A_7 = vector.load %arg0[%get3A_4, %get3A_5, %get3A_6] : memref<2x10000x128xf32, #tpu.memory_space<vmem>>, vector<1x10000x128xf32>
    %get3A_8 = vector.shape_cast %get3A_7 : vector<1x10000x128xf32> to vector<10000x128xf32>
    %add3A = arith.addf %get3A_3, %get3A_8 : vector<10000x128xf32>
    %get3A_9 = arith.constant 0 : index
    %get3A_10 = arith.constant 0 : index
    %get3A_11 = vector.load %arg2[%get3A_9, %get3A_10] : memref<10000x128xf32, #tpu.memory_space<vmem>>, vector<10000x128xf32>
    %add3A_12 = arith.constant 9.99999997E-7 : f32
    %add3A_13 = vector.broadcast %add3A_12 : f32 to vector<10000x128xf32>
    %add3A_14 = arith.addf %add3A, %add3A_13 : vector<10000x128xf32>
    %div3A = arith.divf %get3A_11, %add3A_14 : vector<10000x128xf32>
    %bitcast_convert_type3A = tpu.bitcast %div3A : vector<10000x128xf32> -> vector<10000x128xi32>
    %slice3A = vector.extract_strided_slice %bitcast_convert_type3A {offsets = [0, 0], sizes = [10000, 64], strides = [1, 1]} : vector<10000x128xi32> to vector<10000x64xi32>
    %shift_right_logical3A = arith.constant 16 : i32
    %shift_right_logical3A_15 = vector.broadcast %shift_right_logical3A : i32 to vector<10000x64xi32>
    %shift_right_logical3A_16 = arith.shrui %slice3A, %shift_right_logical3A_15 : vector<10000x64xi32>
    %and3A = arith.constant 1 : i32
    %and3A_17 = vector.broadcast %and3A : i32 to vector<10000x64xi32>
    %and3A_18 = arith.andi %shift_right_logical3A_16, %and3A_17 : vector<10000x64xi32>
    %add3A_19 = arith.constant 32767 : i32
    %add3A_20 = vector.broadcast %add3A_19 : i32 to vector<10000x64xi32>
    %add3A_21 = arith.addi %slice3A, %add3A_20 : vector<10000x64xi32>
    %add3A_22 = arith.addi %add3A_21, %and3A_18 : vector<10000x64xi32>
    %shift_right_logical3A_23 = arith.constant 16 : i32
    %shift_right_logical3A_24 = vector.broadcast %shift_right_logical3A_23 : i32 to vector<10000x64xi32>
    %shift_right_logical3A_25 = arith.shrui %add3A_22, %shift_right_logical3A_24 : vector<10000x64xi32>
    %slice3A_26 = vector.extract_strided_slice %bitcast_convert_type3A {offsets = [0, 64], sizes = [10000, 64], strides = [1, 1]} : vector<10000x128xi32> to vector<10000x64xi32>
    %shift_right_logical3A_27 = arith.constant 16 : i32
    %shift_right_logical3A_28 = vector.broadcast %shift_right_logical3A_27 : i32 to vector<10000x64xi32>
    %shift_right_logical3A_29 = arith.shrui %slice3A_26, %shift_right_logical3A_28 : vector<10000x64xi32>
    %and3A_30 = arith.constant 1 : i32
    %and3A_31 = vector.broadcast %and3A_30 : i32 to vector<10000x64xi32>
    %and3A_32 = arith.andi %shift_right_logical3A_29, %and3A_31 : vector<10000x64xi32>
    %add3A_33 = arith.constant 32767 : i32
    %add3A_34 = vector.broadcast %add3A_33 : i32 to vector<10000x64xi32>
    %add3A_35 = arith.addi %slice3A_26, %add3A_34 : vector<10000x64xi32>
    %add3A_36 = arith.addi %add3A_35, %and3A_32 : vector<10000x64xi32>
    %shift_right_logical3A_37 = arith.constant 16 : i32
    %shift_right_logical3A_38 = vector.broadcast %shift_right_logical3A_37 : i32 to vector<10000x64xi32>
    %shift_right_logical3A_39 = arith.shrui %add3A_36, %shift_right_logical3A_38 : vector<10000x64xi32>
    %shift_left3A = arith.constant 16 : i32
    %shift_left3A_40 = vector.broadcast %shift_left3A : i32 to vector<10000x64xi32>
    %shift_left3A_41 = arith.shli %shift_right_logical3A_39, %shift_left3A_40 : vector<10000x64xi32>
    %or3A = arith.ori %shift_right_logical3A_25, %shift_left3A_41 : vector<10000x64xi32>
    %swap3A = arith.constant 0 : index
    %swap3A_42 = arith.constant 0 : index
    %swap3A_43 = vector.load %arg5[%swap3A, %swap3A_42] : memref<10000x64xi32, #tpu.memory_space<vmem>>, vector<10000x64xi32>
    tpu.vector_store %arg5[%swap3A, %swap3A_42], %or3A {strides = array<i32>} : memref<10000x64xi32, #tpu.memory_space<vmem>>, vector<10000x64xi32>,
    %get3A_44 = arith.constant 0 : index
    %get3A_45 = arith.constant 0 : index
    %get3A_46 = vector.load %arg1[%get3A_44, %get3A_45] : memref<2x128xf32, #tpu.memory_space<vmem>>, vector<2x128xf32>
    %slice3A_47 = vector.extract_strided_slice %get3A_46 {offsets = [0, 0], sizes = [1, 128], strides = [1, 1]} : vector<2x128xf32> to vector<1x128xf32>
    %div3A_48 = arith.constant 3.200000e+05 : f32
    %div3A_49 = vector.broadcast %div3A_48 : f32 to vector<1x128xf32>
    %div3A_50 = arith.divf %slice3A_47, %div3A_49 : vector<1x128xf32>
    %slice3A_51 = vector.extract_strided_slice %get3A_46 {offsets = [1, 0], sizes = [1, 128], strides = [1, 1]} : vector<2x128xf32> to vector<1x128xf32>
    %div3A_52 = arith.constant 3.200000e+05 : f32
    %div3A_53 = vector.broadcast %div3A_52 : f32 to vector<1x128xf32>
    %div3A_54 = arith.divf %slice3A_51, %div3A_53 : vector<1x128xf32>
    %mul3A = arith.mulf %div3A_50, %div3A_50 : vector<1x128xf32>
    %sub3A = arith.subf %div3A_54, %mul3A : vector<1x128xf32>
    %get3A_55 = arith.constant 0 : index
    %get3A_56 = arith.constant 0 : index
    %get3A_57 = vector.load %arg3[%get3A_55, %get3A_56] : memref<1x128xf32, #tpu.memory_space<vmem>>, vector<1x128xf32>
    %add3A_58 = arith.constant 9.99999974E-6 : f32
    %add3A_59 = vector.broadcast %add3A_58 : f32 to vector<1x128xf32>
    %add3A_60 = arith.addf %sub3A, %add3A_59 : vector<1x128xf32>
    %rsqrt3A = math.rsqrt %add3A_60 : vector<1x128xf32>
    %mul3A_61 = arith.mulf %get3A_57, %rsqrt3A : vector<1x128xf32>
    %swap3A_62 = arith.constant 0 : index
    %swap3A_63 = arith.constant 0 : index
    %swap3A_64 = vector.load %arg6[%swap3A_62, %swap3A_63] : memref<1x128xf32, #tpu.memory_space<vmem>>, vector<1x128xf32>
    tpu.vector_store %arg6[%swap3A_62, %swap3A_63], %mul3A_61 {strides = array<i32>} : memref<1x128xf32, #tpu.memory_space<vmem>>, vector<1x128xf32>,
    %get3A_65 = arith.constant 0 : index
    %get3A_66 = arith.constant 0 : index
    %get3A_67 = vector.load %arg4[%get3A_65, %get3A_66] : memref<1x128xf32, #tpu.memory_space<vmem>>, vector<1x128xf32>
    %mul3A_68 = arith.mulf %div3A_50, %mul3A_61 : vector<1x128xf32>
    %sub3A_69 = arith.subf %get3A_67, %mul3A_68 : vector<1x128xf32>
    %swap3A_70 = arith.constant 0 : index
    %swap3A_71 = arith.constant 0 : index
    %swap3A_72 = vector.load %arg7[%swap3A_70, %swap3A_71] : memref<1x128xf32, #tpu.memory_space<vmem>>, vector<1x128xf32>
    tpu.vector_store %arg7[%swap3A_70, %swap3A_71], %sub3A_69 {strides = array<i32>} : memref<1x128xf32, #tpu.memory_space<vmem>>, vector<1x128xf32>,
    return
  }
}

module attributes {stable_mosaic.version = 14 : i64} {
  func.func @_eout_body(%arg0: i32, %arg1: memref<2000x128xf32, #tpu.memory_space<vmem>>, %arg2: memref<2000x128xf32, #tpu.memory_space<vmem>>, %arg3: memref<1x128xf32, #tpu.memory_space<vmem>>, %arg4: memref<1x128xf32, #tpu.memory_space<vmem>>, %arg5: memref<2000x128xf32, #tpu.memory_space<vmem>>) attributes {dimension_semantics = [#tpu.dimension_semantics<arbitrary>], iteration_bounds = array<i64: 160>, scalar_prefetch = 0 : i64, scratch_operands = 0 : i64, tpu.core_type = #tpu.core_type<tc>, window_params = [{transform_indices = @transform_0, window_bounds = array<i64: 2000, 128>}, {transform_indices = @transform_1, window_bounds = array<i64: 2000, 128>}, {pipeline_mode = #tpu.pipeline_mode<synchronous>, transform_indices = @transform_2, window_bounds = array<i64: 1, 128>}, {pipeline_mode = #tpu.pipeline_mode<synchronous>, transform_indices = @transform_3, window_bounds = array<i64: 1, 128>}, {transform_indices = @transform_4, window_bounds = array<i64: 2000, 128>}]} {
    %get3A = arith.constant 0 : index
    %get3A_0 = arith.constant 0 : index
    %get3A_1 = vector.load %arg2[%get3A, %get3A_0] : memref<2000x128xf32, #tpu.memory_space<vmem>>, vector<2000x128xf32>
    %get3A_2 = arith.constant 0 : index
    %get3A_3 = arith.constant 0 : index
    %get3A_4 = vector.load %arg3[%get3A_2, %get3A_3] : memref<1x128xf32, #tpu.memory_space<vmem>>, vector<1x128xf32>
    %mul3A = vector.broadcast %get3A_4 : vector<1x128xf32> to vector<2000x128xf32>
    %mul3A_5 = arith.mulf %get3A_1, %mul3A : vector<2000x128xf32>
    %get3A_6 = arith.constant 0 : index
    %get3A_7 = arith.constant 0 : index
    %get3A_8 = vector.load %arg4[%get3A_6, %get3A_7] : memref<1x128xf32, #tpu.memory_space<vmem>>, vector<1x128xf32>
    %add3A = vector.broadcast %get3A_8 : vector<1x128xf32> to vector<2000x128xf32>
    %add3A_9 = arith.addf %mul3A_5, %add3A : vector<2000x128xf32>
    %get3A_10 = arith.constant 0 : index
    %get3A_11 = arith.constant 0 : index
    %get3A_12 = vector.load %arg1[%get3A_10, %get3A_11] : memref<2000x128xf32, #tpu.memory_space<vmem>>, vector<2000x128xf32>
    %max3A = arith.constant 0.000000e+00 : f32
    %max3A_13 = vector.broadcast %max3A : f32 to vector<2000x128xf32>
    %max3A_14 = arith.maximumf %add3A_9, %max3A_13 : vector<2000x128xf32>
    %add3A_15 = arith.addf %get3A_12, %max3A_14 : vector<2000x128xf32>
    %swap3A = arith.constant 0 : index
    %swap3A_16 = arith.constant 0 : index
    %swap3A_17 = vector.load %arg5[%swap3A, %swap3A_16] : memref<2000x128xf32, #tpu.memory_space<vmem>>, vector<2000x128xf32>
    tpu.vector_store %arg5[%swap3A, %swap3A_16], %add3A_15 {strides = array<i32>} : memref<2000x128xf32, #tpu.memory_space<vmem>>, vector<2000x128xf32>,
    return
  }
  func.func @transform_0(%arg0: i32) -> (i32, i32) {
    %c0_i32 = arith.constant 0 : i32
    %c0_i32_0 = arith.constant 0 : i32
    return %arg0, %c0_i32 : i32, i32
  }
  func.func @transform_1(%arg0: i32) -> (i32, i32) {
    %c0_i32 = arith.constant 0 : i32
    %c0_i32_0 = arith.constant 0 : i32
    return %arg0, %c0_i32 : i32, i32
  }
  func.func @transform_2(%arg0: i32) -> (i32, i32) {
    %c0_i32 = arith.constant 0 : i32
    %c0_i32_0 = arith.constant 0 : i32
    %c0_i32_1 = arith.constant 0 : i32
    return %c0_i32, %c0_i32_0 : i32, i32
  }
  func.func @transform_3(%arg0: i32) -> (i32, i32) {
    %c0_i32 = arith.constant 0 : i32
    %c0_i32_0 = arith.constant 0 : i32
    %c0_i32_1 = arith.constant 0 : i32
    return %c0_i32, %c0_i32_0 : i32, i32
  }
  func.func @transform_4(%arg0: i32) -> (i32, i32) {
    %c0_i32 = arith.constant 0 : i32
    %c0_i32_0 = arith.constant 0 : i32
    return %arg0, %c0_i32 : i32, i32
  }
}

module attributes {stable_mosaic.version = 14 : i64} {
  func.func @_hout_body(%arg0: memref<10000x128xf32, #tpu.memory_space<vmem>>, %arg1: memref<10000x128xf32, #tpu.memory_space<vmem>>, %arg2: memref<2x10000x128xf32, #tpu.memory_space<vmem>>, %arg3: memref<1x128xf32, #tpu.memory_space<vmem>>, %arg4: memref<1x128xf32, #tpu.memory_space<vmem>>, %arg5: memref<10000x128xf32, #tpu.memory_space<vmem>>) attributes {dimension_semantics = [], scalar_prefetch = 0 : i64, scratch_operands = 0 : i64, tpu.core_type = #tpu.core_type<tc>} {
    %get3A = arith.constant 0 : index
    %get3A_0 = arith.constant 0 : index
    %get3A_1 = vector.load %arg1[%get3A, %get3A_0] : memref<10000x128xf32, #tpu.memory_space<vmem>>, vector<10000x128xf32>
    %get3A_2 = arith.constant 0 : index
    %get3A_3 = arith.constant 0 : index
    %get3A_4 = arith.constant 0 : index
    %get3A_5 = vector.load %arg2[%get3A_2, %get3A_3, %get3A_4] : memref<2x10000x128xf32, #tpu.memory_space<vmem>>, vector<1x10000x128xf32>
    %get3A_6 = vector.shape_cast %get3A_5 : vector<1x10000x128xf32> to vector<10000x128xf32>
    %add3A = arith.addf %get3A_1, %get3A_6 : vector<10000x128xf32>
    %get3A_7 = arith.constant 1 : index
    %get3A_8 = arith.constant 0 : index
    %get3A_9 = arith.constant 0 : index
    %get3A_10 = vector.load %arg2[%get3A_7, %get3A_8, %get3A_9] : memref<2x10000x128xf32, #tpu.memory_space<vmem>>, vector<1x10000x128xf32>
    %get3A_11 = vector.shape_cast %get3A_10 : vector<1x10000x128xf32> to vector<10000x128xf32>
    %add3A_12 = arith.addf %add3A, %get3A_11 : vector<10000x128xf32>
    %reduce_sum3A = arith.constant dense<0.000000e+00> : vector<128xf32>
    %reduce_sum3A_13 = vector.multi_reduction <add>, %add3A_12, %reduce_sum3A [0] : vector<10000x128xf32> to vector<128xf32>
    %broadcast_in_dim3A = vector.shape_cast %reduce_sum3A_13 : vector<128xf32> to vector<1x128xf32>
    %div3A = arith.constant 1.000000e+04 : f32
    %div3A_14 = vector.broadcast %div3A : f32 to vector<1x128xf32>
    %div3A_15 = arith.divf %broadcast_in_dim3A, %div3A_14 : vector<1x128xf32>
    %sub3A = vector.broadcast %div3A_15 : vector<1x128xf32> to vector<10000x128xf32>
    %sub3A_16 = arith.subf %add3A_12, %sub3A : vector<10000x128xf32>
    %integer_pow3A = arith.mulf %sub3A_16, %sub3A_16 : vector<10000x128xf32>
    %reduce_sum3A_17 = arith.constant dense<0.000000e+00> : vector<128xf32>
    %reduce_sum3A_18 = vector.multi_reduction <add>, %integer_pow3A, %reduce_sum3A_17 [0] : vector<10000x128xf32> to vector<128xf32>
    %broadcast_in_dim3A_19 = vector.shape_cast %reduce_sum3A_18 : vector<128xf32> to vector<1x128xf32>
    %div3A_20 = arith.constant 1.000000e+04 : f32
    %div3A_21 = vector.broadcast %div3A_20 : f32 to vector<1x128xf32>
    %div3A_22 = arith.divf %broadcast_in_dim3A_19, %div3A_21 : vector<1x128xf32>
    %get3A_23 = arith.constant 0 : index
    %get3A_24 = arith.constant 0 : index
    %get3A_25 = vector.load %arg3[%get3A_23, %get3A_24] : memref<1x128xf32, #tpu.memory_space<vmem>>, vector<1x128xf32>
    %sub3A_26 = vector.broadcast %div3A_15 : vector<1x128xf32> to vector<10000x128xf32>
    %sub3A_27 = arith.subf %add3A_12, %sub3A_26 : vector<10000x128xf32>
    %mul3A = vector.broadcast %get3A_25 : vector<1x128xf32> to vector<10000x128xf32>
    %mul3A_28 = arith.mulf %mul3A, %sub3A_27 : vector<10000x128xf32>
    %add3A_29 = arith.constant 9.99999974E-6 : f32
    %add3A_30 = vector.broadcast %add3A_29 : f32 to vector<1x128xf32>
    %add3A_31 = arith.addf %div3A_22, %add3A_30 : vector<1x128xf32>
    %rsqrt3A = math.rsqrt %add3A_31 : vector<1x128xf32>
    %mul3A_32 = vector.broadcast %rsqrt3A : vector<1x128xf32> to vector<10000x128xf32>
    %mul3A_33 = arith.mulf %mul3A_28, %mul3A_32 : vector<10000x128xf32>
    %get3A_34 = arith.constant 0 : index
    %get3A_35 = arith.constant 0 : index
    %get3A_36 = vector.load %arg4[%get3A_34, %get3A_35] : memref<1x128xf32, #tpu.memory_space<vmem>>, vector<1x128xf32>
    %add3A_37 = vector.broadcast %get3A_36 : vector<1x128xf32> to vector<10000x128xf32>
    %add3A_38 = arith.addf %mul3A_33, %add3A_37 : vector<10000x128xf32>
    %get3A_39 = arith.constant 0 : index
    %get3A_40 = arith.constant 0 : index
    %get3A_41 = vector.load %arg0[%get3A_39, %get3A_40] : memref<10000x128xf32, #tpu.memory_space<vmem>>, vector<10000x128xf32>
    %max3A = arith.constant 0.000000e+00 : f32
    %max3A_42 = vector.broadcast %max3A : f32 to vector<10000x128xf32>
    %max3A_43 = arith.maximumf %add3A_38, %max3A_42 : vector<10000x128xf32>
    %add3A_44 = arith.addf %get3A_41, %max3A_43 : vector<10000x128xf32>
    %swap3A = arith.constant 0 : index
    %swap3A_45 = arith.constant 0 : index
    %swap3A_46 = vector.load %arg5[%swap3A, %swap3A_45] : memref<10000x128xf32, #tpu.memory_space<vmem>>, vector<10000x128xf32>
    tpu.vector_store %arg5[%swap3A, %swap3A_45], %add3A_44 {strides = array<i32>} : memref<10000x128xf32, #tpu.memory_space<vmem>>, vector<10000x128xf32>,
    return
  }
}

</mosaic_0001>

<sc_bundles>
// kernel: kernel.10.cloned.1.call-start
scs
__scs_entry_jumppad:
0x0: {  	(pc) =	sbr.rel $0x88, $3  }
0x1: {  	(tag) =	ssettag $0x0;
	lr =	simm.s32 $0x1  }
0x2: {  	[smem:$0x3F90] =	sst lr;
	_ =	strace $0xD0000000  }
0x3: {  	_ = 	snop  }
0x4: {  	_ = 	snop  }
0x5: {  	_ = 	snop  }
0x6: {  	_ = 	snop  }
0x7: {  	_ = 	snop  }
__scs_overlays_trampoline_lowered:
0x8: {  	[smem:$0x3F9F] =	sst s0  }
0x9: {  	[smem:$0x3FA0] =	sst s1  }
0xa: {  	[smem:$0x3FA1] =	sst s2  }
0xb: {  	[smem:$0x3FA2] =	sst s3  }
0xc: {  	[smem:$0x3FA3] =	sst s4  }
0xd: {  	[smem:$0x3FA4] =	sst s5  }
0xe: {  	[smem:$0x3FA5] =	sst s6  }
0xf: {  	[smem:$0x3FA6] =	sst s7  }
0x10: {  	[smem:$0x3FA7] =	sst s8  }
0x11: {  	[smem:$0x3FA8] =	sst s9;
	s0 =	simm.s32 @!p0 $0x0  }
0x12: {  	s1 =	sld [smem:$0x3F8E];
	s0 =	simm.s32 @p0 $0x1  }
0x13: {  	[smem:$0x3FA9] =	sst s0;
	s0 =	simm.s32 @!p1 $0x0  }
0x14: {  	s2 =	sld [smem:$0x3F8D];
	s0 =	simm.s32 @p1 $0x1  }
0x15: {  	[smem:$0x3FAA] =	sst s0;
	s0 =	simm.s32 @!p2 $0x0  }
0x16: {  	s3 =	sld [smem:$0x3FDB];
	s0 =	simm.s32 @p2 $0x1  }
0x17: {  	s4 =	simm.s32 $0x1BF5;
	[smem:$0x3FAC] =	sst s0  }
0x18: {  	s0 =	sld [smem:$0x3F8F];
	_ =	swait.ge [sflag:s4], $0x0  }
0x19: {  	s7 =	sld [smem:$0x3F90]  }
0x1a: {  	s8 =	sadd.s32 $0xFFFFE003, lr  }
0x1b: {  	s9 =	sadd.s32 $0xFFFFFEF7, lr;
	s5 =	simm.s32 $0xFFFFFFFF;
	p2 =	slt.u32 s8, $0xFFFFF086  }
0x1c: {  	p1 =	slt.u32 s9, $0xF7A;
	s5 =	simm.s32 @!p2 $0x0  }
0x1d: {  	s5 =	simm.s32 @p1 $0x1;
	p0 =	seq.s32 s7, s2  }
0x1e: {  	s7 =	smul.u32 @!p0 $0xF7A, s2;
	p2 =	seq.s32 @!p0 s5, $0x0  }
0x1f: {  	s9 =	smul.u32 $0xF7A, s1;
	s8 =	simm.s32 @!p0 $0x1BF5;
	p2 =	por !p2, p0  }
0x20: {  	[sflag:s8] =	ssyncset.s32 @!p0 $0xFFFFF086;
	s6 =	sadd.s32 @!p0 s3, s7;
	s7 =	simm.s32 @!p0 $0x108  }
0x21: {  	s3 =	sadd.s32 s3, s9;
	s6 =	sadd.s32 @!p0 $0x88, s6;
	s7 =	simm.s32 @p2 $0x1082  }
0x22: {  	[simem:s7], [sflag:s8] =	dma.local @!p0 [hbm:s6], $0xF7A  }
0x23: {  	s9 =	sor.u32 $0xD0000000, s2;
	s6 =	simm.s32 $0x108;
	_ =	swait.ge @!p0 [sflag:s8], $0x0  }
0x24: {  	s3 =	sadd.s32 $0x88, s3;
	s6 =	simm.s32 @!p1 $0x1082;
	[sflag:s4] =	ssyncset.s32 $0xFFFFF086  }
0x25: {  	[simem:s6], [sflag:s4] =	dma.local [hbm:s3], $0xF7A  }
0x26: {  	[smem:$0x3F90] =	sst s1;
	(tag) =	ssettag s2;
	_ =	strace s9  }
0x27: {  	s1 =	sld [smem:$0x3FA0]  }
0x28: {  	s2 =	sld [smem:$0x3FA1]  }
0x29: {  	s4 =	sld [smem:$0x3FA3]  }
0x2a: {  	p0 =	seq.s32 s5, $0x0;
	s5 =	sld [smem:$0x3FA4]  }
0x2b: {  	s6 =	sld [smem:$0x3FA5]  }
0x2c: {  	s7 =	sld [smem:$0x3FA6]  }
0x2d: {  	s3 =	simm.s32 $0x108;
	s8 =	sld [smem:$0x3FA7]  }
0x2e: {  	s3 =	simm.s32 @!p0 $0x1082;
	s9 =	sld [smem:$0x3FA8]  }
0x2f: {  	lr =	sadd.s32 s0, s3;
	s0 =	sld [smem:$0x3F9F]  }
0x30: {  	s3 =	sld [smem:$0x3FA2]  }
0x31: {  	[smem:$0x3FAB] =	sst s10  }
0x32: {  	s10 =	sld [smem:$0x3FA9];
	_ =	sdelay $0x3  }
0x33: {  	p0 =	seq.s32 s10, $0x1;
	s10 =	sld [smem:$0x3FAB];
	_ =	sdelay $0x3  }
0x34: {  	[smem:$0x3FAB] =	sst s10  }
0x35: {  	s10 =	sld [smem:$0x3FAA];
	_ =	sdelay $0x3  }
0x36: {  	p1 =	seq.s32 s10, $0x1;
	s10 =	sld [smem:$0x3FAB];
	_ =	sdelay $0x3  }
0x37: {  	[smem:$0x3FAB] =	sst s10  }
0x38: {  	s10 =	sld [smem:$0x3FAC]  }
0x39: {  	_ = 	snop;
	(pc) =	sbr.ind lr, $3  }
0x3a: {  	_ = 	snop  }
0x3b: {  	_ = 	snop  }
0x3c: {  	p2 =	seq.s32 s10, $0x1;
	s10 =	sld [smem:$0x3FAB]  }
0x3d: {  	_ =	shalt  }
0x3e: {  	_ =	shalt  }
0x3f: {  	_ =	shalt  }
0x40: {  	_ =	shalt  }
0x41: {  	_ =	shalt  }
0x42: {  	_ =	shalt  }
0x43: {  	_ =	shalt  }
0x44: {  	_ =	shalt  }
0x45: {  	_ =	shalt  }
0x46: {  	_ =	shalt  }
0x47: {  	_ =	shalt  }
0x48: {  	_ =	shalt  }
0x49: {  	_ =	shalt  }
0x4a: {  	_ =	shalt  }
0x4b: {  	_ =	shalt  }
0x4c: {  	_ =	shalt  }
0x4d: {  	_ =	shalt  }
0x4e: {  	_ =	shalt  }
0x4f: {  	_ =	shalt  }
0x50: {  	_ =	shalt  }
0x51: {  	_ =	shalt  }
0x52: {  	_ =	shalt  }
0x53: {  	_ =	shalt  }
0x54: {  	_ =	shalt  }
0x55: {  	_ =	shalt  }
0x56: {  	_ =	shalt  }
0x57: {  	_ =	shalt  }
0x58: {  	_ =	shalt  }
0x59: {  	_ =	shalt  }
0x5a: {  	_ =	shalt  }
0x5b: {  	_ =	shalt  }
0x5c: {  	_ =	shalt  }
0x5d: {  	_ =	shalt  }
0x5e: {  	_ =	shalt  }
0x5f: {  	_ =	shalt  }
0x60: {  	_ =	shalt  }
0x61: {  	_ =	shalt  }
0x62: {  	_ =	shalt  }
0x63: {  	_ =	shalt  }
0x64: {  	_ =	shalt  }
0x65: {  	_ =	shalt  }
0x66: {  	_ =	shalt  }
0x67: {  	_ =	shalt  }
0x68: {  	_ =	shalt  }
0x69: {  	_ =	shalt  }
0x6a: {  	_ =	shalt  }
0x6b: {  	_ =	shalt  }
0x6c: {  	_ =	shalt  }
0x6d: {  	_ =	shalt  }
0x6e: {  	_ =	shalt  }
0x6f: {  	_ =	shalt  }
0x70: {  	_ =	shalt  }
0x71: {  	_ =	shalt  }
0x72: {  	_ =	shalt  }
0x73: {  	_ =	shalt  }
0x74: {  	_ =	shalt  }
0x75: {  	_ =	shalt  }
0x76: {  	_ =	shalt  }
0x77: {  	_ =	shalt  }
0x78: {  	_ =	shalt  }
0x79: {  	_ =	shalt  }
0x7a: {  	_ =	shalt  }
0x7b: {  	_ =	shalt  }
0x7c: {  	_ =	shalt  }
0x7d: {  	_ =	shalt  }
0x7e: {  	_ =	shalt  }
0x7f: {  	_ =	shalt  }
0x80: {  	_ =	shalt  }
0x81: {  	_ =	shalt  }
0x82: {  	_ =	shalt  }
0x83: {  	_ =	shalt  }
0x84: {  	_ =	shalt  }
0x85: {  	_ =	shalt  }
0x86: {  	_ =	shalt  }
0x87: {  	_ =	shalt  }
.Lfunc_end0:
.L_simem_size_0:
called_computation_lowered:
.L_overlay_start_0:
0x88: {  	s2 =	sld [smem:$0x3FD9]  }
0x89: {  	s3 =	sld [smem:$0x3FFE];
	_ =	sdelay $0x1  }
0x8a: {  	s1 =	srdreg.scid  }
0x8b: {  	s0 =	sand.u32 $0x1, s1  }
0x8c: {  	s14 =	sshll.u32 s0, $0xA;
	s2 =	sadd.s32 s3, s2  }
0x8d: {  	s2 =	sadd.s32 s2, s14  }
0x8e: {  	[smem:$0x3FB7] =	sst s2  }
0x8f: {  	_ = 	snop  }
0x90: {  	s2 =	sld [smem:$0x3FD0];
	_ =	sdelay $0x2  }
0x91: {  	s15 =	simm.s32 $0xA;
	s4 =	simm.s32 $0x10  }
0x92: {  	[smem:s4], [sflag:s15] =	dma.local [hbm:s2], $0x1  }
0x93: {  	_ =	swait.eq [sflag:s15], $0x1  }
0x94: {  	[sflag:s15] =	ssyncset.done $0x0  }
0x95: {  	[sflag:s15] =	ssyncadd.s32 $0xFFFFFFFF  }
0x96: {  	s16 =	sld [smem:$0x11];
	(tm) =	ssettm $0x1  }
0x97: {  	s17 =	sld [smem:$0x3FFB];
	_ =	sdelay $0x3  }
0x98: {  	_ =	strace s17  }
0x99: {  	s3 =	sld [smem:$0x3FFC];
	_ =	sdelay $0x3  }
0x9a: {  	_ =	strace s3  }
0x9b: {  	s3 =	sld [smem:$0x3FFD];
	_ =	sdelay $0x3  }
0x9c: {  	_ =	strace s3  }
0x9d: {  	_ =	strace $0x8FFFFFFF  }
0x9e: {  	s18 =	sld [smem:$0x3FDB];
	_ =	sdelay $0x1  }
0x9f: {  	s19 =	simm.s32 $_scs_section_size  }
0xa0: {  	s5 =	simm.s32 $_size__tile_overlayer_lowered;
	s6 =	simm.s32 $_tile_overlayer_lowered  }
0xa1: {  	s22 =	simm.s32 $0x1BFF;
	s21 =	sshll.u32 s6, $0x1;
	s3 =	sadd.s32 s19, s18  }
0xa2: {  	s7 =	simm.s32 $0x0;
	s20 =	sshll.u32 s5, $0x1;
	s5 =	sadd.s32 s21, s3  }
0xa3: {  	[timem:s7], [sflag:s22] =	dma.local [hbm:s5], s20  }
0xa4: {  	_ =	swait.ge [sflag:s22], s20  }
0xa5: {  	s4 =	ssub.s32 $0x0, s20;
	[sflag:s22] =	ssyncset.done $0x0  }
0xa6: {  	[sflag:s22] =	ssyncadd.s32 s4;
	_ =	sdelay $0x1  }
0xa7: {  	s23 =	simm.s32 $0x1B8B  }
0xa8: {  	_ =	swait.ge [sflag:s23], $0x1  }
0xa9: {  	[sflag:s23] =	ssyncset.done $0x0  }
0xaa: {  	s25 =	simm.s32 $0x1B8E;
	s24 =	sld [smem:$0x3FFE];
	[sflag:s23] =	ssyncadd.s32 $0xFFFFFFFF  }
0xab: {  	s26 =	simm.s32 $execute0_lowered;
	[smem:$0x3FD2] =	sst s25  }
0xac: {  	s5 =	sshll.u32 s26, $0x1;
	_ =	strace $0x80000046;
	[dreg:$0x1] =	wrdreg $0xFFFFFFFF  }
0xad: {  	s28 =	simm.s32 $_size_execute0_lowered;
	s3 =	sadd.s32 s3, s5;
	[dreg:$0x0] =	wrdreg $0x0  }
0xae: {  	s5 =	sshll.u32 s28, $0x1;
	[dreg:$0x2] =	wrdreg s3  }
0xaf: {  	[dreg:$0x3] =	wrdreg s5  }
0xb0: {  	[dreg:$0x4] =	wrdreg $0xC0  }
0xb1: {  	_ =	task [dreg:s7], $0x5FFFF  }
0xb2: {  	[dreg:$0x1] =	wrdreg $0xFFFFFFFF  }
0xb3: {  	[dreg:$0x0] =	wrdreg $0x60  }
0xb4: {  	[dreg:$0x2] =	wrdreg s24  }
0xb5: {  	[dreg:$0x3] =	wrdreg s16  }
0xb6: {  	[dreg:$0x4] =	wrdreg $0xC1000  }
0xb7: {  	[dreg:$0x5] =	wrdreg $0x9  }
0xb8: {  	_ =	task.clear_ibuf [dreg:s7], $0x6FFFF;
	_ =	strace $0x90000046  }
0xb9: {  	s29 =	simm.s32 $0x9;
	_ =	strace $0x80000048  }
0xba: {  	_ =	swait.ge [sflag:s29], $0x1  }
0xbb: {  	[sflag:s29] =	ssyncadd.s32 $0xFFFFFFFF  }
0xbc: {  	_ =	strace $0x90000048  }
0xbd: {  	_ =	sfence  }
0xbe: {  	s30 =	sld [smem:$0x0];
	_ =	sdelay $0x2  }
0xbf: {  	s31 =	sshll.u32 s1, $0xD;
	s1 =	sshrl.u32 s1, $0x2  }
0xc0: {  	s3 =	sand.u32 $0x4000, s31;
	s1 =	sadd.s32 s1, s30  }
0xc1: {  	s0 =	sor.u32 s3, s0;
	s1 =	sshll.u32 s1, $0x11  }
0xc2: {  	s0 =	sor.u32 s1, s0  }
0xc3: {  	s0 =	sadd.s32 $0x8F2B, s0  }
0xc4: {  	[sflag:s0] =	ssyncadd.remote.s32 $0x1  }
0xc5: {  	_ =	sfence.sel $0xFFFF  }
0xc6: {  	[dreg:$0x0] =	wrdreg $0xFFFFFFFF;
	(pc) =	sbr.abs _section_cstart, $3  }
0xc7: {  	[dreg:$0x1] =	wrdreg $0xFFFFFFFF  }
0xc8: {  	_ =	task.clear_ibuf [dreg:s7], $0x2FFFF;
	_ =	strace $0x9FFFFFFF  }
0xc9: {  	(tm) =	ssettm $0x7FFFFFFF  }
tec
execute0_lowered:
.L_overlay_start_1:
0x0: {  	(tag) =	ssettag $0x1  }
0x1: {  	s25 =	stileid.u32  }
0x2: {  	s0 =	srdreg.scid;
	s3 =	sor.u32 $0x10, s25  }
0x3: {  	s4 =	sand.u32 $0x1, s0;
	s6 =	smul.u32 $0xA000, s3  }
0x4: {  	s10 =	smul.u32 $0x138800, s4  }
0x5: {  	s8 =	sor.u32 $0x20, s25;
	s9 =	sor.u32 $0x30, s25;
	s3 =	smul.u32 $0x2800, s3  }
0x6: {  	s0 =	ssub.s32 $0x2, s4;
	[dreg:$0x4] =	wrdreg s4;
	s4 =	smul.u32 $0x2800, s8  }
0x7: {  	s11 =	sor.u32 $0x40, s25;
	s19 =	smul.u32 $0x2800, s9  }
0x8: {  	s12 =	sor.u32 $0x50, s25;
	s21 =	smul.u32 $0x2800, s11  }
0x9: {  	s13 =	sor.u32 $0x60, s25;
	s22 =	smul.u32 $0x2800, s12  }
0xa: {  	s20 =	sor.u32 $0x70, s25;
	s23 =	smul.u32 $0x2800, s13  }
0xb: {  	s5 =	rddreg [dreg:$0x0];
	s2 =	simm.s32 $0x0;
	s24 =	smul.u32 $0x2800, s20  }
0xc: {  	[smem:$0x7FF] =	sst s2;
	s28 =	smul.u32 $0xA000, s8  }
0xd: {  	s7 =	sadd.s32 $0x8D000, s5;
	s12 =	smul.u32 $0xA000, s12;
	s1 =	sshrl.u32 s0, $0x1  }
0xe: {  	p0 =	sgt.u32 s25, $0xC;
	s0 =	ssub.s32 s0, s1;
	s1 =	smul.u32 $0x2800, s25  }
0xf: {  	s15 =	sadd.s32 s10, s3;
	s30 =	sadd.s32 s10, s4;
	s16 =	sadd.s32 s10, s19  }
0x10: {  	s17 =	sadd.s32 s10, s22;
	s26 =	sadd.s32 s10, s23;
	s29 =	sshrl.u32 s15, $0x3  }
0x11: {  	s15 =	sshrl.u32 s30, $0x3;
	s16 =	sshrl.u32 s16, $0x3;
	s14 =	sadd.s32 s1, s10  }
0x12: {  	s31 =	sadd.s32 s7, s15;
	s15 =	sadd.s32 s7, s16;
	s16 =	sadd.s32 s10, s21  }
0x13: {  	s10 =	sadd.s32 s10, s24;
	s14 =	sshrl.u32 s14, $0x3;
	[dreg:$0x7] =	wrdreg s31  }
0x14: {  	[dreg:$0x8] =	wrdreg s15;
	s15 =	sshrl.u32 s17, $0x3;
	s10 =	sshrl.u32 s10, $0x3  }
0x15: {  	s17 =	sadd.s32 $0x3EC00, s5;
	s31 =	smul.u32 $0xA000, s9;
	s14 =	sadd.s32 s7, s14  }
0x16: {  	s18 =	sadd.s32 s7, s15;
	s15 =	sadd.s32 $0x3E00, s5;
	[dreg:$0x5] =	wrdreg s14  }
0x17: {  	s14 =	sadd.s32 s7, s29;
	[dreg:$0xa] =	wrdreg s18;
	s29 =	smul.u32 $0xA000, s25  }
0x18: {  	s18 =	sadd.s32 $0xDB200, s5;
	[dreg:$0x6] =	wrdreg s14;
	s14 =	sshrl.u32 s16, $0x3  }
0x19: {  	s16 =	sadd.s32 $0x17A00, s5;
	s14 =	sadd.s32 s7, s14;
	s30 =	sshrl.u32 s29, $0x2  }
0x1a: {  	s29 =	smul.u32 $0xA000, s13;
	[dreg:$0x9] =	wrdreg s14;
	s14 =	sshrl.u32 s26, $0x3  }
0x1b: {  	s26 =	rddreg [dreg:$0x2];
	s14 =	sadd.s32 s7, s14;
	s7 =	sadd.s32 s7, s10  }
0x1c: {  	s10 =	smul.u32 $0xA000, s11;
	s11 =	sshrl.u32 s28, $0x2;
	[dreg:$0xb] =	wrdreg s14  }
0x1d: {  	[dreg:$0xc] =	wrdreg s7;
	s14 =	sadd.s32 $0xDC00, s5;
	s5 =	sadd.s32 s30, s26  }
0x1e: {  	s1 =	sadd.s32 s1, s26;
	_ =	strace $0x80000047;
	[dreg:$0xd] =	wrdreg s5  }
0x1f: {  	s7 =	sshrl.u32 s12, $0x2;
	s12 =	sadd.s32 s3, s26;
	[dreg:$0x15] =	wrdreg s1  }
0x20: {  	s28 =	sshrl.u32 s31, $0x2;
	s13 =	sadd.s32 s4, s26;
	[dreg:$0x16] =	wrdreg s12  }
0x21: {  	s31 =	smul.u32 $0xA000, s20;
	s20 =	sadd.s32 s19, s26;
	[dreg:$0x17] =	wrdreg s13  }
0x22: {  	s0 =	smax.u32 s0, $0x1;
	s9 =	sshrl.u32 s6, $0x2;
	[dreg:$0x18] =	wrdreg s20  }
0x23: {  	s8 =	simm.s32 $0x3;
	s5 =	sadd.s32 s9, s26;
	[dreg:$0x1d] =	wrdreg s0  }
0x24: {  	s9 =	sshrl.u32 s29, $0x2;
	s29 =	sadd.s32 s22, s26;
	[dreg:$0xe] =	wrdreg s5  }
0x25: {  	s6 =	sshll.u32 s25, $0x1;
	s5 =	sadd.s32 s11, s26;
	[dreg:$0x1a] =	wrdreg s29  }
0x26: {  	s30 =	sshrl.u32 s10, $0x2;
	s10 =	sadd.s32 s9, s26;
	[dreg:$0xf] =	wrdreg s5  }
0x27: {  	s11 =	sshrl.u32 s31, $0x2;
	s31 =	sadd.s32 s24, s26;
	[dreg:$0x13] =	wrdreg s10  }
0x28: {  	s3 =	simm.s32 $0x0;
	s5 =	sadd.s32 s28, s26;
	[dreg:$0x1c] =	wrdreg s31  }
0x29: {  	s13 =	simm.s32 $0x80;
	s28 =	sadd.s32 s21, s26;
	[dreg:$0x10] =	wrdreg s5  }
.Ltmp0:
0x2a: {  	s5 =	sadd.s32 s30, s26;
	[dreg:$0x19] =	wrdreg s28;
	(pc) =	sbr.rel .LBB2_1-.Ltmp0, $4  }
0x2b: {  	s20 =	simm.s32 $0x8100;
	s30 =	sadd.s32 s23, s26;
	[dreg:$0x11] =	wrdreg s5  }
0x2c: {  	s22 =	simm.s32 $0x2;
	s5 =	sadd.s32 s7, s26;
	[dreg:$0x1b] =	wrdreg s30  }
0x2d: {  	s21 =	simm.s32 $0x1;
	[dreg:$0x12] =	wrdreg s5;
	s5 =	sadd.s32 s11, s26  }
0x2e: {  	v0 =	vimm.f32 $0.0e+00;
	s7 =	simm.s32 $0x100;
	s11 =	simm.s32 $0x4;
	[dreg:$0x14] =	wrdreg s5  }
.LBB2_9:
0x2f: {  	[bflag:$0x0] =	sbarrier.arrive $0xFFFF  }
0x30: {  	s0 =	rddreg [dreg:$0x15]  }
0x31: {  	[tilespmem:s7], [sflag:$0x3] =	stream.linear.gather [spmem:s0], $0x2800, $0x38;
	[tilespmem:$0x1F980] =	vst v63  }
0x32: {  	_ =	swait.ge [sflag:s8], $0x2800  }
0x33: {  	[sflag:s8] =	ssyncset.done $0x0  }
0x34: {  	s3 =	rddreg [dreg:$0x5];
	[sflag:s8] =	ssyncadd.s32 $0xFFFFD800  }
0x35: {  	[hbm4b:s3+s2] =	stream.linear.scatter [tilespmem:s7], [sflag:$0x3], $0x2800, $0x38;
	[tilespmem:$0x1F980] =	vst v63  }
0x36: {  	_ =	swait.ge [sflag:s8], $0x2800  }
0x37: {  	[sflag:s8] =	ssyncset.done $0x0  }
0x38: {  	s4 =	rddreg [dreg:$0x16];
	[sflag:s8] =	ssyncadd.s32 $0xFFFFD800  }
0x39: {  	[tilespmem:s7], [sflag:$0x3] =	stream.linear.gather [spmem:s4], $0x2800, $0x38;
	[tilespmem:$0x1F980] =	vst v63  }
0x3a: {  	_ =	swait.ge [sflag:s8], $0x2800  }
0x3b: {  	[sflag:s8] =	ssyncset.done $0x0  }
0x3c: {  	s5 =	rddreg [dreg:$0x6];
	[sflag:s8] =	ssyncadd.s32 $0xFFFFD800  }
0x3d: {  	[hbm4b:s5+s2] =	stream.linear.scatter [tilespmem:s7], [sflag:$0x3], $0x2800, $0x38;
	[tilespmem:$0x1F980] =	vst v63  }
0x3e: {  	_ =	swait.ge [sflag:s8], $0x2800  }
0x3f: {  	[sflag:s8] =	ssyncset.done $0x0  }
0x40: {  	s9 =	rddreg [dreg:$0x17];
	[sflag:s8] =	ssyncadd.s32 $0xFFFFD800  }
0x41: {  	[tilespmem:s7], [sflag:$0x3] =	stream.linear.gather [spmem:s9], $0x2800, $0x38;
	[tilespmem:$0x1F980] =	vst v63  }
0x42: {  	_ =	swait.ge [sflag:s8], $0x2800  }
0x43: {  	[sflag:s8] =	ssyncset.done $0x0  }
0x44: {  	s10 =	rddreg [dreg:$0x7];
	[sflag:s8] =	ssyncadd.s32 $0xFFFFD800  }
0x45: {  	[hbm4b:s10+s2] =	stream.linear.scatter [tilespmem:s7], [sflag:$0x3], $0x2800, $0x38;
	[tilespmem:$0x1F980] =	vst v63  }
0x46: {  	_ =	swait.ge [sflag:s8], $0x2800  }
0x47: {  	[sflag:s8] =	ssyncset.done $0x0  }
0x48: {  	s12 =	rddreg [dreg:$0x18];
	[sflag:s8] =	ssyncadd.s32 $0xFFFFD800  }
0x49: {  	[tilespmem:s7], [sflag:$0x3] =	stream.linear.gather [spmem:s12], $0x2800, $0x38;
	[tilespmem:$0x1F980] =	vst v63  }
0x4a: {  	_ =	swait.ge [sflag:s8], $0x2800  }
0x4b: {  	[sflag:s8] =	ssyncset.done $0x0  }
0x4c: {  	s19 =	rddreg [dreg:$0x8];
	[sflag:s8] =	ssyncadd.s32 $0xFFFFD800  }
0x4d: {  	[hbm4b:s19+s2] =	stream.linear.scatter [tilespmem:s7], [sflag:$0x3], $0x2800, $0x38;
	[tilespmem:$0x1F980] =	vst v63  }
0x4e: {  	_ =	swait.ge [sflag:s8], $0x2800  }
0x4f: {  	[sflag:s8] =	ssyncset.done $0x0  }
0x50: {  	s23 =	rddreg [dreg:$0x19];
	[sflag:s8] =	ssyncadd.s32 $0xFFFFD800  }
0x51: {  	[tilespmem:s7], [sflag:$0x3] =	stream.linear.gather [spmem:s23], $0x2800, $0x38;
	[tilespmem:$0x1F980] =	vst v63  }
0x52: {  	_ =	swait.ge [sflag:s8], $0x2800  }
0x53: {  	[sflag:s8] =	ssyncset.done $0x0  }
0x54: {  	s24 =	rddreg [dreg:$0x9];
	[sflag:s8] =	ssyncadd.s32 $0xFFFFD800  }
0x55: {  	[hbm4b:s24+s2] =	stream.linear.scatter [tilespmem:s7], [sflag:$0x3], $0x2800, $0x38;
	[tilespmem:$0x1F980] =	vst v63  }
0x56: {  	_ =	swait.ge [sflag:s8], $0x2800  }
0x57: {  	[sflag:s8] =	ssyncset.done $0x0  }
0x58: {  	s25 =	rddreg [dreg:$0x1a];
	[sflag:s8] =	ssyncadd.s32 $0xFFFFD800  }
0x59: {  	[tilespmem:s7], [sflag:$0x3] =	stream.linear.gather [spmem:s25], $0x2800, $0x38;
	[tilespmem:$0x1F980] =	vst v63  }
0x5a: {  	_ =	swait.ge [sflag:s8], $0x2800  }
0x5b: {  	[sflag:s8] =	ssyncset.done $0x0  }
0x5c: {  	s26 =	rddreg [dreg:$0xa];
	[sflag:s8] =	ssyncadd.s32 $0xFFFFD800  }
0x5d: {  	[hbm4b:s26+s2] =	stream.linear.scatter [tilespmem:s7], [sflag:$0x3], $0x2800, $0x38;
	[tilespmem:$0x1F980] =	vst v63  }
0x5e: {  	_ =	swait.ge [sflag:s8], $0x2800  }
0x5f: {  	[sflag:s8] =	ssyncset.done $0x0  }
0x60: {  	s28 =	rddreg [dreg:$0x1b];
	[sflag:s8] =	ssyncadd.s32 $0xFFFFD800  }
0x61: {  	[tilespmem:s7], [sflag:$0x3] =	stream.linear.gather [spmem:s28], $0x2800, $0x38;
	[tilespmem:$0x1F980] =	vst v63  }
0x62: {  	_ =	swait.ge [sflag:s8], $0x2800  }
0x63: {  	[sflag:s8] =	ssyncset.done $0x0  }
0x64: {  	s29 =	rddreg [dreg:$0xb];
	[sflag:s8] =	ssyncadd.s32 $0xFFFFD800  }
0x65: {  	[hbm4b:s29+s2] =	stream.linear.scatter [tilespmem:s7], [sflag:$0x3], $0x2800, $0x38;
	[tilespmem:$0x1F980] =	vst v63  }
0x66: {  	_ =	swait.ge [sflag:s8], $0x2800  }
0x67: {  	[sflag:s8] =	ssyncset.done $0x0  }
0x68: {  	s0 =	simm.s32 @!p0 $0x100;
	s1 =	rddreg [dreg:$0x1c];
	[sflag:s8] =	ssyncadd.s32 $0xFFFFD800  }
0x69: {  	[tilespmem:s0], [sflag:$0x3] =	stream.linear.gather @!p0 [spmem:s1], $0x2800, $0x38;
	[tilespmem:$0x1F980] =	vst v63  }
0x6a: {  	s1 =	simm.s32 @!p0 $0x3  }
0x6b: {  	_ =	swait.ge @!p0 [sflag:s1], $0x2800  }
0x6c: {  	[sflag:s1] =	ssyncset.done @!p0 $0x0  }
0x6d: {  	s3 =	simm.s32 @!p0 $0x0;
	s4 =	rddreg [dreg:$0xc];
	[sflag:s1] =	ssyncadd.s32 @!p0 $0xFFFFD800  }
0x6e: {  	[hbm4b:s4+s3] =	stream.linear.scatter @!p0 [tilespmem:s0], [sflag:$0x3], $0x2800, $0x38;
	[tilespmem:$0x1F980] =	vst v63  }
0x6f: {  	_ =	swait.ge @!p0 [sflag:s1], $0x2800  }
0x70: {  	s30 =	rddreg [dreg:$0x1e]  }
0x71: {  	s31 =	rddreg [dreg:$0x1d];
	s3 =	sadd.s32 $0x1, s30  }
0x72: {  	p1 =	sne.s32 s3, s31  }
.Ltmp1:
0x73: {  	_ = 	snop;
	(pc) =	sbr.rel @!p1 .LBB2_10-.Ltmp1, $3  }
0x74: {  	_ =	sdelay $0x1  }
0x75: {  	[sflag:s1] =	ssyncset.done @!p0 $0x0  }
0x76: {  	[sflag:s1] =	ssyncadd.s32 @!p0 $0xFFFFD800  }
.LBB2_1:
0x77: {  	s0 =	simm.s32 $0x0;
	s1 =	simm.s32 $0x200  }
.LBB2_2:
0x78: {  	p1 =	sne.s32 s1, $0x9E00;
	[tilespmem:s0+$0x170] =	vst v0  }
0x79: {  	[tilespmem:s0+$0x100] =	vst v0  }
0x7a: {  	[tilespmem:s0+$0x110] =	vst v0  }
.Ltmp2:
0x7b: {  	[tilespmem:s0+$0x120] =	vst v0;
	(pc) =	sbr.rel @p1 .LBB2_2-.Ltmp2, $4  }
0x7c: {  	[tilespmem:s0+$0x130] =	vst v0  }
0x7d: {  	[tilespmem:s0+$0x140] =	vst v0  }
0x7e: {  	[tilespmem:s0+$0x150] =	vst v0  }
0x7f: {  	[tilespmem:s0+$0x160] =	vst v0;
	s0 =	sshra.s32 s1, $0x2;
	s1 =	sadd.s32 $0x200, s1  }
0x80: {  	[tilespmem:s0+$0x170] =	vst v0  }
0x81: {  	[tilespmem:s0+$0x100] =	vst v0  }
0x82: {  	[tilespmem:s0+$0x110] =	vst v0  }
0x83: {  	[tilespmem:s0+$0x120] =	vst v0  }
0x84: {  	[tilespmem:s0+$0x130] =	vst v0  }
0x85: {  	[tilespmem:s0+$0x140] =	vst v0  }
0x86: {  	[dreg:$0x1e] =	wrdreg s3;
	[tilespmem:s0+$0x150] =	vst v0  }
0x87: {  	[tilespmem:s0+$0x160] =	vst v0;
	s24 =	rddreg [dreg:$0xd]  }
0x88: {  	[spmem:s24] =	stream.linear.scatter [tilespmem:s7], [sflag:$0x3], $0x2800, $0x38;
	[tilespmem:$0x1F980] =	vst v63  }
0x89: {  	_ =	swait.ge [sflag:s8], $0x2800  }
0x8a: {  	[sflag:s8] =	ssyncset.done $0x0  }
0x8b: {  	s25 =	rddreg [dreg:$0xe];
	[sflag:s8] =	ssyncadd.s32 $0xFFFFD800  }
0x8c: {  	[spmem:s25] =	stream.linear.scatter [tilespmem:s7], [sflag:$0x3], $0x2800, $0x38;
	[tilespmem:$0x1F980] =	vst v63  }
0x8d: {  	_ =	swait.ge [sflag:s8], $0x2800  }
0x8e: {  	[sflag:s8] =	ssyncset.done $0x0  }
0x8f: {  	s26 =	rddreg [dreg:$0xf];
	[sflag:s8] =	ssyncadd.s32 $0xFFFFD800  }
0x90: {  	[spmem:s26] =	stream.linear.scatter [tilespmem:s7], [sflag:$0x3], $0x2800, $0x38;
	[tilespmem:$0x1F980] =	vst v63  }
0x91: {  	_ =	swait.ge [sflag:s8], $0x2800  }
0x92: {  	[sflag:s8] =	ssyncset.done $0x0  }
0x93: {  	s28 =	rddreg [dreg:$0x10];
	[sflag:s8] =	ssyncadd.s32 $0xFFFFD800  }
0x94: {  	[spmem:s28] =	stream.linear.scatter [tilespmem:s7], [sflag:$0x3], $0x2800, $0x38;
	[tilespmem:$0x1F980] =	vst v63  }
0x95: {  	_ =	swait.ge [sflag:s8], $0x2800  }
0x96: {  	[sflag:s8] =	ssyncset.done $0x0  }
0x97: {  	s29 =	rddreg [dreg:$0x11];
	[sflag:s8] =	ssyncadd.s32 $0xFFFFD800  }
0x98: {  	[spmem:s29] =	stream.linear.scatter [tilespmem:s7], [sflag:$0x3], $0x2800, $0x38;
	[tilespmem:$0x1F980] =	vst v63  }
0x99: {  	_ =	swait.ge [sflag:s8], $0x2800  }
0x9a: {  	[sflag:s8] =	ssyncset.done $0x0  }
0x9b: {  	s30 =	rddreg [dreg:$0x12];
	[sflag:s8] =	ssyncadd.s32 $0xFFFFD800  }
0x9c: {  	[spmem:s30] =	stream.linear.scatter [tilespmem:s7], [sflag:$0x3], $0x2800, $0x38;
	[tilespmem:$0x1F980] =	vst v63  }
0x9d: {  	_ =	swait.ge [sflag:s8], $0x2800  }
0x9e: {  	[sflag:s8] =	ssyncset.done $0x0  }
0x9f: {  	s31 =	rddreg [dreg:$0x13];
	[sflag:s8] =	ssyncadd.s32 $0xFFFFD800  }
0xa0: {  	[spmem:s31] =	stream.linear.scatter [tilespmem:s7], [sflag:$0x3], $0x2800, $0x38;
	[tilespmem:$0x1F980] =	vst v63  }
0xa1: {  	_ =	swait.ge [sflag:s8], $0x2800  }
0xa2: {  	[sflag:s8] =	ssyncset.done $0x0  }
0xa3: {  	s0 =	simm.s32 @!p0 $0x100;
	s1 =	rddreg [dreg:$0x14];
	[sflag:s8] =	ssyncadd.s32 $0xFFFFD800  }
0xa4: {  	[spmem:s1] =	stream.linear.scatter @!p0 [tilespmem:s0], [sflag:$0x3], $0x2800, $0x38;
	[tilespmem:$0x1F980] =	vst v63  }
0xa5: {  	s0 =	simm.s32 @!p0 $0x3  }
.Ltmp3:
0xa6: {  	_ =	swait.ge @!p0 [sflag:s0], $0x2800;
	(pc) =	sbr.rel .LBB2_4-.Ltmp3, $4  }
0xa7: {  	[sflag:s0] =	ssyncset.done @!p0 $0x0  }
0xa8: {  	[sflag:s0] =	ssyncadd.s32 @!p0 $0xFFFFD800  }
0xa9: {  	[bflag:$0x0] =	sbarrier.arrive $0xFFFF  }
0xaa: {  	s24 =	simm.s32 $0x0  }
.LBB2_8:
0xab: {  	s24 =	sadd.s32 $0x1, s24  }
0xac: {  	p1 =	sne.s32 s24, $0x4F  }
.Ltmp4:
0xad: {  	_ = 	snop;
	(pc) =	sbr.rel @!p1 .LBB2_9-.Ltmp4, $1  }
0xae: {  	_ =	sdelay $0x3  }
.LBB2_4:
0xaf: {  	s0 =	sshll.u32 s24, $0x5  }
0xb0: {  	s0 =	sor.u32 s6, s0  }
0xb1: {  	p1 =	sgt.u32 s0, $0x9C3  }
.Ltmp5:
0xb2: {  	_ = 	snop;
	(pc) =	sbr.rel @p1 .LBB2_8-.Ltmp5, $1  }
0xb3: {  	_ =	sdelay $0x3  }
0xb4: {  	s1 =	rddreg [dreg:$0x4]  }
0xb5: {  	s0 =	sor.u32 s1, s0  }
0xb6: {  	s1 =	sshll.u32 s0, $0x4  }
0xb7: {  	s3 =	sadd.s32 s14, s1  }
0xb8: {  	[tilespmem:s2], [sflag:$0x4] =	stream.linear.gather [hbm4b:s3+s2], $0x80, $0x38;
	[tilespmem:$0x1F980] =	vst v63  }
0xb9: {  	_ =	swait.ge [sflag:s11], $0x80  }
0xba: {  	[sflag:s11] =	ssyncset.done $0x0  }
0xbb: {  	s1 =	sadd.s32 s15, s1;
	[sflag:s11] =	ssyncadd.s32 $0xFFFFFF80  }
0xbc: {  	[tilespmem:s13], [sflag:$0x4] =	stream.linear.gather [hbm4b:s1+s2], $0x80, $0x38;
	[tilespmem:$0x1F980] =	vst v63  }
0xbd: {  	_ =	swait.ge [sflag:s11], $0x80  }
0xbe: {  	[sflag:s11] =	ssyncset.done $0x0  }
0xbf: {  	[sflag:s11] =	ssyncadd.s32 $0xFFFFFF80  }
0xc0: {  	[tilespmem:s7], [sflag:$0x1] =	stream.indirect.gather [hbm4b:s16+s13], $0x80, s2, s13, $0xb8;
	[tilespmem:$0x1F980] =	vst v63  }
0xc1: {  	s25 =	simm.s32 $0x4100  }
0xc2: {  	[tilespmem:s25], [sflag:$0x2] =	stream.indirect.gather [hbm4b:s17+s13], $0x80, s13, s13, $0xb8;
	[tilespmem:$0x1F980] =	vst v63  }
0xc3: {  	s26 =	rddreg [dreg:$0x1];
	s25 =	sshll.u32 s0, $0xB  }
0xc4: {  	s0 =	sadd.s32 s26, s25  }
0xc5: {  	[tilespmem:s20], [sflag:$0x4] =	stream.linear.gather [hbm4b:s0+s2], $0x4000, $0x38;
	[tilespmem:$0x1F980] =	vst v63  }
0xc6: {  	_ =	swait.ge [sflag:s11], $0x4000  }
0xc7: {  	[sflag:s11] =	ssyncset.done $0x0  }
0xc8: {  	[sflag:s11] =	ssyncadd.s32 $0xFFFFC000  }
0xc9: {  	_ =	swait.ge [sflag:s21], $0x4000  }
0xca: {  	[sflag:s21] =	ssyncset.done $0x0  }
0xcb: {  	[sflag:s21] =	ssyncadd.s32 $0xFFFFC000  }
0xcc: {  	_ =	swait.ge [sflag:s22], $0x4000  }
0xcd: {  	[sflag:s22] =	ssyncset.done $0x0  }
0xce: {  	s26 =	simm.s32 $0x200;
	[sflag:s22] =	ssyncadd.s32 $0xFFFFC000  }
0xcf: {  	s5 =	simm.s32 $0x4200;
	v1 =	vld [tilespmem:s26+$0x80]  }
0xd0: {  	v2 =	vld [tilespmem:s5+$0x80]  }
0xd1: {  	s28 =	simm.s32 $0x8200  }
0xd2: {  	v3 =	vld [tilespmem:s28+$0x80];
	_ =	sdelay $0x2  }
0xd3: {  	v4 =	vld [tilespmem:s5+$0xFFFFFF00];
	v1 =	vadd.f32 v2, v1  }
0xd4: {  	v5 =	vld [tilespmem:s5+$0xFFFFFF80]  }
0xd5: {  	v6 =	vld [tilespmem:s26+$0xFFFFFF00];
	v1 =	vadd.f32 v3, v1  }
0xd6: {  	v8 =	vld [tilespmem:s5+$0x0]  }
0xd7: {  	v9 =	vld [tilespmem:s28+$0xFFFFFF00];
	v7 =	vsub.f32 $0.0e+00, v1  }
0xd8: {  	v2 =	vld [tilespmem:s26+$0xFFFFFF80]  }
0xd9: {  	v3 =	vld [tilespmem:s26+$0x0];
	v7 =	vmul.f32 $1.442695020e+00, v7  }
0xda: {  	v10 =	vld [tilespmem:s28+$0xFFFFFF80];
	v4 =	vadd.f32 v4, v6  }
0xdb: {  	v11 =	vld [tilespmem:s28+$0x0];
	(erf) = vpow2.f32 v7  }
0xdc: {  	v4 =	vadd.f32 v9, v4  }
0xdd: {  	v2 =	vadd.f32 v5, v2  }
0xde: {  	v5 =	vsub.f32 $0.0e+00, v4;
	v3 =	vadd.f32 v8, v3  }
0xdf: {  	v2 =	vadd.f32 v10, v2  }
0xe0: {  	v5 =	vmul.f32 $1.442695020e+00, v5;
	v3 =	vadd.f32 v11, v3  }
0xe1: {  	v6 =	vsub.f32 $0.0e+00, v2  }
0xe2: {  	v7 =	vsub.f32 $0.0e+00, v3  }
0xe3: {  	v6 =	vmul.f32 $1.442695020e+00, v6  }
0xe4: {  	(erf) = vpow2.f32 v5;
	v7 =	vmul.f32 $1.442695020e+00, v7;
	v5 =	vpop (erf)  }
0xe5: {  	(erf) = vpow2.f32 v6;
	v5 =	vadd.f32 $1.000000000e+00, v5  }
0xe6: {  	(erf) = vpow2.f32 v7  }
0xe7: {  	(erf) = vrcp.f32 v5;
	_ =	sdelay $0x5  }
0xe8: {  	v5 =	vpop (erf)  }
0xe9: {  	v6 =	vpop (erf);
	v5 =	vadd.f32 $1.000000000e+00, v5  }
0xea: {  	v7 =	vpop (erf);
	v6 =	vadd.f32 $1.000000000e+00, v6  }
0xeb: {  	[tilespmem:s28+$0x80] =	vst v1;
	(erf) = vrcp.f32 v5;
	v1 =	vpop (erf)  }
0xec: {  	(erf) = vrcp.f32 v6;
	[tilespmem:s26+$0x80] =	vst v1;
	v1 =	vld [tilespmem:s26+$0x90]  }
0xed: {  	v5 =	vld [tilespmem:s5+$0x90];
	_ =	sdelay $0x4  }
0xee: {  	v6 =	vld [tilespmem:s28+$0x90];
	v1 =	vadd.f32 v5, v1;
	v5 =	vadd.f32 $1.000000000e+00, v7  }
0xef: {  	[tilespmem:s28+$0xFFFFFF00] =	vst v4  }
0xf0: {  	[tilespmem:s28+$0xFFFFFF80] =	vst v2;
	v2 =	vpop (erf);
	(erf) = vrcp.f32 v5  }
0xf1: {  	v4 =	vld [tilespmem:s26+$0xFFFFFF10];
	[tilespmem:s26+$0xFFFFFF00] =	vst v2;
	v2 =	vpop (erf)  }
0xf2: {  	v7 =	vld [tilespmem:s5+$0xFFFFFF10];
	[tilespmem:s26+$0xFFFFFF80] =	vst v2  }
0xf3: {  	v2 =	vld [tilespmem:s5+$0xFFFFFF90];
	v1 =	vadd.f32 v6, v1  }
0xf4: {  	v5 =	vld [tilespmem:s26+$0xFFFFFF90]  }
0xf5: {  	v6 =	vsub.f32 $0.0e+00, v1  }
0xf6: {  	v8 =	vld [tilespmem:s28+$0xFFFFFF10]  }
0xf7: {  	v9 =	vld [tilespmem:s28+$0xFFFFFF90];
	v6 =	vmul.f32 $1.442695020e+00, v6;
	_ =	sdelay $0x1  }
0xf8: {  	[tilespmem:s28+$0x0] =	vst v3;
	v4 =	vadd.f32 v7, v4;
	v2 =	vadd.f32 v2, v5;
	(erf) = vpow2.f32 v6;
	v5 =	vpop (erf)  }
0xf9: {  	v3 =	vld [tilespmem:s26+$0x10];
	[tilespmem:s26+$0x0] =	vst v5  }
0xfa: {  	v4 =	vadd.f32 v8, v4;
	v5 =	vld [tilespmem:s5+$0x10]  }
0xfb: {  	v2 =	vadd.f32 v9, v2  }
0xfc: {  	v6 =	vsub.f32 $0.0e+00, v4;
	v8 =	vld [tilespmem:s28+$0x10]  }
0xfd: {  	v7 =	vsub.f32 $0.0e+00, v2  }
0xfe: {  	v6 =	vmul.f32 $1.442695020e+00, v6  }
0xff: {  	v7 =	vmul.f32 $1.442695020e+00, v7;
	v3 =	vadd.f32 v5, v3  }
0x100: {  	(erf) = vpow2.f32 v6  }
0x101: {  	(erf) = vpow2.f32 v7;
	v9 =	vpop (erf);
	v3 =	vadd.f32 v8, v3  }
0x102: {  	v6 =	vadd.f32 $1.000000000e+00, v9  }
0x103: {  	v5 =	vsub.f32 $0.0e+00, v3  }
0x104: {  	(erf) = vrcp.f32 v6  }
0x105: {  	v5 =	vmul.f32 $1.442695020e+00, v5;
	_ =	sdelay $0x2  }
0x106: {  	(erf) = vpow2.f32 v5  }
0x107: {  	v5 =	vpop (erf)  }
0x108: {  	v5 =	vadd.f32 $1.000000000e+00, v5;
	v6 =	vpop (erf)  }
0x109: {  	v6 =	vadd.f32 $1.000000000e+00, v6  }
0x10a: {  	(erf) = vrcp.f32 v5  }
0x10b: {  	[tilespmem:s28+$0x90] =	vst v1;
	v7 =	vpop (erf);
	(erf) = vrcp.f32 v6  }
0x10c: {  	v1 =	vld [tilespmem:s26+$0xA0];
	[tilespmem:s26+$0x90] =	vst v7  }
0x10d: {  	v5 =	vld [tilespmem:s5+$0xA0];
	_ =	sdelay $0x1  }
0x10e: {  	v6 =	vld [tilespmem:s28+$0xA0];
	v7 =	vpop (erf)  }
0x10f: {  	v7 =	vadd.f32 $1.000000000e+00, v7;
	_ =	sdelay $0x1  }
0x110: {  	[tilespmem:s28+$0xFFFFFF10] =	vst v4;
	v1 =	vadd.f32 v5, v1;
	(erf) = vrcp.f32 v7  }
0x111: {  	v4 =	vld [tilespmem:s26+$0xFFFFFF20];
	[tilespmem:s28+$0xFFFFFF90] =	vst v2;
	v2 =	vpop (erf)  }
0x112: {  	v5 =	vld [tilespmem:s26+$0xFFFFFFA0];
	v1 =	vadd.f32 v6, v1;
	[tilespmem:s26+$0xFFFFFF10] =	vst v2;
	v2 =	vpop (erf)  }
0x113: {  	v6 =	vld [tilespmem:s5+$0xFFFFFF20];
	[tilespmem:s26+$0xFFFFFF90] =	vst v2  }
0x114: {  	v2 =	vsub.f32 $0.0e+00, v1;
	v7 =	vld [tilespmem:s5+$0xFFFFFFA0]  }
0x115: {  	v8 =	vld [tilespmem:s28+$0xFFFFFF20]  }
0x116: {  	v2 =	vmul.f32 $1.442695020e+00, v2  }
0x117: {  	v9 =	vld [tilespmem:s28+$0xFFFFFFA0]  }
0x118: {  	(erf) = vpow2.f32 v2;
	v2 =	vadd.f32 v6, v4  }
0x119: {  	[tilespmem:s28+$0x10] =	vst v3;
	v3 =	vadd.f32 v7, v5;
	v5 =	vpop (erf)  }
0x11a: {  	v4 =	vld [tilespmem:s26+$0x20];
	v2 =	vadd.f32 v8, v2;
	[tilespmem:s26+$0x10] =	vst v5  }
0x11b: {  	v5 =	vld [tilespmem:s5+$0x20]  }
0x11c: {  	v3 =	vadd.f32 v9, v3;
	v6 =	vsub.f32 $0.0e+00, v2  }
0x11d: {  	v8 =	vld [tilespmem:s28+$0x20]  }
0x11e: {  	v7 =	vsub.f32 $0.0e+00, v3;
	v6 =	vmul.f32 $1.442695020e+00, v6  }
0x11f: {  	s29 =	simm.s32 $0x400  }
0x120: {  	s31 =	simm.s32 $0x4400;
	v7 =	vmul.f32 $1.442695020e+00, v7;
	(erf) = vpow2.f32 v6;
	v6 =	vld [tilespmem:s29+$0x80];
	v4 =	vadd.f32 v5, v4  }
0x121: {  	v9 =	vpop (erf);
	v5 =	vld [tilespmem:s31+$0x80]  }
0x122: {  	(erf) = vpow2.f32 v7;
	v7 =	vadd.f32 $1.000000000e+00, v9;
	v4 =	vadd.f32 v8, v4  }
0x123: {  	s30 =	simm.s32 $0x8400  }
0x124: {  	v8 =	vld [tilespmem:s30+$0x80];
	(erf) = vrcp.f32 v7;
	v7 =	vsub.f32 $0.0e+00, v4;
	_ =	sdelay $0x1  }
0x125: {  	v12 =	vld [tilespmem:s31+$0x0];
	v5 =	vadd.f32 v5, v6;
	v6 =	vmul.f32 $1.442695020e+00, v7  }
0x126: {  	v10 =	vld [tilespmem:s29+$0xFFFFFF80]  }
0x127: {  	v9 =	vld [tilespmem:s31+$0xFFFFFF00]  }
0x128: {  	v7 =	vld [tilespmem:s31+$0xFFFFFF80];
	v5 =	vadd.f32 v8, v5  }
0x129: {  	v8 =	vld [tilespmem:s29+$0xFFFFFF00];
	(erf) = vpow2.f32 v6;
	v6 =	vpop (erf)  }
0x12a: {  	v15 =	vld [tilespmem:s30+$0xFFFFFF00];
	v14 =	vsub.f32 $0.0e+00, v5;
	v6 =	vadd.f32 $1.000000000e+00, v6;
	v13 =	vpop (erf)  }
0x12b: {  	v16 =	vld [tilespmem:s30+$0xFFFFFF80];
	v13 =	vadd.f32 $1.000000000e+00, v13  }
0x12c: {  	v11 =	vld [tilespmem:s29+$0x0];
	(erf) = vrcp.f32 v6;
	v6 =	vmul.f32 $1.442695020e+00, v14  }
0x12d: {  	[tilespmem:s28+$0xA0] =	vst v1;
	v1 =	vpop (erf);
	(erf) = vrcp.f32 v13  }
0x12e: {  	v14 =	vld [tilespmem:s30+$0x0];
	[tilespmem:s26+$0xA0] =	vst v1;
	v1 =	vadd.f32 v9, v8;
	(erf) = vpow2.f32 v6;
	v6 =	vadd.f32 v7, v10  }
0x12f: {  	v8 =	vld [tilespmem:s26+$0xB0]  }
0x130: {  	v7 =	vld [tilespmem:s5+$0xB0];
	v1 =	vadd.f32 v15, v1;
	v6 =	vadd.f32 v16, v6  }
0x131: {  	v9 =	vadd.f32 v12, v11  }
0x132: {  	v10 =	vld [tilespmem:s28+$0xB0];
	v11 =	vpop (erf);
	v12 =	vsub.f32 $0.0e+00, v1;
	v13 =	vsub.f32 $0.0e+00, v6  }
0x133: {  	v9 =	vadd.f32 v14, v9;
	v11 =	vadd.f32 $1.000000000e+00, v11  }
0x134: {  	[tilespmem:s28+$0xFFFFFF20] =	vst v2;
	v12 =	vmul.f32 $1.442695020e+00, v12;
	v2 =	vmul.f32 $1.442695020e+00, v13  }
0x135: {  	v14 =	vsub.f32 $0.0e+00, v9;
	v7 =	vadd.f32 v7, v8;
	(erf) = vrcp.f32 v11  }
0x136: {  	[tilespmem:s28+$0xFFFFFFA0] =	vst v3;
	v11 =	vld [tilespmem:s26+$0xFFFFFF30];
	(erf) = vpow2.f32 v12;
	v8 =	vpop (erf)  }
0x137: {  	v3 =	vmul.f32 $1.442695020e+00, v14;
	v7 =	vadd.f32 v10, v7;
	v10 =	vld [tilespmem:s26+$0xFFFFFFB0];
	v13 =	vpop (erf);
	[tilespmem:s26+$0xFFFFFF20] =	vst v8  }
0x138: {  	(erf) = vpow2.f32 v2;
	v8 =	vld [tilespmem:s5+$0xFFFFFF30];
	[tilespmem:s26+$0xFFFFFFA0] =	vst v13;
	v2 =	vpop (erf)  }
0x139: {  	(erf) = vpow2.f32 v3;
	v3 =	vsub.f32 $0.0e+00, v7;
	v12 =	vld [tilespmem:s5+$0xFFFFFFB0];
	v2 =	vadd.f32 $1.000000000e+00, v2  }
0x13a: {  	v13 =	vld [tilespmem:s28+$0xFFFFFF30]  }
0x13b: {  	v3 =	vmul.f32 $1.442695020e+00, v3;
	(erf) = vrcp.f32 v2;
	v2 =	vld [tilespmem:s28+$0xFFFFFFB0];
	_ =	sdelay $0x1  }
0x13c: {  	(erf) = vpow2.f32 v3;
	v3 =	vadd.f32 v8, v11  }
0x13d: {  	[tilespmem:s28+$0x20] =	vst v4;
	v8 =	vpop (erf);
	v4 =	vadd.f32 v12, v10  }
0x13e: {  	v10 =	vld [tilespmem:s26+$0x30];
	v11 =	vpop (erf);
	[tilespmem:s26+$0x20] =	vst v8;
	v3 =	vadd.f32 v13, v3  }
0x13f: {  	v12 =	vld [tilespmem:s5+$0x30];
	v2 =	vadd.f32 v2, v4;
	v4 =	vadd.f32 $1.000000000e+00, v11  }
0x140: {  	v8 =	vpop (erf);
	v11 =	vsub.f32 $0.0e+00, v3  }
0x141: {  	v8 =	vadd.f32 $1.000000000e+00, v8;
	v13 =	vpop (erf);
	(erf) = vrcp.f32 v4;
	v4 =	vld [tilespmem:s28+$0x30]  }
0x142: {  	v13 =	vadd.f32 $1.000000000e+00, v13;
	v11 =	vmul.f32 $1.442695020e+00, v11  }
0x143: {  	(erf) = vrcp.f32 v8  }
0x144: {  	[tilespmem:s30+$0x80] =	vst v5;
	v14 =	vsub.f32 $0.0e+00, v2;
	v10 =	vadd.f32 v12, v10;
	v5 =	vpop (erf);
	(erf) = vrcp.f32 v13  }
0x145: {  	(erf) = vpow2.f32 v11  }
0x146: {  	v8 =	vmul.f32 $1.442695020e+00, v14;
	v11 =	vpop (erf);
	v4 =	vadd.f32 v4, v10  }
0x147: {  	[tilespmem:s29+$0x80] =	vst v5;
	v5 =	vld [tilespmem:s29+$0x90];
	v11 =	vadd.f32 $1.000000000e+00, v11  }
0x148: {  	v12 =	vld [tilespmem:s31+$0x90];
	(erf) = vpow2.f32 v8;
	v10 =	vsub.f32 $0.0e+00, v4;
	_ =	sdelay $0x1  }
0x149: {  	[tilespmem:s30+$0xFFFFFF00] =	vst v1;
	v8 =	vld [tilespmem:s30+$0x90];
	(erf) = vrcp.f32 v11;
	v1 =	vmul.f32 $1.442695020e+00, v10  }
0x14a: {  	v11 =	vpop (erf)  }
0x14b: {  	[tilespmem:s30+$0xFFFFFF80] =	vst v6;
	v10 =	vpop (erf)  }
0x14c: {  	v5 =	vadd.f32 v12, v5;
	v12 =	vld [tilespmem:s29+$0xFFFFFF10];
	[tilespmem:s29+$0xFFFFFF00] =	vst v11;
	v6 =	vpop (erf)  }
0x14d: {  	(erf) = vpow2.f32 v1;
	v11 =	vld [tilespmem:s31+$0xFFFFFF10];
	v1 =	vpop (erf)  }
0x14e: {  	v5 =	vadd.f32 v8, v5;
	v8 =	vld [tilespmem:s29+$0xFFFFFF90];
	v1 =	vadd.f32 $1.000000000e+00, v1  }
0x14f: {  	v15 =	vld [tilespmem:s30+$0xFFFFFF10];
	[tilespmem:s29+$0xFFFFFF80] =	vst v10  }
0x150: {  	[tilespmem:s30+$0x0] =	vst v9;
	v10 =	vsub.f32 $0.0e+00, v5;
	v14 =	vld [tilespmem:s31+$0xFFFFFF90];
	v13 =	vpop (erf)  }
0x151: {  	[tilespmem:s28+$0xB0] =	vst v7;
	v7 =	vld [tilespmem:s30+$0xFFFFFF90];
	v13 =	vadd.f32 $1.000000000e+00, v13  }
0x152: {  	v10 =	vmul.f32 $1.442695020e+00, v10;
	(erf) = vrcp.f32 v1;
	v9 =	vadd.f32 v11, v12;
	v11 =	vld [tilespmem:s29+$0x10];
	v1 =	vpop (erf)  }
0x153: {  	(erf) = vrcp.f32 v13;
	[tilespmem:s26+$0xB0] =	vst v1;
	v1 =	vld [tilespmem:s26+$0xC0]  }
0x154: {  	[tilespmem:s29+$0x0] =	vst v6;
	(erf) = vpow2.f32 v10;
	v10 =	vld [tilespmem:s5+$0xC0]  }
0x155: {  	v12 =	vld [tilespmem:s31+$0x10];
	v8 =	vadd.f32 v14, v8  }
0x156: {  	v6 =	vadd.f32 v15, v9;
	v9 =	vld [tilespmem:s28+$0xC0]  }
0x157: {  	v13 =	vpop (erf);
	v7 =	vadd.f32 v7, v8  }
0x158: {  	v14 =	vld [tilespmem:s30+$0x10];
	v8 =	vadd.f32 $1.000000000e+00, v13;
	v13 =	vsub.f32 $0.0e+00, v6  }
0x159: {  	v15 =	vsub.f32 $0.0e+00, v7;
	v1 =	vadd.f32 v10, v1  }
0x15a: {  	v11 =	vadd.f32 v12, v11;
	v10 =	vmul.f32 $1.442695020e+00, v13  }
0x15b: {  	(erf) = vrcp.f32 v8;
	v8 =	vmul.f32 $1.442695020e+00, v15;
	v1 =	vadd.f32 v9, v1  }
0x15c: {  	(erf) = vpow2.f32 v10  }
0x15d: {  	v11 =	vadd.f32 v14, v11;
	v13 =	vpop (erf);
	(erf) = vpow2.f32 v8;
	v8 =	vsub.f32 $0.0e+00, v1  }
0x15e: {  	v9 =	vpop (erf)  }
0x15f: {  	[tilespmem:s28+$0xFFFFFF30] =	vst v3;
	v10 =	vpop (erf);
	v3 =	vmul.f32 $1.442695020e+00, v8;
	v8 =	vsub.f32 $0.0e+00, v11  }
0x160: {  	[tilespmem:s28+$0xFFFFFFB0] =	vst v2;
	v10 =	vadd.f32 $1.000000000e+00, v10  }
0x161: {  	[tilespmem:s28+$0x30] =	vst v4;
	v4 =	vmul.f32 $1.442695020e+00, v8  }
0x162: {  	v2 =	vld [tilespmem:s26+$0xFFFFFF40];
	[tilespmem:s26+$0xFFFFFF30] =	vst v13;
	(erf) = vrcp.f32 v10  }
0x163: {  	v12 =	vld [tilespmem:s28+$0xFFFFFF40];
	[tilespmem:s26+$0xFFFFFFB0] =	vst v9  }
0x164: {  	v9 =	vld [tilespmem:s5+$0xFFFFFFC0];
	(erf) = vpow2.f32 v3  }
0x165: {  	v8 =	vld [tilespmem:s5+$0xFFFFFF40];
	(erf) = vpow2.f32 v4;
	v4 =	vpop (erf)  }
0x166: {  	v10 =	vld [tilespmem:s26+$0xFFFFFFC0];
	[tilespmem:s26+$0x30] =	vst v4;
	v4 =	vpop (erf)  }
0x167: {  	v3 =	vld [tilespmem:s26+$0x40];
	v4 =	vadd.f32 $1.000000000e+00, v4  }
0x168: {  	v13 =	vld [tilespmem:s5+$0x40]  }
0x169: {  	v15 =	vld [tilespmem:s28+$0xFFFFFFC0];
	v14 =	vpop (erf)  }
0x16a: {  	v2 =	vadd.f32 v8, v2;
	v8 =	vld [tilespmem:s28+$0x40];
	v14 =	vadd.f32 $1.000000000e+00, v14  }
0x16b: {  	[tilespmem:s30+$0x90] =	vst v5;
	(erf) = vrcp.f32 v4;
	v4 =	vpop (erf)  }
0x16c: {  	v2 =	vadd.f32 v12, v2;
	(erf) = vrcp.f32 v14;
	[tilespmem:s29+$0x90] =	vst v4;
	v4 =	vadd.f32 v9, v10;
	v9 =	vld [tilespmem:s29+$0xA0]  }
0x16d: {  	v5 =	vpop (erf);
	v3 =	vadd.f32 v13, v3;
	v10 =	vld [tilespmem:s31+$0xA0]  }
0x16e: {  	v12 =	vsub.f32 $0.0e+00, v2;
	v5 =	vadd.f32 $1.000000000e+00, v5  }
0x16f: {  	v13 =	vpop (erf);
	v4 =	vadd.f32 v15, v4;
	v8 =	vadd.f32 v8, v3;
	v3 =	vld [tilespmem:s30+$0xA0]  }
0x170: {  	[tilespmem:s30+$0xFFFFFF10] =	vst v6;
	v6 =	vmul.f32 $1.442695020e+00, v12;
	(erf) = vrcp.f32 v5;
	v5 =	vadd.f32 $1.000000000e+00, v13  }
0x171: {  	v13 =	vsub.f32 $0.0e+00, v4  }
0x172: {  	s9 =	simm.s32 $0x600;
	v12 =	vsub.f32 $0.0e+00, v8;
	(erf) = vrcp.f32 v5;
	v5 =	vadd.f32 v10, v9  }
0x173: {  	v18 =	vld [tilespmem:s9+$0x0];
	[tilespmem:s30+$0xFFFFFF90] =	vst v7;
	v7 =	vmul.f32 $1.442695020e+00, v13  }
0x174: {  	v14 =	vld [tilespmem:s29+$0xFFFFFF20];
	v10 =	vmul.f32 $1.442695020e+00, v12;
	(erf) = vpow2.f32 v6;
	v6 =	vpop (erf);
	v5 =	vadd.f32 v3, v5  }
0x175: {  	v9 =	vld [tilespmem:s29+$0xFFFFFFA0];
	[tilespmem:s29+$0xFFFFFF10] =	vst v6;
	v6 =	vpop (erf);
	(erf) = vpow2.f32 v7  }
0x176: {  	v7 =	vld [tilespmem:s31+$0xFFFFFF20];
	[tilespmem:s29+$0xFFFFFF90] =	vst v6;
	(erf) = vpow2.f32 v10;
	v3 =	vsub.f32 $0.0e+00, v5  }
0x177: {  	[tilespmem:s30+$0x10] =	vst v11;
	v6 =	vld [tilespmem:s31+$0xFFFFFFA0]  }
0x178: {  	[tilespmem:s28+$0xFFFFFF40] =	vst v2;
	v2 =	vld [tilespmem:s30+$0xFFFFFF20];
	v13 =	vmul.f32 $1.442695020e+00, v3  }
0x179: {  	[tilespmem:s28+$0xC0] =	vst v1;
	v10 =	vld [tilespmem:s30+$0xFFFFFFA0]  }
0x17a: {  	v11 =	vld [tilespmem:s29+$0x20];
	[tilespmem:s28+$0xFFFFFFC0] =	vst v4;
	v12 =	vpop (erf);
	(erf) = vpow2.f32 v13  }
0x17b: {  	[tilespmem:s26+$0xC0] =	vst v12;
	v7 =	vadd.f32 v7, v14;
	v12 =	vld [tilespmem:s26+$0xD0];
	v4 =	vpop (erf)  }
0x17c: {  	v6 =	vadd.f32 v6, v9;
	v9 =	vld [tilespmem:s5+$0xD0];
	[tilespmem:s29+$0x10] =	vst v4  }
0x17d: {  	[tilespmem:s28+$0x40] =	vst v8;
	v7 =	vadd.f32 v2, v7;
	v13 =	vpop (erf);
	v8 =	vld [tilespmem:s31+$0x20]  }
0x17e: {  	v6 =	vadd.f32 v10, v6;
	v10 =	vld [tilespmem:s28+$0xD0];
	v4 =	vadd.f32 $1.000000000e+00, v13;
	v2 =	vpop (erf)  }
0x17f: {  	v15 =	vsub.f32 $0.0e+00, v7;
	[tilespmem:s30+$0xFFFFFF20] =	vst v7;
	v7 =	vld [tilespmem:s30+$0x20];
	v13 =	vadd.f32 $1.000000000e+00, v2;
	v14 =	vpop (erf)  }
0x180: {  	v20 =	vld [tilespmem:s9+$0xFFFFFF00];
	v14 =	vadd.f32 $1.000000000e+00, v14;
	(erf) = vrcp.f32 v4;
	v4 =	vsub.f32 $0.0e+00, v6  }
0x181: {  	v1 =	vld [tilespmem:s26+$0xFFFFFFD0];
	v9 =	vadd.f32 v9, v12;
	(erf) = vrcp.f32 v13;
	v13 =	vmul.f32 $1.442695020e+00, v15  }
0x182: {  	v3 =	vld [tilespmem:s26+$0xFFFFFF50];
	(erf) = vrcp.f32 v14;
	v4 =	vmul.f32 $1.442695020e+00, v4;
	v8 =	vadd.f32 v8, v11  }
0x183: {  	s3 =	simm.s32 $0x4600;
	v2 =	vld [tilespmem:s26+$0x50];
	v9 =	vadd.f32 v10, v9;
	(erf) = vpow2.f32 v13;
	v10 =	vpop (erf)  }
0x184: {  	v13 =	vld [tilespmem:s3+$0x80];
	(erf) = vpow2.f32 v4;
	v7 =	vadd.f32 v7, v8;
	v10 =	vadd.f32 $1.000000000e+00, v10  }
0x185: {  	v4 =	vld [tilespmem:s9+$0x80];
	v11 =	vsub.f32 $0.0e+00, v9  }
0x186: {  	s0 =	simm.s32 $0x8600;
	v12 =	vld [tilespmem:s29+$0xFFFFFF30];
	v15 =	vsub.f32 $0.0e+00, v7;
	(erf) = vrcp.f32 v10  }
0x187: {  	[tilespmem:s30+$0xFFFFFFA0] =	vst v6;
	v8 =	vmul.f32 $1.442695020e+00, v11;
	v11 =	vld [tilespmem:s0+$0x80]  }
0x188: {  	v6 =	vld [tilespmem:s29+$0xFFFFFFB0];
	v15 =	vmul.f32 $1.442695020e+00, v15  }
0x189: {  	v14 =	vld [tilespmem:s3+$0xFFFFFF00];
	(erf) = vpow2.f32 v8;
	v16 =	vpop (erf)  }
0x18a: {  	v10 =	vld [tilespmem:s9+$0xFFFFFF80];
	v4 =	vadd.f32 v13, v4;
	v17 =	vpop (erf);
	(erf) = vpow2.f32 v15  }
0x18b: {  	[tilespmem:s30+$0xA0] =	vst v5;
	v8 =	vld [tilespmem:s3+$0xFFFFFF80];
	v19 =	vpop (erf)  }
0x18c: {  	[tilespmem:s30+$0x20] =	vst v7;
	v13 =	vld [tilespmem:s3+$0x0];
	v4 =	vadd.f32 v11, v4;
	v7 =	vpop (erf)  }
0x18d: {  	[tilespmem:s26+$0xFFFFFF40] =	vst v16;
	v15 =	vld [tilespmem:s0+$0xFFFFFF00];
	v7 =	vadd.f32 $1.000000000e+00, v7;
	v11 =	vpop (erf)  }
0x18e: {  	v16 =	vld [tilespmem:s0+$0xFFFFFF80];
	[tilespmem:s26+$0xFFFFFFC0] =	vst v17;
	v17 =	vsub.f32 $0.0e+00, v4;
	v11 =	vadd.f32 $1.000000000e+00, v11  }
0x18f: {  	[tilespmem:s26+$0x40] =	vst v19;
	(erf) = vrcp.f32 v7;
	v7 =	vld [tilespmem:s0+$0x0];
	v5 =	vpop (erf)  }
0x190: {  	v14 =	vadd.f32 v14, v20;
	v17 =	vmul.f32 $1.442695020e+00, v17;
	(erf) = vrcp.f32 v11;
	v11 =	vld [tilespmem:s29+$0x30];
	[tilespmem:s29+$0xA0] =	vst v5  }
0x191: {  	v8 =	vadd.f32 v8, v10;
	v5 =	vld [tilespmem:s29+$0xB0]  }
0x192: {  	v10 =	vadd.f32 v13, v18;
	v13 =	vadd.f32 v15, v14;
	v19 =	vpop (erf);
	(erf) = vpow2.f32 v17;
	v17 =	vld [tilespmem:s31+$0xB0]  }
0x193: {  	v8 =	vadd.f32 v16, v8;
	v19 =	vadd.f32 $1.000000000e+00, v19;
	v15 =	vpop (erf)  }
0x194: {  	v14 =	vld [tilespmem:s30+$0xB0];
	v7 =	vadd.f32 v7, v10;
	v10 =	vadd.f32 $1.000000000e+00, v15  }
0x195: {  	v16 =	vsub.f32 $0.0e+00, v8;
	v15 =	vsub.f32 $0.0e+00, v13;
	(erf) = vrcp.f32 v19  }
0x196: {  	(erf) = vrcp.f32 v10  }
0x197: {  	v10 =	vmul.f32 $1.442695020e+00, v15;
	v15 =	vmul.f32 $1.442695020e+00, v16;
	v5 =	vadd.f32 v17, v5  }
0x198: {  	v17 =	vsub.f32 $0.0e+00, v7  }
0x199: {  	v21 =	vld [tilespmem:s28+$0xFFFFFF50];
	v16 =	vpop (erf);
	v5 =	vadd.f32 v14, v5  }
0x19a: {  	(erf) = vpow2.f32 v10;
	v14 =	vld [tilespmem:s5+$0xFFFFFF50];
	v17 =	vmul.f32 $1.442695020e+00, v17;
	[tilespmem:s29+$0xFFFFFF20] =	vst v16;
	v16 =	vpop (erf)  }
0x19b: {  	(erf) = vpow2.f32 v15;
	v10 =	vld [tilespmem:s31+$0xFFFFFF30];
	[tilespmem:s29+$0xFFFFFFA0] =	vst v16;
	v15 =	vpop (erf);
	v16 =	vsub.f32 $0.0e+00, v5  }
0x19c: {  	v18 =	vld [tilespmem:s31+$0xFFFFFFB0];
	(erf) = vpow2.f32 v17;
	v15 =	vadd.f32 $1.000000000e+00, v15  }
0x19d: {  	v17 =	vld [tilespmem:s30+$0xFFFFFF30];
	v16 =	vmul.f32 $1.442695020e+00, v16  }
0x19e: {  	[tilespmem:s28+$0xD0] =	vst v9;
	v19 =	vld [tilespmem:s30+$0xFFFFFFB0];
	v9 =	vpop (erf);
	(erf) = vrcp.f32 v15  }
0x19f: {  	[tilespmem:s26+$0xD0] =	vst v9;
	v9 =	vld [tilespmem:s26+$0xE0];
	(erf) = vpow2.f32 v16  }
0x1a0: {  	v10 =	vadd.f32 v10, v12;
	v12 =	vld [tilespmem:s5+$0xE0]  }
0x1a1: {  	v3 =	vadd.f32 v14, v3;
	v6 =	vadd.f32 v18, v6;
	v16 =	vpop (erf)  }
0x1a2: {  	v10 =	vadd.f32 v17, v10;
	[tilespmem:s29+$0x20] =	vst v16;
	v16 =	vld [tilespmem:s28+$0xE0]  }
0x1a3: {  	v3 =	vadd.f32 v21, v3;
	v6 =	vadd.f32 v19, v6;
	v14 =	vpop (erf);
	v17 =	vld [tilespmem:s31+$0x30]  }
0x1a4: {  	v15 =	vld [tilespmem:s5+$0xFFFFFFD0];
	v19 =	vsub.f32 $0.0e+00, v10;
	v14 =	vadd.f32 $1.000000000e+00, v14;
	v63 =	vpop (erf)  }
0x1a5: {  	v23 =	vld [tilespmem:s30+$0x30];
	v20 =	vadd.f32 $1.000000000e+00, v63;
	v22 =	vpop (erf);
	v9 =	vadd.f32 v12, v9  }
0x1a6: {  	v18 =	vld [tilespmem:s5+$0x50];
	v12 =	vsub.f32 $0.0e+00, v6;
	v22 =	vadd.f32 $1.000000000e+00, v22;
	(erf) = vrcp.f32 v14  }
0x1a7: {  	[tilespmem:s0+$0x80] =	vst v4;
	v14 =	vmul.f32 $1.442695020e+00, v19;
	v19 =	vld [tilespmem:s28+$0xFFFFFFD0];
	(erf) = vrcp.f32 v20;
	v9 =	vadd.f32 v16, v9;
	v4 =	vpop (erf)  }
0x1a8: {  	v12 =	vmul.f32 $1.442695020e+00, v12;
	(erf) = vrcp.f32 v22;
	v16 =	vld [tilespmem:s28+$0x50];
	v11 =	vadd.f32 v17, v11;
	[tilespmem:s9+$0x80] =	vst v4;
	v4 =	vpop (erf)  }
0x1a9: {  	v1 =	vadd.f32 v15, v1;
	v17 =	vld [tilespmem:s9+$0x90];
	(erf) = vpow2.f32 v14;
	v4 =	vadd.f32 $1.000000000e+00, v4  }
0x1aa: {  	v14 =	vsub.f32 $0.0e+00, v9;
	v15 =	vld [tilespmem:s3+$0x90];
	(erf) = vpow2.f32 v12;
	v11 =	vadd.f32 v23, v11  }
0x1ab: {  	v2 =	vadd.f32 v18, v2;
	(erf) = vrcp.f32 v4;
	v4 =	vsub.f32 $0.0e+00, v3  }
0x1ac: {  	v1 =	vadd.f32 v19, v1;
	v12 =	vmul.f32 $1.442695020e+00, v14;
	v14 =	vld [tilespmem:s0+$0x90];
	v18 =	vsub.f32 $0.0e+00, v11  }
0x1ad: {  	v2 =	vadd.f32 v16, v2;
	v4 =	vmul.f32 $1.442695020e+00, v4  }
0x1ae: {  	[tilespmem:s0+$0xFFFFFF00] =	vst v13;
	v13 =	vsub.f32 $0.0e+00, v1;
	(erf) = vpow2.f32 v12;
	v12 =	vmul.f32 $1.442695020e+00, v18  }
0x1af: {  	[tilespmem:s0+$0xFFFFFF80] =	vst v8;
	v15 =	vadd.f32 v15, v17;
	v16 =	vpop (erf);
	v17 =	vld [tilespmem:s9+$0xFFFFFF10];
	(erf) = vpow2.f32 v4;
	v4 =	vsub.f32 $0.0e+00, v2  }
0x1b0: {  	v18 =	vld [tilespmem:s9+$0xFFFFFF90];
	v8 =	vpop (erf);
	[tilespmem:s9+$0xFFFFFF00] =	vst v16;
	(erf) = vpow2.f32 v12;
	v12 =	vmul.f32 $1.442695020e+00, v13  }
0x1b1: {  	v13 =	vadd.f32 v14, v15;
	v14 =	vpop (erf);
	v15 =	vld [tilespmem:s3+$0xFFFFFF10];
	[tilespmem:s9+$0xFFFFFF80] =	vst v8;
	v4 =	vmul.f32 $1.442695020e+00, v4  }
0x1b2: {  	v8 =	vpop (erf);
	v16 =	vld [tilespmem:s3+$0xFFFFFF90];
	(erf) = vpow2.f32 v12  }
0x1b3: {  	v12 =	vsub.f32 $0.0e+00, v13;
	v8 =	vadd.f32 $1.000000000e+00, v8;
	v19 =	vpop (erf);
	(erf) = vpow2.f32 v4;
	v4 =	vld [tilespmem:s0+$0xFFFFFF10]  }
0x1b4: {  	[tilespmem:s0+$0x0] =	vst v7;
	v24 =	vld [tilespmem:s0+$0xFFFFFF90];
	v19 =	vadd.f32 $1.000000000e+00, v19  }
0x1b5: {  	[tilespmem:s30+$0xB0] =	vst v5;
	v5 =	vpop (erf);
	v12 =	vmul.f32 $1.442695020e+00, v12;
	(erf) = vrcp.f32 v8  }
0x1b6: {  	[tilespmem:s29+$0xB0] =	vst v5;
	v5 =	vld [tilespmem:s29+$0xC0];
	(erf) = vrcp.f32 v19;
	v7 =	vadd.f32 v15, v17  }
0x1b7: {  	v8 =	vpop (erf);
	(erf) = vpow2.f32 v12;
	v12 =	vld [tilespmem:s31+$0xC0];
	v16 =	vadd.f32 v16, v18  }
0x1b8: {  	[tilespmem:s9+$0x0] =	vst v14;
	v15 =	vld [tilespmem:s9+$0x10];
	v8 =	vadd.f32 $1.000000000e+00, v8;
	v14 =	vpop (erf);
	v4 =	vadd.f32 v4, v7  }
0x1b9: {  	[tilespmem:s30+$0xFFFFFF30] =	vst v10;
	v7 =	vld [tilespmem:s30+$0xC0];
	v16 =	vadd.f32 v24, v16;
	v10 =	vadd.f32 $1.000000000e+00, v14  }
0x1ba: {  	(erf) = vrcp.f32 v8;
	v8 =	vld [tilespmem:s3+$0x10];
	v14 =	vpop (erf)  }
0x1bb: {  	[tilespmem:s28+$0xFFFFFF50] =	vst v3;
	v14 =	vadd.f32 $1.000000000e+00, v14;
	v18 =	vsub.f32 $0.0e+00, v16  }
0x1bc: {  	[tilespmem:s30+$0xFFFFFFB0] =	vst v6;
	v3 =	vld [tilespmem:s0+$0x10];
	v17 =	vsub.f32 $0.0e+00, v4;
	v5 =	vadd.f32 v12, v5  }
0x1bd: {  	[tilespmem:s28+$0xFFFFFFD0] =	vst v1;
	(erf) = vrcp.f32 v10;
	v1 =	vmul.f32 $1.442695020e+00, v18;
	v10 =	vpop (erf)  }
0x1be: {  	[tilespmem:s30+$0x30] =	vst v11;
	(erf) = vrcp.f32 v14;
	v14 =	vmul.f32 $1.442695020e+00, v17;
	v5 =	vadd.f32 v7, v5;
	v11 =	vpop (erf)  }
0x1bf: {  	[tilespmem:s28+$0x50] =	vst v2;
	v2 =	vadd.f32 v8, v15;
	v8 =	vadd.f32 $1.000000000e+00, v10;
	v7 =	vpop (erf)  }
0x1c0: {  	[tilespmem:s28+$0xE0] =	vst v9;
	(erf) = vpow2.f32 v14;
	v11 =	vadd.f32 $1.000000000e+00, v11;
	v10 =	vpop (erf)  }
0x1c1: {  	v6 =	vld [tilespmem:s29+$0xFFFFFF40];
	(erf) = vpow2.f32 v1;
	v3 =	vadd.f32 v3, v2;
	v1 =	vpop (erf);
	[tilespmem:s29+$0xFFFFFFB0] =	vst v10;
	v10 =	vsub.f32 $0.0e+00, v5  }
0x1c2: {  	[tilespmem:s0+$0xFFFFFF10] =	vst v4;
	v12 =	vld [tilespmem:s29+$0xFFFFFFC0];
	(erf) = vrcp.f32 v8;
	v1 =	vadd.f32 $1.000000000e+00, v1  }
0x1c3: {  	v25 =	vld [tilespmem:s9+$0xFFFFFF20];
	[tilespmem:s29+$0xFFFFFF30] =	vst v7;
	(erf) = vrcp.f32 v11;
	v8 =	vpop (erf);
	v9 =	vsub.f32 $0.0e+00, v3;
	v7 =	vmul.f32 $1.442695020e+00, v10  }
0x1c4: {  	[tilespmem:s26+$0xE0] =	vst v8;
	(erf) = vrcp.f32 v1;
	v1 =	vld [tilespmem:s26+$0xF0]  }
0x1c5: {  	(erf) = vpow2.f32 v7;
	v7 =	vmul.f32 $1.442695020e+00, v9;
	v9 =	vld [tilespmem:s5+$0xF0]  }
0x1c6: {  	v2 =	vld [tilespmem:s31+$0xFFFFFFC0]  }
0x1c7: {  	v11 =	vld [tilespmem:s30+$0xFFFFFF40];
	v8 =	vpop (erf)  }
0x1c8: {  	v10 =	vld [tilespmem:s31+$0xFFFFFF40];
	v19 =	vpop (erf)  }
0x1c9: {  	(erf) = vpow2.f32 v7;
	[tilespmem:s29+$0x30] =	vst v19;
	v7 =	vld [tilespmem:s28+$0xF0];
	v19 =	vpop (erf)  }
0x1ca: {  	[tilespmem:s0+$0xFFFFFF90] =	vst v16;
	v16 =	vld [tilespmem:s30+$0xFFFFFFC0];
	v26 =	vpop (erf);
	v1 =	vadd.f32 v9, v1  }
0x1cb: {  	v18 =	vld [tilespmem:s29+$0x40];
	v9 =	vadd.f32 $1.000000000e+00, v26  }
0x1cc: {  	v4 =	vld [tilespmem:s31+$0x40];
	v19 =	vadd.f32 $1.000000000e+00, v19;
	v27 =	vpop (erf)  }
0x1cd: {  	v17 =	vld [tilespmem:s26+$0xFFFFFF60];
	v12 =	vadd.f32 v2, v12;
	v6 =	vadd.f32 v10, v6;
	v10 =	vpop (erf)  }
0x1ce: {  	[tilespmem:s26+$0xFFFFFF50] =	vst v8;
	v8 =	vld [tilespmem:s30+$0x40];
	(erf) = vrcp.f32 v19;
	v2 =	vadd.f32 v7, v1;
	v1 =	vpop (erf)  }
0x1cf: {  	[tilespmem:s0+$0x90] =	vst v13;
	v12 =	vadd.f32 v16, v12;
	v6 =	vadd.f32 v11, v6;
	(erf) = vrcp.f32 v9;
	v7 =	vld [tilespmem:s5+$0xFFFFFF60];
	v9 =	vpop (erf)  }
0x1d0: {  	v11 =	vld [tilespmem:s9+$0xA0];
	[tilespmem:s9+$0x90] =	vst v1;
	v1 =	vsub.f32 $0.0e+00, v2;
	v9 =	vadd.f32 $1.000000000e+00, v9  }
0x1d1: {  	v13 =	vsub.f32 $0.0e+00, v6;
	v4 =	vadd.f32 v4, v18;
	v18 =	vld [tilespmem:s28+$0xFFFFFF60]  }
0x1d2: {  	v16 =	vld [tilespmem:s3+$0xA0];
	v28 =	vpop (erf);
	v1 =	vmul.f32 $1.442695020e+00, v1;
	(erf) = vrcp.f32 v9;
	v9 =	vsub.f32 $0.0e+00, v12  }
0x1d3: {  	v15 =	vld [tilespmem:s26+$0x60];
	v4 =	vadd.f32 v8, v4;
	v8 =	vadd.f32 $1.000000000e+00, v28  }
0x1d4: {  	v14 =	vld [tilespmem:s26+$0xFFFFFFE0];
	(erf) = vpow2.f32 v1;
	v1 =	vadd.f32 v7, v17;
	v7 =	vmul.f32 $1.442695020e+00, v9  }
0x1d5: {  	v19 =	vld [tilespmem:s9+$0xFFFFFFA0];
	[tilespmem:s26+$0xFFFFFFD0] =	vst v27;
	v13 =	vmul.f32 $1.442695020e+00, v13  }
0x1d6: {  	v30 =	vld [tilespmem:s5+$0xFFFFFFE0];
	v31 =	vsub.f32 $0.0e+00, v4;
	(erf) = vrcp.f32 v8  }
0x1d7: {  	[tilespmem:s26+$0x50] =	vst v10;
	v29 =	vld [tilespmem:s0+$0xA0];
	(erf) = vpow2.f32 v13;
	v10 =	vadd.f32 v16, v11;
	v11 =	vpop (erf);
	v1 =	vadd.f32 v18, v1  }
0x1d8: {  	v8 =	vld [tilespmem:s5+$0x60];
	v9 =	vmul.f32 $1.442695020e+00, v31;
	(erf) = vpow2.f32 v7;
	[tilespmem:s9+$0xFFFFFF10] =	vst v11;
	v7 =	vpop (erf)  }
0x1d9: {  	v13 =	vld [tilespmem:s28+$0xFFFFFFE0];
	[tilespmem:s9+$0xFFFFFF90] =	vst v7;
	v7 =	vsub.f32 $0.0e+00, v1  }
0x1da: {  	(erf) = vpow2.f32 v9;
	v9 =	vld [tilespmem:s3+$0xFFFFFF20]  }
0x1db: {  	v16 =	vld [tilespmem:s3+$0xFFFFFFA0];
	v7 =	vmul.f32 $1.442695020e+00, v7  }
0x1dc: {  	[tilespmem:s0+$0x10] =	vst v3;
	v3 =	vadd.f32 v30, v14;
	v10 =	vadd.f32 v29, v10;
	v14 =	vld [tilespmem:s0+$0xFFFFFF20];
	_ =	sdelay $0x1  }
0x1dd: {  	[tilespmem:s30+$0xC0] =	vst v5;
	v11 =	vld [tilespmem:s28+$0x60];
	v17 =	vsub.f32 $0.0e+00, v10;
	v18 =	vpop (erf)  }
0x1de: {  	[tilespmem:s30+$0xFFFFFF40] =	vst v6;
	v8 =	vadd.f32 v8, v15;
	v15 =	vld [tilespmem:s0+$0xFFFFFFA0];
	(erf) = vpow2.f32 v7;
	v9 =	vadd.f32 v9, v25;
	v7 =	vpop (erf)  }
0x1df: {  	v3 =	vadd.f32 v13, v3;
	v13 =	vmul.f32 $1.442695020e+00, v17;
	[tilespmem:s29+$0xC0] =	vst v18;
	v6 =	vadd.f32 v16, v19;
	v18 =	vpop (erf)  }
0x1e0: {  	v17 =	vld [tilespmem:s29+$0xD0];
	v9 =	vadd.f32 v14, v9;
	v7 =	vadd.f32 $1.000000000e+00, v7;
	v16 =	vpop (erf)  }
0x1e1: {  	s10 =	simm.s32 $0x4800;
	[tilespmem:s30+$0xFFFFFFC0] =	vst v12;
	(erf) = vpow2.f32 v13;
	v13 =	vld [tilespmem:s31+$0xD0];
	v12 =	vadd.f32 $1.000000000e+00, v16;
	v14 =	vpop (erf)  }
0x1e2: {  	v34 =	vld [tilespmem:s10+$0xFFFFFF00];
	[tilespmem:s30+$0x40] =	vst v4;
	v32 =	vsub.f32 $0.0e+00, v9;
	(erf) = vrcp.f32 v7;
	v4 =	vadd.f32 $1.000000000e+00, v14  }
0x1e3: {  	s4 =	simm.s32 $0x800;
	v11 =	vadd.f32 v11, v8;
	v15 =	vadd.f32 v15, v6;
	v16 =	vld [tilespmem:s30+$0xD0];
	(erf) = vrcp.f32 v12  }
0x1e4: {  	v36 =	vld [tilespmem:s4+$0xFFFFFF80];
	v19 =	vsub.f32 $0.0e+00, v3;
	v14 =	vpop (erf);
	(erf) = vrcp.f32 v4;
	v4 =	vmul.f32 $1.442695020e+00, v32  }
0x1e5: {  	v5 =	vld [tilespmem:s9+$0x20];
	[tilespmem:s9+$0x10] =	vst v18;
	v14 =	vadd.f32 $1.000000000e+00, v14;
	v12 =	vsub.f32 $0.0e+00, v15  }
0x1e6: {  	s19 =	simm.s32 $0x8800;
	v18 =	vld [tilespmem:s3+$0x20];
	v13 =	vadd.f32 v13, v17;
	v17 =	vsub.f32 $0.0e+00, v11  }
0x1e7: {  	v38 =	vld [tilespmem:s19+$0x0];
	(erf) = vrcp.f32 v14;
	v12 =	vmul.f32 $1.442695020e+00, v12  }
0x1e8: {  	[tilespmem:s0+$0xFFFFFF20] =	vst v9;
	v9 =	vld [tilespmem:s0+$0x20];
	v14 =	vmul.f32 $1.442695020e+00, v19;
	(erf) = vpow2.f32 v4;
	v16 =	vadd.f32 v16, v13;
	v4 =	vpop (erf)  }
0x1e9: {  	v24 =	vld [tilespmem:s4+$0x0];
	v13 =	vmul.f32 $1.442695020e+00, v17;
	(erf) = vpow2.f32 v12;
	v4 =	vadd.f32 $1.000000000e+00, v4  }
0x1ea: {  	v12 =	vld [tilespmem:s4+$0x80];
	v33 =	vsub.f32 $0.0e+00, v16;
	(erf) = vpow2.f32 v14;
	v17 =	vpop (erf)  }
0x1eb: {  	[tilespmem:s0+$0xFFFFFFA0] =	vst v15;
	v5 =	vadd.f32 v18, v5;
	v14 =	vld [tilespmem:s10+$0x80];
	(erf) = vpow2.f32 v13;
	v15 =	vadd.f32 $1.000000000e+00, v17  }
0x1ec: {  	v26 =	vld [tilespmem:s4+$0xFFFFFF00];
	v13 =	vmul.f32 $1.442695020e+00, v33;
	(erf) = vrcp.f32 v4  }
0x1ed: {  	[tilespmem:s28+$0xFFFFFFE0] =	vst v3;
	v3 =	vld [tilespmem:s19+$0x80];
	v9 =	vadd.f32 v9, v5;
	v4 =	vpop (erf);
	(erf) = vrcp.f32 v15  }
0x1ee: {  	v30 =	vld [tilespmem:s19+$0xFFFFFF80];
	v18 =	vpop (erf);
	(erf) = vpow2.f32 v13  }
0x1ef: {  	[tilespmem:s28+$0xFFFFFF60] =	vst v1;
	v29 =	vld [tilespmem:s19+$0xFFFFFF00];
	v13 =	vsub.f32 $0.0e+00, v9;
	v35 =	vpop (erf)  }
0x1f0: {  	v1 =	vld [tilespmem:s26+$0xFFFFFF70];
	v12 =	vadd.f32 v14, v12;
	v37 =	vpop (erf)  }
0x1f1: {  	v8 =	vld [tilespmem:s29+$0xFFFFFF50];
	v13 =	vmul.f32 $1.442695020e+00, v13;
	v15 =	vpop (erf)  }
0x1f2: {  	v6 =	vld [tilespmem:s29+$0xFFFFFFD0];
	v25 =	vadd.f32 v3, v12;
	v3 =	vpop (erf)  }
0x1f3: {  	v7 =	vld [tilespmem:s29+$0x50];
	(erf) = vpow2.f32 v13;
	v13 =	vadd.f32 $1.000000000e+00, v15;
	v15 =	vpop (erf)  }
0x1f4: {  	v14 =	vld [tilespmem:s10+$0xFFFFFF80];
	v3 =	vadd.f32 $1.000000000e+00, v3;
	v28 =	vpop (erf)  }
0x1f5: {  	[tilespmem:s0+$0xA0] =	vst v10;
	v12 =	vld [tilespmem:s10+$0x0];
	v27 =	vsub.f32 $0.0e+00, v25;
	(erf) = vrcp.f32 v13;
	v13 =	vadd.f32 $1.000000000e+00, v15;
	v15 =	vpop (erf)  }
0x1f6: {  	[tilespmem:s28+$0x60] =	vst v11;
	v19 =	vld [tilespmem:s9+$0xFFFFFF30];
	(erf) = vrcp.f32 v3;
	v10 =	vpop (erf)  }
0x1f7: {  	v11 =	vadd.f32 v34, v26;
	v5 =	vld [tilespmem:s26+$0xFFFFFFF0];
	v3 =	vmul.f32 $1.442695020e+00, v27;
	[tilespmem:s9+$0xA0] =	vst v10;
	v10 =	vpop (erf)  }
0x1f8: {  	v28 =	vadd.f32 $1.000000000e+00, v28;
	(erf) = vrcp.f32 v13;
	v13 =	vld [tilespmem:s9+$0xB0];
	v10 =	vadd.f32 $1.000000000e+00, v10  }
0x1f9: {  	v14 =	vadd.f32 v14, v36;
	(erf) = vpow2.f32 v3;
	v39 =	vld [tilespmem:s3+$0xB0]  }
0x1fa: {  	v17 =	vld [tilespmem:s9+$0xFFFFFFB0];
	[tilespmem:s0+$0x20] =	vst v9;
	v9 =	vadd.f32 v29, v11;
	v12 =	vadd.f32 v12, v24;
	(erf) = vrcp.f32 v28  }
0x1fb: {  	[tilespmem:s29+$0xFFFFFF40] =	vst v18;
	v14 =	vadd.f32 v30, v14;
	v11 =	vld [tilespmem:s0+$0xB0];
	(erf) = vrcp.f32 v10  }
0x1fc: {  	v18 =	vld [tilespmem:s9+$0x30];
	[tilespmem:s29+$0xFFFFFFC0] =	vst v35;
	v42 =	vsub.f32 $0.0e+00, v9;
	v40 =	vadd.f32 v38, v12;
	v10 =	vpop (erf)  }
0x1fd: {  	v41 =	vld [tilespmem:s31+$0xFFFFFF50];
	[tilespmem:s19+$0xFFFFFF00] =	vst v9;
	v9 =	vsub.f32 $0.0e+00, v14;
	v12 =	vadd.f32 $1.000000000e+00, v10  }
0x1fe: {  	v53 =	vld [tilespmem:s30+$0xFFFFFF50];
	v24 =	vmul.f32 $1.442695020e+00, v42;
	[tilespmem:s19+$0xFFFFFF80] =	vst v14;
	v20 =	vadd.f32 v39, v13;
	v44 =	vpop (erf)  }
0x1ff: {  	v43 =	vld [tilespmem:s31+$0xFFFFFFD0];
	v14 =	vsub.f32 $0.0e+00, v40;
	v9 =	vmul.f32 $1.442695020e+00, v9;
	v45 =	vpop (erf);
	[tilespmem:s9+$0xFFFFFF20] =	vst v44;
	(erf) = vrcp.f32 v12  }
0x200: {  	v20 =	vadd.f32 v11, v20;
	v46 =	vld [tilespmem:s3+$0xFFFFFF30];
	[tilespmem:s9+$0xFFFFFFA0] =	vst v45;
	(erf) = vpow2.f32 v24  }
0x201: {  	v11 =	vmul.f32 $1.442695020e+00, v14;
	v12 =	vpop (erf);
	(erf) = vpow2.f32 v9;
	v9 =	vld [tilespmem:s3+$0xFFFFFFB0]  }
0x202: {  	v60 =	vld [tilespmem:s30+$0xFFFFFFD0];
	v48 =	vsub.f32 $0.0e+00, v20;
	v47 =	vpop (erf)  }
0x203: {  	(erf) = vpow2.f32 v11;
	v11 =	vld [tilespmem:s0+$0xFFFFFF30];
	v14 =	vpop (erf);
	v27 =	vadd.f32 $1.000000000e+00, v47  }
0x204: {  	[tilespmem:s30+$0xD0] =	vst v16;
	v49 =	vld [tilespmem:s0+$0xFFFFFFB0];
	v28 =	vmul.f32 $1.442695020e+00, v48;
	v16 =	vpop (erf)  }
0x205: {  	[tilespmem:s29+$0xD0] =	vst v16;
	(erf) = vrcp.f32 v27;
	v16 =	vld [tilespmem:s29+$0xE0]  }
0x206: {  	[tilespmem:s19+$0x80] =	vst v25;
	v19 =	vadd.f32 v46, v19;
	(erf) = vpow2.f32 v28;
	v50 =	vld [tilespmem:s31+$0xE0];
	v9 =	vadd.f32 v9, v17  }
0x207: {  	v32 =	vld [tilespmem:s4+$0x90];
	v8 =	vadd.f32 v41, v8  }
0x208: {  	v17 =	vld [tilespmem:s30+$0xE0];
	v11 =	vadd.f32 v11, v19  }
0x209: {  	[tilespmem:s29+$0x40] =	vst v37;
	v3 =	vld [tilespmem:s26+$0x70];
	v8 =	vadd.f32 v53, v8;
	v52 =	vpop (erf)  }
0x20a: {  	v19 =	vld [tilespmem:s31+$0x50];
	v54 =	vadd.f32 v49, v9;
	[tilespmem:s9+$0x20] =	vst v52;
	v55 =	vsub.f32 $0.0e+00, v11;
	v9 =	vpop (erf)  }
0x20b: {  	[tilespmem:s26+$0xFFFFFF60] =	vst v15;
	v56 =	vld [tilespmem:s3+$0x30];
	v9 =	vadd.f32 $1.000000000e+00, v9;
	v57 =	vpop (erf);
	v16 =	vadd.f32 v50, v16  }
0x20c: {  	v36 =	vld [tilespmem:s5+$0xFFFFFF70];
	[tilespmem:s0+$0xFFFFFF30] =	vst v11;
	v11 =	vsub.f32 $0.0e+00, v54;
	v59 =	vmul.f32 $1.442695020e+00, v55;
	v30 =	vadd.f32 $1.000000000e+00, v57;
	v31 =	vpop (erf)  }
0x20d: {  	[tilespmem:s19+$0x0] =	vst v40;
	v58 =	vld [tilespmem:s0+$0x30];
	(erf) = vrcp.f32 v9;
	v17 =	vadd.f32 v17, v16;
	v16 =	vadd.f32 $1.000000000e+00, v31  }
0x20e: {  	v26 =	vadd.f32 v43, v6;
	v51 =	vld [tilespmem:s4+$0x10];
	[tilespmem:s30+$0xFFFFFF50] =	vst v8;
	v11 =	vmul.f32 $1.442695020e+00, v11;
	(erf) = vrcp.f32 v30;
	v61 =	vpop (erf)  }
0x20f: {  	v6 =	vld [tilespmem:s29+$0xFFFFFF60];
	v19 =	vadd.f32 v19, v7;
	(erf) = vrcp.f32 v16;
	v62 =	vpop (erf);
	v63 =	vsub.f32 $0.0e+00, v17  }
0x210: {  	v16 =	vld [tilespmem:s30+$0x50];
	[tilespmem:s4+$0x80] =	vst v61;
	v18 =	vadd.f32 v56, v18;
	(erf) = vpow2.f32 v59;
	v25 =	vadd.f32 $1.000000000e+00, v62  }
0x211: {  	v7 =	vsub.f32 $0.0e+00, v8;
	v33 =	vld [tilespmem:s10+$0x90];
	(erf) = vpow2.f32 v11;
	v34 =	vmul.f32 $1.442695020e+00, v63  }
0x212: {  	v10 =	vld [tilespmem:s4+$0xFFFFFF10];
	v18 =	vadd.f32 v58, v18;
	(erf) = vrcp.f32 v25  }
0x213: {  	[tilespmem:s0+$0xB0] =	vst v20;
	v15 =	vmul.f32 $1.442695020e+00, v7;
	v35 =	vld [tilespmem:s19+$0x90];
	(erf) = vpow2.f32 v34  }
0x214: {  	v13 =	vld [tilespmem:s4+$0xFFFFFF90];
	[tilespmem:s0+$0x30] =	vst v18;
	v8 =	vsub.f32 $0.0e+00, v18;
	v18 =	vadd.f32 v60, v26  }
0x215: {  	[tilespmem:s26+$0xFFFFFFE0] =	vst v12;
	v46 =	vld [tilespmem:s9+$0xC0];
	v16 =	vadd.f32 v16, v19;
	(erf) = vpow2.f32 v15  }
0x216: {  	v50 =	vld [tilespmem:s5+$0xFFFFFFF0];
	v19 =	vmul.f32 $1.442695020e+00, v8;
	[tilespmem:s30+$0xFFFFFFD0] =	vst v18;
	v18 =	vsub.f32 $0.0e+00, v18;
	v21 =	vadd.f32 v33, v32;
	v37 =	vpop (erf)  }
0x217: {  	v9 =	vld [tilespmem:s9+$0xFFFFFF40];
	v15 =	vsub.f32 $0.0e+00, v16;
	[tilespmem:s4+$0xFFFFFF00] =	vst v37;
	v38 =	vpop (erf)  }
0x218: {  	(erf) = vpow2.f32 v19;
	v18 =	vmul.f32 $1.442695020e+00, v18;
	v21 =	vadd.f32 v35, v21;
	v19 =	vld [tilespmem:s10+$0xFFFFFF10];
	[tilespmem:s4+$0xFFFFFF80] =	vst v38;
	v39 =	vpop (erf)  }
0x219: {  	v15 =	vmul.f32 $1.442695020e+00, v15;
	v23 =	vld [tilespmem:s10+$0xFFFFFF90];
	v40 =	vpop (erf)  }
0x21a: {  	(erf) = vpow2.f32 v18;
	v41 =	vsub.f32 $0.0e+00, v21;
	v44 =	vld [tilespmem:s19+$0xFFFFFF90];
	v22 =	vadd.f32 $1.000000000e+00, v40;
	v42 =	vpop (erf)  }
0x21b: {  	[tilespmem:s4+$0x0] =	vst v39;
	(erf) = vpow2.f32 v15;
	v15 =	vld [tilespmem:s19+$0xFFFFFF10];
	v27 =	vadd.f32 $1.000000000e+00, v42;
	v43 =	vpop (erf)  }
0x21c: {  	v18 =	vld [tilespmem:s10+$0x10];
	v26 =	vmul.f32 $1.442695020e+00, v41;
	(erf) = vrcp.f32 v22;
	v45 =	vpop (erf)  }
0x21d: {  	v56 =	vld [tilespmem:s28+$0xFFFFFFF0];
	[tilespmem:s9+$0xB0] =	vst v43;
	(erf) = vrcp.f32 v27;
	v20 =	vadd.f32 $1.000000000e+00, v45  }
0x21e: {  	[tilespmem:s30+$0x50] =	vst v16;
	v19 =	vadd.f32 v19, v10;
	v47 =	vld [tilespmem:s3+$0xC0];
	v16 =	vpop (erf);
	(erf) = vpow2.f32 v26;
	v13 =	vadd.f32 v23, v13  }
0x21f: {  	v48 =	vld [tilespmem:s19+$0x10];
	v12 =	vadd.f32 $1.000000000e+00, v16;
	(erf) = vrcp.f32 v20  }
0x220: {  	[tilespmem:s30+$0xE0] =	vst v17;
	v15 =	vadd.f32 v15, v19;
	v19 =	vld [tilespmem:s0+$0xC0];
	v13 =	vadd.f32 v44, v13  }
0x221: {  	[tilespmem:s0+$0xFFFFFFB0] =	vst v54;
	v62 =	vld [tilespmem:s29+$0xF0];
	v18 =	vadd.f32 v18, v51;
	v16 =	vpop (erf)  }
0x222: {  	v11 =	vld [tilespmem:s9+$0xFFFFFFC0];
	v49 =	vadd.f32 $1.000000000e+00, v16;
	v51 =	vsub.f32 $0.0e+00, v15  }
0x223: {  	v7 =	vld [tilespmem:s9+$0x40];
	(erf) = vrcp.f32 v12;
	v12 =	vpop (erf);
	v28 =	vsub.f32 $0.0e+00, v13;
	v22 =	vadd.f32 v47, v46  }
0x224: {  	v8 =	vld [tilespmem:s29+$0xFFFFFFE0];
	v23 =	vadd.f32 v48, v18;
	[tilespmem:s19+$0xFFFFFF90] =	vst v13;
	v52 =	vmul.f32 $1.442695020e+00, v51;
	v12 =	vadd.f32 $1.000000000e+00, v12;
	v13 =	vpop (erf)  }
0x225: {  	(erf) = vrcp.f32 v49;
	v53 =	vmul.f32 $1.442695020e+00, v28;
	v18 =	vadd.f32 v19, v22;
	v19 =	vld [tilespmem:s28+$0xFFFFFF70];
	v54 =	vpop (erf)  }
0x226: {  	v1 =	vadd.f32 v36, v1;
	[tilespmem:s26+$0x60] =	vst v14;
	v10 =	vld [tilespmem:s29+$0x60];
	(erf) = vpow2.f32 v52;
	v55 =	vpop (erf)  }
0x227: {  	v16 =	vld [tilespmem:s5+$0x70];
	v58 =	vadd.f32 $1.000000000e+00, v13;
	(erf) = vpow2.f32 v53;
	[tilespmem:s9+$0xFFFFFF30] =	vst v54;
	v59 =	vsub.f32 $0.0e+00, v18;
	v57 =	vpop (erf)  }
0x228: {  	v5 =	vadd.f32 v50, v5;
	[tilespmem:s19+$0xFFFFFF10] =	vst v15;
	(erf) = vrcp.f32 v12;
	v61 =	vld [tilespmem:s3+$0xFFFFFF40];
	v12 =	vpop (erf);
	v60 =	vadd.f32 $1.000000000e+00, v57  }
0x229: {  	v14 =	vld [tilespmem:s4+$0xFFFFFF20];
	v17 =	vsub.f32 $0.0e+00, v23;
	(erf) = vrcp.f32 v58;
	[tilespmem:s29+$0xE0] =	vst v12;
	v12 =	vmul.f32 $1.442695020e+00, v59  }
0x22a: {  	v22 =	vadd.f32 v56, v5;
	v5 =	vld [tilespmem:s0+$0xFFFFFF40];
	v19 =	vadd.f32 v19, v1;
	(erf) = vrcp.f32 v60  }
0x22b: {  	v17 =	vmul.f32 $1.442695020e+00, v17;
	[tilespmem:s9+$0xFFFFFFB0] =	vst v55;
	v1 =	vld [tilespmem:s31+$0xF0];
	(erf) = vpow2.f32 v12  }
0x22c: {  	v12 =	vld [tilespmem:s3+$0xFFFFFFC0];
	v32 =	vsub.f32 $0.0e+00, v19  }
0x22d: {  	v33 =	vsub.f32 $0.0e+00, v22;
	v63 =	vpop (erf);
	(erf) = vpow2.f32 v17;
	v17 =	vld [tilespmem:s30+$0xF0];
	v9 =	vadd.f32 v61, v9  }
0x22e: {  	v15 =	vld [tilespmem:s4+$0xFFFFFFA0];
	[tilespmem:s19+$0x10] =	vst v23;
	v31 =	vpop (erf);
	v26 =	vmul.f32 $1.442695020e+00, v32  }
0x22f: {  	v36 =	vld [tilespmem:s0+$0xFFFFFFC0];
	v23 =	vmul.f32 $1.442695020e+00, v33;
	[tilespmem:s29+$0xFFFFFF50] =	vst v63;
	v35 =	vpop (erf)  }
0x230: {  	v40 =	vld [tilespmem:s31+$0xFFFFFF60];
	[tilespmem:s9+$0x30] =	vst v31;
	v1 =	vadd.f32 v1, v62;
	v37 =	vpop (erf);
	v38 =	vadd.f32 $1.000000000e+00, v35;
	(erf) = vpow2.f32 v26  }
0x231: {  	v34 =	vld [tilespmem:s3+$0x40];
	v5 =	vadd.f32 v5, v9;
	v9 =	vpop (erf);
	v24 =	vadd.f32 $1.000000000e+00, v37;
	(erf) = vpow2.f32 v23  }
0x232: {  	v13 =	vld [tilespmem:s4+$0x20];
	[tilespmem:s29+$0xFFFFFFD0] =	vst v9;
	v9 =	vadd.f32 v12, v11;
	(erf) = vrcp.f32 v38;
	v1 =	vadd.f32 v17, v1;
	v12 =	vpop (erf)  }
0x233: {  	v39 =	vld [tilespmem:s0+$0x40];
	(erf) = vrcp.f32 v24;
	v17 =	vpop (erf)  }
0x234: {  	[tilespmem:s0+$0xFFFFFF40] =	vst v5;
	v5 =	vsub.f32 $0.0e+00, v5;
	v11 =	vld [tilespmem:s30+$0xFFFFFF60];
	v44 =	vsub.f32 $0.0e+00, v1;
	v43 =	vpop (erf)  }
0x235: {  	[tilespmem:s19+$0x90] =	vst v21;
	v42 =	vld [tilespmem:s31+$0xFFFFFFE0];
	v9 =	vadd.f32 v36, v9;
	v21 =	vadd.f32 $1.000000000e+00, v43  }
0x236: {  	v6 =	vadd.f32 v40, v6;
	v41 =	vadd.f32 v34, v7;
	[tilespmem:s4+$0x90] =	vst v17;
	v17 =	vld [tilespmem:s4+$0xA0];
	v45 =	vpop (erf);
	v25 =	vmul.f32 $1.442695020e+00, v44  }
0x237: {  	v46 =	vld [tilespmem:s10+$0xA0];
	v28 =	vsub.f32 $0.0e+00, v9;
	v27 =	vadd.f32 $1.000000000e+00, v45;
	(erf) = vrcp.f32 v21  }
0x238: {  	v47 =	vmul.f32 $1.442695020e+00, v5;
	[tilespmem:s29+$0x50] =	vst v12;
	v52 =	vld [tilespmem:s30+$0xFFFFFFE0];
	v20 =	vadd.f32 v39, v41;
	(erf) = vpow2.f32 v25  }
0x239: {  	[tilespmem:s28+$0xF0] =	vst v2;
	v50 =	vld [tilespmem:s31+$0x60];
	v6 =	vadd.f32 v11, v6;
	v49 =	vmul.f32 $1.442695020e+00, v28;
	v12 =	vpop (erf);
	(erf) = vrcp.f32 v27  }
0x23a: {  	v48 =	vld [tilespmem:s19+$0xA0];
	[tilespmem:s0+$0x40] =	vst v20;
	v20 =	vsub.f32 $0.0e+00, v20;
	v51 =	vpop (erf);
	(erf) = vpow2.f32 v47  }
0x23b: {  	v7 =	vld [tilespmem:s9+$0xFFFFFF50];
	v54 =	vsub.f32 $0.0e+00, v6;
	[tilespmem:s30+$0xFFFFFF60] =	vst v6;
	v11 =	vpop (erf);
	(erf) = vpow2.f32 v49  }
0x23c: {  	v24 =	vadd.f32 v42, v8;
	v20 =	vmul.f32 $1.442695020e+00, v20;
	v8 =	vadd.f32 v46, v17;
	v17 =	vld [tilespmem:s30+$0x60];
	[tilespmem:s4+$0xFFFFFF10] =	vst v11;
	v11 =	vpop (erf)  }
0x23d: {  	v53 =	vadd.f32 $1.000000000e+00, v12;
	v6 =	vmul.f32 $1.442695020e+00, v54;
	[tilespmem:s4+$0xFFFFFF90] =	vst v11;
	v11 =	vld [tilespmem:s10+$0xFFFFFF20]  }
0x23e: {  	[tilespmem:s0+$0xFFFFFFC0] =	vst v9;
	v10 =	vadd.f32 v50, v10;
	v2 =	vadd.f32 $1.000000000e+00, v51;
	(erf) = vpow2.f32 v20;
	v55 =	vld [tilespmem:s10+$0xFFFFFFA0]  }
0x23f: {  	v9 =	vld [tilespmem:s9+$0xFFFFFFD0];
	v12 =	vadd.f32 v48, v8;
	(erf) = vrcp.f32 v53  }
0x240: {  	[tilespmem:s26+$0xF0] =	vst v4;
	v8 =	vadd.f32 v16, v3;
	v16 =	vld [tilespmem:s19+$0xFFFFFFA0];
	(erf) = vrcp.f32 v2;
	v57 =	vpop (erf)  }
0x241: {  	[tilespmem:s0+$0xC0] =	vst v18;
	v56 =	vld [tilespmem:s19+$0xFFFFFF20];
	v2 =	vsub.f32 $0.0e+00, v12;
	(erf) = vpow2.f32 v6;
	v6 =	vpop (erf)  }
0x242: {  	[tilespmem:s28+$0xFFFFFF70] =	vst v19;
	v5 =	vld [tilespmem:s9+$0x50];
	v17 =	vadd.f32 v17, v10;
	v10 =	vpop (erf)  }
0x243: {  	v3 =	vld [tilespmem:s29+$0xFFFFFF70];
	v2 =	vmul.f32 $1.442695020e+00, v2;
	v4 =	vadd.f32 v11, v14;
	v11 =	vadd.f32 v55, v15;
	[tilespmem:s4+$0x10] =	vst v10;
	v10 =	vpop (erf)  }
0x244: {  	v18 =	vadd.f32 v52, v24;
	[tilespmem:s9+$0xC0] =	vst v57;
	v14 =	vld [tilespmem:s9+$0xD0];
	v6 =	vadd.f32 $1.000000000e+00, v6;
	v19 =	vpop (erf)  }
0x245: {  	v15 =	vld [tilespmem:s3+$0xD0];
	(erf) = vpow2.f32 v2;
	v11 =	vadd.f32 v16, v11;
	v16 =	vadd.f32 $1.000000000e+00, v19  }
0x246: {  	v2 =	vadd.f32 v56, v4;
	v4 =	vld [tilespmem:s10+$0x20];
	v10 =	vadd.f32 $1.000000000e+00, v10;
	(erf) = vrcp.f32 v6  }
0x247: {  	v58 =	vsub.f32 $0.0e+00, v18;
	[tilespmem:s30+$0xFFFFFFE0] =	vst v18;
	v19 =	vld [tilespmem:s0+$0xD0];
	v59 =	vpop (erf)  }
0x248: {  	v60 =	vld [tilespmem:s19+$0x20];
	[tilespmem:s19+$0xFFFFFF20] =	vst v2;
	v2 =	vsub.f32 $0.0e+00, v2;
	(erf) = vrcp.f32 v10;
	v20 =	vadd.f32 $1.000000000e+00, v59  }
0x249: {  	v18 =	vsub.f32 $0.0e+00, v17;
	v10 =	vld [tilespmem:s4+$0xFFFFFF30];
	[tilespmem:s19+$0xFFFFFFA0] =	vst v11;
	v61 =	vsub.f32 $0.0e+00, v11;
	(erf) = vrcp.f32 v16;
	v16 =	vpop (erf)  }
0x24a: {  	[tilespmem:s28+$0xFFFFFFF0] =	vst v22;
	v2 =	vmul.f32 $1.442695020e+00, v2;
	v11 =	vld [tilespmem:s4+$0xFFFFFFB0];
	v14 =	vadd.f32 v15, v14;
	v15 =	vpop (erf);
	(erf) = vrcp.f32 v20  }
0x24b: {  	[tilespmem:s30+$0x60] =	vst v17;
	v6 =	vmul.f32 $1.442695020e+00, v58;
	v62 =	vmul.f32 $1.442695020e+00, v61;
	v63 =	vadd.f32 v4, v13;
	v4 =	vld [tilespmem:s29+$0xFFFFFFF0]  }
0x24c: {  	s12 =	simm.s32 $0xC;
	[tilespmem:s26+$0xFFFFFF70] =	vst v16;
	v16 =	vmul.f32 $1.442695020e+00, v18;
	v13 =	vadd.f32 v19, v14;
	v14 =	vld [tilespmem:s28+$0x70];
	v17 =	vpop (erf);
	(erf) = vpow2.f32 v2  }
0x24d: {  	s23 =	simm.s32 $0x4800;
	s1 =	simm.s32 $0xA00;
	s5 =	simm.s32 $0x8800;
	v2 =	vld [tilespmem:s29+$0x70];
	[tilespmem:s26+$0xFFFFFFF0] =	vst v15;
	v15 =	vadd.f32 v60, v63;
	v17 =	vadd.f32 $1.000000000e+00, v17;
	(erf) = vpow2.f32 v62  }
.LBB2_6:
0x24e: {  	v18 =	vld [tilespmem:s1+$0x80];
	s10 =	sadd.s32 $0x200, s10;
	v19 =	vpop (erf);
	v20 =	vsub.f32 $0.0e+00, v13;
	(erf) = vpow2.f32 v6  }
0x24f: {  	v6 =	vld [tilespmem:s10+$0x80];
	v21 =	vsub.f32 $0.0e+00, v15;
	v19 =	vadd.f32 $1.000000000e+00, v19;
	[tilespmem:s30+$0xF0] =	vst v1;
	(erf) = vpow2.f32 v16;
	v1 =	vpop (erf)  }
0x250: {  	s19 =	sadd.s32 $0x200, s19;
	v16 =	vld [tilespmem:s10+$0xFFFFFF00];
	v20 =	vmul.f32 $1.442695020e+00, v20;
	[tilespmem:s29+$0xF0] =	vst v1;
	(erf) = vrcp.f32 v17  }
0x251: {  	s12 =	sadd.s32 $0x4, s12;
	v1 =	vld [tilespmem:s19+$0x80];
	[tilespmem:s5+$0x20] =	vst v15;
	v21 =	vmul.f32 $1.442695020e+00, v21;
	(erf) = vrcp.f32 v19;
	v17 =	vpop (erf)  }
0x252: {  	p1 =	slt.u32 s12, $0x7C;
	v19 =	vld [tilespmem:s1+$0xFFFFFF80];
	[tilespmem:s9+$0xFFFFFF40] =	vst v17;
	v17 =	vpop (erf);
	(erf) = vpow2.f32 v20;
	v8 =	vadd.f32 v14, v8  }
0x253: {  	v14 =	vld [tilespmem:s10+$0xFFFFFF80];
	(erf) = vpow2.f32 v21;
	[tilespmem:s9+$0xFFFFFFC0] =	vst v17;
	v15 =	vpop (erf)  }
0x254: {  	v17 =	vld [tilespmem:s1+$0x0];
	v6 =	vadd.f32 v6, v18;
	[tilespmem:s9+$0x40] =	vst v15;
	v15 =	vsub.f32 $0.0e+00, v8  }
0x255: {  	v18 =	vld [tilespmem:s10+$0x0];
	v20 =	vpop (erf);
	[tilespmem:s28+$0x70] =	vst v8;
	s28 =	smov.u32 s30;
	s30 =	smov.u32 s0;
	s0 =	smov.u32 s5  }
0x256: {  	s5 =	smov.u32 s19;
	v8 =	vld [tilespmem:s1+$0xFFFFFF00];
	v6 =	vadd.f32 v1, v6;
	v24 =	vadd.f32 $1.000000000e+00, v20;
	v20 =	vpop (erf);
	v21 =	vmul.f32 $1.442695020e+00, v15  }
0x257: {  	v22 =	vld [tilespmem:s19+$0xFFFFFF00];
	v15 =	vadd.f32 $1.000000000e+00, v20;
	v20 =	vpop (erf)  }
0x258: {  	v14 =	vadd.f32 v14, v19;
	v19 =	vld [tilespmem:s19+$0xFFFFFF80];
	v23 =	vsub.f32 $0.0e+00, v6;
	(erf) = vrcp.f32 v24;
	v1 =	vpop (erf)  }
0x259: {  	v26 =	vadd.f32 $1.000000000e+00, v20;
	v24 =	vld [tilespmem:s19+$0x0];
	(erf) = vrcp.f32 v15;
	v1 =	vadd.f32 $1.000000000e+00, v1;
	v25 =	vpop (erf)  }
0x25a: {  	v17 =	vadd.f32 v18, v17;
	v18 =	vmul.f32 $1.442695020e+00, v23;
	v15 =	vld [tilespmem:s4+$0x30];
	[tilespmem:s0+$0xA0] =	vst v12;
	v12 =	vpop (erf);
	(erf) = vpow2.f32 v21  }
0x25b: {  	v8 =	vadd.f32 v16, v8;
	[tilespmem:s4+$0xA0] =	vst v12;
	v16 =	vld [tilespmem:s4+$0xB0];
	v12 =	vpop (erf);
	(erf) = vrcp.f32 v26  }
0x25c: {  	(erf) = vpow2.f32 v18;
	v18 =	vld [tilespmem:s23+$0xB0];
	v20 =	vpop (erf);
	v12 =	vadd.f32 $1.000000000e+00, v12;
	[tilespmem:s29+$0xFFFFFF60] =	vst v25  }
0x25d: {  	v8 =	vadd.f32 v22, v8;
	v14 =	vadd.f32 v19, v14;
	v19 =	vld [tilespmem:s3+$0xFFFFFF50];
	(erf) = vrcp.f32 v1  }
0x25e: {  	v1 =	vadd.f32 v24, v17;
	v17 =	vadd.f32 $1.000000000e+00, v20;
	v20 =	vld [tilespmem:s0+$0xB0];
	(erf) = vrcp.f32 v12  }
0x25f: {  	[tilespmem:s19+$0xFFFFFF00] =	vst v8;
	v12 =	vsub.f32 $0.0e+00, v8;
	v21 =	vsub.f32 $0.0e+00, v14;
	v22 =	vld [tilespmem:s3+$0xFFFFFFD0]  }
0x260: {  	v8 =	vld [tilespmem:s1+$0xFFFFFF10];
	[tilespmem:s19+$0xFFFFFF80] =	vst v14;
	v14 =	vsub.f32 $0.0e+00, v1;
	(erf) = vrcp.f32 v17  }
0x261: {  	v17 =	vmul.f32 $1.442695020e+00, v12;
	v21 =	vmul.f32 $1.442695020e+00, v21;
	v12 =	vld [tilespmem:s1+$0xFFFFFF90];
	[tilespmem:s19+$0x0] =	vst v1;
	v23 =	vadd.f32 v18, v16;
	v16 =	vpop (erf)  }
0x262: {  	v24 =	vmul.f32 $1.442695020e+00, v14;
	v14 =	vld [tilespmem:s1+$0x10];
	[tilespmem:s4+$0xFFFFFF20] =	vst v16;
	v16 =	vpop (erf);
	v19 =	vadd.f32 v19, v7  }
0x263: {  	(erf) = vpow2.f32 v17;
	v7 =	vld [tilespmem:s23+$0xFFFFFF30];
	[tilespmem:s4+$0xFFFFFFA0] =	vst v16;
	v17 =	vadd.f32 v20, v23;
	v1 =	vpop (erf)  }
0x264: {  	(erf) = vpow2.f32 v21;
	v16 =	vld [tilespmem:s23+$0xFFFFFFB0];
	v9 =	vadd.f32 v22, v9;
	v20 =	vpop (erf);
	v1 =	vadd.f32 $1.000000000e+00, v1  }
0x265: {  	(erf) = vpow2.f32 v24;
	v18 =	vpop (erf);
	v21 =	vld [tilespmem:s0+$0xFFFFFF30];
	v22 =	vsub.f32 $0.0e+00, v17;
	[tilespmem:s29+$0xFFFFFFE0] =	vst v20  }
0x266: {  	v18 =	vadd.f32 $1.000000000e+00, v18;
	v20 =	vld [tilespmem:s0+$0xFFFFFFB0];
	v23 =	vpop (erf);
	(erf) = vrcp.f32 v1  }
0x267: {  	v1 =	vmul.f32 $1.442695020e+00, v22;
	v22 =	vld [tilespmem:s3+$0x50];
	[tilespmem:s30+$0xD0] =	vst v13;
	v13 =	vpop (erf)  }
0x268: {  	(erf) = vrcp.f32 v18;
	v7 =	vadd.f32 v7, v10;
	[tilespmem:s9+$0xD0] =	vst v13;
	v10 =	vld [tilespmem:s9+$0xE0]  }
0x269: {  	v11 =	vadd.f32 v16, v11;
	v13 =	vpop (erf);
	(erf) = vpow2.f32 v1;
	v16 =	vld [tilespmem:s3+$0xE0];
	[tilespmem:s29+$0x60] =	vst v23  }
0x26a: {  	v1 =	vadd.f32 v21, v7;
	[tilespmem:s4+$0x20] =	vst v13;
	v13 =	vld [tilespmem:s30+$0xFFFFFF50]  }
0x26b: {  	v7 =	vadd.f32 v20, v11;
	v11 =	vld [tilespmem:s30+$0xE0]  }
0x26c: {  	v18 =	vpop (erf);
	[tilespmem:s0+$0xFFFFFF30] =	vst v1;
	v1 =	vsub.f32 $0.0e+00, v1;
	v20 =	vld [tilespmem:s23+$0x30];
	v21 =	vadd.f32 v22, v5  }
0x26d: {  	v5 =	vadd.f32 $1.000000000e+00, v18;
	v18 =	vpop (erf);
	[tilespmem:s0+$0xFFFFFFB0] =	vst v7;
	v7 =	vsub.f32 $0.0e+00, v7;
	v22 =	vld [tilespmem:s0+$0x30]  }
0x26e: {  	v18 =	vadd.f32 $1.000000000e+00, v18;
	v23 =	vpop (erf);
	v24 =	vmul.f32 $1.442695020e+00, v1;
	v1 =	vld [tilespmem:s4+$0xFFFFFF40];
	v10 =	vadd.f32 v16, v10  }
0x26f: {  	v23 =	vadd.f32 $1.000000000e+00, v23;
	(erf) = vrcp.f32 v5;
	v5 =	vmul.f32 $1.442695020e+00, v7;
	v7 =	vld [tilespmem:s4+$0xFFFFFFC0];
	v25 =	vpop (erf)  }
0x270: {  	v13 =	vadd.f32 v13, v19;
	(erf) = vrcp.f32 v18;
	v18 =	vld [tilespmem:s30+$0xFFFFFFD0];
	v16 =	vadd.f32 v11, v10;
	[tilespmem:s26+$0x70] =	vst v25;
	s26 =	smov.u32 s29;
	s29 =	smov.u32 s9;
	s9 =	smov.u32 s4  }
0x271: {  	s4 =	smov.u32 s1;
	[tilespmem:s19+$0x80] =	vst v6;
	(erf) = vrcp.f32 v23;
	v6 =	vpop (erf);
	v10 =	vadd.f32 v20, v15;
	v11 =	vld [tilespmem:s30+$0x50]  }
0x272: {  	v19 =	vsub.f32 $0.0e+00, v13;
	[tilespmem:s1+$0x80] =	vst v6;
	v6 =	vld [tilespmem:s1+$0x90];
	(erf) = vpow2.f32 v24;
	v15 =	vpop (erf);
	v20 =	vsub.f32 $0.0e+00, v16  }
0x273: {  	v23 =	vld [tilespmem:s10+$0x90];
	v10 =	vadd.f32 v22, v10;
	v15 =	vadd.f32 $1.000000000e+00, v15;
	(erf) = vpow2.f32 v5;
	[tilespmem:s30+$0xFFFFFF50] =	vst v13  }
0x274: {  	v13 =	vmul.f32 $1.442695020e+00, v19;
	v5 =	vld [tilespmem:s29+$0xFFFFFF60];
	v19 =	vmul.f32 $1.442695020e+00, v20  }
0x275: {  	v20 =	vld [tilespmem:s19+$0x90];
	[tilespmem:s0+$0x30] =	vst v10;
	v10 =	vsub.f32 $0.0e+00, v10;
	(erf) = vrcp.f32 v15;
	v15 =	vadd.f32 v18, v9  }
0x276: {  	v9 =	vld [tilespmem:s9+$0x40];
	v11 =	vadd.f32 v11, v21;
	(erf) = vpow2.f32 v19  }
0x277: {  	v18 =	vmul.f32 $1.442695020e+00, v10;
	[tilespmem:s30+$0xFFFFFFD0] =	vst v15;
	v15 =	vsub.f32 $0.0e+00, v15;
	(erf) = vpow2.f32 v13;
	v13 =	vld [tilespmem:s31+$0xFFFFFF70]  }
0x278: {  	v23 =	vadd.f32 v23, v6;
	v6 =	vpop (erf);
	v10 =	vld [tilespmem:s29+$0xFFFFFFE0];
	[tilespmem:s30+$0x50] =	vst v11;
	v11 =	vsub.f32 $0.0e+00, v11  }
0x279: {  	[tilespmem:s1+$0xFFFFFF00] =	vst v6;
	v21 =	vpop (erf);
	(erf) = vpow2.f32 v18;
	v18 =	vmul.f32 $1.442695020e+00, v15;
	v6 =	vld [tilespmem:s29+$0x60]  }
0x27a: {  	v22 =	vld [tilespmem:s10+$0xFFFFFF10];
	[tilespmem:s1+$0xFFFFFF80] =	vst v21;
	v15 =	vadd.f32 v20, v23;
	v19 =	vpop (erf);
	v11 =	vmul.f32 $1.442695020e+00, v11  }
0x27b: {  	v20 =	vld [tilespmem:s10+$0xFFFFFF90];
	[tilespmem:s1+$0x0] =	vst v19;
	v19 =	vpop (erf);
	(erf) = vpow2.f32 v18  }
0x27c: {  	v18 =	vld [tilespmem:s10+$0x10];
	v21 =	vsub.f32 $0.0e+00, v15;
	v25 =	vadd.f32 $1.000000000e+00, v19;
	v23 =	vpop (erf);
	(erf) = vpow2.f32 v11  }
0x27d: {  	v24 =	vadd.f32 v13, v3;
	v11 =	vld [tilespmem:s19+$0xFFFFFF10];
	v23 =	vadd.f32 $1.000000000e+00, v23  }
0x27e: {  	v3 =	vld [tilespmem:s19+$0xFFFFFF90];
	v13 =	vmul.f32 $1.442695020e+00, v21;
	[tilespmem:s0+$0xB0] =	vst v17;
	(erf) = vrcp.f32 v25;
	v17 =	vpop (erf)  }
0x27f: {  	v8 =	vadd.f32 v22, v8;
	[tilespmem:s9+$0xB0] =	vst v17;
	v17 =	vld [tilespmem:s9+$0xC0];
	(erf) = vrcp.f32 v23;
	v19 =	vpop (erf)  }
0x280: {  	v12 =	vadd.f32 v20, v12;
	(erf) = vpow2.f32 v13;
	v13 =	vld [tilespmem:s23+$0xC0];
	v19 =	vadd.f32 $1.000000000e+00, v19;
	v20 =	vpop (erf)  }
0x281: {  	v14 =	vadd.f32 v18, v14;
	v18 =	vld [tilespmem:s19+$0x10];
	v22 =	vadd.f32 $1.000000000e+00, v20  }
0x282: {  	v8 =	vadd.f32 v11, v8;
	v21 =	vld [tilespmem:s0+$0xC0];
	v11 =	vpop (erf);
	(erf) = vrcp.f32 v19  }
0x283: {  	v3 =	vadd.f32 v3, v12;
	v23 =	vadd.f32 $1.000000000e+00, v11;
	(erf) = vrcp.f32 v22;
	v19 =	vld [tilespmem:s31+$0xFFFFFFF0]  }
0x284: {  	[tilespmem:s19+$0xFFFFFF10] =	vst v8;
	v8 =	vsub.f32 $0.0e+00, v8;
	v20 =	vpop (erf);
	v22 =	vld [tilespmem:s31+$0x70];
	s31 =	smov.u32 s3;
	s3 =	smov.u32 s23;
	s23 =	smov.u32 s10  }
0x285: {  	v11 =	vld [tilespmem:s1+$0xFFFFFF20];
	[tilespmem:s19+$0xFFFFFF90] =	vst v3;
	v3 =	vsub.f32 $0.0e+00, v3;
	v25 =	vadd.f32 v13, v17;
	(erf) = vrcp.f32 v23;
	v12 =	vpop (erf)  }
0x286: {  	v23 =	vmul.f32 $1.442695020e+00, v8;
	v13 =	vld [tilespmem:s1+$0xFFFFFFA0];
	v14 =	vadd.f32 v18, v14;
	v18 =	vadd.f32 $1.000000000e+00, v20  }
0x287: {  	v12 =	vadd.f32 $1.000000000e+00, v12;
	v26 =	vmul.f32 $1.442695020e+00, v3;
	v3 =	vadd.f32 v21, v25;
	v17 =	vpop (erf);
	v21 =	vld [tilespmem:s28+$0xFFFFFF70]  }
0x288: {  	[tilespmem:s19+$0x10] =	vst v14;
	v14 =	vsub.f32 $0.0e+00, v14;
	(erf) = vpow2.f32 v23;
	v8 =	vpop (erf);
	v19 =	vadd.f32 v19, v4;
	v23 =	vld [tilespmem:s28+$0xFFFFFFF0]  }
0x289: {  	v4 =	vld [tilespmem:s1+$0x20];
	(erf) = vpow2.f32 v26;
	v20 =	vpop (erf);
	[tilespmem:s9+$0xFFFFFFB0] =	vst v8;
	v25 =	vsub.f32 $0.0e+00, v3;
	v8 =	vadd.f32 v22, v2  }
0x28a: {  	v2 =	vmul.f32 $1.442695020e+00, v14;
	v22 =	vadd.f32 $1.000000000e+00, v20;
	[tilespmem:s9+$0xFFFFFF30] =	vst v17;
	v17 =	vld [tilespmem:s3+$0xFFFFFFC0];
	(erf) = vrcp.f32 v18  }
0x28b: {  	v18 =	vld [tilespmem:s3+$0xFFFFFF40];
	v25 =	vmul.f32 $1.442695020e+00, v25;
	[tilespmem:s30+$0xE0] =	vst v16;
	(erf) = vrcp.f32 v12;
	v12 =	vpop (erf)  }
0x28c: {  	(erf) = vrcp.f32 v22;
	[tilespmem:s29+$0xE0] =	vst v12;
	v12 =	vld [tilespmem:s29+$0xF0];
	v14 =	vpop (erf);
	v16 =	vadd.f32 v21, v24  }
0x28d: {  	(erf) = vpow2.f32 v25;
	[tilespmem:s29+$0xFFFFFF50] =	vst v14;
	v14 =	vld [tilespmem:s31+$0xF0];
	v19 =	vadd.f32 v23, v19  }
0x28e: {  	(erf) = vpow2.f32 v2;
	v2 =	vld [tilespmem:s0+$0xFFFFFF40];
	v20 =	vpop (erf);
	[tilespmem:s28+$0xFFFFFF70] =	vst v16;
	v16 =	vsub.f32 $0.0e+00, v16  }
0x28f: {  	v17 =	vadd.f32 v17, v7;
	[tilespmem:s9+$0x30] =	vst v20;
	v7 =	vld [tilespmem:s30+$0xF0];
	v20 =	vsub.f32 $0.0e+00, v19  }
0x290: {  	v24 =	vadd.f32 v18, v1;
	v18 =	vld [tilespmem:s3+$0x40];
	v16 =	vmul.f32 $1.442695020e+00, v16;
	[tilespmem:s28+$0xFFFFFFF0] =	vst v19  }
0x291: {  	v19 =	vpop (erf);
	v21 =	vld [tilespmem:s0+$0xFFFFFFC0];
	v20 =	vmul.f32 $1.442695020e+00, v20  }
0x292: {  	v19 =	vadd.f32 $1.000000000e+00, v19;
	v22 =	vpop (erf);
	v23 =	vld [tilespmem:s0+$0x40];
	v25 =	vadd.f32 v14, v12;
	(erf) = vpow2.f32 v16  }
0x293: {  	v22 =	vadd.f32 $1.000000000e+00, v22;
	v2 =	vadd.f32 v2, v24;
	v16 =	vld [tilespmem:s31+$0xFFFFFF60];
	v1 =	vpop (erf);
	(erf) = vpow2.f32 v20  }
0x294: {  	(erf) = vrcp.f32 v19;
	v19 =	vld [tilespmem:s30+$0xFFFFFF60];
	[tilespmem:s29+$0xFFFFFFD0] =	vst v1;
	v1 =	vadd.f32 v7, v25;
	v12 =	vpop (erf)  }
0x295: {  	(erf) = vrcp.f32 v22;
	v14 =	vpop (erf);
	[tilespmem:s0+$0xFFFFFF40] =	vst v2;
	v2 =	vsub.f32 $0.0e+00, v2;
	v9 =	vadd.f32 v18, v9;
	v18 =	vld [tilespmem:s31+$0xFFFFFFE0]  }
0x296: {  	[tilespmem:s19+$0x90] =	vst v15;
	v7 =	vld [tilespmem:s9+$0xFFFFFF50];
	v15 =	vadd.f32 v21, v17;
	v17 =	vpop (erf);
	v20 =	vsub.f32 $0.0e+00, v1  }
0x297: {  	[tilespmem:s1+$0x90] =	vst v14;
	v14 =	vld [tilespmem:s1+$0xA0];
	v21 =	vpop (erf);
	v2 =	vmul.f32 $1.442695020e+00, v2;
	v22 =	vadd.f32 v23, v9;
	v17 =	vadd.f32 $1.000000000e+00, v17  }
0x298: {  	v21 =	vadd.f32 $1.000000000e+00, v21;
	v23 =	vld [tilespmem:s10+$0xA0];
	[tilespmem:s0+$0xFFFFFFC0] =	vst v15;
	v15 =	vsub.f32 $0.0e+00, v15;
	v20 =	vmul.f32 $1.442695020e+00, v20  }
0x299: {  	v16 =	vadd.f32 v16, v5;
	v9 =	vld [tilespmem:s9+$0xFFFFFFD0];
	[tilespmem:s0+$0x40] =	vst v22;
	v22 =	vsub.f32 $0.0e+00, v22;
	(erf) = vrcp.f32 v17  }
0x29a: {  	v17 =	vld [tilespmem:s19+$0xA0];
	v15 =	vmul.f32 $1.442695020e+00, v15;
	v10 =	vadd.f32 v18, v10;
	[tilespmem:s29+$0x50] =	vst v12;
	(erf) = vpow2.f32 v20  }
0x29b: {  	v16 =	vadd.f32 v19, v16;
	(erf) = vrcp.f32 v21;
	v12 =	vmul.f32 $1.442695020e+00, v22;
	v5 =	vld [tilespmem:s9+$0x50];
	v18 =	vpop (erf)  }
0x29c: {  	(erf) = vpow2.f32 v2;
	v2 =	vld [tilespmem:s31+$0x60];
	v18 =	vadd.f32 $1.000000000e+00, v18;
	v19 =	vpop (erf)  }
0x29d: {  	v14 =	vadd.f32 v23, v14;
	v20 =	vpop (erf);
	(erf) = vpow2.f32 v15;
	[tilespmem:s30+$0xFFFFFF60] =	vst v16;
	v15 =	vsub.f32 $0.0e+00, v16;
	v16 =	vld [tilespmem:s30+$0xFFFFFFE0]  }
0x29e: {  	v19 =	vadd.f32 $1.000000000e+00, v19;
	[tilespmem:s1+$0xFFFFFF10] =	vst v20;
	v20 =	vpop (erf);
	(erf) = vpow2.f32 v12;
	v21 =	vld [tilespmem:s30+$0x60]  }
0x29f: {  	v22 =	vld [tilespmem:s10+$0xFFFFFF20];
	[tilespmem:s1+$0xFFFFFF90] =	vst v20;
	v12 =	vadd.f32 v17, v14;
	v20 =	vmul.f32 $1.442695020e+00, v15;
	(erf) = vrcp.f32 v18  }
0x2a0: {  	v15 =	vld [tilespmem:s10+$0xFFFFFFA0];
	(erf) = vrcp.f32 v19  }
0x2a1: {  	v17 =	vld [tilespmem:s19+$0xFFFFFF20];
	v23 =	vsub.f32 $0.0e+00, v12;
	v2 =	vadd.f32 v2, v6;
	(erf) = vpow2.f32 v20  }
0x2a2: {  	v6 =	vld [tilespmem:s19+$0xFFFFFFA0];
	v14 =	vpop (erf);
	v10 =	vadd.f32 v16, v10  }
0x2a3: {  	v23 =	vmul.f32 $1.442695020e+00, v23;
	[tilespmem:s0+$0xC0] =	vst v3;
	v3 =	vld [tilespmem:s29+$0xFFFFFF70];
	v2 =	vadd.f32 v21, v2;
	v18 =	vpop (erf)  }
0x2a4: {  	v11 =	vadd.f32 v22, v11;
	v19 =	vpop (erf);
	[tilespmem:s9+$0xC0] =	vst v14;
	v14 =	vld [tilespmem:s9+$0xD0];
	v18 =	vadd.f32 $1.000000000e+00, v18  }
0x2a5: {  	v13 =	vadd.f32 v15, v13;
	[tilespmem:s1+$0x10] =	vst v19;
	(erf) = vpow2.f32 v23;
	v15 =	vld [tilespmem:s3+$0xD0];
	v16 =	vpop (erf);
	v19 =	vsub.f32 $0.0e+00, v10  }
0x2a6: {  	v11 =	vadd.f32 v17, v11;
	v17 =	vld [tilespmem:s10+$0x20];
	v22 =	vadd.f32 $1.000000000e+00, v16;
	v20 =	vpop (erf);
	[tilespmem:s30+$0x60] =	vst v2;
	(erf) = vrcp.f32 v18  }
0x2a7: {  	v13 =	vadd.f32 v6, v13;
	v23 =	vadd.f32 $1.000000000e+00, v20;
	v20 =	vld [tilespmem:s0+$0xD0];
	v21 =	vpop (erf);
	[tilespmem:s30+$0xFFFFFFE0] =	vst v10;
	v6 =	vmul.f32 $1.442695020e+00, v19  }
0x2a8: {  	[tilespmem:s19+$0xFFFFFF20] =	vst v11;
	v11 =	vsub.f32 $0.0e+00, v11;
	v19 =	vld [tilespmem:s19+$0x20];
	v21 =	vadd.f32 $1.000000000e+00, v21;
	(erf) = vrcp.f32 v22;
	v16 =	vpop (erf)  }
.Ltmp6:
0x2a9: {  	v2 =	vsub.f32 $0.0e+00, v2;
	v10 =	vld [tilespmem:s1+$0xFFFFFF30];
	[tilespmem:s19+$0xFFFFFFA0] =	vst v13;
	v13 =	vsub.f32 $0.0e+00, v13;
	(erf) = vrcp.f32 v23;
	v18 =	vpop (erf);
	(pc) =	sbr.rel @p1 .LBB2_6-.Ltmp6, $4  }
0x2aa: {  	v22 =	vmul.f32 $1.442695020e+00, v11;
	v11 =	vld [tilespmem:s1+$0xFFFFFFB0];
	v14 =	vadd.f32 v15, v14;
	(erf) = vrcp.f32 v21;
	v15 =	vpop (erf);
	[tilespmem:s26+$0xFFFFFF70] =	vst v16  }
0x2ab: {  	v16 =	vmul.f32 $1.442695020e+00, v2;
	v21 =	vmul.f32 $1.442695020e+00, v13;
	v23 =	vadd.f32 v17, v4;
	v4 =	vld [tilespmem:s29+$0xFFFFFFF0];
	[tilespmem:s26+$0xFFFFFFF0] =	vst v18  }
0x2ac: {  	v17 =	vadd.f32 $1.000000000e+00, v15;
	(erf) = vpow2.f32 v22;
	v13 =	vadd.f32 v20, v14;
	v2 =	vld [tilespmem:s29+$0x70]  }
0x2ad: {  	s1 =	sadd.s32 $0x200, s1;
	v15 =	vadd.f32 v19, v23;
	(erf) = vpow2.f32 v21;
	v14 =	vld [tilespmem:s28+$0x70]  }
0x2ae: {  	_ = 	snop  }
0x2af: {  	v18 =	vpop (erf);
	(erf) = vpow2.f32 v6  }
0x2b0: {  	v18 =	vadd.f32 $1.000000000e+00, v18;
	(erf) = vpow2.f32 v16  }
0x2b1: {  	v55 =	vsub.f32 $0.0e+00, v13;
	v6 =	vpop (erf);
	(erf) = vrcp.f32 v17  }
0x2b2: {  	(erf) = vrcp.f32 v18;
	v56 =	vpop (erf)  }
0x2b3: {  	v16 =	vmul.f32 $1.442695020e+00, v55;
	v57 =	vpop (erf)  }
0x2b4: {  	v19 =	vpop (erf)  }
0x2b5: {  	v20 =	vpop (erf);
	(erf) = vpow2.f32 v16  }
0x2b6: {  	v21 =	vsub.f32 $0.0e+00, v15  }
0x2b7: {  	v8 =	vadd.f32 v14, v8;
	v58 =	vpop (erf)  }
0x2b8: {  	v21 =	vmul.f32 $1.442695020e+00, v21;
	v22 =	vpop (erf)  }
0x2b9: {  	v24 =	vsub.f32 $0.0e+00, v8;
	v20 =	vadd.f32 $1.000000000e+00, v20;
	v23 =	vpop (erf)  }
0x2ba: {  	(erf) = vpow2.f32 v21;
	v16 =	vadd.f32 $1.000000000e+00, v58;
	v14 =	vpop (erf)  }
0x2bb: {  	[tilespmem:s5+$0xA0] =	vst v12;
	v60 =	vmul.f32 $1.442695020e+00, v24;
	v59 =	vpop (erf);
	(erf) = vrcp.f32 v20  }
0x2bc: {  	v61 =	vld [tilespmem:s4+$0xB0];
	[tilespmem:s4+$0xA0] =	vst v59;
	(erf) = vrcp.f32 v16  }
0x2bd: {  	v63 =	vadd.f32 $1.000000000e+00, v22;
	(erf) = vpow2.f32 v60;
	v62 =	vld [tilespmem:s23+$0xB0]  }
0x2be: {  	v24 =	vadd.f32 $1.000000000e+00, v23;
	v25 =	vpop (erf)  }
0x2bf: {  	v26 =	vld [tilespmem:s5+$0xB0];
	(erf) = vrcp.f32 v63;
	v27 =	vadd.f32 $1.000000000e+00, v25  }
0x2c0: {  	(erf) = vrcp.f32 v24  }
0x2c1: {  	(erf) = vrcp.f32 v27  }
0x2c2: {  	v12 =	vadd.f32 v62, v61  }
0x2c3: {  	v28 =	vpop (erf)  }
0x2c4: {  	v31 =	vadd.f32 $1.000000000e+00, v28;
	v29 =	vpop (erf);
	v30 =	vadd.f32 v26, v12  }
0x2c5: {  	v32 =	vpop (erf)  }
0x2c6: {  	(erf) = vrcp.f32 v31;
	[tilespmem:s4+$0xFFFFFF20] =	vst v29;
	v33 =	vpop (erf);
	v34 =	vsub.f32 $0.0e+00, v30  }
0x2c7: {  	v35 =	vld [tilespmem:s23+$0xFFFFFF30];
	[tilespmem:s4+$0xFFFFFFA0] =	vst v32;
	v36 =	vadd.f32 $1.000000000e+00, v33  }
0x2c8: {  	v16 =	vld [tilespmem:s23+$0xFFFFFFB0];
	v37 =	vmul.f32 $1.442695020e+00, v34;
	v22 =	vpop (erf)  }
0x2c9: {  	v38 =	vld [tilespmem:s5+$0xFFFFFF30];
	(erf) = vrcp.f32 v36;
	v12 =	vpop (erf)  }
0x2ca: {  	[tilespmem:s0+$0xD0] =	vst v13;
	v39 =	vld [tilespmem:s5+$0xFFFFFFB0];
	(erf) = vpow2.f32 v37;
	v40 =	vpop (erf)  }
0x2cb: {  	v42 =	vld [tilespmem:s9+$0xE0];
	[tilespmem:s9+$0xD0] =	vst v40  }
0x2cc: {  	[tilespmem:s5+$0x20] =	vst v15;
	v10 =	vadd.f32 v35, v10;
	v43 =	vld [tilespmem:s3+$0xE0]  }
0x2cd: {  	v41 =	vld [tilespmem:s4+$0x30];
	v11 =	vadd.f32 v16, v11  }
0x2ce: {  	[tilespmem:s9+$0xFFFFFF40] =	vst v56;
	v44 =	vadd.f32 v38, v10;
	v47 =	vld [tilespmem:s0+$0xE0]  }
0x2cf: {  	v45 =	vld [tilespmem:s3+$0xFFFFFF50];
	v46 =	vpop (erf);
	v11 =	vadd.f32 v39, v11  }
0x2d0: {  	v27 =	vld [tilespmem:s0+$0xFFFFFF50];
	[tilespmem:s4+$0x20] =	vst v46;
	v48 =	vsub.f32 $0.0e+00, v44  }
0x2d1: {  	[tilespmem:s9+$0xFFFFFFC0] =	vst v57;
	v26 =	vld [tilespmem:s23+$0x30];
	v25 =	vsub.f32 $0.0e+00, v11;
	v13 =	vadd.f32 v43, v42  }
0x2d2: {  	v49 =	vld [tilespmem:s3+$0xFFFFFFD0];
	v18 =	vmul.f32 $1.442695020e+00, v48;
	v10 =	vpop (erf)  }
0x2d3: {  	[tilespmem:s9+$0x40] =	vst v19;
	v52 =	vld [tilespmem:s5+$0x30];
	v50 =	vmul.f32 $1.442695020e+00, v25;
	v51 =	vpop (erf);
	v13 =	vadd.f32 v47, v13  }
0x2d4: {  	v54 =	vld [tilespmem:s3+$0x50];
	v7 =	vadd.f32 v45, v7;
	(erf) = vpow2.f32 v18;
	v53 =	vadd.f32 $1.000000000e+00, v51  }
0x2d5: {  	v55 =	vld [tilespmem:s0+$0xFFFFFFD0];
	(erf) = vpow2.f32 v50;
	v58 =	vsub.f32 $0.0e+00, v13  }
0x2d6: {  	v57 =	vld [tilespmem:s0+$0x50];
	v7 =	vadd.f32 v27, v7;
	v56 =	vadd.f32 v26, v41;
	(erf) = vrcp.f32 v53  }
0x2d7: {  	v9 =	vadd.f32 v49, v9;
	v59 =	vmul.f32 $1.442695020e+00, v58  }
0x2d8: {  	v60 =	vsub.f32 $0.0e+00, v7;
	v16 =	vadd.f32 v52, v56  }
0x2d9: {  	v5 =	vadd.f32 v54, v5;
	(erf) = vpow2.f32 v59  }
0x2da: {  	v9 =	vadd.f32 v55, v9;
	v62 =	vmul.f32 $1.442695020e+00, v60;
	v61 =	vsub.f32 $0.0e+00, v16  }
0x2db: {  	v18 =	vadd.f32 v57, v5  }
0x2dc: {  	v24 =	vsub.f32 $0.0e+00, v9;
	v63 =	vmul.f32 $1.442695020e+00, v61;
	(erf) = vpow2.f32 v62  }
0x2dd: {  	v26 =	vsub.f32 $0.0e+00, v18;
	v25 =	vpop (erf)  }
0x2de: {  	v28 =	vmul.f32 $1.442695020e+00, v24;
	(erf) = vpow2.f32 v63;
	v27 =	vpop (erf)  }
0x2df: {  	[tilespmem:s5+$0xB0] =	vst v30;
	v15 =	vmul.f32 $1.442695020e+00, v26;
	v29 =	vpop (erf)  }
0x2e0: {  	v31 =	vld [tilespmem:s4+$0xC0];
	(erf) = vpow2.f32 v28;
	[tilespmem:s4+$0xB0] =	vst v29  }
0x2e1: {  	v30 =	vadd.f32 $1.000000000e+00, v25;
	(erf) = vpow2.f32 v15;
	v33 =	vld [tilespmem:s23+$0xC0]  }
0x2e2: {  	v32 =	vadd.f32 $1.000000000e+00, v27;
	v34 =	vpop (erf)  }
0x2e3: {  	(erf) = vrcp.f32 v30;
	v35 =	vld [tilespmem:s5+$0xC0];
	v5 =	vadd.f32 $1.000000000e+00, v34  }
0x2e4: {  	(erf) = vrcp.f32 v32  }
0x2e5: {  	v36 =	vpop (erf);
	(erf) = vrcp.f32 v5  }
0x2e6: {  	[tilespmem:s0+$0xFFFFFF50] =	vst v7;
	v37 =	vadd.f32 v33, v31  }
0x2e7: {  	[tilespmem:s29+$0xFFFFFFE0] =	vst v22;
	v19 =	vld [tilespmem:s9+$0xFFFFFF60];
	v17 =	vadd.f32 $1.000000000e+00, v36;
	v39 =	vpop (erf)  }
0x2e8: {  	[tilespmem:s29+$0xFFFFFF60] =	vst v14;
	v22 =	vld [tilespmem:s31+$0xFFFFFFF0];
	v41 =	vadd.f32 $1.000000000e+00, v39;
	v15 =	vadd.f32 v35, v37  }
0x2e9: {  	v46 =	vld [tilespmem:s31+$0xFFFFFF70];
	[tilespmem:s5+$0xFFFFFF30] =	vst v44;
	v42 =	vpop (erf);
	(erf) = vrcp.f32 v17  }
0x2ea: {  	[tilespmem:s5+$0xFFFFFFB0] =	vst v11;
	v38 =	vld [tilespmem:s4+$0xFFFFFF40];
	v44 =	vpop (erf);
	v5 =	vadd.f32 $1.000000000e+00, v42;
	(erf) = vrcp.f32 v41;
	v45 =	vsub.f32 $0.0e+00, v15  }
0x2eb: {  	v40 =	vld [tilespmem:s4+$0xFFFFFFC0];
	v7 =	vadd.f32 $1.000000000e+00, v44  }
0x2ec: {  	v50 =	vld [tilespmem:s30+$0xFFFFFF70];
	v47 =	vpop (erf);
	(erf) = vrcp.f32 v5;
	v49 =	vmul.f32 $1.442695020e+00, v45  }
0x2ed: {  	v51 =	vld [tilespmem:s30+$0xFFFFFFF0];
	[tilespmem:s0+$0xE0] =	vst v13;
	v48 =	vpop (erf);
	(erf) = vrcp.f32 v7  }
0x2ee: {  	v55 =	vld [tilespmem:s9+$0xF0];
	[tilespmem:s5+$0x30] =	vst v16;
	(erf) = vpow2.f32 v49;
	v53 =	vpop (erf)  }
0x2ef: {  	v3 =	vadd.f32 v46, v3;
	v43 =	vld [tilespmem:s4+$0x40];
	[tilespmem:s9+$0xE0] =	vst v53  }
0x2f0: {  	v4 =	vadd.f32 v22, v4;
	[tilespmem:s4+$0xFFFFFF30] =	vst v47;
	v57 =	vld [tilespmem:s3+$0xF0]  }
0x2f1: {  	v3 =	vadd.f32 v50, v3;
	v54 =	vld [tilespmem:s23+$0xFFFFFF40]  }
0x2f2: {  	v4 =	vadd.f32 v51, v4;
	v56 =	vpop (erf);
	v61 =	vld [tilespmem:s0+$0xF0]  }
0x2f3: {  	v60 =	vsub.f32 $0.0e+00, v3;
	[tilespmem:s4+$0xFFFFFFB0] =	vst v48;
	v58 =	vld [tilespmem:s5+$0xFFFFFF40];
	v59 =	vpop (erf)  }
0x2f4: {  	v62 =	vsub.f32 $0.0e+00, v4;
	v52 =	vld [tilespmem:s23+$0xFFFFFFC0];
	[tilespmem:s4+$0x30] =	vst v59  }
0x2f5: {  	v23 =	vmul.f32 $1.442695020e+00, v60;
	v32 =	vpop (erf);
	v63 =	vld [tilespmem:s23+$0x40];
	v13 =	vadd.f32 v57, v55  }
0x2f6: {  	v24 =	vmul.f32 $1.442695020e+00, v62;
	v33 =	vld [tilespmem:s5+$0xFFFFFFC0];
	v11 =	vadd.f32 v54, v38;
	v28 =	vpop (erf)  }
0x2f7: {  	[tilespmem:s9+$0xFFFFFF50] =	vst v56;
	(erf) = vpow2.f32 v23;
	v29 =	vld [tilespmem:s5+$0x40];
	v34 =	vpop (erf);
	v5 =	vadd.f32 v61, v13  }
0x2f8: {  	v21 =	vadd.f32 v58, v11;
	v36 =	vld [tilespmem:s3+$0xFFFFFF60];
	(erf) = vpow2.f32 v24;
	v16 =	vadd.f32 $1.000000000e+00, v34  }
0x2f9: {  	v35 =	vadd.f32 v52, v40;
	v13 =	vsub.f32 $0.0e+00, v5  }
0x2fa: {  	v38 =	vld [tilespmem:s0+$0xFFFFFF60];
	v39 =	vsub.f32 $0.0e+00, v21;
	v37 =	vadd.f32 v63, v43;
	(erf) = vrcp.f32 v16  }
0x2fb: {  	v14 =	vadd.f32 v33, v35;
	v13 =	vmul.f32 $1.442695020e+00, v13  }
0x2fc: {  	[tilespmem:s0+$0xFFFFFFD0] =	vst v9;
	v41 =	vmul.f32 $1.442695020e+00, v39;
	v17 =	vadd.f32 v29, v37  }
0x2fd: {  	[tilespmem:s0+$0x50] =	vst v18;
	v40 =	vsub.f32 $0.0e+00, v14;
	v19 =	vadd.f32 v36, v19;
	(erf) = vpow2.f32 v13  }
0x2fe: {  	v44 =	vld [tilespmem:s9+$0x60];
	[tilespmem:s9+$0xFFFFFFD0] =	vst v32;
	v42 =	vsub.f32 $0.0e+00, v17;
	(erf) = vpow2.f32 v41  }
0x2ff: {  	v45 =	vld [tilespmem:s3+$0xFFFFFFE0];
	v7 =	vmul.f32 $1.442695020e+00, v40;
	v18 =	vadd.f32 v38, v19  }
0x300: {  	[tilespmem:s9+$0x50] =	vst v28;
	v43 =	vld [tilespmem:s9+$0xFFFFFFE0];
	v46 =	vpop (erf);
	v16 =	vmul.f32 $1.442695020e+00, v42  }
0x301: {  	v47 =	vld [tilespmem:s3+$0x60];
	v49 =	vsub.f32 $0.0e+00, v18;
	v11 =	vadd.f32 $1.000000000e+00, v46;
	v48 =	vpop (erf);
	(erf) = vpow2.f32 v7  }
0x302: {  	v50 =	vld [tilespmem:s0+$0xFFFFFFE0];
	v19 =	vadd.f32 $1.000000000e+00, v48;
	(erf) = vpow2.f32 v16  }
0x303: {  	[tilespmem:s5+$0xC0] =	vst v15;
	v52 =	vld [tilespmem:s0+$0x60];
	v22 =	vmul.f32 $1.442695020e+00, v49;
	(erf) = vrcp.f32 v11;
	v51 =	vpop (erf)  }
0x304: {  	v53 =	vld [tilespmem:s4+$0xD0];
	(erf) = vrcp.f32 v19;
	[tilespmem:s4+$0xC0] =	vst v51  }
0x305: {  	v9 =	vadd.f32 v45, v43;
	(erf) = vpow2.f32 v22;
	v54 =	vld [tilespmem:s23+$0xD0]  }
0x306: {  	v7 =	vadd.f32 v47, v44;
	v55 =	vpop (erf)  }
0x307: {  	v16 =	vadd.f32 v50, v9;
	v56 =	vld [tilespmem:s5+$0xD0];
	v57 =	vpop (erf)  }
0x308: {  	v13 =	vadd.f32 v52, v7;
	v7 =	vadd.f32 $1.000000000e+00, v57  }
0x309: {  	v9 =	vadd.f32 $1.000000000e+00, v55  }
0x30a: {  	v58 =	vsub.f32 $0.0e+00, v16;
	v59 =	vpop (erf);
	v11 =	vadd.f32 v54, v53  }
0x30b: {  	v63 =	vsub.f32 $0.0e+00, v13;
	v60 =	vpop (erf);
	(erf) = vrcp.f32 v9;
	v61 =	vadd.f32 $1.000000000e+00, v59  }
0x30c: {  	v62 =	vadd.f32 $1.000000000e+00, v60;
	(erf) = vrcp.f32 v7;
	v20 =	vadd.f32 v56, v11;
	v7 =	vpop (erf)  }
0x30d: {  	[tilespmem:s29+$0x60] =	vst v12;
	v24 =	vmul.f32 $1.442695020e+00, v58;
	(erf) = vrcp.f32 v61;
	v9 =	vpop (erf)  }
0x30e: {  	v12 =	vld [tilespmem:s31+$0x70];
	v26 =	vmul.f32 $1.442695020e+00, v63;
	(erf) = vrcp.f32 v62;
	v27 =	vsub.f32 $0.0e+00, v20;
	v25 =	vpop (erf)  }
0x30f: {  	(erf) = vpow2.f32 v24;
	v15 =	vadd.f32 $1.000000000e+00, v25  }
0x310: {  	v28 =	vld [tilespmem:s30+$0x70];
	(erf) = vpow2.f32 v26;
	v29 =	vmul.f32 $1.442695020e+00, v27  }
0x311: {  	(erf) = vrcp.f32 v15  }
0x312: {  	(erf) = vpow2.f32 v29  }
0x313: {  	v12 =	vadd.f32 v12, v2  }
0x314: {  	v2 =	vpop (erf)  }
0x315: {  	v11 =	vadd.f32 v28, v12;
	v30 =	vpop (erf)  }
0x316: {  	v31 =	vpop (erf)  }
0x317: {  	v33 =	vsub.f32 $0.0e+00, v11;
	v32 =	vpop (erf)  }
0x318: {  	v34 =	vpop (erf)  }
0x319: {  	v22 =	vmul.f32 $1.442695020e+00, v33;
	v35 =	vpop (erf)  }
0x31a: {  	v23 =	vadd.f32 $1.000000000e+00, v34;
	v36 =	vpop (erf)  }
0x31b: {  	(erf) = vpow2.f32 v22;
	v24 =	vadd.f32 $1.000000000e+00, v35;
	v37 =	vpop (erf)  }
0x31c: {  	(erf) = vrcp.f32 v23;
	v22 =	vadd.f32 $1.000000000e+00, v37  }
0x31d: {  	(erf) = vrcp.f32 v24  }
0x31e: {  	(erf) = vrcp.f32 v22;
	_ =	sdelay $0x5  }
0x31f: {  	v38 =	vpop (erf)  }
0x320: {  	v23 =	vpop (erf)  }
0x321: {  	v24 =	vpop (erf)  }
0x322: {  	[tilespmem:s5+$0xD0] =	vst v20;
	v39 =	vpop (erf)  }
0x323: {  	v40 =	vld [tilespmem:s4+$0xE0];
	[tilespmem:s4+$0xD0] =	vst v39  }
0x324: {  	v41 =	vld [tilespmem:s23+$0xE0];
	_ =	sdelay $0x1  }
0x325: {  	v42 =	vld [tilespmem:s5+$0xE0];
	_ =	sdelay $0x1  }
0x326: {  	[tilespmem:s5+$0xFFFFFF40] =	vst v21  }
0x327: {  	v21 =	vld [tilespmem:s4+$0xFFFFFF50];
	[tilespmem:s5+$0x40] =	vst v17;
	v43 =	vadd.f32 v41, v40  }
0x328: {  	[tilespmem:s5+$0xFFFFFFC0] =	vst v14;
	v17 =	vld [tilespmem:s4+$0x50]  }
0x329: {  	v44 =	vld [tilespmem:s4+$0xFFFFFFD0];
	[tilespmem:s4+$0xFFFFFF40] =	vst v30;
	v14 =	vadd.f32 v42, v43  }
0x32a: {  	v45 =	vld [tilespmem:s23+$0xFFFFFF50]  }
0x32b: {  	[tilespmem:s4+$0xFFFFFFC0] =	vst v31;
	v49 =	vld [tilespmem:s5+$0xFFFFFF50];
	v47 =	vsub.f32 $0.0e+00, v14  }
0x32c: {  	[tilespmem:s4+$0x40] =	vst v32;
	v46 =	vld [tilespmem:s23+$0xFFFFFFD0];
	v22 =	vadd.f32 $1.000000000e+00, v38  }
0x32d: {  	v48 =	vld [tilespmem:s23+$0x50];
	v19 =	vmul.f32 $1.442695020e+00, v47  }
0x32e: {  	v50 =	vld [tilespmem:s5+$0xFFFFFFD0];
	(erf) = vrcp.f32 v22  }
0x32f: {  	v51 =	vld [tilespmem:s5+$0x50];
	v12 =	vadd.f32 v45, v21;
	(erf) = vpow2.f32 v19;
	_ =	sdelay $0x1  }
0x330: {  	v15 =	vadd.f32 v46, v44;
	v52 =	vadd.f32 v49, v12  }
0x331: {  	v17 =	vadd.f32 v48, v17  }
0x332: {  	v53 =	vadd.f32 v50, v15;
	v12 =	vsub.f32 $0.0e+00, v52  }
0x333: {  	v17 =	vadd.f32 v51, v17  }
0x334: {  	v15 =	vsub.f32 $0.0e+00, v53  }
0x335: {  	v54 =	vmul.f32 $1.442695020e+00, v12;
	v55 =	vsub.f32 $0.0e+00, v17  }
0x336: {  	v15 =	vmul.f32 $1.442695020e+00, v15;
	v12 =	vpop (erf)  }
0x337: {  	v56 =	vmul.f32 $1.442695020e+00, v55;
	(erf) = vpow2.f32 v54;
	v57 =	vpop (erf)  }
0x338: {  	(erf) = vpow2.f32 v15;
	v58 =	vadd.f32 $1.000000000e+00, v57  }
0x339: {  	(erf) = vpow2.f32 v56  }
0x33a: {  	(erf) = vrcp.f32 v58;
	_ =	sdelay $0x2  }
0x33b: {  	[tilespmem:s0+$0xFFFFFFE0] =	vst v16  }
0x33c: {  	[tilespmem:s0+$0xFFFFFF60] =	vst v18;
	v16 =	vld [tilespmem:s9+$0xFFFFFFF0]  }
0x33d: {  	v59 =	vld [tilespmem:s9+$0xFFFFFF70];
	[tilespmem:s9+$0xFFFFFF60] =	vst v36  }
0x33e: {  	v61 =	vld [tilespmem:s3+$0xFFFFFF70];
	v60 =	vpop (erf)  }
0x33f: {  	v32 =	vld [tilespmem:s0+$0xFFFFFF70];
	[tilespmem:s9+$0xFFFFFFE0] =	vst v23;
	v62 =	vpop (erf)  }
0x340: {  	v23 =	vld [tilespmem:s3+$0xFFFFFFF0];
	v63 =	vpop (erf)  }
0x341: {  	v34 =	vld [tilespmem:s0+$0xFFFFFFF0];
	[tilespmem:s5+$0xE0] =	vst v14;
	v18 =	vadd.f32 $1.000000000e+00, v60;
	v33 =	vpop (erf)  }
0x342: {  	v35 =	vld [tilespmem:s4+$0xF0];
	[tilespmem:s4+$0xE0] =	vst v33  }
0x343: {  	v36 =	vadd.f32 $1.000000000e+00, v62;
	(erf) = vrcp.f32 v18;
	v37 =	vld [tilespmem:s23+$0xF0]  }
0x344: {  	v15 =	vadd.f32 v61, v59  }
0x345: {  	v16 =	vadd.f32 v23, v16;
	(erf) = vrcp.f32 v36;
	v38 =	vld [tilespmem:s5+$0xF0]  }
0x346: {  	v15 =	vadd.f32 v32, v15  }
0x347: {  	v14 =	vadd.f32 v34, v16  }
0x348: {  	v39 =	vsub.f32 $0.0e+00, v15;
	v18 =	vadd.f32 v37, v35  }
0x349: {  	v40 =	vadd.f32 $1.000000000e+00, v63  }
0x34a: {  	v41 =	vsub.f32 $0.0e+00, v14;
	v42 =	vmul.f32 $1.442695020e+00, v39;
	v16 =	vadd.f32 v38, v18  }
0x34b: {  	[tilespmem:s5+$0xFFFFFF50] =	vst v52;
	(erf) = vrcp.f32 v40  }
0x34c: {  	[tilespmem:s5+$0xFFFFFFD0] =	vst v53;
	v43 =	vld [tilespmem:s4+$0xFFFFFF60];
	v45 =	vmul.f32 $1.442695020e+00, v41;
	v44 =	vpop (erf);
	(erf) = vpow2.f32 v42;
	v46 =	vsub.f32 $0.0e+00, v16  }
0x34d: {  	v47 =	vld [tilespmem:s4+$0xFFFFFFE0];
	[tilespmem:s4+$0xFFFFFF50] =	vst v44  }
0x34e: {  	v19 =	vld [tilespmem:s23+$0xFFFFFF60];
	(erf) = vpow2.f32 v45;
	v48 =	vpop (erf);
	v49 =	vmul.f32 $1.442695020e+00, v46  }
0x34f: {  	v50 =	vld [tilespmem:s5+$0xFFFFFF60];
	[tilespmem:s4+$0xFFFFFFD0] =	vst v48  }
0x350: {  	v23 =	vld [tilespmem:s23+$0xFFFFFFE0];
	(erf) = vpow2.f32 v49;
	_ =	sdelay $0x1  }
0x351: {  	v51 =	vld [tilespmem:s5+$0xFFFFFFE0]  }
0x352: {  	v18 =	vadd.f32 v19, v43  }
0x353: {  	v52 =	vpop (erf)  }
0x354: {  	v18 =	vadd.f32 v50, v18;
	v53 =	vpop (erf);
	v22 =	vadd.f32 v23, v47  }
0x355: {  	[tilespmem:s5+$0x50] =	vst v17;
	v54 =	vadd.f32 $1.000000000e+00, v53  }
0x356: {  	[tilespmem:s0+$0x60] =	vst v13;
	v55 =	vld [tilespmem:s4+$0x60];
	v56 =	vpop (erf);
	v57 =	vsub.f32 $0.0e+00, v18;
	v20 =	vadd.f32 v51, v22  }
0x357: {  	v58 =	vld [tilespmem:s9+$0x70];
	[tilespmem:s4+$0x50] =	vst v52;
	v59 =	vadd.f32 $1.000000000e+00, v56  }
0x358: {  	[tilespmem:s9+$0x60] =	vst v24;
	v60 =	vld [tilespmem:s23+$0x60];
	v23 =	vmul.f32 $1.442695020e+00, v57;
	(erf) = vrcp.f32 v54;
	v62 =	vsub.f32 $0.0e+00, v20;
	v61 =	vpop (erf)  }
0x359: {  	v63 =	vld [tilespmem:s3+$0x70];
	(erf) = vrcp.f32 v59;
	v17 =	vadd.f32 $1.000000000e+00, v61  }
0x35a: {  	v27 =	vld [tilespmem:s5+$0x60];
	(erf) = vpow2.f32 v23;
	v28 =	vmul.f32 $1.442695020e+00, v62  }
0x35b: {  	(erf) = vrcp.f32 v17  }
0x35c: {  	v29 =	vld [tilespmem:s0+$0x70];
	(erf) = vpow2.f32 v28  }
0x35d: {  	v13 =	vadd.f32 v60, v55;
	_ =	sdelay $0x1  }
0x35e: {  	v30 =	vadd.f32 v63, v58;
	v13 =	vadd.f32 v27, v13;
	_ =	sdelay $0x1  }
0x35f: {  	v32 =	vsub.f32 $0.0e+00, v13;
	v31 =	vpop (erf);
	v17 =	vadd.f32 v29, v30  }
0x360: {  	v33 =	vpop (erf)  }
0x361: {  	v22 =	vmul.f32 $1.442695020e+00, v32;
	v34 =	vpop (erf);
	v35 =	vsub.f32 $0.0e+00, v17  }
0x362: {  	v23 =	vadd.f32 $1.000000000e+00, v34;
	v36 =	vpop (erf)  }
0x363: {  	(erf) = vpow2.f32 v22;
	v37 =	vmul.f32 $1.442695020e+00, v35;
	v38 =	vpop (erf)  }
0x364: {  	(erf) = vrcp.f32 v23;
	v39 =	vadd.f32 $1.000000000e+00, v38  }
0x365: {  	(erf) = vpow2.f32 v37  }
0x366: {  	(erf) = vrcp.f32 v39;
	_ =	sdelay $0x5  }
0x367: {  	v40 =	vpop (erf)  }
0x368: {  	[tilespmem:s5+$0xFFFFFF60] =	vst v18;
	v41 =	vpop (erf)  }
0x369: {  	v42 =	vld [tilespmem:s4+$0xFFFFFF70];
	[tilespmem:s5+$0xFFFFFFE0] =	vst v20;
	v43 =	vpop (erf)  }
0x36a: {  	v44 =	vld [tilespmem:s4+$0xFFFFFFF0];
	[tilespmem:s4+$0xFFFFFF60] =	vst v41;
	v45 =	vpop (erf)  }
0x36b: {  	v46 =	vld [tilespmem:s23+$0xFFFFFF70];
	[tilespmem:s4+$0xFFFFFFE0] =	vst v45  }
0x36c: {  	v22 =	vadd.f32 $1.000000000e+00, v40;
	v47 =	vld [tilespmem:s23+$0xFFFFFFF0]  }
0x36d: {  	v48 =	vld [tilespmem:s5+$0xFFFFFF70]  }
0x36e: {  	(erf) = vrcp.f32 v22;
	v49 =	vld [tilespmem:s5+$0xFFFFFFF0];
	_ =	sdelay $0x1  }
0x36f: {  	v18 =	vadd.f32 v46, v42  }
0x370: {  	v50 =	vadd.f32 v47, v44  }
0x371: {  	v18 =	vadd.f32 v48, v18  }
0x372: {  	v22 =	vadd.f32 v49, v50  }
0x373: {  	v51 =	vsub.f32 $0.0e+00, v18  }
0x374: {  	v20 =	vadd.f32 $1.000000000e+00, v43;
	v52 =	vsub.f32 $0.0e+00, v22  }
0x375: {  	v53 =	vmul.f32 $1.442695020e+00, v51  }
0x376: {  	[tilespmem:s5+$0x60] =	vst v13;
	(erf) = vrcp.f32 v20;
	v55 =	vpop (erf);
	v56 =	vmul.f32 $1.442695020e+00, v52  }
0x377: {  	v54 =	vld [tilespmem:s4+$0x70];
	[tilespmem:s4+$0x60] =	vst v55;
	(erf) = vpow2.f32 v53  }
0x378: {  	v57 =	vld [tilespmem:s23+$0x70];
	(erf) = vpow2.f32 v56;
	_ =	sdelay $0x1  }
0x379: {  	v58 =	vld [tilespmem:s5+$0x70];
	_ =	sdelay $0x2  }
0x37a: {  	v13 =	vadd.f32 v57, v54;
	_ =	sdelay $0x1  }
0x37b: {  	v59 =	vpop (erf);
	v13 =	vadd.f32 v58, v13  }
0x37c: {  	v60 =	vpop (erf)  }
0x37d: {  	v62 =	vsub.f32 $0.0e+00, v13;
	v20 =	vadd.f32 $1.000000000e+00, v60;
	v61 =	vpop (erf)  }
0x37e: {  	[tilespmem:s30+$0xF0] =	vst v1;
	v1 =	vadd.f32 $1.000000000e+00, v61  }
0x37f: {  	[tilespmem:s29+$0xF0] =	vst v6;
	v63 =	vmul.f32 $1.442695020e+00, v62;
	(erf) = vrcp.f32 v20  }
0x380: {  	[tilespmem:s28+$0x70] =	vst v8;
	(erf) = vrcp.f32 v1  }
0x381: {  	[tilespmem:s26+$0x70] =	vst v10;
	(erf) = vpow2.f32 v63  }
0x382: {  	[tilespmem:s30+$0xFFFFFF70] =	vst v3  }
0x383: {  	[tilespmem:s30+$0xFFFFFFF0] =	vst v4  }
0x384: {  	[tilespmem:s0+$0xF0] =	vst v5  }
0x385: {  	[tilespmem:s29+$0xFFFFFF70] =	vst v7  }
0x386: {  	[tilespmem:s30+$0x70] =	vst v11  }
0x387: {  	[tilespmem:s29+$0xFFFFFFF0] =	vst v9  }
0x388: {  	[tilespmem:s9+$0xF0] =	vst v2;
	v1 =	vpop (erf)  }
0x389: {  	[tilespmem:s29+$0x70] =	vst v12;
	v2 =	vpop (erf)  }
0x38a: {  	[tilespmem:s0+$0xFFFFFFF0] =	vst v14;
	v3 =	vpop (erf)  }
0x38b: {  	[tilespmem:s0+$0xFFFFFF70] =	vst v15;
	v3 =	vadd.f32 $1.000000000e+00, v3  }
0x38c: {  	[tilespmem:s5+$0xF0] =	vst v16  }
0x38d: {  	[tilespmem:s9+$0xFFFFFF70] =	vst v31;
	(erf) = vrcp.f32 v3  }
0x38e: {  	[tilespmem:s9+$0xFFFFFFF0] =	vst v33  }
0x38f: {  	[tilespmem:s0+$0x70] =	vst v17  }
0x390: {  	[tilespmem:s4+$0xF0] =	vst v36  }
0x391: {  	[tilespmem:s5+$0xFFFFFF70] =	vst v18  }
0x392: {  	[tilespmem:s9+$0x70] =	vst v59  }
0x393: {  	[tilespmem:s5+$0xFFFFFFF0] =	vst v22  }
0x394: {  	[tilespmem:s5+$0x70] =	vst v13  }
0x395: {  	[tilespmem:s4+$0xFFFFFF70] =	vst v1  }
0x396: {  	[tilespmem:s4+$0xFFFFFFF0] =	vst v2;
	v1 =	vpop (erf)  }
0x397: {  	s30 =	sadd.s32 s18, s25;
	[tilespmem:s4+$0x70] =	vst v1  }
0x398: {  	[hbm4b:s30+s2] =	stream.linear.scatter [tilespmem:s20], [sflag:$0x4], $0x4000, $0x38;
	[tilespmem:$0x1F980] =	vst v63  }
0x399: {  	_ =	swait.ge [sflag:s11], $0x4000  }
0x39a: {  	[sflag:s11] =	ssyncset.done $0x0  }
0x39b: {  	[sflag:s11] =	ssyncadd.s32 $0xFFFFC000  }
.Ltmp7:
0x39c: {  	s31 =	rddreg [dreg:$0x2];
	(pc) =	sbr.rel .LBB2_8-.Ltmp7, $4  }
0x39d: {  	[spmem:s31] =	stream.indirect.scatter.add.f32 [tilespmem:s7], [sflag:$0x3], $0x80, s13, s13, $0xb8;
	[tilespmem:$0x1F980] =	vst v63  }
0x39e: {  	_ =	swait.ge [sflag:s8], $0x4000  }
0x39f: {  	[sflag:s8] =	ssyncset.done $0x0  }
0x3a0: {  	[sflag:s8] =	ssyncadd.s32 $0xFFFFC000  }
.LBB2_10:
0x3a1: {  	_ =	sfence.sel $0x180000  }
0x3a2: {  	[bflag:$0x0] =	sbarrier.arrive $0xFFFF  }
0x3a3: {  	_ =	strace $0x90000047  }
0x3a4: {  	s0 =	stileid.u32;
	[bflag:$0x2] =	sbarrier.arrive $0xFFFF  }
0x3a5: {  	p0 =	sne.s32 s0, $0x0;
	s0 =	rddreg [dreg:$0x3]  }
0x3a6: {  	s0 =	sadd.s32 @!p0 $0x100000, s0  }
0x3a7: {  	[sflag:s0] =	ssyncadd.tile.s32 @!p0 $0x1;
	_ =	shalt  }
.Lfunc_end2:
_tile_overlayer_lowered:
.L_overlay_start_2:
0x3a8: {  	(tag) =	ssettag $0x2  }
0x3a9: {  	s0 =	rddreg [dreg:$0x0];
	s2 =	stileid.u32  }
0x3aa: {  	s1 =	rddreg [dreg:$0x1];
	p0 =	sne.s32 s2, $0x0  }
0x3ab: {  	s3 =	rddreg [dreg:$0x2];
	[bflag:$0x3] =	sbarrier.arrive $0xFFFF;
	s2 =	simm.s32 @!p0 $0x1C03  }
0x3ac: {  	[timem:s3], [sflag:s2] =	dma.local @!p0 [hbm:s0], s1  }
0x3ad: {  	s0 =	simm.s32 @!p0 $0x3  }
0x3ae: {  	_ =	swait.ge @!p0 [sflag:s0], s1  }
0x3af: {  	s1 =	ssub.s32 @!p0 $0x0, s1;
	[sflag:s0] =	ssyncset.done @!p0 $0x0  }
0x3b0: {  	[sflag:s0] =	ssyncadd.s32 @!p0 s1  }
0x3b1: {  	[bflag:$0x3] =	sbarrier.arrive $0xFFFF  }
0x3b2: {  	_ =	shalt  }

// kernel: kernel.13.cloned.1.call-start
scs
__scs_entry_jumppad:
0x0: {  	(pc) =	sbr.rel $0x88, $3  }
0x1: {  	(tag) =	ssettag $0x0;
	lr =	simm.s32 $0x1  }
0x2: {  	[smem:$0x3F90] =	sst lr;
	_ =	strace $0xD0000000  }
0x3: {  	_ = 	snop  }
0x4: {  	_ = 	snop  }
0x5: {  	_ = 	snop  }
0x6: {  	_ = 	snop  }
0x7: {  	_ = 	snop  }
__scs_overlays_trampoline_lowered:
0x8: {  	[smem:$0x3F9F] =	sst s0  }
0x9: {  	[smem:$0x3FA0] =	sst s1  }
0xa: {  	[smem:$0x3FA1] =	sst s2  }
0xb: {  	[smem:$0x3FA2] =	sst s3  }
0xc: {  	[smem:$0x3FA3] =	sst s4  }
0xd: {  	[smem:$0x3FA4] =	sst s5  }
0xe: {  	[smem:$0x3FA5] =	sst s6  }
0xf: {  	[smem:$0x3FA6] =	sst s7  }
0x10: {  	[smem:$0x3FA7] =	sst s8  }
0x11: {  	[smem:$0x3FA8] =	sst s9;
	s0 =	simm.s32 @!p0 $0x0  }
0x12: {  	s1 =	sld [smem:$0x3F8E];
	s0 =	simm.s32 @p0 $0x1  }
0x13: {  	[smem:$0x3FA9] =	sst s0;
	s0 =	simm.s32 @!p1 $0x0  }
0x14: {  	s2 =	sld [smem:$0x3F8D];
	s0 =	simm.s32 @p1 $0x1  }
0x15: {  	[smem:$0x3FAA] =	sst s0;
	s0 =	simm.s32 @!p2 $0x0  }
0x16: {  	s3 =	sld [smem:$0x3FDB];
	s0 =	simm.s32 @p2 $0x1  }
0x17: {  	s4 =	simm.s32 $0x1BF5;
	[smem:$0x3FAC] =	sst s0  }
0x18: {  	s0 =	sld [smem:$0x3F8F];
	_ =	swait.ge [sflag:s4], $0x0  }
0x19: {  	s7 =	sld [smem:$0x3F90]  }
0x1a: {  	s8 =	sadd.s32 $0xFFFFE003, lr  }
0x1b: {  	s9 =	sadd.s32 $0xFFFFFEF7, lr;
	s5 =	simm.s32 $0xFFFFFFFF;
	p2 =	slt.u32 s8, $0xFFFFF086  }
0x1c: {  	p1 =	slt.u32 s9, $0xF7A;
	s5 =	simm.s32 @!p2 $0x0  }
0x1d: {  	s5 =	simm.s32 @p1 $0x1;
	p0 =	seq.s32 s7, s2  }
0x1e: {  	s7 =	smul.u32 @!p0 $0xF7A, s2;
	p2 =	seq.s32 @!p0 s5, $0x0  }
0x1f: {  	s9 =	smul.u32 $0xF7A, s1;
	s8 =	simm.s32 @!p0 $0x1BF5;
	p2 =	por !p2, p0  }
0x20: {  	[sflag:s8] =	ssyncset.s32 @!p0 $0xFFFFF086;
	s6 =	sadd.s32 @!p0 s3, s7;
	s7 =	simm.s32 @!p0 $0x108  }
0x21: {  	s3 =	sadd.s32 s3, s9;
	s6 =	sadd.s32 @!p0 $0x88, s6;
	s7 =	simm.s32 @p2 $0x1082  }
0x22: {  	[simem:s7], [sflag:s8] =	dma.local @!p0 [hbm:s6], $0xF7A  }
0x23: {  	s9 =	sor.u32 $0xD0000000, s2;
	s6 =	simm.s32 $0x108;
	_ =	swait.ge @!p0 [sflag:s8], $0x0  }
0x24: {  	s3 =	sadd.s32 $0x88, s3;
	s6 =	simm.s32 @!p1 $0x1082;
	[sflag:s4] =	ssyncset.s32 $0xFFFFF086  }
0x25: {  	[simem:s6], [sflag:s4] =	dma.local [hbm:s3], $0xF7A  }
0x26: {  	[smem:$0x3F90] =	sst s1;
	(tag) =	ssettag s2;
	_ =	strace s9  }
0x27: {  	s1 =	sld [smem:$0x3FA0]  }
0x28: {  	s2 =	sld [smem:$0x3FA1]  }
0x29: {  	s4 =	sld [smem:$0x3FA3]  }
0x2a: {  	p0 =	seq.s32 s5, $0x0;
	s5 =	sld [smem:$0x3FA4]  }
0x2b: {  	s6 =	sld [smem:$0x3FA5]  }
0x2c: {  	s7 =	sld [smem:$0x3FA6]  }
0x2d: {  	s3 =	simm.s32 $0x108;
	s8 =	sld [smem:$0x3FA7]  }
0x2e: {  	s3 =	simm.s32 @!p0 $0x1082;
	s9 =	sld [smem:$0x3FA8]  }
0x2f: {  	lr =	sadd.s32 s0, s3;
	s0 =	sld [smem:$0x3F9F]  }
0x30: {  	s3 =	sld [smem:$0x3FA2]  }
0x31: {  	[smem:$0x3FAB] =	sst s10  }
0x32: {  	s10 =	sld [smem:$0x3FA9];
	_ =	sdelay $0x3  }
0x33: {  	p0 =	seq.s32 s10, $0x1;
	s10 =	sld [smem:$0x3FAB];
	_ =	sdelay $0x3  }
0x34: {  	[smem:$0x3FAB] =	sst s10  }
0x35: {  	s10 =	sld [smem:$0x3FAA];
	_ =	sdelay $0x3  }
0x36: {  	p1 =	seq.s32 s10, $0x1;
	s10 =	sld [smem:$0x3FAB];
	_ =	sdelay $0x3  }
0x37: {  	[smem:$0x3FAB] =	sst s10  }
0x38: {  	s10 =	sld [smem:$0x3FAC]  }
0x39: {  	_ = 	snop;
	(pc) =	sbr.ind lr, $3  }
0x3a: {  	_ = 	snop  }
0x3b: {  	_ = 	snop  }
0x3c: {  	p2 =	seq.s32 s10, $0x1;
	s10 =	sld [smem:$0x3FAB]  }
0x3d: {  	_ =	shalt  }
0x3e: {  	_ =	shalt  }
0x3f: {  	_ =	shalt  }
0x40: {  	_ =	shalt  }
0x41: {  	_ =	shalt  }
0x42: {  	_ =	shalt  }
0x43: {  	_ =	shalt  }
0x44: {  	_ =	shalt  }
0x45: {  	_ =	shalt  }
0x46: {  	_ =	shalt  }
0x47: {  	_ =	shalt  }
0x48: {  	_ =	shalt  }
0x49: {  	_ =	shalt  }
0x4a: {  	_ =	shalt  }
0x4b: {  	_ =	shalt  }
0x4c: {  	_ =	shalt  }
0x4d: {  	_ =	shalt  }
0x4e: {  	_ =	shalt  }
0x4f: {  	_ =	shalt  }
0x50: {  	_ =	shalt  }
0x51: {  	_ =	shalt  }
0x52: {  	_ =	shalt  }
0x53: {  	_ =	shalt  }
0x54: {  	_ =	shalt  }
0x55: {  	_ =	shalt  }
0x56: {  	_ =	shalt  }
0x57: {  	_ =	shalt  }
0x58: {  	_ =	shalt  }
0x59: {  	_ =	shalt  }
0x5a: {  	_ =	shalt  }
0x5b: {  	_ =	shalt  }
0x5c: {  	_ =	shalt  }
0x5d: {  	_ =	shalt  }
0x5e: {  	_ =	shalt  }
0x5f: {  	_ =	shalt  }
0x60: {  	_ =	shalt  }
0x61: {  	_ =	shalt  }
0x62: {  	_ =	shalt  }
0x63: {  	_ =	shalt  }
0x64: {  	_ =	shalt  }
0x65: {  	_ =	shalt  }
0x66: {  	_ =	shalt  }
0x67: {  	_ =	shalt  }
0x68: {  	_ =	shalt  }
0x69: {  	_ =	shalt  }
0x6a: {  	_ =	shalt  }
0x6b: {  	_ =	shalt  }
0x6c: {  	_ =	shalt  }
0x6d: {  	_ =	shalt  }
0x6e: {  	_ =	shalt  }
0x6f: {  	_ =	shalt  }
0x70: {  	_ =	shalt  }
0x71: {  	_ =	shalt  }
0x72: {  	_ =	shalt  }
0x73: {  	_ =	shalt  }
0x74: {  	_ =	shalt  }
0x75: {  	_ =	shalt  }
0x76: {  	_ =	shalt  }
0x77: {  	_ =	shalt  }
0x78: {  	_ =	shalt  }
0x79: {  	_ =	shalt  }
0x7a: {  	_ =	shalt  }
0x7b: {  	_ =	shalt  }
0x7c: {  	_ =	shalt  }
0x7d: {  	_ =	shalt  }
0x7e: {  	_ =	shalt  }
0x7f: {  	_ =	shalt  }
0x80: {  	_ =	shalt  }
0x81: {  	_ =	shalt  }
0x82: {  	_ =	shalt  }
0x83: {  	_ =	shalt  }
0x84: {  	_ =	shalt  }
0x85: {  	_ =	shalt  }
0x86: {  	_ =	shalt  }
0x87: {  	_ =	shalt  }
.Lfunc_end0:
.L_simem_size_0:
called_computation.1_lowered:
.L_overlay_start_0:
0x88: {  	s2 =	sld [smem:$0x3FD9]  }
0x89: {  	s3 =	sld [smem:$0x3FFE];
	_ =	sdelay $0x1  }
0x8a: {  	s1 =	srdreg.scid  }
0x8b: {  	s0 =	sand.u32 $0x1, s1  }
0x8c: {  	s16 =	sshll.u32 s0, $0xA;
	s2 =	sadd.s32 s3, s2  }
0x8d: {  	s2 =	sadd.s32 s2, s16  }
0x8e: {  	[smem:$0x3FB7] =	sst s2  }
0x8f: {  	_ = 	snop  }
0x90: {  	(tm) =	ssettm $0x1  }
0x91: {  	s17 =	sld [smem:$0x3FFB];
	_ =	sdelay $0x3  }
0x92: {  	_ =	strace s17  }
0x93: {  	s2 =	sld [smem:$0x3FFC];
	_ =	sdelay $0x3  }
0x94: {  	_ =	strace s2  }
0x95: {  	s2 =	sld [smem:$0x3FFD];
	_ =	sdelay $0x3  }
0x96: {  	_ =	strace s2  }
0x97: {  	_ =	strace $0x8FFFFFFF  }
0x98: {  	s18 =	sld [smem:$0x3FDB];
	_ =	sdelay $0x1  }
0x99: {  	s19 =	simm.s32 $_scs_section_size  }
0x9a: {  	s4 =	simm.s32 $_size__tile_overlayer_lowered;
	s5 =	simm.s32 $_tile_overlayer_lowered  }
0x9b: {  	s22 =	simm.s32 $0x1BFF;
	s21 =	sshll.u32 s5, $0x1;
	s2 =	sadd.s32 s19, s18  }
0x9c: {  	s6 =	simm.s32 $0x0;
	s20 =	sshll.u32 s4, $0x1;
	s4 =	sadd.s32 s21, s2  }
0x9d: {  	[timem:s6], [sflag:s22] =	dma.local [hbm:s4], s20  }
0x9e: {  	_ =	swait.ge [sflag:s22], s20  }
0x9f: {  	s3 =	ssub.s32 $0x0, s20;
	[sflag:s22] =	ssyncset.done $0x0  }
0xa0: {  	[sflag:s22] =	ssyncadd.s32 s3;
	_ =	sdelay $0x1  }
0xa1: {  	s23 =	simm.s32 $0x1B8B  }
0xa2: {  	_ =	swait.ge [sflag:s23], $0x1  }
0xa3: {  	[sflag:s23] =	ssyncset.done $0x0  }
0xa4: {  	s25 =	simm.s32 $0x1B8E;
	s24 =	sld [smem:$0x3FFE];
	[sflag:s23] =	ssyncadd.s32 $0xFFFFFFFF  }
0xa5: {  	s26 =	simm.s32 $execute0_lowered;
	[smem:$0x3FD2] =	sst s25  }
0xa6: {  	s4 =	sshll.u32 s26, $0x1;
	_ =	strace $0x80000049;
	[dreg:$0x1] =	wrdreg $0xFFFFFFFF  }
0xa7: {  	s28 =	simm.s32 $_size_execute0_lowered;
	s2 =	sadd.s32 s2, s4;
	[dreg:$0x0] =	wrdreg $0x0  }
0xa8: {  	s4 =	sshll.u32 s28, $0x1;
	[dreg:$0x2] =	wrdreg s2  }
0xa9: {  	[dreg:$0x3] =	wrdreg s4  }
0xaa: {  	[dreg:$0x4] =	wrdreg $0xC0  }
0xab: {  	_ =	task [dreg:s6], $0x5FFFF  }
0xac: {  	[dreg:$0x1] =	wrdreg $0xFFFFFFFF  }
0xad: {  	[dreg:$0x0] =	wrdreg $0x60  }
0xae: {  	[dreg:$0x2] =	wrdreg s24  }
0xaf: {  	[dreg:$0x3] =	wrdreg $0xA1000  }
0xb0: {  	[dreg:$0x4] =	wrdreg $0x9  }
0xb1: {  	_ =	task.clear_ibuf [dreg:s6], $0x5FFFF;
	_ =	strace $0x90000049  }
0xb2: {  	s29 =	simm.s32 $0x9;
	_ =	strace $0x8000004B  }
0xb3: {  	_ =	swait.ge [sflag:s29], $0x1  }
0xb4: {  	[sflag:s29] =	ssyncadd.s32 $0xFFFFFFFF  }
0xb5: {  	_ =	strace $0x9000004B  }
0xb6: {  	_ =	sfence  }
0xb7: {  	s30 =	sld [smem:$0x0];
	_ =	sdelay $0x2  }
0xb8: {  	s31 =	sshll.u32 s1, $0xD;
	s1 =	sshrl.u32 s1, $0x2  }
0xb9: {  	s3 =	sand.u32 $0x4000, s31;
	s1 =	sadd.s32 s1, s30  }
0xba: {  	s0 =	sor.u32 s3, s0;
	s1 =	sshll.u32 s1, $0x11  }
0xbb: {  	s0 =	sor.u32 s1, s0  }
0xbc: {  	s0 =	sadd.s32 $0x8F2B, s0  }
0xbd: {  	[sflag:s0] =	ssyncadd.remote.s32 $0x1  }
0xbe: {  	_ =	sfence.sel $0xFFFF  }
0xbf: {  	[dreg:$0x0] =	wrdreg $0xFFFFFFFF;
	(pc) =	sbr.abs _section_cstart, $3  }
0xc0: {  	[dreg:$0x1] =	wrdreg $0xFFFFFFFF  }
0xc1: {  	_ =	task.clear_ibuf [dreg:s6], $0x2FFFF;
	_ =	strace $0x9FFFFFFF  }
0xc2: {  	(tm) =	ssettm $0x7FFFFFFF  }
0xc3: {  	_ =	shalt  }
tec
execute0_lowered:
.L_overlay_start_1:
0x0: {  	(tag) =	ssettag $0x1  }
0x1: {  	s26 =	stileid.u32  }
0x2: {  	s0 =	srdreg.scid;
	s4 =	sor.u32 $0x10, s26  }
0x3: {  	s1 =	sand.u32 $0x1, s0;
	s6 =	smul.u32 $0xA000, s4  }
0x4: {  	s5 =	rddreg [dreg:$0x0];
	s10 =	smul.u32 $0x138800, s1  }
0x5: {  	s2 =	simm.s32 $0x0;
	s8 =	sor.u32 $0x20, s26;
	s4 =	smul.u32 $0x2800, s4  }
0x6: {  	[smem:$0x7FF] =	sst s2;
	s9 =	sor.u32 $0x30, s26;
	s20 =	smul.u32 $0x2800, s8  }
0x7: {  	s7 =	sadd.s32 $0x2B600, s5;
	s12 =	sor.u32 $0x40, s26;
	s21 =	smul.u32 $0x2800, s9  }
0x8: {  	s17 =	sor.u32 $0x50, s26;
	s18 =	sor.u32 $0x60, s26;
	s22 =	smul.u32 $0x2800, s12  }
0x9: {  	s19 =	sor.u32 $0x70, s26;
	s0 =	ssub.s32 $0x2, s1;
	s9 =	smul.u32 $0xA000, s9  }
0xa: {  	p0 =	sgt.u32 s26, $0xC;
	s12 =	smul.u32 $0xA000, s12;
	s3 =	sshrl.u32 s0, $0x1  }
0xb: {  	s0 =	ssub.s32 s0, s3;
	s3 =	smul.u32 $0x2800, s26;
	s13 =	sadd.s32 s10, s4  }
0xc: {  	s24 =	sadd.s32 s10, s20;
	s25 =	sadd.s32 s10, s21;
	s14 =	sadd.s32 s10, s22  }
0xd: {  	s6 =	sshrl.u32 s6, $0x2;
	s23 =	sshrl.u32 s13, $0x3;
	s13 =	sshrl.u32 s25, $0x3  }
0xe: {  	s29 =	sshrl.u32 s14, $0x3;
	s25 =	smul.u32 $0x2800, s19;
	s11 =	sadd.s32 s3, s10  }
0xf: {  	s14 =	sadd.s32 $0x3E00, s5;
	s28 =	sadd.s32 s7, s13;
	s11 =	sshrl.u32 s11, $0x3  }
0x10: {  	s13 =	sadd.s32 $0xDC00, s5;
	[dreg:$0x6] =	wrdreg s28;
	s11 =	sadd.s32 s7, s11  }
0x11: {  	[dreg:$0x3] =	wrdreg s11;
	s11 =	sadd.s32 s7, s23;
	s23 =	smul.u32 $0x2800, s17  }
0x12: {  	[dreg:$0x4] =	wrdreg s11;
	s11 =	sshrl.u32 s24, $0x3;
	s24 =	smul.u32 $0x2800, s18  }
0x13: {  	s17 =	smul.u32 $0xA000, s17;
	s11 =	sadd.s32 s7, s11;
	s30 =	sadd.s32 s10, s23  }
0x14: {  	[dreg:$0x5] =	wrdreg s11;
	s31 =	sadd.s32 s10, s24;
	s11 =	sadd.s32 s7, s29  }
0x15: {  	s15 =	sshrl.u32 s30, $0x3;
	s10 =	sadd.s32 s10, s25;
	s29 =	smul.u32 $0xA000, s26  }
0x16: {  	s30 =	smul.u32 $0xA000, s8;
	s8 =	simm.s32 $0x80;
	[dreg:$0x7] =	wrdreg s11  }
0x17: {  	s16 =	sshrl.u32 s31, $0x3;
	s11 =	sadd.s32 s7, s15;
	s10 =	sshrl.u32 s10, $0x3  }
0x18: {  	s15 =	sadd.s32 $0xDB200, s5;
	[dreg:$0x8] =	wrdreg s11;
	s28 =	sadd.s32 s7, s16  }
0x19: {  	s11 =	rddreg [dreg:$0x1];
	s7 =	sadd.s32 s7, s10;
	s31 =	sshrl.u32 s29, $0x2  }
0x1a: {  	s16 =	sadd.s32 $0x17C00, s5;
	s29 =	smul.u32 $0xA000, s18;
	[dreg:$0x9] =	wrdreg s28  }
0x1b: {  	s5 =	sshrl.u32 s12, $0x2;
	[dreg:$0xa] =	wrdreg s7;
	s10 =	sadd.s32 s31, s11  }
0x1c: {  	s6 =	sadd.s32 s6, s11;
	_ =	strace $0x8000004A;
	[dreg:$0xb] =	wrdreg s10  }
0x1d: {  	s7 =	sshrl.u32 s30, $0x2;
	s5 =	sadd.s32 s5, s11;
	[dreg:$0xc] =	wrdreg s6  }
0x1e: {  	s30 =	sshrl.u32 s9, $0x2;
	s3 =	sadd.s32 s3, s11;
	[dreg:$0xf] =	wrdreg s5  }
0x1f: {  	s31 =	smul.u32 $0xA000, s19;
	s19 =	sadd.s32 s4, s11;
	[dreg:$0x13] =	wrdreg s3  }
0x20: {  	s20 =	sadd.s32 s20, s11;
	s21 =	sadd.s32 s21, s11;
	[dreg:$0x14] =	wrdreg s19  }
0x21: {  	s4 =	sshll.u32 s26, $0x1;
	s9 =	simm.s32 $0x100;
	[dreg:$0x15] =	wrdreg s20  }
0x22: {  	s28 =	sadd.s32 s7, s11;
	s7 =	sadd.s32 s30, s11;
	[dreg:$0x16] =	wrdreg s21  }
0x23: {  	s10 =	sshrl.u32 s17, $0x2;
	s12 =	sshrl.u32 s29, $0x2;
	[dreg:$0xd] =	wrdreg s28  }
0x24: {  	s29 =	sadd.s32 s23, s11;
	s30 =	sadd.s32 s24, s11;
	[dreg:$0xe] =	wrdreg s7  }
0x25: {  	s3 =	smax.u32 s0, $0x1;
	s6 =	simm.s32 $0x2;
	[dreg:$0x18] =	wrdreg s29  }
0x26: {  	s5 =	sadd.s32 s10, s11;
	s17 =	sshrl.u32 s31, $0x2;
	[dreg:$0x19] =	wrdreg s30  }
.Ltmp0:
0x27: {  	s28 =	sadd.s32 s22, s11;
	[dreg:$0x10] =	wrdreg s5;
	(pc) =	sbr.rel .LBB2_1-.Ltmp0, $4  }
0x28: {  	s31 =	sadd.s32 s25, s11;
	s7 =	simm.s32 $0x3;
	[dreg:$0x17] =	wrdreg s28  }
0x29: {  	s5 =	sadd.s32 s12, s11;
	s18 =	sadd.s32 s17, s11;
	[dreg:$0x1a] =	wrdreg s31  }
0x2a: {  	s12 =	simm.s32 $0x2100;
	s17 =	simm.s32 $0x1;
	[dreg:$0x11] =	wrdreg s5  }
0x2b: {  	v0 =	vimm.f32 $0.0e+00;
	[dreg:$0x12] =	wrdreg s18;
	s5 =	simm.s32 $0x6100;
	s18 =	simm.s32 $0x0  }
.LBB2_9:
0x2c: {  	[bflag:$0x0] =	sbarrier.arrive $0xFFFF  }
0x2d: {  	s0 =	rddreg [dreg:$0x13]  }
0x2e: {  	[tilespmem:s5], [sflag:$0x2] =	stream.linear.gather [spmem:s0], $0x2800, $0x38;
	[tilespmem:$0x1D980] =	vst v63  }
0x2f: {  	_ =	swait.ge [sflag:s6], $0x2800  }
0x30: {  	[sflag:s6] =	ssyncset.done $0x0  }
0x31: {  	s10 =	rddreg [dreg:$0x3];
	[sflag:s6] =	ssyncadd.s32 $0xFFFFD800  }
0x32: {  	[hbm4b:s10+s2] =	stream.linear.scatter [tilespmem:s5], [sflag:$0x2], $0x2800, $0x38;
	[tilespmem:$0x1D980] =	vst v63  }
0x33: {  	_ =	swait.ge [sflag:s6], $0x2800  }
0x34: {  	[sflag:s6] =	ssyncset.done $0x0  }
0x35: {  	s19 =	rddreg [dreg:$0x14];
	[sflag:s6] =	ssyncadd.s32 $0xFFFFD800  }
0x36: {  	[tilespmem:s5], [sflag:$0x2] =	stream.linear.gather [spmem:s19], $0x2800, $0x38;
	[tilespmem:$0x1D980] =	vst v63  }
0x37: {  	_ =	swait.ge [sflag:s6], $0x2800  }
0x38: {  	[sflag:s6] =	ssyncset.done $0x0  }
0x39: {  	s20 =	rddreg [dreg:$0x4];
	[sflag:s6] =	ssyncadd.s32 $0xFFFFD800  }
0x3a: {  	[hbm4b:s20+s2] =	stream.linear.scatter [tilespmem:s5], [sflag:$0x2], $0x2800, $0x38;
	[tilespmem:$0x1D980] =	vst v63  }
0x3b: {  	_ =	swait.ge [sflag:s6], $0x2800  }
0x3c: {  	[sflag:s6] =	ssyncset.done $0x0  }
0x3d: {  	s21 =	rddreg [dreg:$0x15];
	[sflag:s6] =	ssyncadd.s32 $0xFFFFD800  }
0x3e: {  	[tilespmem:s5], [sflag:$0x2] =	stream.linear.gather [spmem:s21], $0x2800, $0x38;
	[tilespmem:$0x1D980] =	vst v63  }
0x3f: {  	_ =	swait.ge [sflag:s6], $0x2800  }
0x40: {  	[sflag:s6] =	ssyncset.done $0x0  }
0x41: {  	s22 =	rddreg [dreg:$0x5];
	[sflag:s6] =	ssyncadd.s32 $0xFFFFD800  }
0x42: {  	[hbm4b:s22+s2] =	stream.linear.scatter [tilespmem:s5], [sflag:$0x2], $0x2800, $0x38;
	[tilespmem:$0x1D980] =	vst v63  }
0x43: {  	_ =	swait.ge [sflag:s6], $0x2800  }
0x44: {  	[sflag:s6] =	ssyncset.done $0x0  }
0x45: {  	s23 =	rddreg [dreg:$0x16];
	[sflag:s6] =	ssyncadd.s32 $0xFFFFD800  }
0x46: {  	[tilespmem:s5], [sflag:$0x2] =	stream.linear.gather [spmem:s23], $0x2800, $0x38;
	[tilespmem:$0x1D980] =	vst v63  }
0x47: {  	_ =	swait.ge [sflag:s6], $0x2800  }
0x48: {  	[sflag:s6] =	ssyncset.done $0x0  }
0x49: {  	s24 =	rddreg [dreg:$0x6];
	[sflag:s6] =	ssyncadd.s32 $0xFFFFD800  }
0x4a: {  	[hbm4b:s24+s2] =	stream.linear.scatter [tilespmem:s5], [sflag:$0x2], $0x2800, $0x38;
	[tilespmem:$0x1D980] =	vst v63  }
0x4b: {  	_ =	swait.ge [sflag:s6], $0x2800  }
0x4c: {  	[sflag:s6] =	ssyncset.done $0x0  }
0x4d: {  	s25 =	rddreg [dreg:$0x17];
	[sflag:s6] =	ssyncadd.s32 $0xFFFFD800  }
0x4e: {  	[tilespmem:s5], [sflag:$0x2] =	stream.linear.gather [spmem:s25], $0x2800, $0x38;
	[tilespmem:$0x1D980] =	vst v63  }
0x4f: {  	_ =	swait.ge [sflag:s6], $0x2800  }
0x50: {  	[sflag:s6] =	ssyncset.done $0x0  }
0x51: {  	s26 =	rddreg [dreg:$0x7];
	[sflag:s6] =	ssyncadd.s32 $0xFFFFD800  }
0x52: {  	[hbm4b:s26+s2] =	stream.linear.scatter [tilespmem:s5], [sflag:$0x2], $0x2800, $0x38;
	[tilespmem:$0x1D980] =	vst v63  }
0x53: {  	_ =	swait.ge [sflag:s6], $0x2800  }
0x54: {  	[sflag:s6] =	ssyncset.done $0x0  }
0x55: {  	s28 =	rddreg [dreg:$0x18];
	[sflag:s6] =	ssyncadd.s32 $0xFFFFD800  }
0x56: {  	[tilespmem:s5], [sflag:$0x2] =	stream.linear.gather [spmem:s28], $0x2800, $0x38;
	[tilespmem:$0x1D980] =	vst v63  }
0x57: {  	_ =	swait.ge [sflag:s6], $0x2800  }
0x58: {  	[sflag:s6] =	ssyncset.done $0x0  }
0x59: {  	s29 =	rddreg [dreg:$0x8];
	[sflag:s6] =	ssyncadd.s32 $0xFFFFD800  }
0x5a: {  	[hbm4b:s29+s2] =	stream.linear.scatter [tilespmem:s5], [sflag:$0x2], $0x2800, $0x38;
	[tilespmem:$0x1D980] =	vst v63  }
0x5b: {  	_ =	swait.ge [sflag:s6], $0x2800  }
0x5c: {  	[sflag:s6] =	ssyncset.done $0x0  }
0x5d: {  	s30 =	rddreg [dreg:$0x19];
	[sflag:s6] =	ssyncadd.s32 $0xFFFFD800  }
0x5e: {  	[tilespmem:s5], [sflag:$0x2] =	stream.linear.gather [spmem:s30], $0x2800, $0x38;
	[tilespmem:$0x1D980] =	vst v63  }
0x5f: {  	_ =	swait.ge [sflag:s6], $0x2800  }
0x60: {  	[sflag:s6] =	ssyncset.done $0x0  }
0x61: {  	s31 =	rddreg [dreg:$0x9];
	[sflag:s6] =	ssyncadd.s32 $0xFFFFD800  }
0x62: {  	[hbm4b:s31+s2] =	stream.linear.scatter [tilespmem:s5], [sflag:$0x2], $0x2800, $0x38;
	[tilespmem:$0x1D980] =	vst v63  }
0x63: {  	_ =	swait.ge [sflag:s6], $0x2800  }
0x64: {  	[sflag:s6] =	ssyncset.done $0x0  }
0x65: {  	s0 =	simm.s32 @!p0 $0x6100;
	s10 =	rddreg [dreg:$0x1a];
	[sflag:s6] =	ssyncadd.s32 $0xFFFFD800  }
0x66: {  	[tilespmem:s0], [sflag:$0x2] =	stream.linear.gather @!p0 [spmem:s10], $0x2800, $0x38;
	[tilespmem:$0x1D980] =	vst v63  }
0x67: {  	s10 =	simm.s32 @!p0 $0x2  }
0x68: {  	s18 =	sadd.s32 $0x1, s18;
	_ =	swait.ge @!p0 [sflag:s10], $0x2800  }
0x69: {  	p1 =	sne.s32 s18, s3;
	s19 =	simm.s32 @!p0 $0x0;
	[sflag:s10] =	ssyncset.done @!p0 $0x0  }
.Ltmp1:
0x6a: {  	s20 =	rddreg [dreg:$0xa];
	[sflag:s10] =	ssyncadd.s32 @!p0 $0xFFFFD800;
	(pc) =	sbr.rel @!p1 .LBB2_10-.Ltmp1, $4  }
0x6b: {  	[hbm4b:s20+s19] =	stream.linear.scatter @!p0 [tilespmem:s0], [sflag:$0x2], $0x2800, $0x38;
	[tilespmem:$0x1D980] =	vst v63  }
0x6c: {  	_ =	swait.ge @!p0 [sflag:s10], $0x2800  }
0x6d: {  	[sflag:s10] =	ssyncset.done @!p0 $0x0  }
0x6e: {  	[sflag:s10] =	ssyncadd.s32 @!p0 $0xFFFFD800  }
.LBB2_1:
0x6f: {  	s0 =	simm.s32 $0x0;
	s10 =	simm.s32 $0x200  }
.LBB2_2:
0x70: {  	p1 =	sne.s32 s10, $0x9E00;
	[tilespmem:s0+$0x6170] =	vst v0  }
0x71: {  	[tilespmem:s0+$0x6100] =	vst v0  }
0x72: {  	[tilespmem:s0+$0x6110] =	vst v0  }
.Ltmp2:
0x73: {  	[tilespmem:s0+$0x6120] =	vst v0;
	(pc) =	sbr.rel @p1 .LBB2_2-.Ltmp2, $4  }
0x74: {  	[tilespmem:s0+$0x6130] =	vst v0  }
0x75: {  	[tilespmem:s0+$0x6140] =	vst v0  }
0x76: {  	[tilespmem:s0+$0x6150] =	vst v0  }
0x77: {  	[tilespmem:s0+$0x6160] =	vst v0;
	s0 =	sshra.s32 s10, $0x2;
	s10 =	sadd.s32 $0x200, s10  }
0x78: {  	[tilespmem:s0+$0x6170] =	vst v0  }
0x79: {  	[tilespmem:s0+$0x6100] =	vst v0  }
0x7a: {  	[tilespmem:s0+$0x6110] =	vst v0  }
0x7b: {  	[tilespmem:s0+$0x6120] =	vst v0  }
0x7c: {  	[tilespmem:s0+$0x6130] =	vst v0  }
0x7d: {  	[tilespmem:s0+$0x6140] =	vst v0  }
0x7e: {  	[tilespmem:s0+$0x6150] =	vst v0  }
0x7f: {  	[tilespmem:s0+$0x6160] =	vst v0;
	s24 =	rddreg [dreg:$0xb]  }
0x80: {  	[spmem:s24] =	stream.linear.scatter [tilespmem:s5], [sflag:$0x2], $0x2800, $0x38;
	[tilespmem:$0x1D980] =	vst v63  }
0x81: {  	_ =	swait.ge [sflag:s6], $0x2800  }
0x82: {  	[sflag:s6] =	ssyncset.done $0x0  }
0x83: {  	s25 =	rddreg [dreg:$0xc];
	[sflag:s6] =	ssyncadd.s32 $0xFFFFD800  }
0x84: {  	[spmem:s25] =	stream.linear.scatter [tilespmem:s5], [sflag:$0x2], $0x2800, $0x38;
	[tilespmem:$0x1D980] =	vst v63  }
0x85: {  	_ =	swait.ge [sflag:s6], $0x2800  }
0x86: {  	[sflag:s6] =	ssyncset.done $0x0  }
0x87: {  	s26 =	rddreg [dreg:$0xd];
	[sflag:s6] =	ssyncadd.s32 $0xFFFFD800  }
0x88: {  	[spmem:s26] =	stream.linear.scatter [tilespmem:s5], [sflag:$0x2], $0x2800, $0x38;
	[tilespmem:$0x1D980] =	vst v63  }
0x89: {  	_ =	swait.ge [sflag:s6], $0x2800  }
0x8a: {  	[sflag:s6] =	ssyncset.done $0x0  }
0x8b: {  	s28 =	rddreg [dreg:$0xe];
	[sflag:s6] =	ssyncadd.s32 $0xFFFFD800  }
0x8c: {  	[spmem:s28] =	stream.linear.scatter [tilespmem:s5], [sflag:$0x2], $0x2800, $0x38;
	[tilespmem:$0x1D980] =	vst v63  }
0x8d: {  	_ =	swait.ge [sflag:s6], $0x2800  }
0x8e: {  	[sflag:s6] =	ssyncset.done $0x0  }
0x8f: {  	s29 =	rddreg [dreg:$0xf];
	[sflag:s6] =	ssyncadd.s32 $0xFFFFD800  }
0x90: {  	[spmem:s29] =	stream.linear.scatter [tilespmem:s5], [sflag:$0x2], $0x2800, $0x38;
	[tilespmem:$0x1D980] =	vst v63  }
0x91: {  	_ =	swait.ge [sflag:s6], $0x2800  }
0x92: {  	[sflag:s6] =	ssyncset.done $0x0  }
0x93: {  	s30 =	rddreg [dreg:$0x10];
	[sflag:s6] =	ssyncadd.s32 $0xFFFFD800  }
0x94: {  	[spmem:s30] =	stream.linear.scatter [tilespmem:s5], [sflag:$0x2], $0x2800, $0x38;
	[tilespmem:$0x1D980] =	vst v63  }
0x95: {  	_ =	swait.ge [sflag:s6], $0x2800  }
0x96: {  	[sflag:s6] =	ssyncset.done $0x0  }
0x97: {  	s31 =	rddreg [dreg:$0x11];
	[sflag:s6] =	ssyncadd.s32 $0xFFFFD800  }
0x98: {  	[spmem:s31] =	stream.linear.scatter [tilespmem:s5], [sflag:$0x2], $0x2800, $0x38;
	[tilespmem:$0x1D980] =	vst v63  }
0x99: {  	_ =	swait.ge [sflag:s6], $0x2800  }
0x9a: {  	[sflag:s6] =	ssyncset.done $0x0  }
0x9b: {  	s0 =	simm.s32 @!p0 $0x6100;
	s10 =	rddreg [dreg:$0x12];
	[sflag:s6] =	ssyncadd.s32 $0xFFFFD800  }
0x9c: {  	[spmem:s10] =	stream.linear.scatter @!p0 [tilespmem:s0], [sflag:$0x2], $0x2800, $0x38;
	[tilespmem:$0x1D980] =	vst v63  }
0x9d: {  	s0 =	simm.s32 @!p0 $0x2  }
.Ltmp3:
0x9e: {  	_ =	swait.ge @!p0 [sflag:s0], $0x2800;
	(pc) =	sbr.rel .LBB2_4-.Ltmp3, $4  }
0x9f: {  	[sflag:s0] =	ssyncset.done @!p0 $0x0  }
0xa0: {  	[sflag:s0] =	ssyncadd.s32 @!p0 $0xFFFFD800  }
0xa1: {  	[bflag:$0x0] =	sbarrier.arrive $0xFFFF  }
0xa2: {  	s19 =	simm.s32 $0x0  }
.LBB2_8:
0xa3: {  	s19 =	sadd.s32 $0x1, s19  }
0xa4: {  	p1 =	sne.s32 s19, $0x4F  }
.Ltmp4:
0xa5: {  	_ = 	snop;
	(pc) =	sbr.rel @!p1 .LBB2_9-.Ltmp4, $1  }
0xa6: {  	_ =	sdelay $0x3  }
.LBB2_4:
0xa7: {  	s0 =	sshll.u32 s19, $0x5  }
0xa8: {  	s0 =	sor.u32 s4, s0  }
0xa9: {  	p1 =	sgt.u32 s0, $0x9C3  }
.Ltmp5:
0xaa: {  	_ = 	snop;
	(pc) =	sbr.rel @p1 .LBB2_8-.Ltmp5, $1  }
0xab: {  	_ =	sdelay $0x3  }
0xac: {  	s0 =	sor.u32 s1, s0  }
0xad: {  	s10 =	sshll.u32 s0, $0x4  }
0xae: {  	s20 =	sadd.s32 s13, s10  }
0xaf: {  	[tilespmem:s2], [sflag:$0x3] =	stream.linear.gather [hbm4b:s20+s2], $0x80, $0x38;
	[tilespmem:$0x1D980] =	vst v63  }
0xb0: {  	_ =	swait.ge [sflag:s7], $0x80  }
0xb1: {  	[sflag:s7] =	ssyncset.done $0x0  }
0xb2: {  	s10 =	sadd.s32 s14, s10;
	[sflag:s7] =	ssyncadd.s32 $0xFFFFFF80  }
0xb3: {  	[tilespmem:s8], [sflag:$0x3] =	stream.linear.gather [hbm4b:s10+s2], $0x80, $0x38;
	[tilespmem:$0x1D980] =	vst v63  }
0xb4: {  	_ =	swait.ge [sflag:s7], $0x80  }
0xb5: {  	[sflag:s7] =	ssyncset.done $0x0  }
0xb6: {  	s0 =	sshll.u32 s0, $0xB;
	[sflag:s7] =	ssyncadd.s32 $0xFFFFFF80  }
0xb7: {  	[tilespmem:s9], [sflag:$0x1] =	stream.indirect.gather [hbm4b:s16+s8], $0x40, s2, s8, $0xb8;
	[tilespmem:$0x1D980] =	vst v63  }
0xb8: {  	s0 =	sadd.s32 s15, s0  }
0xb9: {  	[tilespmem:s12], [sflag:$0x3] =	stream.linear.gather [hbm4b:s0+s2], $0x4000, $0x38;
	[tilespmem:$0x1D980] =	vst v63  }
0xba: {  	_ =	swait.ge [sflag:s7], $0x4000  }
0xbb: {  	[sflag:s7] =	ssyncset.done $0x0  }
0xbc: {  	[sflag:s7] =	ssyncadd.s32 $0xFFFFC000  }
0xbd: {  	_ =	swait.ge [sflag:s17], $0x2000  }
0xbe: {  	[sflag:s17] =	ssyncset.done $0x0  }
0xbf: {  	s29 =	simm.s32 $0x2200;
	[sflag:s17] =	ssyncadd.s32 $0xFFFFE000  }
0xc0: {  	v1 =	vld [tilespmem:s29+$0x80];
	_ =	sdelay $0x1  }
0xc1: {  	v2 =	vld [tilespmem:s29+$0xFFFFFF00]  }
0xc2: {  	v3 =	vld [tilespmem:s29+$0xFFFFFF80];
	_ =	sdelay $0x1  }
0xc3: {  	v1 =	vsub.f32 $0.0e+00, v1;
	_ =	sdelay $0x1  }
0xc4: {  	v4 =	vld [tilespmem:s29+$0x0];
	v2 =	vsub.f32 $0.0e+00, v2;
	v1 =	vmul.f32 $1.442695020e+00, v1  }
0xc5: {  	v3 =	vsub.f32 $0.0e+00, v3  }
0xc6: {  	v2 =	vmul.f32 $1.442695020e+00, v2;
	(erf) = vpow2.f32 v1  }
0xc7: {  	v3 =	vmul.f32 $1.442695020e+00, v3  }
0xc8: {  	(erf) = vpow2.f32 v2  }
0xc9: {  	v1 =	vsub.f32 $0.0e+00, v4;
	(erf) = vpow2.f32 v3;
	_ =	sdelay $0x1  }
0xca: {  	v1 =	vmul.f32 $1.442695020e+00, v1;
	_ =	sdelay $0x1  }
0xcb: {  	(erf) = vpow2.f32 v1;
	_ =	sdelay $0x1  }
0xcc: {  	v1 =	vpop (erf)  }
0xcd: {  	v1 =	vadd.f32 $1.000000000e+00, v1  }
0xce: {  	v2 =	vpop (erf)  }
0xcf: {  	v2 =	vadd.f32 $1.000000000e+00, v2;
	v3 =	vpop (erf);
	(erf) = vrcp.f32 v1  }
0xd0: {  	v1 =	vadd.f32 $1.000000000e+00, v3  }
0xd1: {  	(erf) = vrcp.f32 v2  }
0xd2: {  	s30 =	simm.s32 $0x180;
	(erf) = vrcp.f32 v1  }
0xd3: {  	v3 =	vpop (erf);
	v1 =	vld [tilespmem:s30+$0x40]  }
0xd4: {  	v2 =	vadd.f32 $1.000000000e+00, v3;
	_ =	sdelay $0x1  }
0xd5: {  	(erf) = vrcp.f32 v2;
	v2 =	vld [tilespmem:s30+$0xFFFFFFC0]  }
0xd6: {  	v3 =	vld [tilespmem:s30+$0xFFFFFF80]  }
0xd7: {  	v5 =	vshll.u32 v1, $0x10;
	v6 =	vpop (erf)  }
0xd8: {  	v5 =	vmul.f32 v5, v6  }
0xd9: {  	s20 =	simm.s32 $0x6200;
	v4 =	vld [tilespmem:s30+$0x0];
	v6 =	vpop (erf)  }
0xda: {  	v7 =	vshll.u32 v2, $0x10;
	v8 =	vpop (erf);
	[tilespmem:s20+$0x80] =	vst v5  }
0xdb: {  	v5 =	vshll.u32 v3, $0x10;
	v7 =	vmul.f32 v7, v8;
	v8 =	vld [tilespmem:s29+$0xC0]  }
0xdc: {  	v5 =	vmul.f32 v5, v6  }
0xdd: {  	[tilespmem:s20+$0xFFFFFF80] =	vst v7  }
0xde: {  	v9 =	vshll.u32 v4, $0x10;
	v10 =	vpop (erf);
	[tilespmem:s20+$0xFFFFFF00] =	vst v5;
	v5 =	vld [tilespmem:s29+$0xFFFFFFC0]  }
0xdf: {  	v6 =	vmul.f32 v9, v10  }
0xe0: {  	v7 =	vld [tilespmem:s29+$0xFFFFFF40];
	v8 =	vsub.f32 $0.0e+00, v8  }
0xe1: {  	[tilespmem:s20+$0x0] =	vst v6  }
0xe2: {  	v6 =	vld [tilespmem:s29+$0x40];
	v8 =	vmul.f32 $1.442695020e+00, v8  }
0xe3: {  	v5 =	vsub.f32 $0.0e+00, v5  }
0xe4: {  	(erf) = vpow2.f32 v8  }
0xe5: {  	v7 =	vsub.f32 $0.0e+00, v7;
	v5 =	vmul.f32 $1.442695020e+00, v5;
	_ =	sdelay $0x1  }
0xe6: {  	v6 =	vsub.f32 $0.0e+00, v6;
	v7 =	vmul.f32 $1.442695020e+00, v7;
	(erf) = vpow2.f32 v5;
	_ =	sdelay $0x1  }
0xe7: {  	v6 =	vmul.f32 $1.442695020e+00, v6;
	(erf) = vpow2.f32 v7;
	_ =	sdelay $0x1  }
0xe8: {  	(erf) = vpow2.f32 v6;
	_ =	sdelay $0x1  }
0xe9: {  	v5 =	vpop (erf)  }
0xea: {  	v5 =	vadd.f32 $1.000000000e+00, v5;
	_ =	sdelay $0x1  }
0xeb: {  	v6 =	vpop (erf);
	(erf) = vrcp.f32 v5  }
0xec: {  	v5 =	vadd.f32 $1.000000000e+00, v6  }
0xed: {  	v6 =	vpop (erf)  }
0xee: {  	v6 =	vadd.f32 $1.000000000e+00, v6;
	(erf) = vrcp.f32 v5  }
0xef: {  	v7 =	vpop (erf)  }
0xf0: {  	v7 =	vadd.f32 $1.000000000e+00, v7;
	(erf) = vrcp.f32 v6;
	_ =	sdelay $0x1  }
0xf1: {  	(erf) = vrcp.f32 v7;
	_ =	sdelay $0x1  }
0xf2: {  	v1 =	vand.u32 $0xFFFF0000, v1;
	v5 =	vpop (erf)  }
0xf3: {  	v1 =	vmul.f32 v1, v5;
	_ =	sdelay $0x1  }
0xf4: {  	v2 =	vand.u32 $0xFFFF0000, v2;
	v5 =	vpop (erf);
	[tilespmem:s20+$0xC0] =	vst v1  }
0xf5: {  	v2 =	vmul.f32 v2, v5;
	v5 =	vld [tilespmem:s29+$0x90]  }
0xf6: {  	v1 =	vand.u32 $0xFFFF0000, v3;
	v3 =	vpop (erf)  }
0xf7: {  	v1 =	vmul.f32 v1, v3  }
0xf8: {  	v4 =	vand.u32 $0xFFFF0000, v4;
	v3 =	vpop (erf);
	[tilespmem:s20+$0xFFFFFFC0] =	vst v2  }
0xf9: {  	v2 =	vmul.f32 v4, v3;
	[tilespmem:s20+$0xFFFFFF40] =	vst v1;
	v4 =	vld [tilespmem:s29+$0xFFFFFF90]  }
0xfa: {  	v6 =	vld [tilespmem:s29+$0xFFFFFF10];
	v1 =	vsub.f32 $0.0e+00, v5  }
0xfb: {  	v3 =	vld [tilespmem:s30+$0xFFFFFF90]  }
0xfc: {  	[tilespmem:s20+$0x40] =	vst v2;
	v2 =	vld [tilespmem:s30+$0xFFFFFFD0];
	v5 =	vmul.f32 $1.442695020e+00, v1  }
0xfd: {  	v7 =	vld [tilespmem:s29+$0x10]  }
0xfe: {  	v1 =	vld [tilespmem:s30+$0x10];
	(erf) = vpow2.f32 v5;
	_ =	sdelay $0x1  }
0xff: {  	v4 =	vsub.f32 $0.0e+00, v4  }
0x100: {  	v6 =	vsub.f32 $0.0e+00, v6  }
0x101: {  	s22 =	simm.s32 $0x2400;
	v4 =	vmul.f32 $1.442695020e+00, v4  }
0x102: {  	v5 =	vld [tilespmem:s22+$0x80];
	v6 =	vmul.f32 $1.442695020e+00, v6  }
0x103: {  	(erf) = vpow2.f32 v4;
	v4 =	vld [tilespmem:s22+$0xFFFFFF80]  }
0x104: {  	v8 =	vld [tilespmem:s22+$0xFFFFFF00];
	v7 =	vsub.f32 $0.0e+00, v7;
	_ =	sdelay $0x1  }
0x105: {  	v9 =	vld [tilespmem:s22+$0x0];
	v7 =	vmul.f32 $1.442695020e+00, v7;
	(erf) = vpow2.f32 v6;
	v6 =	vpop (erf)  }
0x106: {  	v5 =	vsub.f32 $0.0e+00, v5;
	v6 =	vadd.f32 $1.000000000e+00, v6  }
0x107: {  	(erf) = vpow2.f32 v7;
	v4 =	vsub.f32 $0.0e+00, v4  }
0x108: {  	v7 =	vsub.f32 $0.0e+00, v8;
	v5 =	vmul.f32 $1.442695020e+00, v5;
	(erf) = vrcp.f32 v6  }
0x109: {  	v4 =	vmul.f32 $1.442695020e+00, v4  }
0x10a: {  	v6 =	vsub.f32 $0.0e+00, v9;
	(erf) = vpow2.f32 v5;
	v5 =	vmul.f32 $1.442695020e+00, v7;
	_ =	sdelay $0x1  }
0x10b: {  	v6 =	vmul.f32 $1.442695020e+00, v6;
	(erf) = vpow2.f32 v5;
	v5 =	vld [tilespmem:s30+$0x50]  }
0x10c: {  	v7 =	vpop (erf)  }
0x10d: {  	(erf) = vpow2.f32 v4;
	v4 =	vpop (erf)  }
0x10e: {  	v4 =	vadd.f32 $1.000000000e+00, v4;
	(erf) = vpow2.f32 v6  }
0x10f: {  	v7 =	vadd.f32 $1.000000000e+00, v7;
	v6 =	vpop (erf)  }
0x110: {  	(erf) = vrcp.f32 v4;
	v4 =	vshll.u32 v5, $0x10;
	v8 =	vpop (erf)  }
0x111: {  	(erf) = vrcp.f32 v7;
	v4 =	vmul.f32 v4, v8  }
0x112: {  	v6 =	vadd.f32 $1.000000000e+00, v6  }
0x113: {  	v7 =	vpop (erf)  }
0x114: {  	(erf) = vrcp.f32 v6;
	v6 =	vadd.f32 $1.000000000e+00, v7  }
0x115: {  	[tilespmem:s20+$0x90] =	vst v4;
	v4 =	vpop (erf)  }
0x116: {  	(erf) = vrcp.f32 v6;
	v6 =	vld [tilespmem:s29+$0xD0];
	v4 =	vadd.f32 $1.000000000e+00, v4;
	v7 =	vpop (erf)  }
0x117: {  	v7 =	vadd.f32 $1.000000000e+00, v7;
	v8 =	vpop (erf)  }
0x118: {  	(erf) = vrcp.f32 v4;
	v4 =	vadd.f32 $1.000000000e+00, v8  }
0x119: {  	s28 =	simm.s32 $0x280;
	v8 =	vshll.u32 v3, $0x10;
	v9 =	vpop (erf);
	(erf) = vrcp.f32 v7  }
0x11a: {  	v10 =	vshll.u32 v2, $0x10;
	v7 =	vld [tilespmem:s28+$0x40];
	v8 =	vmul.f32 v8, v9;
	v9 =	vpop (erf);
	(erf) = vrcp.f32 v4  }
0x11b: {  	v6 =	vsub.f32 $0.0e+00, v6  }
0x11c: {  	v12 =	vld [tilespmem:s28+$0x0]  }
0x11d: {  	v11 =	vshll.u32 v1, $0x10;
	v4 =	vld [tilespmem:s28+$0xFFFFFFC0];
	v9 =	vmul.f32 v10, v9;
	v10 =	vpop (erf);
	v6 =	vmul.f32 $1.442695020e+00, v6  }
0x11e: {  	[tilespmem:s20+$0xFFFFFF10] =	vst v8;
	v8 =	vmul.f32 v11, v10;
	v10 =	vld [tilespmem:s28+$0xFFFFFF80]  }
0x11f: {  	[tilespmem:s20+$0xFFFFFF90] =	vst v9;
	v9 =	vld [tilespmem:s29+$0xFFFFFF50];
	v13 =	vpop (erf);
	(erf) = vpow2.f32 v6;
	v11 =	vshll.u32 v7, $0x10  }
0x120: {  	[tilespmem:s20+$0x10] =	vst v8;
	v6 =	vld [tilespmem:s29+$0xFFFFFFD0];
	v8 =	vmul.f32 v11, v13  }
0x121: {  	s21 =	simm.s32 $0x6400;
	v11 =	vld [tilespmem:s29+$0x50];
	v13 =	vpop (erf)  }
0x122: {  	[tilespmem:s21+$0x80] =	vst v8;
	v8 =	vshll.u32 v4, $0x10;
	v14 =	vpop (erf)  }
0x123: {  	v8 =	vmul.f32 v8, v14;
	v14 =	vshll.u32 v12, $0x10;
	v17 =	vpop (erf)  }
0x124: {  	v16 =	vshll.u32 v10, $0x10;
	v9 =	vsub.f32 $0.0e+00, v9;
	v14 =	vmul.f32 v14, v17  }
0x125: {  	v15 =	vld [tilespmem:s22+$0xC0];
	v13 =	vmul.f32 v16, v13;
	v6 =	vsub.f32 $0.0e+00, v6;
	[tilespmem:s21+$0xFFFFFF80] =	vst v8  }
0x126: {  	v8 =	vmul.f32 $1.442695020e+00, v9;
	v9 =	vsub.f32 $0.0e+00, v11;
	v11 =	vld [tilespmem:s22+$0xFFFFFFC0]  }
0x127: {  	[tilespmem:s21+$0xFFFFFF00] =	vst v13;
	v6 =	vmul.f32 $1.442695020e+00, v6  }
0x128: {  	[tilespmem:s21+$0x0] =	vst v14;
	v9 =	vmul.f32 $1.442695020e+00, v9;
	(erf) = vpow2.f32 v8;
	v14 =	vpop (erf)  }
0x129: {  	v13 =	vld [tilespmem:s22+$0xFFFFFF40];
	(erf) = vpow2.f32 v6;
	v6 =	vadd.f32 $1.000000000e+00, v14  }
0x12a: {  	v8 =	vsub.f32 $0.0e+00, v15;
	v15 =	vld [tilespmem:s22+$0x40];
	(erf) = vpow2.f32 v9  }
0x12b: {  	(erf) = vrcp.f32 v6;
	v6 =	vsub.f32 $0.0e+00, v11  }
0x12c: {  	v8 =	vmul.f32 $1.442695020e+00, v8  }
0x12d: {  	v6 =	vmul.f32 $1.442695020e+00, v6  }
0x12e: {  	(erf) = vpow2.f32 v8;
	v8 =	vsub.f32 $0.0e+00, v13  }
0x12f: {  	v9 =	vsub.f32 $0.0e+00, v15  }
0x130: {  	v8 =	vmul.f32 $1.442695020e+00, v8  }
0x131: {  	v9 =	vmul.f32 $1.442695020e+00, v9;
	(erf) = vpow2.f32 v6;
	v6 =	vpop (erf)  }
0x132: {  	v6 =	vadd.f32 $1.000000000e+00, v6;
	_ =	sdelay $0x1  }
0x133: {  	(erf) = vpow2.f32 v8;
	v8 =	vpop (erf)  }
0x134: {  	(erf) = vpow2.f32 v9;
	v9 =	vpop (erf)  }
0x135: {  	(erf) = vrcp.f32 v6;
	v6 =	vpop (erf)  }
0x136: {  	v5 =	vand.u32 $0xFFFF0000, v5;
	v11 =	vpop (erf)  }
0x137: {  	v8 =	vadd.f32 $1.000000000e+00, v8;
	v5 =	vmul.f32 v5, v6;
	v6 =	vadd.f32 $1.000000000e+00, v11  }
0x138: {  	v9 =	vadd.f32 $1.000000000e+00, v9  }
0x139: {  	(erf) = vrcp.f32 v8  }
0x13a: {  	(erf) = vrcp.f32 v9  }
0x13b: {  	(erf) = vrcp.f32 v6;
	v6 =	vpop (erf)  }
0x13c: {  	[tilespmem:s20+$0xD0] =	vst v5;
	v6 =	vadd.f32 $1.000000000e+00, v6  }
0x13d: {  	v5 =	vld [tilespmem:s29+$0xA0]  }
0x13e: {  	v8 =	vpop (erf)  }
0x13f: {  	v8 =	vadd.f32 $1.000000000e+00, v8;
	v9 =	vpop (erf)  }
0x140: {  	v3 =	vand.u32 $0xFFFF0000, v3;
	v9 =	vadd.f32 $1.000000000e+00, v9;
	(erf) = vrcp.f32 v6;
	v6 =	vpop (erf)  }
0x141: {  	(erf) = vrcp.f32 v8;
	v3 =	vmul.f32 v3, v6  }
0x142: {  	v5 =	vsub.f32 $0.0e+00, v5;
	(erf) = vrcp.f32 v9  }
0x143: {  	v2 =	vand.u32 $0xFFFF0000, v2;
	v6 =	vpop (erf);
	[tilespmem:s20+$0xFFFFFF50] =	vst v3  }
0x144: {  	v1 =	vand.u32 $0xFFFF0000, v1;
	v5 =	vmul.f32 $1.442695020e+00, v5;
	v2 =	vmul.f32 v2, v6;
	v6 =	vpop (erf);
	v3 =	vld [tilespmem:s29+$0xFFFFFF20]  }
0x145: {  	v1 =	vmul.f32 v1, v6  }
0x146: {  	v6 =	vand.u32 $0xFFFF0000, v7;
	v7 =	vpop (erf);
	(erf) = vpow2.f32 v5;
	[tilespmem:s20+$0xFFFFFFD0] =	vst v2  }
0x147: {  	v5 =	vld [tilespmem:s29+$0xFFFFFFA0];
	[tilespmem:s20+$0x50] =	vst v1  }
0x148: {  	v8 =	vand.u32 $0xFFFF0000, v10;
	v2 =	vmul.f32 v6, v7;
	v1 =	vld [tilespmem:s29+$0x20]  }
0x149: {  	v4 =	vand.u32 $0xFFFF0000, v4;
	v7 =	vpop (erf);
	v3 =	vsub.f32 $0.0e+00, v3  }
0x14a: {  	[tilespmem:s21+$0xC0] =	vst v2;
	v4 =	vmul.f32 v4, v7;
	v7 =	vpop (erf)  }
0x14b: {  	v6 =	vand.u32 $0xFFFF0000, v12;
	v2 =	vld [tilespmem:s22+$0x90];
	v7 =	vmul.f32 v8, v7;
	v8 =	vpop (erf);
	v3 =	vmul.f32 $1.442695020e+00, v3  }
0x14c: {  	v5 =	vsub.f32 $0.0e+00, v5;
	[tilespmem:s21+$0xFFFFFFC0] =	vst v4;
	v4 =	vmul.f32 v6, v8  }
0x14d: {  	v1 =	vsub.f32 $0.0e+00, v1;
	v6 =	vld [tilespmem:s22+$0xFFFFFF90]  }
0x14e: {  	v5 =	vmul.f32 $1.442695020e+00, v5;
	[tilespmem:s21+$0x40] =	vst v4  }
0x14f: {  	[tilespmem:s21+$0xFFFFFF40] =	vst v7;
	(erf) = vpow2.f32 v3;
	v1 =	vmul.f32 $1.442695020e+00, v1;
	v4 =	vld [tilespmem:s22+$0x10];
	v3 =	vpop (erf)  }
0x150: {  	v2 =	vsub.f32 $0.0e+00, v2;
	v7 =	vld [tilespmem:s22+$0xFFFFFF10];
	(erf) = vpow2.f32 v5;
	v3 =	vadd.f32 $1.000000000e+00, v3  }
0x151: {  	(erf) = vpow2.f32 v1  }
0x152: {  	v2 =	vmul.f32 $1.442695020e+00, v2;
	v1 =	vsub.f32 $0.0e+00, v6;
	(erf) = vrcp.f32 v3;
	_ =	sdelay $0x1  }
0x153: {  	v1 =	vmul.f32 $1.442695020e+00, v1;
	v3 =	vsub.f32 $0.0e+00, v4;
	(erf) = vpow2.f32 v2  }
0x154: {  	v2 =	vsub.f32 $0.0e+00, v7  }
0x155: {  	s24 =	simm.s32 $0x2600;
	v7 =	vld [tilespmem:s30+$0x60];
	v3 =	vmul.f32 $1.442695020e+00, v3  }
0x156: {  	v4 =	vld [tilespmem:s24+$0x80];
	v2 =	vmul.f32 $1.442695020e+00, v2  }
0x157: {  	v5 =	vld [tilespmem:s24+$0xFFFFFF00];
	(erf) = vpow2.f32 v1;
	v1 =	vpop (erf)  }
0x158: {  	(erf) = vpow2.f32 v2;
	v1 =	vadd.f32 $1.000000000e+00, v1;
	v6 =	vpop (erf)  }
0x159: {  	v2 =	vld [tilespmem:s24+$0xFFFFFF80];
	(erf) = vpow2.f32 v3;
	v3 =	vpop (erf)  }
0x15a: {  	v6 =	vadd.f32 $1.000000000e+00, v6;
	(erf) = vrcp.f32 v1;
	v1 =	vshll.u32 v7, $0x10;
	v9 =	vpop (erf)  }
0x15b: {  	v8 =	vld [tilespmem:s24+$0x0];
	v4 =	vsub.f32 $0.0e+00, v4;
	v3 =	vadd.f32 $1.000000000e+00, v3;
	v1 =	vmul.f32 v1, v9  }
0x15c: {  	v5 =	vsub.f32 $0.0e+00, v5;
	(erf) = vrcp.f32 v6;
	v10 =	vpop (erf)  }
0x15d: {  	(erf) = vrcp.f32 v3;
	v3 =	vmul.f32 $1.442695020e+00, v4;
	v6 =	vadd.f32 $1.000000000e+00, v10;
	[tilespmem:s20+$0xA0] =	vst v1  }
0x15e: {  	v2 =	vsub.f32 $0.0e+00, v2;
	v1 =	vmul.f32 $1.442695020e+00, v5;
	v4 =	vld [tilespmem:s29+$0xE0]  }
0x15f: {  	(erf) = vrcp.f32 v6  }
0x160: {  	v5 =	vsub.f32 $0.0e+00, v8;
	v6 =	vmul.f32 $1.442695020e+00, v2;
	(erf) = vpow2.f32 v3  }
0x161: {  	v2 =	vld [tilespmem:s30+$0xFFFFFFA0];
	v3 =	vpop (erf);
	(erf) = vpow2.f32 v1  }
0x162: {  	v5 =	vmul.f32 $1.442695020e+00, v5;
	v8 =	vadd.f32 $1.000000000e+00, v3;
	v1 =	vpop (erf)  }
0x163: {  	v10 =	vld [tilespmem:s28+$0x50];
	(erf) = vpow2.f32 v6;
	v1 =	vadd.f32 $1.000000000e+00, v1;
	v4 =	vsub.f32 $0.0e+00, v4  }
0x164: {  	v3 =	vld [tilespmem:s30+$0xFFFFFFE0];
	v6 =	vpop (erf);
	(erf) = vpow2.f32 v5  }
0x165: {  	v5 =	vadd.f32 $1.000000000e+00, v6;
	v6 =	vpop (erf);
	(erf) = vrcp.f32 v1;
	v4 =	vmul.f32 $1.442695020e+00, v4  }
0x166: {  	v9 =	vshll.u32 v2, $0x10;
	(erf) = vrcp.f32 v8;
	v8 =	vpop (erf)  }
0x167: {  	v9 =	vmul.f32 v9, v6;
	v11 =	vpop (erf)  }
0x168: {  	v1 =	vld [tilespmem:s30+$0x20];
	(erf) = vrcp.f32 v5;
	v5 =	vshll.u32 v10, $0x10;
	v12 =	vpop (erf)  }
0x169: {  	[tilespmem:s20+$0xFFFFFF20] =	vst v9;
	(erf) = vpow2.f32 v4;
	v9 =	vmul.f32 v5, v12;
	v12 =	vshll.u32 v3, $0x10;
	v4 =	vpop (erf)  }
0x16a: {  	v6 =	vld [tilespmem:s28+$0xFFFFFF90];
	v8 =	vmul.f32 v12, v8;
	v14 =	vpop (erf)  }
0x16b: {  	v13 =	vld [tilespmem:s29+$0xFFFFFF60];
	v4 =	vadd.f32 $1.000000000e+00, v4;
	v12 =	vadd.f32 $1.000000000e+00, v14  }
0x16c: {  	v5 =	vld [tilespmem:s28+$0xFFFFFFD0];
	[tilespmem:s21+$0x90] =	vst v9  }
0x16d: {  	v15 =	vshll.u32 v1, $0x10;
	v14 =	vpop (erf);
	(erf) = vrcp.f32 v4;
	v4 =	vld [tilespmem:s22+$0xD0]  }
0x16e: {  	v11 =	vmul.f32 v15, v11;
	v9 =	vld [tilespmem:s28+$0x10];
	[tilespmem:s20+$0xFFFFFFA0] =	vst v8;
	v14 =	vadd.f32 $1.000000000e+00, v14;
	v8 =	vpop (erf)  }
0x16f: {  	s25 =	simm.s32 $0x380;
	v15 =	vld [tilespmem:s29+$0xFFFFFFE0];
	(erf) = vrcp.f32 v12;
	v8 =	vadd.f32 $1.000000000e+00, v8;
	v12 =	vpop (erf)  }
0x170: {  	v17 =	vshll.u32 v6, $0x10;
	[tilespmem:s20+$0x20] =	vst v11;
	v11 =	vld [tilespmem:s25+$0x40];
	(erf) = vrcp.f32 v14;
	v16 =	vpop (erf)  }
0x171: {  	v13 =	vsub.f32 $0.0e+00, v13;
	v14 =	vld [tilespmem:s29+$0x60];
	(erf) = vrcp.f32 v8;
	v12 =	vmul.f32 v17, v12;
	v19 =	vpop (erf)  }
0x172: {  	v18 =	vshll.u32 v5, $0x10;
	v8 =	vld [tilespmem:s25+$0xFFFFFFC0];
	v17 =	vsub.f32 $0.0e+00, v4;
	v20 =	vpop (erf)  }
0x173: {  	v13 =	vmul.f32 $1.442695020e+00, v13;
	v16 =	vmul.f32 v18, v16;
	[tilespmem:s21+$0xFFFFFF10] =	vst v12;
	v12 =	vld [tilespmem:s25+$0xFFFFFF80];
	v18 =	vadd.f32 $1.000000000e+00, v20  }
0x174: {  	v4 =	vld [tilespmem:s25+$0x0];
	v20 =	vshll.u32 v9, $0x10;
	v17 =	vmul.f32 $1.442695020e+00, v17  }
0x175: {  	(erf) = vpow2.f32 v13;
	v13 =	vmul.f32 v20, v19;
	v19 =	vld [tilespmem:s22+$0xFFFFFF50];
	_ =	sdelay $0x1  }
0x176: {  	v15 =	vsub.f32 $0.0e+00, v15;
	[tilespmem:s21+$0xFFFFFF90] =	vst v16;
	v16 =	vshll.u32 v11, $0x10;
	(erf) = vrcp.f32 v18;
	v18 =	vpop (erf)  }
0x177: {  	[tilespmem:s21+$0x10] =	vst v13;
	v13 =	vld [tilespmem:s22+$0xFFFFFFD0];
	(erf) = vpow2.f32 v17;
	v22 =	vshll.u32 v12, $0x10;
	v16 =	vmul.f32 v16, v18;
	v17 =	vpop (erf)  }
0x178: {  	s23 =	simm.s32 $0x6600;
	v14 =	vsub.f32 $0.0e+00, v14;
	v20 =	vld [tilespmem:s22+$0x50];
	v18 =	vshll.u32 v8, $0x10;
	v21 =	vpop (erf);
	v17 =	vmul.f32 v22, v17  }
0x179: {  	v19 =	vsub.f32 $0.0e+00, v19;
	v18 =	vmul.f32 v18, v21;
	[tilespmem:s23+$0x80] =	vst v16;
	v16 =	vshll.u32 v4, $0x10;
	v21 =	vpop (erf)  }
0x17a: {  	v15 =	vmul.f32 $1.442695020e+00, v15;
	v16 =	vmul.f32 v16, v21;
	[tilespmem:s23+$0xFFFFFF00] =	vst v17  }
0x17b: {  	v14 =	vmul.f32 $1.442695020e+00, v14;
	v22 =	vld [tilespmem:s24+$0xC0];
	v17 =	vmul.f32 $1.442695020e+00, v19;
	[tilespmem:s23+$0xFFFFFF80] =	vst v18  }
0x17c: {  	(erf) = vpow2.f32 v15;
	v13 =	vsub.f32 $0.0e+00, v13;
	v15 =	vld [tilespmem:s24+$0xFFFFFFC0]  }
0x17d: {  	(erf) = vpow2.f32 v14;
	v14 =	vsub.f32 $0.0e+00, v20;
	v18 =	vld [tilespmem:s24+$0xFFFFFF40]  }
0x17e: {  	[tilespmem:s23+$0x0] =	vst v16;
	v13 =	vmul.f32 $1.442695020e+00, v13;
	v16 =	vpop (erf)  }
0x17f: {  	v7 =	vand.u32 $0xFFFF0000, v7;
	(erf) = vpow2.f32 v17;
	v14 =	vmul.f32 $1.442695020e+00, v14;
	v17 =	vpop (erf)  }
0x180: {  	(erf) = vpow2.f32 v13;
	v20 =	vsub.f32 $0.0e+00, v22;
	v21 =	vpop (erf);
	v7 =	vmul.f32 v7, v17  }
0x181: {  	v19 =	vld [tilespmem:s24+$0x40];
	(erf) = vpow2.f32 v14;
	v13 =	vadd.f32 $1.000000000e+00, v21;
	v14 =	vsub.f32 $0.0e+00, v15  }
0x182: {  	v15 =	vmul.f32 $1.442695020e+00, v20;
	[tilespmem:s20+$0xE0] =	vst v7;
	v7 =	vadd.f32 $1.000000000e+00, v16;
	v16 =	vsub.f32 $0.0e+00, v18  }
0x183: {  	(erf) = vrcp.f32 v13;
	v14 =	vmul.f32 $1.442695020e+00, v14  }
0x184: {  	v13 =	vld [tilespmem:s29+$0xB0];
	(erf) = vpow2.f32 v15;
	v15 =	vmul.f32 $1.442695020e+00, v16;
	_ =	sdelay $0x1  }
0x185: {  	v17 =	vsub.f32 $0.0e+00, v19;
	(erf) = vrcp.f32 v7;
	v7 =	vpop (erf)  }
0x186: {  	(erf) = vpow2.f32 v14;
	v7 =	vadd.f32 $1.000000000e+00, v7;
	v14 =	vpop (erf)  }
0x187: {  	v16 =	vmul.f32 $1.442695020e+00, v17;
	(erf) = vpow2.f32 v15;
	v14 =	vadd.f32 $1.000000000e+00, v14;
	v15 =	vpop (erf)  }
0x188: {  	v13 =	vsub.f32 $0.0e+00, v13;
	v15 =	vadd.f32 $1.000000000e+00, v15  }
0x189: {  	(erf) = vpow2.f32 v16  }
0x18a: {  	(erf) = vrcp.f32 v7;
	v13 =	vmul.f32 $1.442695020e+00, v13;
	v7 =	vpop (erf)  }
0x18b: {  	(erf) = vrcp.f32 v14;
	v14 =	vpop (erf)  }
0x18c: {  	v10 =	vand.u32 $0xFFFF0000, v10;
	(erf) = vrcp.f32 v15;
	v14 =	vadd.f32 $1.000000000e+00, v14;
	v15 =	vpop (erf)  }
0x18d: {  	v7 =	vadd.f32 $1.000000000e+00, v7;
	v10 =	vmul.f32 v10, v15  }
0x18e: {  	(erf) = vpow2.f32 v13;
	v13 =	vpop (erf)  }
0x18f: {  	(erf) = vrcp.f32 v7;
	v7 =	vadd.f32 $1.000000000e+00, v13;
	v13 =	vpop (erf)  }
0x190: {  	v2 =	vand.u32 $0xFFFF0000, v2;
	(erf) = vrcp.f32 v14;
	v14 =	vpop (erf)  }
0x191: {  	[tilespmem:s21+$0xD0] =	vst v10;
	v2 =	vmul.f32 v2, v13;
	v10 =	vpop (erf);
	v13 =	vadd.f32 $1.000000000e+00, v14  }
0x192: {  	(erf) = vrcp.f32 v7;
	v7 =	vld [tilespmem:s22+$0xA0];
	v14 =	vpop (erf);
	v10 =	vadd.f32 $1.000000000e+00, v10  }
0x193: {  	v3 =	vand.u32 $0xFFFF0000, v3;
	v15 =	vpop (erf)  }
0x194: {  	[tilespmem:s20+$0xFFFFFF60] =	vst v2;
	v3 =	vmul.f32 v3, v15  }
0x195: {  	v2 =	vadd.f32 $1.000000000e+00, v14;
	(erf) = vrcp.f32 v13;
	v14 =	vld [tilespmem:s29+$0xFFFFFF30];
	v13 =	vpop (erf)  }
0x196: {  	v6 =	vand.u32 $0xFFFF0000, v6;
	v5 =	vand.u32 $0xFFFF0000, v5;
	(erf) = vrcp.f32 v10;
	v10 =	vpop (erf)  }
0x197: {  	(erf) = vrcp.f32 v2;
	v2 =	vmul.f32 v6, v10;
	v6 =	vsub.f32 $0.0e+00, v7;
	v7 =	vpop (erf)  }
0x198: {  	[tilespmem:s20+$0xFFFFFFE0] =	vst v3;
	v3 =	vpop (erf);
	v7 =	vadd.f32 $1.000000000e+00, v7  }
0x199: {  	v9 =	vand.u32 $0xFFFF0000, v9;
	[tilespmem:s21+$0xFFFFFF50] =	vst v2;
	v2 =	vmul.f32 v5, v3;
	v5 =	vpop (erf)  }
0x19a: {  	v10 =	vld [tilespmem:s29+$0xFFFFFFB0];
	v5 =	vmul.f32 v9, v5;
	(erf) = vrcp.f32 v7;
	v7 =	vsub.f32 $0.0e+00, v14  }
0x19b: {  	v3 =	vmul.f32 $1.442695020e+00, v6;
	v6 =	vld [tilespmem:s22+$0xFFFFFF20];
	[tilespmem:s21+$0xFFFFFFD0] =	vst v2  }
0x19c: {  	v9 =	vand.u32 $0xFFFF0000, v11;
	v11 =	vpop (erf);
	[tilespmem:s21+$0x50] =	vst v5;
	v5 =	vmul.f32 $1.442695020e+00, v7  }
0x19d: {  	v2 =	vmul.f32 v9, v11;
	v9 =	vld [tilespmem:s22+$0xFFFFFFA0]  }
0x19e: {  	(erf) = vpow2.f32 v3;
	v11 =	vand.u32 $0xFFFF0000, v12  }
0x19f: {  	v8 =	vand.u32 $0xFFFF0000, v8;
	v12 =	vpop (erf);
	v10 =	vsub.f32 $0.0e+00, v10  }
0x1a0: {  	v7 =	vld [tilespmem:s22+$0x20];
	[tilespmem:s23+$0xC0] =	vst v2;
	v2 =	vmul.f32 v8, v12;
	(erf) = vpow2.f32 v5;
	v6 =	vsub.f32 $0.0e+00, v6;
	v5 =	vpop (erf)  }
0x1a1: {  	v4 =	vand.u32 $0xFFFF0000, v4;
	v3 =	vld [tilespmem:s30+$0x70];
	v10 =	vmul.f32 $1.442695020e+00, v10;
	v5 =	vmul.f32 v11, v5;
	v11 =	vpop (erf)  }
0x1a2: {  	v8 =	vld [tilespmem:s24+$0x90];
	[tilespmem:s23+$0xFFFFFFC0] =	vst v2;
	v2 =	vmul.f32 v4, v11;
	v4 =	vmul.f32 $1.442695020e+00, v6;
	v6 =	vsub.f32 $0.0e+00, v9  }
0x1a3: {  	v1 =	vand.u32 $0xFFFF0000, v1  }
0x1a4: {  	v1 =	vmul.f32 v1, v13;
	(erf) = vpow2.f32 v10;
	[tilespmem:s23+$0xFFFFFF40] =	vst v5;
	v5 =	vld [tilespmem:s24+$0xFFFFFF90]  }
0x1a5: {  	v7 =	vsub.f32 $0.0e+00, v7;
	v9 =	vld [tilespmem:s24+$0xFFFFFF10];
	[tilespmem:s23+$0x40] =	vst v2;
	(erf) = vpow2.f32 v4  }
0x1a6: {  	[tilespmem:s20+$0x60] =	vst v1;
	v2 =	vmul.f32 $1.442695020e+00, v6;
	v4 =	vshll.u32 v3, $0x10;
	v1 =	vld [tilespmem:s24+$0x10];
	v6 =	vpop (erf)  }
0x1a7: {  	v8 =	vsub.f32 $0.0e+00, v8;
	v7 =	vmul.f32 $1.442695020e+00, v7;
	v10 =	vpop (erf);
	v4 =	vmul.f32 v4, v6;
	v6 =	vld [tilespmem:s29+$0x30]  }
0x1a8: {  	(erf) = vpow2.f32 v2;
	v10 =	vadd.f32 $1.000000000e+00, v10  }
0x1a9: {  	v2 =	vmul.f32 $1.442695020e+00, v8;
	(erf) = vpow2.f32 v7;
	[tilespmem:s20+$0xB0] =	vst v4;
	v4 =	vsub.f32 $0.0e+00, v5  }
0x1aa: {  	v7 =	vsub.f32 $0.0e+00, v9;
	(erf) = vrcp.f32 v10;
	v5 =	vld [tilespmem:s29+$0xF0]  }
0x1ab: {  	(erf) = vpow2.f32 v2;
	v2 =	vmul.f32 $1.442695020e+00, v4  }
0x1ac: {  	v1 =	vsub.f32 $0.0e+00, v1;
	v7 =	vmul.f32 $1.442695020e+00, v7;
	v4 =	vsub.f32 $0.0e+00, v6;
	v6 =	vpop (erf)  }
0x1ad: {  	s26 =	simm.s32 $0x2800;
	(erf) = vpow2.f32 v2;
	v8 =	vpop (erf)  }
0x1ae: {  	v1 =	vmul.f32 $1.442695020e+00, v1;
	(erf) = vpow2.f32 v7;
	v7 =	vld [tilespmem:s26+$0x80];
	v9 =	vpop (erf)  }
0x1af: {  	v2 =	vld [tilespmem:s28+$0x60];
	v4 =	vmul.f32 $1.442695020e+00, v4;
	v5 =	vsub.f32 $0.0e+00, v5;
	v9 =	vadd.f32 $1.000000000e+00, v9  }
0x1b0: {  	(erf) = vpow2.f32 v1;
	v1 =	vld [tilespmem:s26+$0xFFFFFF00]  }
0x1b1: {  	v10 =	vld [tilespmem:s26+$0xFFFFFF80];
	v11 =	vpop (erf);
	(erf) = vpow2.f32 v4;
	v5 =	vmul.f32 $1.442695020e+00, v5  }
0x1b2: {  	v4 =	vadd.f32 $1.000000000e+00, v6;
	v6 =	vld [tilespmem:s26+$0x0];
	v11 =	vadd.f32 $1.000000000e+00, v11;
	(erf) = vrcp.f32 v9  }
0x1b3: {  	v9 =	vpop (erf);
	(erf) = vpow2.f32 v5;
	v5 =	vsub.f32 $0.0e+00, v7  }
0x1b4: {  	v12 =	vshll.u32 v2, $0x10;
	v9 =	vadd.f32 $1.000000000e+00, v9;
	v13 =	vpop (erf);
	(erf) = vrcp.f32 v11  }
0x1b5: {  	v1 =	vsub.f32 $0.0e+00, v1;
	v7 =	vpop (erf);
	v12 =	vmul.f32 v12, v13;
	v5 =	vmul.f32 $1.442695020e+00, v5  }
0x1b6: {  	v7 =	vadd.f32 $1.000000000e+00, v7;
	(erf) = vrcp.f32 v9;
	v9 =	vsub.f32 $0.0e+00, v10  }
0x1b7: {  	v6 =	vsub.f32 $0.0e+00, v6;
	v1 =	vmul.f32 $1.442695020e+00, v1;
	(erf) = vrcp.f32 v4  }
0x1b8: {  	v4 =	vpop (erf);
	(erf) = vrcp.f32 v7;
	v9 =	vmul.f32 $1.442695020e+00, v9  }
0x1b9: {  	[tilespmem:s21+$0xA0] =	vst v12;
	v6 =	vmul.f32 $1.442695020e+00, v6;
	v11 =	vpop (erf);
	(erf) = vpow2.f32 v5;
	v5 =	vld [tilespmem:s28+$0xFFFFFFA0]  }
0x1ba: {  	v7 =	vld [tilespmem:s22+$0xE0];
	v11 =	vadd.f32 $1.000000000e+00, v11;
	(erf) = vpow2.f32 v1  }
0x1bb: {  	v12 =	vpop (erf);
	(erf) = vpow2.f32 v9  }
0x1bc: {  	v13 =	vadd.f32 $1.000000000e+00, v4;
	v9 =	vpop (erf);
	(erf) = vpow2.f32 v6  }
0x1bd: {  	v16 =	vld [tilespmem:s28+$0xFFFFFFE0];
	v6 =	vpop (erf);
	(erf) = vrcp.f32 v11  }
0x1be: {  	v4 =	vld [tilespmem:s25+$0x50];
	v11 =	vpop (erf);
	(erf) = vrcp.f32 v13;
	v13 =	vshll.u32 v5, $0x10  }
0x1bf: {  	v10 =	vld [tilespmem:s30+$0xFFFFFFB0];
	v12 =	vadd.f32 $1.000000000e+00, v12;
	v7 =	vsub.f32 $0.0e+00, v7;
	v17 =	vpop (erf);
	v6 =	vmul.f32 v13, v6  }
0x1c0: {  	v8 =	vadd.f32 $1.000000000e+00, v8;
	v11 =	vadd.f32 $1.000000000e+00, v11;
	v18 =	vpop (erf)  }
0x1c1: {  	v9 =	vadd.f32 $1.000000000e+00, v9;
	(erf) = vrcp.f32 v12;
	v7 =	vmul.f32 $1.442695020e+00, v7;
	v20 =	vpop (erf)  }
0x1c2: {  	v1 =	vld [tilespmem:s28+$0x20];
	(erf) = vrcp.f32 v11;
	v21 =	vpop (erf)  }
0x1c3: {  	v19 =	vshll.u32 v16, $0x10;
	v11 =	vshll.u32 v4, $0x10;
	[tilespmem:s21+$0xFFFFFF20] =	vst v6;
	(erf) = vpow2.f32 v7;
	v6 =	vpop (erf)  }
0x1c4: {  	v15 =	vshll.u32 v10, $0x10;
	v12 =	vld [tilespmem:s25+$0xFFFFFF90];
	v11 =	vmul.f32 v11, v21;
	(erf) = vrcp.f32 v8;
	v8 =	vpop (erf)  }
0x1c5: {  	v14 =	vld [tilespmem:s25+$0x10];
	v6 =	vadd.f32 $1.000000000e+00, v6;
	(erf) = vrcp.f32 v9;
	v8 =	vadd.f32 $1.000000000e+00, v8;
	v9 =	vpop (erf)  }
0x1c6: {  	v17 =	vmul.f32 v19, v17;
	v21 =	vld [tilespmem:s22+$0xFFFFFF60];
	v9 =	vadd.f32 $1.000000000e+00, v9  }
0x1c7: {  	v13 =	vld [tilespmem:s25+$0xFFFFFFD0];
	v22 =	vshll.u32 v1, $0x10;
	[tilespmem:s23+$0x90] =	vst v11;
	v11 =	vmul.f32 v15, v20;
	v15 =	vpop (erf);
	(erf) = vrcp.f32 v6  }
0x1c8: {  	v18 =	vmul.f32 v22, v18;
	v7 =	vld [tilespmem:s30+$0xFFFFFFF0];
	[tilespmem:s21+$0xFFFFFFA0] =	vst v17;
	v6 =	vand.u32 $0xFFFF0000, v10  }
0x1c9: {  	v19 =	vld [tilespmem:s22+$0xFFFFFFE0];
	v10 =	vshll.u32 v12, $0x10;
	v15 =	vadd.f32 $1.000000000e+00, v15;
	(erf) = vrcp.f32 v8;
	v8 =	vpop (erf)  }
0x1ca: {  	s31 =	simm.s32 $0x480;
	v17 =	vld [tilespmem:s24+$0xD0];
	(erf) = vrcp.f32 v9;
	v9 =	vpop (erf);
	v24 =	vmul.f32 v10, v8  }
0x1cb: {  	[tilespmem:s21+$0x20] =	vst v18;
	v20 =	vsub.f32 $0.0e+00, v21;
	(erf) = vrcp.f32 v15;
	v15 =	vand.u32 $0xFFFF0000, v5;
	v5 =	vld [tilespmem:s31+$0x40];
	v22 =	vpop (erf)  }
0x1cc: {  	v18 =	vld [tilespmem:s22+$0x60];
	[tilespmem:s20+$0xFFFFFF30] =	vst v11;
	v11 =	vpop (erf)  }
0x1cd: {  	v23 =	vshll.u32 v13, $0x10;
	v10 =	vld [tilespmem:s31+$0xFFFFFFC0];
	v20 =	vmul.f32 $1.442695020e+00, v20;
	v25 =	vpop (erf)  }
0x1ce: {  	v26 =	vshll.u32 v14, $0x10;
	v23 =	vmul.f32 v23, v9;
	v9 =	vld [tilespmem:s31+$0xFFFFFF80];
	[tilespmem:s23+$0xFFFFFF10] =	vst v24;
	v24 =	vpop (erf)  }
0x1cf: {  	v8 =	vld [tilespmem:s31+$0x0];
	v17 =	vsub.f32 $0.0e+00, v17;
	(erf) = vpow2.f32 v20;
	v20 =	vmul.f32 v26, v22;
	v22 =	vpop (erf)  }
0x1d0: {  	v19 =	vsub.f32 $0.0e+00, v19;
	v26 =	vld [tilespmem:s24+$0xFFFFFF50];
	[tilespmem:s23+$0xFFFFFF90] =	vst v23;
	v25 =	vadd.f32 $1.000000000e+00, v25;
	v23 =	vshll.u32 v5, $0x10;
	v27 =	vpop (erf)  }
0x1d1: {  	v21 =	vld [tilespmem:s29+$0xFFFFFF70];
	v18 =	vsub.f32 $0.0e+00, v18;
	v17 =	vmul.f32 $1.442695020e+00, v17;
	[tilespmem:s23+$0x10] =	vst v20;
	v20 =	vmul.f32 v23, v27  }
0x1d2: {  	v19 =	vmul.f32 $1.442695020e+00, v19;
	v28 =	vld [tilespmem:s24+$0x50];
	(erf) = vrcp.f32 v25  }
0x1d3: {  	v25 =	vld [tilespmem:s30+$0x30];
	v60 =	vshll.u32 v9, $0x10;
	(erf) = vpow2.f32 v17;
	v17 =	vmul.f32 $1.442695020e+00, v18;
	v23 =	vpop (erf)  }
0x1d4: {  	s30 =	simm.s32 $0x6800;
	v18 =	vld [tilespmem:s24+$0xFFFFFFD0];
	v27 =	vshll.u32 v10, $0x10;
	(erf) = vpow2.f32 v19;
	v29 =	vpop (erf);
	v23 =	vmul.f32 v60, v23  }
0x1d5: {  	v19 =	vshll.u32 v8, $0x10;
	v26 =	vsub.f32 $0.0e+00, v26;
	[tilespmem:s30+$0x80] =	vst v20;
	v27 =	vmul.f32 v27, v29;
	v20 =	vpop (erf)  }
0x1d6: {  	v21 =	vsub.f32 $0.0e+00, v21;
	[tilespmem:s30+$0xFFFFFF00] =	vst v23;
	v19 =	vmul.f32 v19, v20  }
0x1d7: {  	v23 =	vmul.f32 $1.442695020e+00, v26;
	v20 =	vld [tilespmem:s26+$0xC0];
	[tilespmem:s30+$0xFFFFFF80] =	vst v27  }
0x1d8: {  	v21 =	vmul.f32 $1.442695020e+00, v21;
	(erf) = vpow2.f32 v17;
	v26 =	vsub.f32 $0.0e+00, v28;
	v17 =	vld [tilespmem:s26+$0xFFFFFFC0]  }
0x1d9: {  	v18 =	vsub.f32 $0.0e+00, v18;
	v62 =	vld [tilespmem:s26+$0xFFFFFF40];
	[tilespmem:s30+$0x0] =	vst v19  }
0x1da: {  	v2 =	vand.u32 $0xFFFF0000, v2;
	v26 =	vmul.f32 $1.442695020e+00, v26;
	v19 =	vpop (erf);
	(erf) = vpow2.f32 v21;
	v21 =	vld [tilespmem:s26+$0x40]  }
0x1db: {  	v27 =	vshll.u32 v25, $0x10;
	v18 =	vmul.f32 $1.442695020e+00, v18;
	(erf) = vpow2.f32 v23;
	v23 =	vpop (erf)  }
0x1dc: {  	v22 =	vmul.f32 v27, v22;
	v20 =	vsub.f32 $0.0e+00, v20;
	v63 =	vpop (erf);
	v2 =	vmul.f32 v2, v23  }
0x1dd: {  	(erf) = vpow2.f32 v18;
	v17 =	vsub.f32 $0.0e+00, v17;
	v18 =	vadd.f32 $1.000000000e+00, v63  }
0x1de: {  	(erf) = vpow2.f32 v26;
	[tilespmem:s21+$0xE0] =	vst v2;
	v2 =	vadd.f32 $1.000000000e+00, v19;
	v19 =	vsub.f32 $0.0e+00, v62  }
0x1df: {  	v20 =	vmul.f32 $1.442695020e+00, v20;
	v17 =	vmul.f32 $1.442695020e+00, v17;
	v21 =	vsub.f32 $0.0e+00, v21  }
0x1e0: {  	(erf) = vrcp.f32 v18;
	v19 =	vmul.f32 $1.442695020e+00, v19  }
0x1e1: {  	(erf) = vpow2.f32 v20;
	v21 =	vmul.f32 $1.442695020e+00, v21  }
0x1e2: {  	v61 =	vshll.u32 v7, $0x10;
	[tilespmem:s20+$0x30] =	vst v22;
	v22 =	vpop (erf);
	v18 =	vld [tilespmem:s22+$0xB0];
	(erf) = vrcp.f32 v2  }
0x1e3: {  	v24 =	vmul.f32 v61, v24;
	v20 =	vld [tilespmem:s29+$0x70];
	v2 =	vpop (erf);
	(erf) = vpow2.f32 v17  }
0x1e4: {  	(erf) = vpow2.f32 v19;
	v19 =	vpop (erf)  }
0x1e5: {  	[tilespmem:s20+$0xFFFFFFB0] =	vst v24;
	(erf) = vpow2.f32 v21;
	v21 =	vpop (erf)  }
0x1e6: {  	v23 =	vld [tilespmem:s29+$0xFFFFFFF0];
	v17 =	vadd.f32 $1.000000000e+00, v22;
	v21 =	vadd.f32 $1.000000000e+00, v21  }
0x1e7: {  	v2 =	vadd.f32 $1.000000000e+00, v2;
	v18 =	vsub.f32 $0.0e+00, v18  }
0x1e8: {  	(erf) = vrcp.f32 v17;
	v17 =	vsub.f32 $0.0e+00, v20;
	v20 =	vpop (erf)  }
0x1e9: {  	v18 =	vmul.f32 $1.442695020e+00, v18;
	(erf) = vrcp.f32 v2;
	v2 =	vadd.f32 $1.000000000e+00, v20;
	v20 =	vpop (erf)  }
0x1ea: {  	v4 =	vand.u32 $0xFFFF0000, v4;
	(erf) = vrcp.f32 v21;
	v21 =	vpop (erf)  }
0x1eb: {  	v22 =	vsub.f32 $0.0e+00, v23;
	(erf) = vpow2.f32 v18;
	v18 =	vand.u32 $0xFFFF0000, v1;
	v1 =	vpop (erf)  }
0x1ec: {  	v20 =	vadd.f32 $1.000000000e+00, v20;
	v4 =	vmul.f32 v4, v21;
	v21 =	vadd.f32 $1.000000000e+00, v1;
	v1 =	vpop (erf)  }
0x1ed: {  	v22 =	vmul.f32 $1.442695020e+00, v22;
	(erf) = vrcp.f32 v2;
	v2 =	vand.u32 $0xFFFF0000, v7;
	v7 =	vpop (erf)  }
0x1ee: {  	(erf) = vrcp.f32 v20;
	v7 =	vadd.f32 $1.000000000e+00, v7  }
0x1ef: {  	v17 =	vmul.f32 $1.442695020e+00, v17;
	(erf) = vpow2.f32 v22  }
0x1f0: {  	[tilespmem:s23+$0xD0] =	vst v4;
	v4 =	vmul.f32 v15, v1;
	v15 =	vpop (erf);
	(erf) = vrcp.f32 v21  }
0x1f1: {  	v16 =	vand.u32 $0xFFFF0000, v16;
	v3 =	vand.u32 $0xFFFF0000, v3;
	v21 =	vpop (erf);
	(erf) = vpow2.f32 v17  }
0x1f2: {  	v11 =	vmul.f32 v3, v11;
	v20 =	vld [tilespmem:s24+$0xA0];
	v3 =	vadd.f32 $1.000000000e+00, v21;
	(erf) = vrcp.f32 v7;
	v7 =	vpop (erf)  }
0x1f3: {  	v15 =	vadd.f32 $1.000000000e+00, v15;
	v7 =	vmul.f32 v16, v7;
	_ =	sdelay $0x1  }
0x1f4: {  	(erf) = vrcp.f32 v15;
	v16 =	vpop (erf)  }
0x1f5: {  	v12 =	vand.u32 $0xFFFF0000, v12;
	[tilespmem:s21+$0xFFFFFF60] =	vst v4;
	v17 =	vadd.f32 $1.000000000e+00, v19;
	(erf) = vrcp.f32 v3;
	v3 =	vpop (erf)  }
0x1f6: {  	[tilespmem:s21+$0xFFFFFFE0] =	vst v7;
	v3 =	vmul.f32 v12, v3;
	v12 =	vsub.f32 $0.0e+00, v20;
	v7 =	vpop (erf)  }
0x1f7: {  	v4 =	vld [tilespmem:s22+$0xFFFFFF30];
	v16 =	vmul.f32 v18, v16;
	v7 =	vadd.f32 $1.000000000e+00, v7;
	_ =	sdelay $0x1  }
0x1f8: {  	v13 =	vand.u32 $0xFFFF0000, v13;
	(erf) = vrcp.f32 v17;
	v18 =	vld [tilespmem:s22+$0xFFFFFFB0];
	[tilespmem:s21+$0x60] =	vst v16;
	v17 =	vpop (erf)  }
0x1f9: {  	v15 =	vld [tilespmem:s28+$0xFFFFFFB0];
	[tilespmem:s23+$0xFFFFFF50] =	vst v3;
	v3 =	vmul.f32 v13, v17;
	v13 =	vmul.f32 $1.442695020e+00, v12;
	v12 =	vpop (erf)  }
0x1fa: {  	v14 =	vand.u32 $0xFFFF0000, v14;
	v5 =	vand.u32 $0xFFFF0000, v5;
	v16 =	vld [tilespmem:s22+$0x30];
	(erf) = vrcp.f32 v7;
	v7 =	vpop (erf)  }
0x1fb: {  	v9 =	vand.u32 $0xFFFF0000, v9;
	v4 =	vsub.f32 $0.0e+00, v4;
	v17 =	vld [tilespmem:s24+$0xFFFFFF20];
	v14 =	vmul.f32 v14, v12;
	v19 =	vpop (erf)  }
0x1fc: {  	v10 =	vand.u32 $0xFFFF0000, v10;
	v8 =	vand.u32 $0xFFFF0000, v8;
	v5 =	vmul.f32 v5, v19  }
0x1fd: {  	v4 =	vmul.f32 $1.442695020e+00, v4;
	v20 =	vld [tilespmem:s25+$0xFFFFFFA0];
	[tilespmem:s23+$0xFFFFFFD0] =	vst v3;
	v18 =	vsub.f32 $0.0e+00, v18;
	(erf) = vpow2.f32 v13  }
0x1fe: {  	v1 =	vand.u32 $0xFFFF0000, v25;
	v12 =	vshll.u32 v15, $0x10;
	v3 =	vand.u32 $0xFFFF0000, v15;
	[tilespmem:s23+$0x50] =	vst v14;
	v19 =	vld [tilespmem:s24+$0xFFFFFFA0];
	v13 =	vpop (erf)  }
0x1ff: {  	v7 =	vadd.f32 $1.000000000e+00, v7;
	v18 =	vmul.f32 $1.442695020e+00, v18;
	v15 =	vld [tilespmem:s24+$0x20];
	(erf) = vpow2.f32 v4;
	v14 =	vpop (erf)  }
0x200: {  	v4 =	vld [tilespmem:s28+$0x70];
	v10 =	vmul.f32 v10, v14;
	[tilespmem:s30+$0xC0] =	vst v5;
	v14 =	vsub.f32 $0.0e+00, v16;
	v16 =	vsub.f32 $0.0e+00, v17;
	v5 =	vpop (erf)  }
0x201: {  	v13 =	vadd.f32 $1.000000000e+00, v13;
	(erf) = vrcp.f32 v7;
	v7 =	vmul.f32 v9, v5;
	v9 =	vld [tilespmem:s26+$0x90];
	v5 =	vpop (erf)  }
0x202: {  	v17 =	vshll.u32 v20, $0x10;
	[tilespmem:s30+$0xFFFFFFC0] =	vst v10;
	v10 =	vld [tilespmem:s25+$0xFFFFFFE0];
	v16 =	vmul.f32 $1.442695020e+00, v16;
	v8 =	vmul.f32 v8, v5  }
0x203: {  	(erf) = vpow2.f32 v18;
	v21 =	vmul.f32 $1.442695020e+00, v14;
	v19 =	vsub.f32 $0.0e+00, v19;
	[tilespmem:s30+$0xFFFFFF40] =	vst v7;
	v7 =	vld [tilespmem:s26+$0xFFFFFF90]  }
0x204: {  	v5 =	vand.u32 $0xFFFF0000, v20;
	v20 =	vpop (erf);
	(erf) = vpow2.f32 v16;
	v23 =	vld [tilespmem:s26+$0xFFFFFF10];
	[tilespmem:s30+$0x40] =	vst v8;
	v8 =	vsub.f32 $0.0e+00, v15  }
0x205: {  	v16 =	vshll.u32 v4, $0x10;
	v6 =	vmul.f32 v6, v20;
	v14 =	vmul.f32 $1.442695020e+00, v19;
	v18 =	vpop (erf);
	v15 =	vld [tilespmem:s26+$0x10]  }
0x206: {  	v19 =	vld [tilespmem:s31+$0xFFFFFF90];
	v20 =	vpop (erf);
	v16 =	vmul.f32 v16, v18;
	v9 =	vsub.f32 $0.0e+00, v9;
	v8 =	vmul.f32 $1.442695020e+00, v8  }
0x207: {  	v24 =	vld [tilespmem:s31+$0xFFFFFFD0];
	v22 =	vshll.u32 v10, $0x10;
	v18 =	vadd.f32 $1.000000000e+00, v20;
	(erf) = vpow2.f32 v14  }
0x208: {  	v14 =	vld [tilespmem:s31+$0x10];
	[tilespmem:s21+$0xB0] =	vst v16;
	v7 =	vsub.f32 $0.0e+00, v7;
	v20 =	vmul.f32 $1.442695020e+00, v9;
	(erf) = vpow2.f32 v8  }
0x209: {  	v25 =	vld [tilespmem:s22+$0xF0];
	v9 =	vand.u32 $0xFFFF0000, v10;
	v8 =	vsub.f32 $0.0e+00, v23;
	(erf) = vrcp.f32 v18  }
0x20a: {  	v16 =	vld [tilespmem:s25+$0x20];
	v7 =	vmul.f32 $1.442695020e+00, v7;
	v10 =	vsub.f32 $0.0e+00, v15;
	(erf) = vpow2.f32 v20  }
0x20b: {  	[tilespmem:s20+$0xF0] =	vst v11;
	v23 =	vpop (erf);
	v18 =	vshll.u32 v19, $0x10;
	v11 =	vand.u32 $0xFFFF0000, v19;
	v15 =	vmul.f32 $1.442695020e+00, v8;
	v8 =	vld [tilespmem:s28+$0xFFFFFFF0]  }
0x20c: {  	s10 =	simm.s32 $0xC;
	[tilespmem:s20+$0xFFFFFF70] =	vst v6;
	v19 =	vshll.u32 v24, $0x10;
	v6 =	vpop (erf);
	v26 =	vmul.f32 $1.442695020e+00, v10;
	(erf) = vpow2.f32 v7;
	v7 =	vld [tilespmem:s28+$0x30]  }
0x20d: {  	s0 =	simm.s32 $0x2A00;
	s29 =	simm.s32 $0x480;
	v20 =	vshll.u32 v14, $0x10;
	v10 =	vand.u32 $0xFFFF0000, v24;
	v24 =	vpop (erf);
	s28 =	simm.s32 $0x6800;
	(erf) = vpow2.f32 v15;
	v15 =	vld [tilespmem:s25+$0x60]  }
.LBB2_6:
0x20e: {  	v27 =	vld [tilespmem:s0+$0x80];
	s10 =	sadd.s32 $0x4, s10;
	v14 =	vand.u32 $0xFFFF0000, v14;
	(erf) = vpow2.f32 v26;
	v26 =	vpop (erf);
	v25 =	vsub.f32 $0.0e+00, v25  }
0x20f: {  	v28 =	vld [tilespmem:s0+$0xFFFFFF00];
	p1 =	slt.u32 s10, $0x7C;
	v32 =	vadd.f32 $1.000000000e+00, v26;
	v29 =	vshll.u32 v16, $0x10;
	v16 =	vand.u32 $0xFFFF0000, v16  }
0x210: {  	v23 =	vadd.f32 $1.000000000e+00, v23;
	v30 =	vld [tilespmem:s0+$0xFFFFFF80];
	v31 =	vpop (erf);
	v25 =	vmul.f32 $1.442695020e+00, v25;
	(erf) = vpow2.f32 v21  }
0x211: {  	v24 =	vadd.f32 $1.000000000e+00, v24;
	v21 =	vld [tilespmem:s0+$0x0];
	v31 =	vadd.f32 $1.000000000e+00, v31;
	(erf) = vrcp.f32 v32;
	v26 =	vpop (erf)  }
0x212: {  	v26 =	vadd.f32 $1.000000000e+00, v26;
	v32 =	vshll.u32 v15, $0x10;
	v33 =	vpop (erf);
	(erf) = vpow2.f32 v25  }
0x213: {  	v25 =	vsub.f32 $0.0e+00, v27;
	v27 =	vpop (erf);
	v32 =	vmul.f32 v32, v33;
	(erf) = vrcp.f32 v31  }
0x214: {  	v31 =	vsub.f32 $0.0e+00, v28;
	v27 =	vadd.f32 $1.000000000e+00, v27;
	(erf) = vrcp.f32 v26  }
0x215: {  	v26 =	vsub.f32 $0.0e+00, v30;
	v25 =	vmul.f32 $1.442695020e+00, v25;
	v30 =	vpop (erf);
	[tilespmem:s23+$0xA0] =	vst v32;
	(erf) = vrcp.f32 v23  }
0x216: {  	v23 =	vmul.f32 $1.442695020e+00, v31;
	v21 =	vsub.f32 $0.0e+00, v21;
	v28 =	vpop (erf);
	(erf) = vrcp.f32 v27;
	v27 =	vld [tilespmem:s24+$0xE0]  }
0x217: {  	v26 =	vmul.f32 $1.442695020e+00, v26;
	(erf) = vpow2.f32 v25;
	v25 =	vadd.f32 $1.000000000e+00, v28;
	v28 =	vpop (erf)  }
0x218: {  	v21 =	vmul.f32 $1.442695020e+00, v21;
	(erf) = vpow2.f32 v23;
	v23 =	vadd.f32 $1.000000000e+00, v30  }
0x219: {  	(erf) = vpow2.f32 v26;
	v26 =	vadd.f32 $1.000000000e+00, v28;
	v28 =	vshll.u32 v8, $0x10;
	v30 =	vpop (erf)  }
0x21a: {  	v32 =	vshll.u32 v7, $0x10;
	(erf) = vpow2.f32 v21;
	v21 =	vld [tilespmem:s31+$0x50];
	v31 =	vpop (erf);
	v30 =	vadd.f32 $1.000000000e+00, v30  }
0x21b: {  	(erf) = vrcp.f32 v25;
	v17 =	vmul.f32 v17, v31;
	v25 =	vsub.f32 $0.0e+00, v27;
	v27 =	vpop (erf)  }
0x21c: {  	v8 =	vand.u32 $0xFFFF0000, v8;
	(erf) = vrcp.f32 v23;
	v23 =	vpop (erf);
	v27 =	vadd.f32 $1.000000000e+00, v27  }
0x21d: {  	(erf) = vrcp.f32 v26;
	[tilespmem:s23+$0xFFFFFF20] =	vst v17;
	v33 =	vmul.f32 $1.442695020e+00, v25;
	v26 =	vpop (erf);
	v17 =	vand.u32 $0xFFFF0000, v7  }
0x21e: {  	v22 =	vmul.f32 v22, v23;
	v7 =	vld [tilespmem:s24+$0xFFFFFF60];
	v23 =	vpop (erf);
	(erf) = vrcp.f32 v27  }
0x21f: {  	v26 =	vmul.f32 v29, v26;
	v27 =	vshll.u32 v21, $0x10;
	v31 =	vpop (erf);
	(erf) = vpow2.f32 v33  }
0x220: {  	v25 =	vpop (erf);
	v27 =	vmul.f32 v27, v31;
	[tilespmem:s23+$0xFFFFFFA0] =	vst v22;
	(erf) = vrcp.f32 v24  }
0x221: {  	v12 =	vmul.f32 v12, v23;
	v22 =	vadd.f32 $1.000000000e+00, v25;
	v24 =	vpop (erf);
	v25 =	vld [tilespmem:s24+$0xFFFFFFE0];
	[tilespmem:s23+$0x20] =	vst v26;
	(erf) = vrcp.f32 v30  }
0x222: {  	v23 =	vadd.f32 $1.000000000e+00, v24;
	v24 =	vpop (erf);
	[tilespmem:s30+$0x90] =	vst v27;
	v26 =	vld [tilespmem:s24+$0x60];
	v27 =	vmul.f32 v2, v6;
	(erf) = vrcp.f32 v13  }
0x223: {  	v24 =	vadd.f32 $1.000000000e+00, v24;
	v13 =	vpop (erf);
	(erf) = vrcp.f32 v22;
	v22 =	vld [tilespmem:s26+$0xD0];
	v7 =	vsub.f32 $0.0e+00, v7;
	[tilespmem:s21+$0xFFFFFF30] =	vst v12  }
0x224: {  	v2 =	vmov v8;
	v12 =	vadd.f32 $1.000000000e+00, v13;
	(erf) = vrcp.f32 v23;
	v13 =	vpop (erf);
	v23 =	vld [tilespmem:s22+$0xFFFFFF70];
	[tilespmem:s20+$0xFFFFFFF0] =	vst v27  }
0x225: {  	(erf) = vrcp.f32 v24;
	v8 =	vmul.f32 v18, v13;
	v6 =	vpop (erf)  }
0x226: {  	s31 =	sadd.s32 $0x100, s31;
	(erf) = vrcp.f32 v12;
	v12 =	vmul.f32 v19, v6;
	v13 =	vpop (erf);
	v18 =	vsub.f32 $0.0e+00, v25  }
0x227: {  	v4 =	vand.u32 $0xFFFF0000, v4;
	v6 =	vld [tilespmem:s31+$0x40];
	[tilespmem:s30+$0xFFFFFF10] =	vst v8;
	v8 =	vmul.f32 v20, v13;
	v13 =	vsub.f32 $0.0e+00, v26;
	v19 =	vpop (erf)  }
0x228: {  	v7 =	vmul.f32 $1.442695020e+00, v7;
	v20 =	vld [tilespmem:s31+$0xFFFFFFC0];
	[tilespmem:s30+$0xFFFFFF90] =	vst v12;
	v12 =	vsub.f32 $0.0e+00, v22;
	v22 =	vpop (erf);
	v25 =	vmul.f32 v4, v19  }
0x229: {  	v19 =	vld [tilespmem:s31+$0x0];
	[tilespmem:s30+$0x10] =	vst v8;
	v8 =	vmul.f32 $1.442695020e+00, v18;
	v13 =	vmul.f32 $1.442695020e+00, v13;
	v27 =	vadd.f32 $1.000000000e+00, v22;
	v22 =	vpop (erf)  }
0x22a: {  	v23 =	vsub.f32 $0.0e+00, v23;
	v24 =	vld [tilespmem:s31+$0xFFFFFF80];
	v12 =	vmul.f32 $1.442695020e+00, v12;
	(erf) = vpow2.f32 v7;
	[tilespmem:s21+$0xF0] =	vst v25;
	v4 =	vpop (erf)  }
0x22b: {  	v7 =	vmul.f32 v28, v22;
	v25 =	vld [tilespmem:s26+$0xFFFFFF50];
	(erf) = vrcp.f32 v27;
	v18 =	vpop (erf)  }
0x22c: {  	v29 =	vshll.u32 v6, $0x10;
	v26 =	vpop (erf);
	v27 =	vld [tilespmem:s26+$0xFFFFFFD0];
	(erf) = vpow2.f32 v12;
	v12 =	vmul.f32 v32, v4  }
0x22d: {  	v28 =	vshll.u32 v20, $0x10;
	v4 =	vand.u32 $0xFFFF0000, v20;
	v31 =	vmul.f32 v29, v26;
	v22 =	vpop (erf);
	v26 =	vld [tilespmem:s26+$0x50];
	[tilespmem:s21+$0xFFFFFFB0] =	vst v7  }
0x22e: {  	s30 =	sadd.s32 $0x200, s30;
	v29 =	vshll.u32 v19, $0x10;
	v7 =	vand.u32 $0xFFFF0000, v19;
	v19 =	vpop (erf);
	(erf) = vpow2.f32 v8;
	v30 =	vld [tilespmem:s22+$0xFFFFFFF0];
	[tilespmem:s21+$0x30] =	vst v12  }
0x22f: {  	v12 =	vshll.u32 v24, $0x10;
	v8 =	vand.u32 $0xFFFF0000, v24;
	v19 =	vmul.f32 v28, v19;
	[tilespmem:s30+$0x80] =	vst v31;
	v20 =	vpop (erf);
	v24 =	vld [tilespmem:s22+$0x70];
	s22 =	smov.u32 s24;
	s24 =	smov.u32 s26;
	s26 =	smov.u32 s0  }
0x230: {  	v12 =	vmul.f32 v12, v22;
	v28 =	vmul.f32 v29, v20;
	v22 =	vld [tilespmem:s0+$0xC0];
	v25 =	vsub.f32 $0.0e+00, v25  }
0x231: {  	[tilespmem:s30+$0xFFFFFF80] =	vst v19;
	v19 =	vsub.f32 $0.0e+00, v27;
	(erf) = vpow2.f32 v13;
	v13 =	vmul.f32 $1.442695020e+00, v23  }
0x232: {  	v18 =	vmul.f32 v1, v18;
	v1 =	vmovc v17;
	[tilespmem:s30+$0xFFFFFF00] =	vst v12;
	v12 =	vld [tilespmem:s0+$0xFFFFFFC0];
	v27 =	vmul.f32 $1.442695020e+00, v25;
	v25 =	vsub.f32 $0.0e+00, v26  }
0x233: {  	v17 =	vld [tilespmem:s0+$0xFFFFFF40];
	[tilespmem:s30+$0x0] =	vst v28;
	v28 =	vmul.f32 $1.442695020e+00, v19;
	v20 =	vpop (erf);
	v26 =	vsub.f32 $0.0e+00, v30;
	(erf) = vpow2.f32 v13  }
0x234: {  	v15 =	vand.u32 $0xFFFF0000, v15;
	v13 =	vld [tilespmem:s0+$0x40];
	v25 =	vmul.f32 $1.442695020e+00, v25;
	(erf) = vpow2.f32 v27;
	v23 =	vpop (erf);
	[tilespmem:s20+$0x70] =	vst v18;
	s20 =	smov.u32 s21;
	s21 =	smov.u32 s23;
	s23 =	smov.u32 s28  }
0x235: {  	s28 =	smov.u32 s30;
	v18 =	vsub.f32 $0.0e+00, v22;
	(erf) = vpow2.f32 v28;
	v19 =	vpop (erf);
	v22 =	vmul.f32 v15, v23  }
0x236: {  	v20 =	vadd.f32 $1.000000000e+00, v20;
	v19 =	vadd.f32 $1.000000000e+00, v19;
	(erf) = vpow2.f32 v25  }
0x237: {  	v12 =	vsub.f32 $0.0e+00, v12;
	v23 =	vmul.f32 $1.442695020e+00, v18;
	[tilespmem:s21+$0xE0] =	vst v22;
	v15 =	vpop (erf);
	v22 =	vsub.f32 $0.0e+00, v24  }
0x238: {  	v17 =	vsub.f32 $0.0e+00, v17;
	(erf) = vrcp.f32 v19;
	v15 =	vadd.f32 $1.000000000e+00, v15;
	v19 =	vld [tilespmem:s22+$0xB0]  }
0x239: {  	v12 =	vmul.f32 $1.442695020e+00, v12;
	v13 =	vsub.f32 $0.0e+00, v13;
	(erf) = vpow2.f32 v23  }
0x23a: {  	v17 =	vmul.f32 $1.442695020e+00, v17;
	(erf) = vrcp.f32 v20;
	v18 =	vpop (erf)  }
0x23b: {  	v20 =	vmul.f32 $1.442695020e+00, v13;
	(erf) = vpow2.f32 v12;
	v12 =	vadd.f32 $1.000000000e+00, v18  }
0x23c: {  	(erf) = vpow2.f32 v17;
	v17 =	vmul.f32 $1.442695020e+00, v26;
	v18 =	vpop (erf)  }
0x23d: {  	(erf) = vpow2.f32 v20;
	v13 =	vpop (erf);
	v19 =	vsub.f32 $0.0e+00, v19;
	v20 =	vmul.f32 $1.442695020e+00, v22  }
0x23e: {  	v13 =	vadd.f32 $1.000000000e+00, v13;
	v22 =	vpop (erf);
	(erf) = vrcp.f32 v15;
	v15 =	vadd.f32 $1.000000000e+00, v18  }
0x23f: {  	v18 =	vadd.f32 $1.000000000e+00, v22;
	v22 =	vpop (erf);
	v23 =	vmul.f32 $1.442695020e+00, v19;
	(erf) = vrcp.f32 v12  }
0x240: {  	v22 =	vadd.f32 $1.000000000e+00, v22;
	(erf) = vrcp.f32 v13  }
0x241: {  	v13 =	vand.u32 $0xFFFF0000, v21;
	v21 =	vpop (erf);
	(erf) = vpow2.f32 v23  }
0x242: {  	v19 =	vpop (erf);
	v21 =	vmul.f32 v13, v21;
	(erf) = vrcp.f32 v18  }
0x243: {  	v23 =	vadd.f32 $1.000000000e+00, v19;
	(erf) = vrcp.f32 v22;
	v12 =	vpop (erf)  }
0x244: {  	v19 =	vpop (erf);
	[tilespmem:s23+$0xD0] =	vst v21;
	v5 =	vmul.f32 v5, v12;
	(erf) = vpow2.f32 v17  }
0x245: {  	v12 =	vadd.f32 $1.000000000e+00, v19;
	v13 =	vpop (erf);
	(erf) = vrcp.f32 v23;
	v17 =	vld [tilespmem:s24+$0xA0]  }
0x246: {  	v13 =	vadd.f32 $1.000000000e+00, v13;
	v18 =	vpop (erf);
	[tilespmem:s21+$0xFFFFFF60] =	vst v5;
	(erf) = vpow2.f32 v20  }
0x247: {  	v19 =	vadd.f32 $1.000000000e+00, v18;
	(erf) = vrcp.f32 v12;
	v12 =	vld [tilespmem:s22+$0xFFFFFF30];
	v18 =	vpop (erf)  }
0x248: {  	(erf) = vrcp.f32 v13;
	v13 =	vld [tilespmem:s25+$0xFFFFFFB0];
	v20 =	vmul.f32 v9, v18;
	v18 =	vpop (erf)  }
0x249: {  	(erf) = vrcp.f32 v19;
	v5 =	vpop (erf);
	v16 =	vmul.f32 v16, v18  }
0x24a: {  	v5 =	vmul.f32 v11, v5;
	v18 =	vsub.f32 $0.0e+00, v17;
	[tilespmem:s21+$0xFFFFFFE0] =	vst v20;
	v9 =	vpop (erf);
	(erf) = vrcp.f32 v15  }
0x24b: {  	v15 =	vpop (erf);
	v17 =	vld [tilespmem:s22+$0xFFFFFFB0];
	[tilespmem:s21+$0x60] =	vst v16;
	v19 =	vadd.f32 $1.000000000e+00, v9  }
0x24c: {  	[tilespmem:s23+$0xFFFFFF50] =	vst v5;
	v5 =	vmul.f32 v10, v15;
	v10 =	vmul.f32 $1.442695020e+00, v18;
	v11 =	vpop (erf);
	v15 =	vsub.f32 $0.0e+00, v12;
	v16 =	vld [tilespmem:s22+$0x30]  }
0x24d: {  	v18 =	vld [tilespmem:s24+$0xFFFFFF20];
	v11 =	vmul.f32 v14, v11;
	v12 =	vshll.u32 v13, $0x10;
	(erf) = vrcp.f32 v19;
	v9 =	vpop (erf)  }
0x24e: {  	v6 =	vand.u32 $0xFFFF0000, v6;
	v14 =	vpop (erf);
	v19 =	vld [tilespmem:s29+$0xFFFFFFA0];
	[tilespmem:s23+$0xFFFFFFD0] =	vst v5;
	(erf) = vpow2.f32 v10;
	v5 =	vmul.f32 $1.442695020e+00, v15  }
0x24f: {  	v21 =	vadd.f32 $1.000000000e+00, v9;
	v20 =	vmul.f32 v6, v14;
	v10 =	vld [tilespmem:s24+$0xFFFFFFA0];
	[tilespmem:s23+$0x50] =	vst v11;
	v11 =	vand.u32 $0xFFFF0000, v13;
	v13 =	vpop (erf)  }
0x250: {  	v14 =	vpop (erf);
	v15 =	vld [tilespmem:s24+$0x20];
	v17 =	vsub.f32 $0.0e+00, v17;
	(erf) = vpow2.f32 v5;
	v13 =	vadd.f32 $1.000000000e+00, v13  }
0x251: {  	v5 =	vmul.f32 v4, v14;
	[tilespmem:s30+$0xC0] =	vst v20;
	v6 =	vpop (erf);
	v14 =	vsub.f32 $0.0e+00, v16;
	v4 =	vld [tilespmem:s25+$0x70];
	(erf) = vrcp.f32 v21  }
0x252: {  	v6 =	vmul.f32 v8, v6;
	v8 =	vld [tilespmem:s0+$0x90];
	v9 =	vpop (erf);
	v16 =	vsub.f32 $0.0e+00, v18;
	v18 =	vmul.f32 $1.442695020e+00, v17  }
0x253: {  	[tilespmem:s30+$0xFFFFFFC0] =	vst v5;
	v7 =	vmul.f32 v7, v9;
	v17 =	vshll.u32 v19, $0x10;
	v5 =	vand.u32 $0xFFFF0000, v19;
	v9 =	vld [tilespmem:s29+$0xFFFFFFE0];
	v19 =	vpop (erf)  }
0x254: {  	v21 =	vmul.f32 $1.442695020e+00, v14;
	[tilespmem:s30+$0xFFFFFF40] =	vst v6;
	v6 =	vld [tilespmem:s0+$0xFFFFFF90];
	v22 =	vmul.f32 $1.442695020e+00, v16;
	v10 =	vsub.f32 $0.0e+00, v10  }
0x255: {  	v14 =	vmul.f32 v3, v19;
	v3 =	vmovc v11;
	v20 =	vld [tilespmem:s0+$0xFFFFFF10];
	[tilespmem:s30+$0x40] =	vst v7;
	v7 =	vsub.f32 $0.0e+00, v15;
	(erf) = vpow2.f32 v18  }
0x256: {  	v11 =	vld [tilespmem:s0+$0x10];
	v10 =	vmul.f32 $1.442695020e+00, v10;
	(erf) = vpow2.f32 v22;
	v15 =	vshll.u32 v4, $0x10;
	v16 =	vpop (erf)  }
0x257: {  	v19 =	vld [tilespmem:s31+$0xFFFFFF90];
	v8 =	vsub.f32 $0.0e+00, v8;
	v7 =	vmul.f32 $1.442695020e+00, v7;
	v18 =	vpop (erf);
	v15 =	vmul.f32 v15, v16;
	[tilespmem:s20+$0xFFFFFF70] =	vst v14  }
0x258: {  	v24 =	vld [tilespmem:s31+$0xFFFFFFD0];
	v22 =	vshll.u32 v9, $0x10;
	v16 =	vadd.f32 $1.000000000e+00, v18;
	(erf) = vpow2.f32 v10  }
0x259: {  	v10 =	vsub.f32 $0.0e+00, v6;
	v14 =	vld [tilespmem:s31+$0x10];
	v8 =	vmul.f32 $1.442695020e+00, v8;
	(erf) = vpow2.f32 v7;
	[tilespmem:s21+$0xB0] =	vst v15;
	v23 =	vpop (erf)  }
.Ltmp6:
0x25a: {  	v9 =	vand.u32 $0xFFFF0000, v9;
	v7 =	vsub.f32 $0.0e+00, v20;
	(erf) = vrcp.f32 v16;
	v25 =	vld [tilespmem:s22+$0xF0];
	v6 =	vpop (erf);
	(pc) =	sbr.rel @p1 .LBB2_6-.Ltmp6, $4  }
0x25b: {  	v10 =	vmul.f32 $1.442695020e+00, v10;
	v15 =	vsub.f32 $0.0e+00, v11;
	(erf) = vpow2.f32 v8;
	v16 =	vld [tilespmem:s29+$0x20]  }
0x25c: {  	v18 =	vshll.u32 v19, $0x10;
	v11 =	vand.u32 $0xFFFF0000, v19;
	v27 =	vmul.f32 $1.442695020e+00, v7;
	v8 =	vld [tilespmem:s25+$0xFFFFFFF0]  }
0x25d: {  	v19 =	vshll.u32 v24, $0x10;
	v26 =	vmul.f32 $1.442695020e+00, v15;
	(erf) = vpow2.f32 v10;
	v7 =	vld [tilespmem:s25+$0x30];
	s25 =	smov.u32 s29;
	s29 =	smov.u32 s31  }
0x25e: {  	s0 =	sadd.s32 $0x200, s0;
	v10 =	vand.u32 $0xFFFF0000, v24;
	v20 =	vshll.u32 v14, $0x10;
	(erf) = vpow2.f32 v27;
	v15 =	vld [tilespmem:s25+$0x60];
	v24 =	vpop (erf)  }
0x25f: {  	v27 =	vpop (erf);
	v25 =	vsub.f32 $0.0e+00, v25  }
0x260: {  	(erf) = vpow2.f32 v26;
	v36 =	vadd.f32 $1.000000000e+00, v27  }
0x261: {  	v37 =	vpop (erf);
	v25 =	vmul.f32 $1.442695020e+00, v25;
	(erf) = vpow2.f32 v21  }
0x262: {  	v38 =	vadd.f32 $1.000000000e+00, v37;
	(erf) = vrcp.f32 v36;
	v39 =	vpop (erf)  }
0x263: {  	v26 =	vadd.f32 $1.000000000e+00, v39;
	v40 =	vshll.u32 v15, $0x10;
	v28 =	vpop (erf);
	(erf) = vpow2.f32 v25  }
0x264: {  	v23 =	vadd.f32 $1.000000000e+00, v23;
	v41 =	vpop (erf);
	v27 =	vmul.f32 v40, v28;
	(erf) = vrcp.f32 v38  }
0x265: {  	v42 =	vadd.f32 $1.000000000e+00, v41;
	(erf) = vrcp.f32 v26  }
0x266: {  	[tilespmem:s23+$0xA0] =	vst v27;
	(erf) = vrcp.f32 v23  }
0x267: {  	v43 =	vpop (erf);
	(erf) = vrcp.f32 v42;
	v44 =	vld [tilespmem:s24+$0xE0]  }
0x268: {  	v45 =	vpop (erf)  }
0x269: {  	v46 =	vpop (erf)  }
0x26a: {  	v25 =	vadd.f32 $1.000000000e+00, v45;
	v47 =	vpop (erf)  }
0x26b: {  	v28 =	vld [tilespmem:s31+$0x50];
	v23 =	vadd.f32 $1.000000000e+00, v43;
	v29 =	vpop (erf)  }
0x26c: {  	v26 =	vadd.f32 $1.000000000e+00, v46;
	(erf) = vrcp.f32 v25;
	v21 =	vsub.f32 $0.0e+00, v44;
	v48 =	vpop (erf)  }
0x26d: {  	(erf) = vrcp.f32 v23;
	v49 =	vpop (erf);
	v25 =	vadd.f32 $1.000000000e+00, v48  }
0x26e: {  	(erf) = vrcp.f32 v26;
	v21 =	vmul.f32 $1.442695020e+00, v21;
	v50 =	vpop (erf)  }
0x26f: {  	v17 =	vmul.f32 v17, v29;
	v51 =	vpop (erf);
	(erf) = vrcp.f32 v25  }
0x270: {  	v52 =	vshll.u32 v28, $0x10;
	v30 =	vpop (erf);
	(erf) = vpow2.f32 v21  }
0x271: {  	[tilespmem:s23+$0xFFFFFF20] =	vst v17;
	v53 =	vmul.f32 v52, v30  }
0x272: {  	v54 =	vld [tilespmem:s24+$0xFFFFFF60]  }
0x273: {  	[tilespmem:s30+$0x90] =	vst v53  }
0x274: {  	v17 =	vld [tilespmem:s26+$0xD0]  }
0x275: {  	v22 =	vmul.f32 v22, v49;
	v55 =	vpop (erf)  }
0x276: {  	v24 =	vadd.f32 $1.000000000e+00, v24;
	v56 =	vshll.u32 v16, $0x10;
	v27 =	vadd.f32 $1.000000000e+00, v47;
	v57 =	vpop (erf)  }
0x277: {  	v26 =	vmul.f32 v56, v50;
	[tilespmem:s23+$0xFFFFFFA0] =	vst v22;
	v59 =	vmul.f32 v12, v51;
	v21 =	vsub.f32 $0.0e+00, v54;
	v58 =	vpop (erf)  }
0x278: {  	v60 =	vld [tilespmem:s24+$0xFFFFFFE0];
	v18 =	vmul.f32 v18, v55;
	(erf) = vrcp.f32 v24;
	v12 =	vpop (erf)  }
0x279: {  	[tilespmem:s23+$0x20] =	vst v26;
	(erf) = vrcp.f32 v27;
	v21 =	vmul.f32 $1.442695020e+00, v21;
	v17 =	vsub.f32 $0.0e+00, v17;
	v61 =	vpop (erf)  }
0x27a: {  	v26 =	vld [tilespmem:s24+$0x60];
	[tilespmem:s21+$0xFFFFFF30] =	vst v59;
	v62 =	vmul.f32 v19, v57;
	(erf) = vrcp.f32 v13;
	v63 =	vadd.f32 $1.000000000e+00, v61  }
0x27b: {  	v22 =	vld [tilespmem:s22+$0xFFFFFF70];
	[tilespmem:s30+$0xFFFFFF10] =	vst v18;
	(erf) = vpow2.f32 v21;
	v17 =	vmul.f32 $1.442695020e+00, v17  }
0x27c: {  	v25 =	vmul.f32 v20, v58;
	v29 =	vld [tilespmem:s26+$0xFFFFFF50];
	(erf) = vrcp.f32 v63  }
0x27d: {  	v30 =	vsub.f32 $0.0e+00, v60;
	[tilespmem:s30+$0xFFFFFF90] =	vst v62;
	(erf) = vpow2.f32 v17  }
0x27e: {  	[tilespmem:s30+$0x10] =	vst v25;
	v31 =	vld [tilespmem:s26+$0xFFFFFFD0]  }
0x27f: {  	v32 =	vsub.f32 $0.0e+00, v26;
	v13 =	vmul.f32 $1.442695020e+00, v30;
	v33 =	vld [tilespmem:s26+$0x50]  }
0x280: {  	v34 =	vsub.f32 $0.0e+00, v22  }
0x281: {  	v18 =	vmul.f32 $1.442695020e+00, v32;
	v20 =	vsub.f32 $0.0e+00, v29;
	v35 =	vpop (erf)  }
0x282: {  	v21 =	vmul.f32 $1.442695020e+00, v34;
	(erf) = vpow2.f32 v13;
	v36 =	vpop (erf)  }
0x283: {  	v17 =	vsub.f32 $0.0e+00, v31;
	v37 =	vmul.f32 $1.442695020e+00, v20;
	(erf) = vpow2.f32 v18;
	v13 =	vpop (erf)  }
0x284: {  	v19 =	vsub.f32 $0.0e+00, v33;
	(erf) = vpow2.f32 v21;
	v38 =	vpop (erf)  }
0x285: {  	v39 =	vand.u32 $0xFFFF0000, v15;
	v17 =	vmul.f32 $1.442695020e+00, v17;
	(erf) = vpow2.f32 v37;
	v40 =	vpop (erf)  }
0x286: {  	v19 =	vmul.f32 $1.442695020e+00, v19;
	v41 =	vpop (erf);
	v15 =	vmul.f32 v39, v40  }
0x287: {  	(erf) = vpow2.f32 v17;
	v42 =	vadd.f32 $1.000000000e+00, v41  }
0x288: {  	(erf) = vpow2.f32 v19;
	[tilespmem:s23+$0xE0] =	vst v15  }
0x289: {  	(erf) = vrcp.f32 v42;
	v15 =	vld [tilespmem:s24+$0xB0];
	_ =	sdelay $0x1  }
0x28a: {  	v43 =	vpop (erf)  }
0x28b: {  	v44 =	vshll.u32 v8, $0x10;
	v45 =	vadd.f32 $1.000000000e+00, v38;
	v46 =	vpop (erf)  }
0x28c: {  	v47 =	vshll.u32 v7, $0x10;
	v18 =	vmul.f32 v44, v35;
	v17 =	vadd.f32 $1.000000000e+00, v43;
	v48 =	vpop (erf)  }
0x28d: {  	v49 =	vadd.f32 $1.000000000e+00, v46;
	(erf) = vrcp.f32 v45;
	v50 =	vpop (erf);
	v15 =	vsub.f32 $0.0e+00, v15  }
0x28e: {  	v21 =	vmul.f32 v47, v36;
	[tilespmem:s21+$0xFFFFFFB0] =	vst v18;
	v51 =	vadd.f32 $1.000000000e+00, v50;
	(erf) = vrcp.f32 v17  }
0x28f: {  	v52 =	vld [tilespmem:s22+$0xFFFFFFF0];
	v53 =	vpop (erf);
	(erf) = vrcp.f32 v49;
	v15 =	vmul.f32 $1.442695020e+00, v15  }
0x290: {  	[tilespmem:s21+$0x30] =	vst v21;
	v54 =	vadd.f32 $1.000000000e+00, v53;
	(erf) = vrcp.f32 v51;
	v55 =	vpop (erf)  }
0x291: {  	v57 =	vand.u32 $0xFFFF0000, v28;
	v56 =	vld [tilespmem:s22+$0x70];
	v20 =	vadd.f32 $1.000000000e+00, v55;
	v58 =	vpop (erf);
	(erf) = vpow2.f32 v15  }
0x292: {  	v59 =	vmul.f32 v57, v58;
	(erf) = vrcp.f32 v54  }
0x293: {  	(erf) = vrcp.f32 v20  }
0x294: {  	v17 =	vsub.f32 $0.0e+00, v52;
	[tilespmem:s28+$0xD0] =	vst v59  }
0x295: {  	v15 =	vld [tilespmem:s26+$0xA0]  }
0x296: {  	v18 =	vsub.f32 $0.0e+00, v56;
	v17 =	vmul.f32 $1.442695020e+00, v17;
	v60 =	vpop (erf)  }
0x297: {  	v5 =	vmul.f32 v5, v60;
	v61 =	vpop (erf)  }
0x298: {  	v18 =	vmul.f32 $1.442695020e+00, v18;
	(erf) = vpow2.f32 v17;
	v62 =	vpop (erf)  }
0x299: {  	v63 =	vadd.f32 $1.000000000e+00, v48;
	v21 =	vmul.f32 v9, v61;
	[tilespmem:s23+$0xFFFFFF60] =	vst v5;
	v22 =	vpop (erf)  }
0x29a: {  	(erf) = vpow2.f32 v18;
	v23 =	vld [tilespmem:s24+$0xFFFFFF30];
	v9 =	vmul.f32 v11, v22;
	v24 =	vsub.f32 $0.0e+00, v15;
	v25 =	vpop (erf)  }
0x29b: {  	[tilespmem:s23+$0xFFFFFFE0] =	vst v21;
	(erf) = vrcp.f32 v63;
	v26 =	vpop (erf);
	v15 =	vadd.f32 $1.000000000e+00, v25  }
0x29c: {  	v14 =	vand.u32 $0xFFFF0000, v14;
	v27 =	vld [tilespmem:s24+$0xFFFFFFB0];
	[tilespmem:s28+$0xFFFFFF50] =	vst v9;
	v5 =	vmul.f32 v10, v26;
	v28 =	vmul.f32 $1.442695020e+00, v24;
	v29 =	vpop (erf)  }
0x29d: {  	v30 =	vld [tilespmem:s26+$0xFFFFFF20];
	v10 =	vmul.f32 v14, v29;
	(erf) = vrcp.f32 v15  }
0x29e: {  	[tilespmem:s28+$0xFFFFFFD0] =	vst v5;
	(erf) = vpow2.f32 v28  }
0x29f: {  	v31 =	vsub.f32 $0.0e+00, v23;
	v32 =	vld [tilespmem:s26+$0xFFFFFFA0];
	[tilespmem:s28+$0x50] =	vst v10  }
0x2a0: {  	v10 =	vld [tilespmem:s26+$0x20]  }
0x2a1: {  	v35 =	vsub.f32 $0.0e+00, v27;
	v33 =	vpop (erf);
	v34 =	vmul.f32 $1.442695020e+00, v31;
	v5 =	vld [tilespmem:s25+$0x70]  }
0x2a2: {  	v14 =	vadd.f32 $1.000000000e+00, v33;
	v11 =	vsub.f32 $0.0e+00, v30  }
0x2a3: {  	v36 =	vand.u32 $0xFFFF0000, v16;
	v37 =	vmul.f32 $1.442695020e+00, v35;
	(erf) = vpow2.f32 v34  }
0x2a4: {  	v38 =	vpop (erf);
	(erf) = vrcp.f32 v14;
	v11 =	vmul.f32 $1.442695020e+00, v11;
	v39 =	vsub.f32 $0.0e+00, v32  }
0x2a5: {  	v16 =	vmul.f32 v36, v62;
	v9 =	vpop (erf);
	(erf) = vpow2.f32 v37;
	v10 =	vsub.f32 $0.0e+00, v10  }
0x2a6: {  	(erf) = vpow2.f32 v11;
	v40 =	vshll.u32 v5, $0x10;
	v14 =	vmul.f32 $1.442695020e+00, v39;
	v41 =	vpop (erf)  }
0x2a7: {  	[tilespmem:s23+$0x60] =	vst v16;
	v10 =	vmul.f32 $1.442695020e+00, v10;
	v42 =	vpop (erf);
	v11 =	vmul.f32 v40, v41  }
0x2a8: {  	v43 =	vld [tilespmem:s24+$0x30];
	v16 =	vadd.f32 $1.000000000e+00, v42;
	(erf) = vpow2.f32 v14  }
0x2a9: {  	(erf) = vpow2.f32 v10;
	[tilespmem:s23+$0xB0] =	vst v11  }
0x2aa: {  	(erf) = vrcp.f32 v16;
	v11 =	vld [tilespmem:s24+$0xF0];
	_ =	sdelay $0x1  }
0x2ab: {  	v44 =	vpop (erf)  }
0x2ac: {  	v15 =	vsub.f32 $0.0e+00, v43;
	v10 =	vpop (erf)  }
0x2ad: {  	v45 =	vld [tilespmem:s29+$0x60];
	v46 =	vpop (erf)  }
0x2ae: {  	v15 =	vmul.f32 $1.442695020e+00, v15;
	v47 =	vpop (erf);
	v11 =	vsub.f32 $0.0e+00, v11  }
0x2af: {  	v19 =	vadd.f32 $1.000000000e+00, v47  }
0x2b0: {  	(erf) = vpow2.f32 v15;
	v48 =	vpop (erf);
	v11 =	vmul.f32 $1.442695020e+00, v11  }
0x2b1: {  	(erf) = vrcp.f32 v19;
	v49 =	vpop (erf)  }
0x2b2: {  	v50 =	vshll.u32 v45, $0x10;
	v51 =	vpop (erf);
	(erf) = vpow2.f32 v11  }
0x2b3: {  	v52 =	vmul.f32 v50, v51;
	_ =	sdelay $0x1  }
0x2b4: {  	[tilespmem:s28+$0xA0] =	vst v52  }
0x2b5: {  	v11 =	vld [tilespmem:s26+$0xE0];
	_ =	sdelay $0x1  }
0x2b6: {  	v19 =	vld [tilespmem:s29+$0xFFFFFFA0]  }
0x2b7: {  	v20 =	vadd.f32 $1.000000000e+00, v48;
	v53 =	vpop (erf)  }
0x2b8: {  	v15 =	vadd.f32 $1.000000000e+00, v49;
	v54 =	vpop (erf)  }
0x2b9: {  	v14 =	vadd.f32 $1.000000000e+00, v44;
	(erf) = vrcp.f32 v20;
	v11 =	vsub.f32 $0.0e+00, v11;
	v55 =	vpop (erf)  }
0x2ba: {  	(erf) = vrcp.f32 v15;
	v56 =	vadd.f32 $1.000000000e+00, v55  }
0x2bb: {  	v57 =	vshll.u32 v19, $0x10;
	(erf) = vrcp.f32 v14;
	v11 =	vmul.f32 $1.442695020e+00, v11  }
0x2bc: {  	v58 =	vmul.f32 v57, v54;
	(erf) = vrcp.f32 v56  }
0x2bd: {  	v22 =	vld [tilespmem:s29+$0x20];
	(erf) = vpow2.f32 v11  }
0x2be: {  	v20 =	vld [tilespmem:s29+$0xFFFFFFE0];
	[tilespmem:s28+$0xFFFFFF20] =	vst v58  }
0x2bf: {  	v59 =	vld [tilespmem:s26+$0xFFFFFF60];
	_ =	sdelay $0x2  }
0x2c0: {  	v60 =	vpop (erf)  }
0x2c1: {  	v62 =	vshll.u32 v22, $0x10;
	v17 =	vadd.f32 $1.000000000e+00, v46;
	v61 =	vshll.u32 v20, $0x10;
	v63 =	vpop (erf)  }
0x2c2: {  	v21 =	vadd.f32 $1.000000000e+00, v53;
	v15 =	vmul.f32 v61, v60;
	v28 =	vpop (erf);
	v29 =	vsub.f32 $0.0e+00, v59  }
0x2c3: {  	v18 =	vadd.f32 $1.000000000e+00, v38;
	v23 =	vmul.f32 v62, v63;
	(erf) = vrcp.f32 v17;
	v11 =	vpop (erf)  }
0x2c4: {  	[tilespmem:s28+$0xFFFFFFA0] =	vst v15;
	(erf) = vrcp.f32 v21;
	v30 =	vmul.f32 $1.442695020e+00, v29;
	v31 =	vpop (erf)  }
0x2c5: {  	v33 =	vld [tilespmem:s26+$0xFFFFFFE0];
	(erf) = vrcp.f32 v18;
	v32 =	vadd.f32 $1.000000000e+00, v31  }
0x2c6: {  	v14 =	vld [tilespmem:s25+$0xFFFFFFB0];
	[tilespmem:s28+$0x20] =	vst v23;
	(erf) = vpow2.f32 v30  }
0x2c7: {  	v34 =	vld [tilespmem:s26+$0x60];
	(erf) = vrcp.f32 v32;
	_ =	sdelay $0x2  }
0x2c8: {  	v35 =	vsub.f32 $0.0e+00, v33  }
0x2c9: {  	v36 =	vshll.u32 v14, $0x10  }
0x2ca: {  	v18 =	vmul.f32 v36, v28;
	v17 =	vsub.f32 $0.0e+00, v34;
	v38 =	vmul.f32 $1.442695020e+00, v35;
	v37 =	vpop (erf)  }
0x2cb: {  	v39 =	vpop (erf)  }
0x2cc: {  	[tilespmem:s23+$0xFFFFFF30] =	vst v18;
	v17 =	vmul.f32 $1.442695020e+00, v17;
	v15 =	vpop (erf);
	(erf) = vpow2.f32 v38  }
0x2cd: {  	v41 =	vld [tilespmem:s24+$0xFFFFFF70];
	v40 =	vpop (erf)  }
0x2ce: {  	v16 =	vand.u32 $0xFFFF0000, v45;
	(erf) = vpow2.f32 v17;
	v42 =	vpop (erf)  }
0x2cf: {  	v43 =	vmul.f32 v16, v42;
	_ =	sdelay $0x1  }
0x2d0: {  	v17 =	vld [tilespmem:s25+$0xFFFFFFF0];
	[tilespmem:s28+$0xE0] =	vst v43  }
0x2d1: {  	v23 =	vsub.f32 $0.0e+00, v41;
	v25 =	vld [tilespmem:s26+$0xB0]  }
0x2d2: {  	v16 =	vld [tilespmem:s25+$0x30]  }
0x2d3: {  	v23 =	vmul.f32 $1.442695020e+00, v23  }
0x2d4: {  	v18 =	vadd.f32 $1.000000000e+00, v40;
	v46 =	vpop (erf)  }
0x2d5: {  	(erf) = vpow2.f32 v23;
	v44 =	vshll.u32 v17, $0x10;
	v47 =	vadd.f32 $1.000000000e+00, v46  }
0x2d6: {  	(erf) = vrcp.f32 v18;
	v21 =	vmul.f32 v44, v37;
	v48 =	vpop (erf);
	v25 =	vsub.f32 $0.0e+00, v25  }
0x2d7: {  	(erf) = vrcp.f32 v47;
	v45 =	vshll.u32 v16, $0x10;
	v49 =	vadd.f32 $1.000000000e+00, v48  }
0x2d8: {  	v24 =	vmul.f32 v45, v39;
	v50 =	vmul.f32 $1.442695020e+00, v25  }
0x2d9: {  	[tilespmem:s23+$0xFFFFFFB0] =	vst v21;
	(erf) = vrcp.f32 v49  }
0x2da: {  	v51 =	vld [tilespmem:s24+$0xFFFFFFF0];
	[tilespmem:s23+$0x30] =	vst v24;
	(erf) = vpow2.f32 v50  }
0x2db: {  	v52 =	vld [tilespmem:s24+$0x70];
	_ =	sdelay $0x3  }
0x2dc: {  	v53 =	vpop (erf);
	v18 =	vsub.f32 $0.0e+00, v51  }
0x2dd: {  	v54 =	vpop (erf);
	v21 =	vsub.f32 $0.0e+00, v52  }
0x2de: {  	v18 =	vmul.f32 $1.442695020e+00, v18;
	v55 =	vpop (erf)  }
0x2df: {  	v21 =	vmul.f32 $1.442695020e+00, v21;
	v56 =	vpop (erf)  }
0x2e0: {  	v23 =	vadd.f32 $1.000000000e+00, v53;
	(erf) = vpow2.f32 v18;
	v57 =	vpop (erf)  }
0x2e1: {  	(erf) = vpow2.f32 v21;
	v18 =	vadd.f32 $1.000000000e+00, v57  }
0x2e2: {  	(erf) = vrcp.f32 v23  }
0x2e3: {  	(erf) = vrcp.f32 v18;
	_ =	sdelay $0x3  }
0x2e4: {  	v18 =	vld [tilespmem:s29+$0x70]  }
0x2e5: {  	v19 =	vand.u32 $0xFFFF0000, v19  }
0x2e6: {  	v19 =	vmul.f32 v19, v54;
	v58 =	vpop (erf)  }
0x2e7: {  	v20 =	vand.u32 $0xFFFF0000, v20;
	v59 =	vpop (erf)  }
0x2e8: {  	v22 =	vand.u32 $0xFFFF0000, v22;
	[tilespmem:s28+$0xFFFFFF60] =	vst v19;
	v60 =	vmul.f32 v20, v55;
	v61 =	vpop (erf)  }
0x2e9: {  	v62 =	vld [tilespmem:s26+$0xFFFFFF30];
	v22 =	vmul.f32 v22, v56;
	v63 =	vshll.u32 v18, $0x10;
	v28 =	vpop (erf)  }
0x2ea: {  	[tilespmem:s28+$0xFFFFFFE0] =	vst v60;
	v29 =	vmul.f32 v63, v28  }
0x2eb: {  	v30 =	vld [tilespmem:s26+$0xFFFFFFB0];
	[tilespmem:s28+$0x60] =	vst v22  }
0x2ec: {  	v22 =	vld [tilespmem:s26+$0x30];
	[tilespmem:s28+$0xB0] =	vst v29  }
0x2ed: {  	v19 =	vld [tilespmem:s26+$0xF0]  }
0x2ee: {  	v24 =	vsub.f32 $0.0e+00, v62;
	_ =	sdelay $0x1  }
0x2ef: {  	v24 =	vmul.f32 $1.442695020e+00, v24;
	v25 =	vsub.f32 $0.0e+00, v30  }
0x2f0: {  	v21 =	vadd.f32 $1.000000000e+00, v58;
	v22 =	vsub.f32 $0.0e+00, v22  }
0x2f1: {  	v31 =	vmul.f32 $1.442695020e+00, v25;
	(erf) = vpow2.f32 v24;
	v19 =	vsub.f32 $0.0e+00, v19  }
0x2f2: {  	(erf) = vrcp.f32 v21;
	v32 =	vmul.f32 $1.442695020e+00, v22  }
0x2f3: {  	(erf) = vpow2.f32 v31;
	v19 =	vmul.f32 $1.442695020e+00, v19  }
0x2f4: {  	(erf) = vpow2.f32 v32  }
0x2f5: {  	(erf) = vpow2.f32 v19;
	_ =	sdelay $0x4  }
0x2f6: {  	v33 =	vpop (erf)  }
0x2f7: {  	v34 =	vpop (erf)  }
0x2f8: {  	v35 =	vpop (erf)  }
0x2f9: {  	v36 =	vpop (erf)  }
0x2fa: {  	v19 =	vadd.f32 $1.000000000e+00, v33;
	v37 =	vpop (erf)  }
0x2fb: {  	v25 =	vadd.f32 $1.000000000e+00, v37  }
0x2fc: {  	v22 =	vadd.f32 $1.000000000e+00, v35;
	(erf) = vrcp.f32 v19  }
0x2fd: {  	v38 =	vadd.f32 $1.000000000e+00, v36;
	(erf) = vrcp.f32 v25  }
0x2fe: {  	(erf) = vrcp.f32 v22  }
0x2ff: {  	(erf) = vrcp.f32 v38;
	_ =	sdelay $0x1  }
0x300: {  	v39 =	vld [tilespmem:s29+$0xFFFFFFB0]  }
0x301: {  	v40 =	vld [tilespmem:s29+$0xFFFFFFF0]  }
0x302: {  	v41 =	vld [tilespmem:s29+$0x30];
	_ =	sdelay $0x1  }
0x303: {  	v42 =	vpop (erf)  }
0x304: {  	v43 =	vshll.u32 v39, $0x10;
	v44 =	vpop (erf)  }
0x305: {  	v45 =	vshll.u32 v40, $0x10;
	v25 =	vmul.f32 v43, v42;
	v46 =	vpop (erf)  }
0x306: {  	v47 =	vshll.u32 v41, $0x10;
	v48 =	vpop (erf);
	v26 =	vmul.f32 v45, v46  }
0x307: {  	[tilespmem:s28+$0xFFFFFF30] =	vst v25;
	v49 =	vmul.f32 v47, v48  }
0x308: {  	v50 =	vld [tilespmem:s26+$0xFFFFFF70];
	[tilespmem:s28+$0xFFFFFFB0] =	vst v26  }
0x309: {  	v26 =	vld [tilespmem:s26+$0xFFFFFFF0];
	[tilespmem:s28+$0x30] =	vst v49  }
0x30a: {  	v25 =	vld [tilespmem:s26+$0x70];
	_ =	sdelay $0x2  }
0x30b: {  	v28 =	vsub.f32 $0.0e+00, v50  }
0x30c: {  	v23 =	vadd.f32 $1.000000000e+00, v59;
	v26 =	vsub.f32 $0.0e+00, v26  }
0x30d: {  	v28 =	vmul.f32 $1.442695020e+00, v28;
	v25 =	vsub.f32 $0.0e+00, v25  }
0x30e: {  	(erf) = vrcp.f32 v23;
	v51 =	vmul.f32 $1.442695020e+00, v26  }
0x30f: {  	(erf) = vpow2.f32 v28;
	v25 =	vmul.f32 $1.442695020e+00, v25  }
0x310: {  	(erf) = vpow2.f32 v51  }
0x311: {  	(erf) = vpow2.f32 v25;
	_ =	sdelay $0x5  }
0x312: {  	v52 =	vpop (erf)  }
0x313: {  	v53 =	vpop (erf)  }
0x314: {  	v25 =	vadd.f32 $1.000000000e+00, v53;
	v54 =	vpop (erf)  }
0x315: {  	v2 =	vmul.f32 v2, v6;
	v55 =	vadd.f32 $1.000000000e+00, v54;
	v56 =	vpop (erf)  }
0x316: {  	v1 =	vmul.f32 v1, v13;
	(erf) = vrcp.f32 v25;
	v57 =	vadd.f32 $1.000000000e+00, v56  }
0x317: {  	[tilespmem:s20+$0xFFFFFFF0] =	vst v2;
	v2 =	vand.u32 $0xFFFF0000, v8;
	v3 =	vmul.f32 v3, v9;
	(erf) = vrcp.f32 v55  }
0x318: {  	[tilespmem:s20+$0x70] =	vst v1;
	v1 =	vmul.f32 v2, v10;
	v2 =	vand.u32 $0xFFFF0000, v5;
	(erf) = vrcp.f32 v57  }
0x319: {  	[tilespmem:s21+$0xFFFFFF70] =	vst v3;
	v2 =	vmul.f32 v2, v11;
	v58 =	vand.u32 $0xFFFF0000, v7  }
0x31a: {  	[tilespmem:s21+$0xFFFFFFF0] =	vst v1;
	v3 =	vand.u32 $0xFFFF0000, v14;
	v1 =	vmul.f32 v58, v15  }
0x31b: {  	v4 =	vand.u32 $0xFFFF0000, v4;
	[tilespmem:s23+$0xF0] =	vst v2;
	v2 =	vmul.f32 v3, v61  }
0x31c: {  	v4 =	vmul.f32 v4, v12;
	[tilespmem:s21+$0x70] =	vst v1;
	v59 =	vand.u32 $0xFFFF0000, v17;
	v3 =	vand.u32 $0xFFFF0000, v18  }
0x31d: {  	[tilespmem:s23+$0xFFFFFF70] =	vst v2;
	v1 =	vmul.f32 v59, v34;
	v2 =	vmul.f32 v3, v44;
	v3 =	vand.u32 $0xFFFF0000, v39  }
0x31e: {  	[tilespmem:s21+$0xF0] =	vst v4;
	v60 =	vand.u32 $0xFFFF0000, v16  }
0x31f: {  	[tilespmem:s23+$0xFFFFFFF0] =	vst v1;
	v1 =	vmul.f32 v60, v52;
	v61 =	vpop (erf)  }
0x320: {  	v62 =	vand.u32 $0xFFFF0000, v40;
	[tilespmem:s28+$0xF0] =	vst v2;
	v2 =	vmul.f32 v3, v61;
	v3 =	vpop (erf)  }
0x321: {  	v63 =	vand.u32 $0xFFFF0000, v41;
	[tilespmem:s23+$0x70] =	vst v1;
	v1 =	vmul.f32 v62, v3;
	v3 =	vpop (erf)  }
0x322: {  	[tilespmem:s28+$0xFFFFFF70] =	vst v2;
	v2 =	vmul.f32 v63, v3  }
0x323: {  	[tilespmem:s28+$0xFFFFFFF0] =	vst v1  }
.Ltmp7:
0x324: {  	[tilespmem:s28+$0x70] =	vst v2;
	(pc) =	sbr.rel .LBB2_8-.Ltmp7, $4  }
0x325: {  	[spmem:s11] =	stream.indirect.scatter.add.f32 [tilespmem:s5], [sflag:$0x2], $0x80, s8, s8, $0xb8;
	[tilespmem:$0x1D980] =	vst v63  }
0x326: {  	_ =	swait.ge [sflag:s6], $0x4000  }
0x327: {  	[sflag:s6] =	ssyncset.done $0x0  }
0x328: {  	[sflag:s6] =	ssyncadd.s32 $0xFFFFC000  }
.LBB2_10:
0x329: {  	_ =	sfence.sel $0x180000  }
0x32a: {  	[bflag:$0x0] =	sbarrier.arrive $0xFFFF  }
0x32b: {  	_ =	strace $0x9000004A  }
0x32c: {  	s0 =	stileid.u32;
	[bflag:$0x2] =	sbarrier.arrive $0xFFFF  }
0x32d: {  	p0 =	sne.s32 s0, $0x0;
	s0 =	rddreg [dreg:$0x2]  }
0x32e: {  	s0 =	sadd.s32 @!p0 $0x100000, s0  }
0x32f: {  	[sflag:s0] =	ssyncadd.tile.s32 @!p0 $0x1;
	_ =	shalt  }
.Lfunc_end2:
_tile_overlayer_lowered:
.L_overlay_start_2:
0x330: {  	(tag) =	ssettag $0x2  }
0x331: {  	s0 =	rddreg [dreg:$0x0];
	s2 =	stileid.u32  }
0x332: {  	s1 =	rddreg [dreg:$0x1];
	p0 =	sne.s32 s2, $0x0  }
0x333: {  	s3 =	rddreg [dreg:$0x2];
	[bflag:$0x3] =	sbarrier.arrive $0xFFFF;
	s2 =	simm.s32 @!p0 $0x1C02  }
0x334: {  	[timem:s3], [sflag:s2] =	dma.local @!p0 [hbm:s0], s1  }
0x335: {  	s0 =	simm.s32 @!p0 $0x2  }
0x336: {  	_ =	swait.ge @!p0 [sflag:s0], s1  }
0x337: {  	s1 =	ssub.s32 @!p0 $0x0, s1;
	[sflag:s0] =	ssyncset.done @!p0 $0x0  }
0x338: {  	[sflag:s0] =	ssyncadd.s32 @!p0 s1  }
0x339: {  	[bflag:$0x3] =	sbarrier.arrive $0xFFFF  }
0x33a: {  	_ =	shalt  }

</sc_bundles>
